<compile_context>
chip_gen: v7x
topology: tpu7x:2x2x1
jax: 0.10.2.dev20260603
libtpu: 0.0.44.dev20260713+nightly
codegen_flags: <defaults>
</compile_context>

<pallas_src>
import functools

import jax
import jax.numpy as jnp
from jax import lax
from jax.experimental import pallas as pl
from jax.experimental.pallas import tpu as pltpu
from jax.experimental.pallas import tpu_sc as plsc

N = 10000
E = 320000
D = 128
NH = 8
C = 16
NG = 64
NL = 4
HP = 16

NC = 2
NS = 16
NW = NC * NS

NPAD = 10240
RPT = NPAD // NS
EPT = E // NW
EB = 80
NCHUNK = EPT // EB

BN = 2000
NB = N // BN
BE = 4000
f32 = jnp.float32

_MESH = plsc.VectorSubcoreMesh(core_axis_name="c", subcore_axis_name="s")


def _sc_attn_body(src_hbm, dst_hbm, ae_hbm, as_hbm, ad_hbm, z16_hbm,
                  ex_hbm, dp_hbm,
                  denom_sh, sidx_v, didx_v, asg_v, adg_v, aeg_v, exv_v,
                  sem, sem2):
    c = lax.axis_index("c")
    s = lax.axis_index("s")
    wid = s * NC + c
    r0 = s * RPT
    pltpu.sync_copy(z16_hbm.at[pl.ds(r0, RPT), :],
                    denom_sh.at[pl.ds(r0, RPT), :])
    plsc.subcore_barrier()
    ebase = wid * EPT

    def chunk(it, carry):
        off = ebase + it * EB
        ci1 = pltpu.async_copy(src_hbm.at[pl.ds(off, EB)], sidx_v, sem)
        ci2 = pltpu.async_copy(dst_hbm.at[pl.ds(off, EB)], didx_v, sem)
        ce = pltpu.async_copy(ae_hbm.at[pl.ds(off, EB), :], aeg_v, sem2)
        ci1.wait()
        ci2.wait()
        g1 = pltpu.async_copy(as_hbm.at[sidx_v], asg_v, sem)
        g2 = pltpu.async_copy(ad_hbm.at[didx_v], adg_v, sem)
        g1.wait()
        g2.wait()
        ce.wait()

        def elt(e, c2):
            v = asg_v[e, :] + adg_v[e, :] + aeg_v[e, :]
            v = jnp.where(v >= 0.0, v, 0.2 * v)
            exv_v[e, :] = jnp.exp(v)
            return c2

        lax.fori_loop(0, EB, elt, 0)
        pltpu.sync_copy(exv_v, ex_hbm.at[pl.ds(off, EB), :])
        pltpu.sync_copy(exv_v, denom_sh.at[didx_v], add=True)
        return carry

    lax.fori_loop(0, NCHUNK, chunk, 0)
    plsc.subcore_barrier()
    pltpu.sync_copy(denom_sh.at[pl.ds(r0, RPT), :],
                    dp_hbm.at[c, pl.ds(r0, RPT), :])


_SC_PARAMS = pltpu.CompilerParams(use_tc_tiling_on_sc=False)

_sc_attn = functools.partial(
    pl.kernel, mesh=_MESH, compiler_params=_SC_PARAMS,
    out_type=(jax.ShapeDtypeStruct((E, HP), f32),
              jax.ShapeDtypeStruct((2, NPAD, HP), f32)),
    scratch_types=[
        pltpu.VMEM_SHARED((NPAD, HP), f32),
        pltpu.VMEM((EB,), jnp.int32), pltpu.VMEM((EB,), jnp.int32),
        pltpu.VMEM((EB, HP), f32), pltpu.VMEM((EB, HP), f32),
        pltpu.VMEM((EB, HP), f32), pltpu.VMEM((EB, HP), f32),
        pltpu.SemaphoreType.DMA, pltpu.SemaphoreType.DMA,
    ])(_sc_attn_body)


def _sc_msg_body(src_hbm, dst_hbm, ex_hbm, d0_hbm, d1_hbm, h_hbm, z128_hbm,
                 op_hbm,
                 out_sh, dcomb_sh, sidx_v, didx_v, exv_v, d0t_v, d1t_v,
                 dg_v, rows_v, sem, sem2):
    c = lax.axis_index("c")
    s = lax.axis_index("s")
    wid = s * NC + c
    r0 = s * RPT
    pltpu.sync_copy(z128_hbm.at[pl.ds(r0, RPT), :],
                    out_sh.at[pl.ds(r0, RPT), :])
    pltpu.sync_copy(d0_hbm.at[pl.ds(r0, RPT), :], d0t_v)
    pltpu.sync_copy(d1_hbm.at[pl.ds(r0, RPT), :], d1t_v)

    def comb(rr, c2):
        d0t_v[rr, :] = d0t_v[rr, :] + d1t_v[rr, :]
        return c2

    lax.fori_loop(0, RPT, comb, 0)
    pltpu.sync_copy(d0t_v, dcomb_sh.at[pl.ds(r0, RPT), :])
    plsc.subcore_barrier()
    ebase = wid * EPT

    def chunk(it, carry):
        off = ebase + it * EB
        ci1 = pltpu.async_copy(src_hbm.at[pl.ds(off, EB)], sidx_v, sem)
        ci2 = pltpu.async_copy(dst_hbm.at[pl.ds(off, EB)], didx_v, sem)
        ce = pltpu.async_copy(ex_hbm.at[pl.ds(off, EB), :], exv_v, sem2)
        ci1.wait()
        ci2.wait()
        gh = pltpu.async_copy(h_hbm.at[sidx_v], rows_v, sem)
        gd = pltpu.async_copy(dcomb_sh.at[didx_v], dg_v, sem2)
        ce.wait()
        gd.wait()
        gh.wait()

        def scale(e, c2):
            att = exv_v[e, :] / (dg_v[e, :] + 1e-16)
            for hh in range(NH):
                sc = att[hh]
                rows_v[e, pl.ds(hh * C, C)] = rows_v[e, pl.ds(hh * C, C)] * sc
            return c2

        lax.fori_loop(0, EB, scale, 0)
        pltpu.sync_copy(rows_v, out_sh.at[didx_v], add=True)
        return carry

    lax.fori_loop(0, NCHUNK, chunk, 0)
    plsc.subcore_barrier()
    pltpu.sync_copy(out_sh.at[pl.ds(r0, RPT), :],
                    op_hbm.at[c, pl.ds(r0, RPT), :])


_sc_msg = functools.partial(
    pl.kernel, mesh=_MESH, compiler_params=_SC_PARAMS,
    out_type=jax.ShapeDtypeStruct((2, NPAD, 128), f32),
    scratch_types=[
        pltpu.VMEM_SHARED((NPAD, 128), f32),
        pltpu.VMEM_SHARED((NPAD, HP), f32),
        pltpu.VMEM((EB,), jnp.int32), pltpu.VMEM((EB,), jnp.int32),
        pltpu.VMEM((EB, HP), f32),
        pltpu.VMEM((RPT, HP), f32), pltpu.VMEM((RPT, HP), f32),
        pltpu.VMEM((EB, HP), f32), pltpu.VMEM((EB, 128), f32),
        pltpu.SemaphoreType.DMA, pltpu.SemaphoreType.DMA,
    ])(_sc_msg_body)


def _mm_proj_body(x_ref, w_ref, as_ref, ad_ref, h_ref, asg_ref, adg_ref):
    h = jnp.dot(x_ref[...], w_ref[...], preferred_element_type=f32)
    h_ref[...] = h
    asg_ref[...] = jnp.dot(h, as_ref[...], preferred_element_type=f32)
    adg_ref[...] = jnp.dot(h, ad_ref[...], preferred_element_type=f32)


def _mm_proj(x, w, a_s, a_d):
    return pl.pallas_call(
        _mm_proj_body,
        grid=(NB,),
        in_specs=[pl.BlockSpec((BN, D), lambda i: (i, 0)),
                  pl.BlockSpec((D, D), lambda i: (0, 0)),
                  pl.BlockSpec((D, HP), lambda i: (0, 0)),
                  pl.BlockSpec((D, HP), lambda i: (0, 0))],
        out_specs=[pl.BlockSpec((BN, D), lambda i: (i, 0)),
                   pl.BlockSpec((BN, HP), lambda i: (i, 0)),
                   pl.BlockSpec((BN, HP), lambda i: (i, 0))],
        out_shape=[jax.ShapeDtypeStruct((N, D), f32),
                   jax.ShapeDtypeStruct((N, HP), f32),
                   jax.ShapeDtypeStruct((N, HP), f32)],
    )(x, w, a_s, a_d)


def _ae_mm_body(ea_ref, ve_ref, o0, o1, o2, o3):
    r = jnp.dot(ea_ref[...], ve_ref[...], preferred_element_type=f32)
    o0[...] = r[:, 0:HP]
    o1[...] = r[:, HP:2 * HP]
    o2[...] = r[:, 2 * HP:3 * HP]
    o3[...] = r[:, 3 * HP:4 * HP]


def _ae_mm(edge_attr, vec):
    eout = pl.BlockSpec((BE, HP), lambda i: (i, 0))
    return pl.pallas_call(
        _ae_mm_body,
        grid=(E // BE,),
        in_specs=[pl.BlockSpec((BE, D), lambda i: (i, 0)),
                  pl.BlockSpec((D, NL * HP), lambda i: (0, 0))],
        out_specs=[eout, eout, eout, eout],
        out_shape=[jax.ShapeDtypeStruct((E, HP), f32)] * NL,
    )(edge_attr, vec)


def _dense_mid_body(p_ref, bias_ref, g_ref, be_ref, w_ref, as_ref, ad_ref,
                    h_ref, asg_ref, adg_ref, sum_ref, ssq_ref):
    ph = pl.program_id(0)
    bi = pl.program_id(1)
    o = p_ref[0] + p_ref[1] + bias_ref[...]

    @pl.when(jnp.logical_and(ph == 0, bi == 0))
    def _():
        sum_ref[...] = jnp.zeros_like(sum_ref)
        ssq_ref[...] = jnp.zeros_like(ssq_ref)

    @pl.when(ph == 0)
    def _():
        sum_ref[...] += o.sum(axis=0, keepdims=True)
        ssq_ref[...] += (o * o).sum(axis=0, keepdims=True)

    @pl.when(ph == 1)
    def _():
        mean = sum_ref[...] / N
        var = ssq_ref[...] / N - mean * mean
        xn = (o - mean) * lax.rsqrt(var + 1e-5) * g_ref[...] + be_ref[...]
        a = jnp.where(xn > 0, xn, jnp.exp(xn) - 1.0)
        h = jnp.dot(a, w_ref[...], preferred_element_type=f32)
        h_ref[...] = h
        asg_ref[...] = jnp.dot(h, as_ref[...], preferred_element_type=f32)
        adg_ref[...] = jnp.dot(h, ad_ref[...], preferred_element_type=f32)


def _dense_mid(p, bias, g, be, w, a_s, a_d):
    vec = pl.BlockSpec((1, D), lambda ph, i: (0, 0))
    return pl.pallas_call(
        _dense_mid_body,
        grid=(2, NB),
        in_specs=[pl.BlockSpec((2, BN, D), lambda ph, i: (0, i, 0)),
                  vec, vec, vec,
                  pl.BlockSpec((D, D), lambda ph, i: (0, 0)),
                  pl.BlockSpec((D, HP), lambda ph, i: (0, 0)),
                  pl.BlockSpec((D, HP), lambda ph, i: (0, 0))],
        out_specs=[pl.BlockSpec((BN, D), lambda ph, i: (i, 0)),
                   pl.BlockSpec((BN, HP), lambda ph, i: (i, 0)),
                   pl.BlockSpec((BN, HP), lambda ph, i: (i, 0))],
        out_shape=[jax.ShapeDtypeStruct((N, D), f32),
                   jax.ShapeDtypeStruct((N, HP), f32),
                   jax.ShapeDtypeStruct((N, HP), f32)],
        scratch_shapes=[pltpu.VMEM((1, D), f32), pltpu.VMEM((1, D), f32)],
    )(p, bias, g, be, w, a_s, a_d)


def _dense_final_body(p_ref, b3_ref, g3_ref, be3_ref, batch_ref,
                      out_ref, sum_ref, ssq_ref, pool_ref, cnt_ref):
    ph = pl.program_id(0)
    bi = pl.program_id(1)
    o = p_ref[0] + p_ref[1]
    om = o[:, 0:C]
    for hh in range(1, NH):
        om = om + o[:, hh * C:(hh + 1) * C]
    om = om * (1.0 / NH) + b3_ref[...]

    @pl.when(jnp.logical_and(ph == 0, bi == 0))
    def _():
        sum_ref[...] = jnp.zeros_like(sum_ref)
        ssq_ref[...] = jnp.zeros_like(ssq_ref)
        pool_ref[...] = jnp.zeros_like(pool_ref)
        cnt_ref[...] = jnp.zeros_like(cnt_ref)

    @pl.when(ph == 0)
    def _():
        sum_ref[...] += om.sum(axis=0, keepdims=True)
        ssq_ref[...] += (om * om).sum(axis=0, keepdims=True)

    @pl.when(ph == 1)
    def _():
        mean = sum_ref[...] / N
        var = ssq_ref[...] / N - mean * mean
        xn = (om - mean) * lax.rsqrt(var + 1e-5) * g3_ref[...] + be3_ref[...]
        a = jnp.where(xn > 0, xn, jnp.exp(xn) - 1.0)
        ids = lax.broadcasted_iota(jnp.int32, (BN, NG), 1)
        pf = (batch_ref[...] == ids).astype(f32)
        dn = (((0,), (0,)), ((), ()))
        pool_ref[...] += lax.dot_general(pf, a, dn, preferred_element_type=f32)
        cnt_ref[...] += lax.dot_general(pf, jnp.ones((BN, 1), f32), dn,
                                        preferred_element_type=f32)

        @pl.when(bi == NB - 1)
        def _():
            out_ref[...] = pool_ref[...] / jnp.maximum(cnt_ref[...], 1.0)


def _dense_final(p, b3, g3, be3, batch2d):
    vec = pl.BlockSpec((1, C), lambda ph, i: (0, 0))
    return pl.pallas_call(
        _dense_final_body,
        grid=(2, NB),
        in_specs=[pl.BlockSpec((2, BN, D), lambda ph, i: (0, i, 0)),
                  vec, vec, vec,
                  pl.BlockSpec((BN, 1), lambda ph, i: (i, 0))],
        out_specs=pl.BlockSpec((NG, C), lambda ph, i: (0, 0)),
        out_shape=jax.ShapeDtypeStruct((NG, C), f32),
        scratch_shapes=[pltpu.VMEM((1, C), f32), pltpu.VMEM((1, C), f32),
                        pltpu.VMEM((NG, C), f32), pltpu.VMEM((NG, 1), f32)],
    )(p, b3, g3, be3, batch2d)


def kernel(x, edge_index, edge_attr, batch, W, att_src, att_dst, W_edge,
           att_edge, bias012, bias3, gamma012, beta012, gamma3, beta3):
    src = edge_index[0]
    dst = edge_index[1]
    hc = jnp.arange(D)
    heads = jnp.arange(NH)
    blkmask = (hc[:, None] // C == heads[None, :]).astype(f32)
    zpad = jnp.zeros((NL, D, HP - NH), f32)
    a_s = jnp.concatenate(
        [blkmask[None] * att_src.reshape(NL, D, 1), zpad], axis=2)
    a_d = jnp.concatenate(
        [blkmask[None] * att_dst.reshape(NL, D, 1), zpad], axis=2)
    ve = (W_edge.reshape(NL, D, NH, C) * att_edge[:, None]).sum(-1)
    ve = jnp.concatenate([ve, jnp.zeros((NL, D, HP - NH), f32)], axis=2)
    vec = ve.transpose(1, 0, 2).reshape(D, NL * HP)

    ae_all = _ae_mm(edge_attr, vec)
    z16 = jnp.zeros((NPAD, HP), f32)
    z128 = jnp.zeros((NPAD, 128), f32)

    h, asg, adg = _mm_proj(x, W[0], a_s[0], a_d[0])
    out = None
    for i in range(NL):
        ex, dp = _sc_attn(src, dst, ae_all[i], asg, adg, z16)
        op = _sc_msg(src, dst, ex, dp[0], dp[1], h, z128)
        if i < NL - 1:
            h, asg, adg = _dense_mid(op, bias012[i].reshape(1, D),
                                     gamma012[i].reshape(1, D),
                                     beta012[i].reshape(1, D),
                                     W[i + 1], a_s[i + 1], a_d[i + 1])
        else:
            out = _dense_final(op, bias3.reshape(1, C), gamma3.reshape(1, C),
                               beta3.reshape(1, C),
                               batch.reshape(N, 1).astype(jnp.int32))
    return out

# --- scband reference (transcript-rebuilt; emitter-appended) ---
"""Pipeline reference for scband-gat-edge-41137196761625 (READ-ONLY COPY).

The authoritative reference and input builder live on the scoring server;
editing this copy changes nothing except your own understanding.
"""

import jax, jax.numpy as jnp
import numpy as np

N_NODES = 10000
N_EDGES = 320000
D = 128
H = 8
C = 16
NG = 64
L = 4


def setup_inputs(seed: int = 0) -> dict:
    key = jax.random.key(seed)
    ks = jax.random.split(key, 12)
    x = jax.random.normal(ks[0], (N_NODES, D), dtype=jnp.float32)
    edge_index = jax.random.randint(ks[1], (2, N_EDGES), 0, N_NODES, dtype=jnp.int32)
    edge_attr = jax.random.normal(ks[2], (N_EDGES, D), dtype=jnp.float32)
    batch = jnp.sort(jax.random.randint(ks[3], (N_NODES,), 0, NG, dtype=jnp.int32))
    W = jax.random.normal(ks[4], (L, D, H * C), dtype=jnp.float32) * 0.05
    att_src = jax.random.normal(ks[5], (L, H, C), dtype=jnp.float32) * 0.05
    att_dst = jax.random.normal(ks[6], (L, H, C), dtype=jnp.float32) * 0.05
    W_edge = jax.random.normal(ks[7], (L, D, H * C), dtype=jnp.float32) * 0.05
    att_edge = jax.random.normal(ks[8], (L, H, C), dtype=jnp.float32) * 0.05
    bias012 = jnp.zeros((3, H * C), dtype=jnp.float32)
    bias3 = jnp.zeros((C,), dtype=jnp.float32)
    gamma012 = jnp.ones((3, H * C), dtype=jnp.float32)
    beta012 = jnp.zeros((3, H * C), dtype=jnp.float32)
    gamma3 = jnp.ones((C,), dtype=jnp.float32)
    beta3 = jnp.zeros((C,), dtype=jnp.float32)
    return {"x": x, "edge_index": edge_index, "edge_attr": edge_attr, "batch": batch,
            "W": W, "att_src": att_src, "att_dst": att_dst, "W_edge": W_edge,
            "att_edge": att_edge, "bias012": bias012, "bias3": bias3,
            "gamma012": gamma012, "beta012": beta012, "gamma3": gamma3, "beta3": beta3}


def _gat_layer(xin, edge_index, edge_attr, W, a_s, a_d, We, a_e, bias, concat):
    N = xin.shape[0]
    src = edge_index[0]
    dst = edge_index[1]
    h = (xin @ W).reshape(N, H, C)
    alpha_src = (h * a_s[None]).sum(-1)
    alpha_dst = (h * a_d[None]).sum(-1)
    eproj = (edge_attr @ We).reshape(-1, H, C)
    alpha_edge = (eproj * a_e[None]).sum(-1)
    alpha = alpha_src[src] + alpha_dst[dst] + alpha_edge
    alpha = jax.nn.leaky_relu(alpha, 0.2)
    amax = jax.ops.segment_max(alpha, dst, num_segments=N)
    amax = jnp.where(jnp.isfinite(amax), amax, 0.0)
    ex = jnp.exp(alpha - amax[dst])
    denom = jax.ops.segment_sum(ex, dst, num_segments=N)
    att = ex / (denom[dst] + 1e-16)
    msg = h[src] * att[:, :, None]
    out = jax.ops.segment_sum(msg, dst, num_segments=N)
    if concat:
        out = out.reshape(N, H * C) + bias
    else:
        out = out.mean(axis=1) + bias
    return out


def _batchnorm(x, gamma, beta):
    mean = x.mean(axis=0)
    var = x.var(axis=0)
    return (x - mean) / jnp.sqrt(var + 1e-5) * gamma + beta


def reference(x, edge_index, edge_attr, batch, W, att_src, att_dst, W_edge, att_edge,
              bias012, bias3, gamma012, beta012, gamma3, beta3):
    # args.FD != 'ND' -> new_edge_attr = edge_attr (edge_mlp unused)
    h = x
    for i in range(L):
        concat = i < L - 1
        b = bias012[i] if concat else bias3
        g = gamma012[i] if concat else gamma3
        be = beta012[i] if concat else beta3
        h = _gat_layer(h, edge_index, edge_attr, W[i], att_src[i], att_dst[i],
                       W_edge[i], att_edge[i], b, concat)
        h = _batchnorm(h, g, be)
        h = jax.nn.elu(h)
        # dropout is identity in eval mode
    sums = jax.ops.segment_sum(h, batch, num_segments=NG)
    counts = jax.ops.segment_sum(jnp.ones((h.shape[0],), dtype=h.dtype), batch, num_segments=NG)
    return sums / jnp.maximum(counts, 1.0)[:, None]

if __name__ == "__main__":
    import jax
    _d = setup_inputs()
    print(jax.jit(kernel)(*tuple(_d.values())))

</pallas_src>

<mosaic_0001>
#map = affine_map<(d0, d1) -> (0)>
#map1 = affine_map<(d0, d1) -> (0, 0)>
#map2 = affine_map<(d0, d1) -> (0, 0, 0)>
module attributes {stable_mosaic.version = 14 : i64} {
  func.func @_sc_msg_body(%arg0: i32, %arg1: i32, %arg2: memref<320000xi32, #tpu.memory_space<hbm>>, %arg3: memref<320000xi32, #tpu.memory_space<hbm>>, %arg4: memref<320000x16xf32, #tpu.memory_space<hbm>>, %arg5: memref<10240x16xf32, #tpu.memory_space<hbm>>, %arg6: memref<10240x16xf32, #tpu.memory_space<hbm>>, %arg7: memref<10000x128xf32, #tpu.memory_space<hbm>>, %arg8: memref<10240x128xf32, #tpu.memory_space<hbm>>, %arg9: memref<2x10240x128xf32, #tpu.memory_space<hbm>>, %arg10: memref<10240x128xf32, #tpu.memory_space<vmem_shared>>, %arg11: memref<10240x16xf32, #tpu.memory_space<vmem_shared>>, %arg12: memref<80xi32, #tpu.memory_space<vmem>>, %arg13: memref<80xi32, #tpu.memory_space<vmem>>, %arg14: memref<80x16xf32, #tpu.memory_space<vmem>>, %arg15: memref<640x16xf32, #tpu.memory_space<vmem>>, %arg16: memref<640x16xf32, #tpu.memory_space<vmem>>, %arg17: memref<80x16xf32, #tpu.memory_space<vmem>>, %arg18: memref<80x128xf32, #tpu.memory_space<vmem>>, %arg19: memref<!tpu.dma_semaphore, #tpu.memory_space<semaphore_mem>>, %arg20: memref<!tpu.dma_semaphore, #tpu.memory_space<semaphore_mem>>) attributes {dimension_semantics = [#tpu.dimension_semantics<core_parallel>, #tpu.dimension_semantics<subcore_parallel>], iteration_bounds = array<i64: 2, 16>, scalar_prefetch = 0 : i64, scratch_operands = 11 : i64, tpu.core_type = #tpu.core_type<sc_vector_subcore>, window_params = [{transform_indices = #map}, {transform_indices = #map}, {transform_indices = #map1}, {transform_indices = #map1}, {transform_indices = #map1}, {transform_indices = #map1}, {transform_indices = #map1}, {transform_indices = #map2}]} {
    %mul3A = arith.constant 2 : i32
    %mul3A_0 = arith.muli %arg1, %mul3A : i32
    %add3A = arith.addi %mul3A_0, %arg0 : i32
    %mul3A_1 = arith.constant 640 : i32
    %mul3A_2 = arith.muli %arg1, %mul3A_1 : i32
    "tpu.region"() ({
      %run_scoped3A = tpu.sem_alloc : memref<!tpu.dma_semaphore, #tpu.memory_space<semaphore_mem>>
      %dma_start3A = arith.constant 0 : i32
      %dma_start3A_17 = tpu.memref_slice %arg10[%mul3A_2, %dma_start3A] : memref<10240x128xf32, #tpu.memory_space<vmem_shared>> -> memref<640x128xf32, #tpu.memory_space<vmem_shared>>
      %dma_start3A_18 = arith.constant 0 : i32
      %dma_start3A_19 = tpu.memref_slice %arg8[%mul3A_2, %dma_start3A_18] : memref<10240x128xf32, #tpu.memory_space<hbm>> -> memref<640x128xf32, #tpu.memory_space<hbm>>
      tpu.enqueue_dma source(%dma_start3A_19 : memref<640x128xf32, #tpu.memory_space<hbm>>) target(%dma_start3A_17 : memref<640x128xf32, #tpu.memory_space<vmem_shared>>) target_semaphore(%run_scoped3A : memref<!tpu.dma_semaphore, #tpu.memory_space<semaphore_mem>>)
      %dma_wait3A = arith.constant 0 : i32
      %dma_wait3A_20 = tpu.memref_slice %arg10[%mul3A_2, %dma_wait3A] : memref<10240x128xf32, #tpu.memory_space<vmem_shared>> -> memref<640x128xf32, #tpu.memory_space<vmem_shared>>
      %dma_wait3A_21 = arith.constant 0 : i32
      %dma_wait3A_22 = tpu.memref_slice %arg8[%mul3A_2, %dma_wait3A_21] : memref<10240x128xf32, #tpu.memory_space<hbm>> -> memref<640x128xf32, #tpu.memory_space<hbm>>
      tpu.wait_dma2 semaphore(%run_scoped3A : memref<!tpu.dma_semaphore, #tpu.memory_space<semaphore_mem>>) src(%dma_wait3A_22 : memref<640x128xf32, #tpu.memory_space<hbm>>) dst(%dma_wait3A_20 : memref<640x128xf32, #tpu.memory_space<vmem_shared>>)
      tpu.yield
    }) : () -> ()
    "tpu.region"() ({
      %run_scoped3A = tpu.sem_alloc : memref<!tpu.dma_semaphore, #tpu.memory_space<semaphore_mem>>
      %dma_start3A = arith.constant 0 : i32
      %dma_start3A_17 = tpu.memref_slice %arg5[%mul3A_2, %dma_start3A] : memref<10240x16xf32, #tpu.memory_space<hbm>> -> memref<640x16xf32, #tpu.memory_space<hbm>>
      %dma_start3A_18 = arith.constant 0 : i32
      %dma_start3A_19 = tpu.memref_slice %arg5[%mul3A_2, %dma_start3A_18] : memref<10240x16xf32, #tpu.memory_space<hbm>> -> memref<640x16xf32, #tpu.memory_space<hbm>>
      tpu.enqueue_dma source(%dma_start3A_19 : memref<640x16xf32, #tpu.memory_space<hbm>>) target(%arg15 : memref<640x16xf32, #tpu.memory_space<vmem>>) target_semaphore(%run_scoped3A : memref<!tpu.dma_semaphore, #tpu.memory_space<semaphore_mem>>)
      %dma_wait3A = arith.constant 0 : i32
      %dma_wait3A_20 = tpu.memref_slice %arg5[%mul3A_2, %dma_wait3A] : memref<10240x16xf32, #tpu.memory_space<hbm>> -> memref<640x16xf32, #tpu.memory_space<hbm>>
      %dma_wait3A_21 = arith.constant 0 : i32
      %dma_wait3A_22 = tpu.memref_slice %arg5[%mul3A_2, %dma_wait3A_21] : memref<10240x16xf32, #tpu.memory_space<hbm>> -> memref<640x16xf32, #tpu.memory_space<hbm>>
      tpu.wait_dma2 semaphore(%run_scoped3A : memref<!tpu.dma_semaphore, #tpu.memory_space<semaphore_mem>>) src(%dma_wait3A_22 : memref<640x16xf32, #tpu.memory_space<hbm>>) dst(%arg15 : memref<640x16xf32, #tpu.memory_space<vmem>>)
      tpu.yield
    }) : () -> ()
    "tpu.region"() ({
      %run_scoped3A = tpu.sem_alloc : memref<!tpu.dma_semaphore, #tpu.memory_space<semaphore_mem>>
      %dma_start3A = arith.constant 0 : i32
      %dma_start3A_17 = tpu.memref_slice %arg6[%mul3A_2, %dma_start3A] : memref<10240x16xf32, #tpu.memory_space<hbm>> -> memref<640x16xf32, #tpu.memory_space<hbm>>
      %dma_start3A_18 = arith.constant 0 : i32
      %dma_start3A_19 = tpu.memref_slice %arg6[%mul3A_2, %dma_start3A_18] : memref<10240x16xf32, #tpu.memory_space<hbm>> -> memref<640x16xf32, #tpu.memory_space<hbm>>
      tpu.enqueue_dma source(%dma_start3A_19 : memref<640x16xf32, #tpu.memory_space<hbm>>) target(%arg16 : memref<640x16xf32, #tpu.memory_space<vmem>>) target_semaphore(%run_scoped3A : memref<!tpu.dma_semaphore, #tpu.memory_space<semaphore_mem>>)
      %dma_wait3A = arith.constant 0 : i32
      %dma_wait3A_20 = tpu.memref_slice %arg6[%mul3A_2, %dma_wait3A] : memref<10240x16xf32, #tpu.memory_space<hbm>> -> memref<640x16xf32, #tpu.memory_space<hbm>>
      %dma_wait3A_21 = arith.constant 0 : i32
      %dma_wait3A_22 = tpu.memref_slice %arg6[%mul3A_2, %dma_wait3A_21] : memref<10240x16xf32, #tpu.memory_space<hbm>> -> memref<640x16xf32, #tpu.memory_space<hbm>>
      tpu.wait_dma2 semaphore(%run_scoped3A : memref<!tpu.dma_semaphore, #tpu.memory_space<semaphore_mem>>) src(%dma_wait3A_22 : memref<640x16xf32, #tpu.memory_space<hbm>>) dst(%arg16 : memref<640x16xf32, #tpu.memory_space<vmem>>)
      tpu.yield
    }) : () -> ()
    %scan3A = arith.constant 0 : i32
    %scan3A_3 = arith.constant 0 : i32
    %scan3A_4 = arith.constant 640 : i32
    %scan3A_5 = arith.addi %scan3A_3, %scan3A_4 : i32
    %scan3A_6 = arith.constant 1 : i32
    scf.for %scan3A_17 = %scan3A_3 to %scan3A_5 step %scan3A_6  : i32 {
      %get3A = arith.index_cast %scan3A_17 : i32 to index
      %get3A_18 = arith.constant 0 : index
      %get3A_19 = tpu.vector_load %arg15[%get3A, %get3A_18] {strides = array<i32>} : memref<640x16xf32, #tpu.memory_space<vmem>>, vector<1x16xf32>,
      %get3A_20 = vector.shape_cast %get3A_19 : vector<1x16xf32> to vector<16xf32>
      %get3A_21 = arith.index_cast %scan3A_17 : i32 to index
      %get3A_22 = arith.constant 0 : index
      %get3A_23 = tpu.vector_load %arg16[%get3A_21, %get3A_22] {strides = array<i32>} : memref<640x16xf32, #tpu.memory_space<vmem>>, vector<1x16xf32>,
      %get3A_24 = vector.shape_cast %get3A_23 : vector<1x16xf32> to vector<16xf32>
      %add3A_25 = arith.addf %get3A_20, %get3A_24 : vector<16xf32>
      %swap3A = arith.index_cast %scan3A_17 : i32 to index
      %swap3A_26 = arith.constant 0 : index
      %swap3A_27 = tpu.vector_load %arg15[%swap3A, %swap3A_26] {strides = array<i32>} : memref<640x16xf32, #tpu.memory_space<vmem>>, vector<1x16xf32>,
      %swap3A_28 = vector.shape_cast %swap3A_27 : vector<1x16xf32> to vector<16xf32>
      %swap3A_29 = vector.shape_cast %add3A_25 : vector<16xf32> to vector<1x16xf32>
      tpu.vector_store %arg15[%swap3A, %swap3A_26], %swap3A_29 {strides = array<i32>} : memref<640x16xf32, #tpu.memory_space<vmem>>, vector<1x16xf32>,
    }
    %scan3A_7 = arith.constant 640 : i32
    "tpu.region"() ({
      %run_scoped3A = tpu.sem_alloc : memref<!tpu.dma_semaphore, #tpu.memory_space<semaphore_mem>>
      %dma_start3A = arith.constant 0 : i32
      %dma_start3A_17 = tpu.memref_slice %arg11[%mul3A_2, %dma_start3A] : memref<10240x16xf32, #tpu.memory_space<vmem_shared>> -> memref<640x16xf32, #tpu.memory_space<vmem_shared>>
      %dma_start3A_18 = arith.constant 0 : i32
      %dma_start3A_19 = tpu.memref_slice %arg11[%mul3A_2, %dma_start3A_18] : memref<10240x16xf32, #tpu.memory_space<vmem_shared>> -> memref<640x16xf32, #tpu.memory_space<vmem_shared>>
      tpu.enqueue_dma source(%arg15 : memref<640x16xf32, #tpu.memory_space<vmem>>) target(%dma_start3A_19 : memref<640x16xf32, #tpu.memory_space<vmem_shared>>) target_semaphore(%run_scoped3A : memref<!tpu.dma_semaphore, #tpu.memory_space<semaphore_mem>>)
      %dma_wait3A = arith.constant 0 : i32
      %dma_wait3A_20 = tpu.memref_slice %arg11[%mul3A_2, %dma_wait3A] : memref<10240x16xf32, #tpu.memory_space<vmem_shared>> -> memref<640x16xf32, #tpu.memory_space<vmem_shared>>
      %dma_wait3A_21 = arith.constant 0 : i32
      %dma_wait3A_22 = tpu.memref_slice %arg11[%mul3A_2, %dma_wait3A_21] : memref<10240x16xf32, #tpu.memory_space<vmem_shared>> -> memref<640x16xf32, #tpu.memory_space<vmem_shared>>
      tpu.wait_dma2 semaphore(%run_scoped3A : memref<!tpu.dma_semaphore, #tpu.memory_space<semaphore_mem>>) src(%arg15 : memref<640x16xf32, #tpu.memory_space<vmem>>) dst(%dma_wait3A_22 : memref<640x16xf32, #tpu.memory_space<vmem_shared>>)
      tpu.yield
    }) : () -> ()
    %barrier3A = arith.constant 0 : index
    tpu.barrier barrier_id(%barrier3A)
    %mul3A_8 = arith.constant 10000 : i32
    %mul3A_9 = arith.muli %add3A, %mul3A_8 : i32
    %scan3A_10 = arith.constant 0 : i32
    %scan3A_11 = arith.constant 0 : i32
    %scan3A_12 = arith.constant 125 : i32
    %scan3A_13 = arith.addi %scan3A_11, %scan3A_12 : i32
    %scan3A_14 = arith.constant 1 : i32
    scf.for %scan3A_17 = %scan3A_11 to %scan3A_13 step %scan3A_14  : i32 {
      %mul3A_18 = arith.constant 80 : i32
      %mul3A_19 = arith.muli %scan3A_17, %mul3A_18 : i32
      %add3A_20 = arith.addi %mul3A_9, %mul3A_19 : i32
      %dma_start3A = tpu.memref_slice %arg2[%add3A_20] : memref<320000xi32, #tpu.memory_space<hbm>> -> memref<80xi32, #tpu.memory_space<hbm>>
      %dma_start3A_21 = tpu.memref_slice %arg2[%add3A_20] : memref<320000xi32, #tpu.memory_space<hbm>> -> memref<80xi32, #tpu.memory_space<hbm>>
      tpu.enqueue_dma source(%dma_start3A_21 : memref<80xi32, #tpu.memory_space<hbm>>) target(%arg12 : memref<80xi32, #tpu.memory_space<vmem>>) target_semaphore(%arg19 : memref<!tpu.dma_semaphore, #tpu.memory_space<semaphore_mem>>)
      %dma_start3A_22 = tpu.memref_slice %arg3[%add3A_20] : memref<320000xi32, #tpu.memory_space<hbm>> -> memref<80xi32, #tpu.memory_space<hbm>>
      %dma_start3A_23 = tpu.memref_slice %arg3[%add3A_20] : memref<320000xi32, #tpu.memory_space<hbm>> -> memref<80xi32, #tpu.memory_space<hbm>>
      tpu.enqueue_dma source(%dma_start3A_23 : memref<80xi32, #tpu.memory_space<hbm>>) target(%arg13 : memref<80xi32, #tpu.memory_space<vmem>>) target_semaphore(%arg19 : memref<!tpu.dma_semaphore, #tpu.memory_space<semaphore_mem>>)
      %dma_start3A_24 = arith.constant 0 : i32
      %dma_start3A_25 = tpu.memref_slice %arg4[%add3A_20, %dma_start3A_24] : memref<320000x16xf32, #tpu.memory_space<hbm>> -> memref<80x16xf32, #tpu.memory_space<hbm>>
      %dma_start3A_26 = arith.constant 0 : i32
      %dma_start3A_27 = tpu.memref_slice %arg4[%add3A_20, %dma_start3A_26] : memref<320000x16xf32, #tpu.memory_space<hbm>> -> memref<80x16xf32, #tpu.memory_space<hbm>>
      tpu.enqueue_dma source(%dma_start3A_27 : memref<80x16xf32, #tpu.memory_space<hbm>>) target(%arg14 : memref<80x16xf32, #tpu.memory_space<vmem>>) target_semaphore(%arg20 : memref<!tpu.dma_semaphore, #tpu.memory_space<semaphore_mem>>)
      %dma_wait3A = tpu.memref_slice %arg2[%add3A_20] : memref<320000xi32, #tpu.memory_space<hbm>> -> memref<80xi32, #tpu.memory_space<hbm>>
      %dma_wait3A_28 = tpu.memref_slice %arg2[%add3A_20] : memref<320000xi32, #tpu.memory_space<hbm>> -> memref<80xi32, #tpu.memory_space<hbm>>
      tpu.wait_dma2 semaphore(%arg19 : memref<!tpu.dma_semaphore, #tpu.memory_space<semaphore_mem>>) src(%dma_wait3A_28 : memref<80xi32, #tpu.memory_space<hbm>>) dst(%arg12 : memref<80xi32, #tpu.memory_space<vmem>>)
      %dma_wait3A_29 = tpu.memref_slice %arg3[%add3A_20] : memref<320000xi32, #tpu.memory_space<hbm>> -> memref<80xi32, #tpu.memory_space<hbm>>
      %dma_wait3A_30 = tpu.memref_slice %arg3[%add3A_20] : memref<320000xi32, #tpu.memory_space<hbm>> -> memref<80xi32, #tpu.memory_space<hbm>>
      tpu.wait_dma2 semaphore(%arg19 : memref<!tpu.dma_semaphore, #tpu.memory_space<semaphore_mem>>) src(%dma_wait3A_30 : memref<80xi32, #tpu.memory_space<hbm>>) dst(%arg13 : memref<80xi32, #tpu.memory_space<vmem>>)
      %dma_start3A_31 = arith.constant 0 : i32
      %dma_start3A_32 = arith.constant 0 : i32
      %dma_start3A_33 = tpu.memref_slice %arg7[%dma_start3A_31, %dma_start3A_32] : memref<10000x128xf32, #tpu.memory_space<hbm>> -> memref<10000x128xf32, #tpu.memory_space<hbm>>
      tpu.enqueue_indirect_dma source(%dma_start3A_33 : memref<10000x128xf32, #tpu.memory_space<hbm>>) target(%arg18 : memref<80x128xf32, #tpu.memory_space<vmem>>) offsets(%arg12 : memref<80xi32, #tpu.memory_space<vmem>>) semaphore(%arg19 : memref<!tpu.dma_semaphore, #tpu.memory_space<semaphore_mem>>)
      %dma_start3A_34 = arith.constant 0 : i32
      %dma_start3A_35 = arith.constant 0 : i32
      %dma_start3A_36 = tpu.memref_slice %arg11[%dma_start3A_34, %dma_start3A_35] : memref<10240x16xf32, #tpu.memory_space<vmem_shared>> -> memref<10240x16xf32, #tpu.memory_space<vmem_shared>>
      tpu.enqueue_indirect_dma source(%dma_start3A_36 : memref<10240x16xf32, #tpu.memory_space<vmem_shared>>) target(%arg17 : memref<80x16xf32, #tpu.memory_space<vmem>>) offsets(%arg13 : memref<80xi32, #tpu.memory_space<vmem>>) semaphore(%arg20 : memref<!tpu.dma_semaphore, #tpu.memory_space<semaphore_mem>>)
      %dma_wait3A_37 = arith.constant 0 : i32
      %dma_wait3A_38 = tpu.memref_slice %arg4[%add3A_20, %dma_wait3A_37] : memref<320000x16xf32, #tpu.memory_space<hbm>> -> memref<80x16xf32, #tpu.memory_space<hbm>>
      %dma_wait3A_39 = arith.constant 0 : i32
      %dma_wait3A_40 = tpu.memref_slice %arg4[%add3A_20, %dma_wait3A_39] : memref<320000x16xf32, #tpu.memory_space<hbm>> -> memref<80x16xf32, #tpu.memory_space<hbm>>
      tpu.wait_dma2 semaphore(%arg20 : memref<!tpu.dma_semaphore, #tpu.memory_space<semaphore_mem>>) src(%dma_wait3A_40 : memref<80x16xf32, #tpu.memory_space<hbm>>) dst(%arg14 : memref<80x16xf32, #tpu.memory_space<vmem>>)
      %dma_wait3A_41 = arith.constant 0 : i32
      %dma_wait3A_42 = arith.constant 0 : i32
      %dma_wait3A_43 = tpu.memref_slice %arg11[%dma_wait3A_41, %dma_wait3A_42] : memref<10240x16xf32, #tpu.memory_space<vmem_shared>> -> memref<10240x16xf32, #tpu.memory_space<vmem_shared>>
      tpu.wait_indirect_dma semaphore(%arg20 : memref<!tpu.dma_semaphore, #tpu.memory_space<semaphore_mem>>) src(%dma_wait3A_43 : memref<10240x16xf32, #tpu.memory_space<vmem_shared>>) dst(%arg17 : memref<80x16xf32, #tpu.memory_space<vmem>>)
      %dma_wait3A_44 = arith.constant 0 : i32
      %dma_wait3A_45 = arith.constant 0 : i32
      %dma_wait3A_46 = tpu.memref_slice %arg7[%dma_wait3A_44, %dma_wait3A_45] : memref<10000x128xf32, #tpu.memory_space<hbm>> -> memref<10000x128xf32, #tpu.memory_space<hbm>>
      tpu.wait_indirect_dma semaphore(%arg19 : memref<!tpu.dma_semaphore, #tpu.memory_space<semaphore_mem>>) src(%dma_wait3A_46 : memref<10000x128xf32, #tpu.memory_space<hbm>>) dst(%arg18 : memref<80x128xf32, #tpu.memory_space<vmem>>)
      %scan3A_47 = arith.constant 0 : i32
      %scan3A_48 = arith.constant 0 : i32
      %scan3A_49 = arith.constant 80 : i32
      %scan3A_50 = arith.addi %scan3A_48, %scan3A_49 : i32
      %scan3A_51 = arith.constant 1 : i32
      scf.for %scan3A_53 = %scan3A_48 to %scan3A_50 step %scan3A_51  : i32 {
        %get3A = arith.index_cast %scan3A_53 : i32 to index
        %get3A_54 = arith.constant 0 : index
        %get3A_55 = tpu.vector_load %arg14[%get3A, %get3A_54] {strides = array<i32>} : memref<80x16xf32, #tpu.memory_space<vmem>>, vector<1x16xf32>,
        %get3A_56 = vector.shape_cast %get3A_55 : vector<1x16xf32> to vector<16xf32>
        %get3A_57 = arith.index_cast %scan3A_53 : i32 to index
        %get3A_58 = arith.constant 0 : index
        %get3A_59 = tpu.vector_load %arg17[%get3A_57, %get3A_58] {strides = array<i32>} : memref<80x16xf32, #tpu.memory_space<vmem>>, vector<1x16xf32>,
        %get3A_60 = vector.shape_cast %get3A_59 : vector<1x16xf32> to vector<16xf32>
        %add3A_61 = arith.constant 1.000000e-16 : f32
        %add3A_62 = vector.broadcast %add3A_61 : f32 to vector<16xf32>
        %add3A_63 = arith.addf %get3A_60, %add3A_62 : vector<16xf32>
        %div3A = arith.divf %get3A_56, %add3A_63 : vector<16xf32>
        %slice3A = vector.extract_strided_slice %div3A {offsets = [0], sizes = [1], strides = [1]} : vector<16xf32> to vector<1xf32>
        %squeeze3A = vector.extract %slice3A[0] : f32 from vector<1xf32>
        %get3A_64 = arith.index_cast %scan3A_53 : i32 to index
        %get3A_65 = arith.constant 0 : index
        %get3A_66 = tpu.vector_load %arg18[%get3A_64, %get3A_65] {strides = array<i32>} : memref<80x128xf32, #tpu.memory_space<vmem>>, vector<1x16xf32>,
        %get3A_67 = vector.shape_cast %get3A_66 : vector<1x16xf32> to vector<16xf32>
        %mul3A_68 = vector.broadcast %squeeze3A : f32 to vector<16xf32>
        %mul3A_69 = arith.mulf %get3A_67, %mul3A_68 : vector<16xf32>
        %swap3A = arith.index_cast %scan3A_53 : i32 to index
        %swap3A_70 = arith.constant 0 : index
        %swap3A_71 = tpu.vector_load %arg18[%swap3A, %swap3A_70] {strides = array<i32>} : memref<80x128xf32, #tpu.memory_space<vmem>>, vector<1x16xf32>,
        %swap3A_72 = vector.shape_cast %swap3A_71 : vector<1x16xf32> to vector<16xf32>
        %swap3A_73 = vector.shape_cast %mul3A_69 : vector<16xf32> to vector<1x16xf32>
        tpu.vector_store %arg18[%swap3A, %swap3A_70], %swap3A_73 {strides = array<i32>} : memref<80x128xf32, #tpu.memory_space<vmem>>, vector<1x16xf32>,
        %slice3A_74 = vector.extract_strided_slice %div3A {offsets = [1], sizes = [1], strides = [1]} : vector<16xf32> to vector<1xf32>
        %squeeze3A_75 = vector.extract %slice3A_74[0] : f32 from vector<1xf32>
        %get3A_76 = arith.index_cast %scan3A_53 : i32 to index
        %get3A_77 = arith.constant 16 : index
        %get3A_78 = tpu.vector_load %arg18[%get3A_76, %get3A_77] {strides = array<i32>} : memref<80x128xf32, #tpu.memory_space<vmem>>, vector<1x16xf32>,
        %get3A_79 = vector.shape_cast %get3A_78 : vector<1x16xf32> to vector<16xf32>
        %mul3A_80 = vector.broadcast %squeeze3A_75 : f32 to vector<16xf32>
        %mul3A_81 = arith.mulf %get3A_79, %mul3A_80 : vector<16xf32>
        %swap3A_82 = arith.index_cast %scan3A_53 : i32 to index
        %swap3A_83 = arith.constant 16 : index
        %swap3A_84 = tpu.vector_load %arg18[%swap3A_82, %swap3A_83] {strides = array<i32>} : memref<80x128xf32, #tpu.memory_space<vmem>>, vector<1x16xf32>,
        %swap3A_85 = vector.shape_cast %swap3A_84 : vector<1x16xf32> to vector<16xf32>
        %swap3A_86 = vector.shape_cast %mul3A_81 : vector<16xf32> to vector<1x16xf32>
        tpu.vector_store %arg18[%swap3A_82, %swap3A_83], %swap3A_86 {strides = array<i32>} : memref<80x128xf32, #tpu.memory_space<vmem>>, vector<1x16xf32>,
        %slice3A_87 = vector.extract_strided_slice %div3A {offsets = [2], sizes = [1], strides = [1]} : vector<16xf32> to vector<1xf32>
        %squeeze3A_88 = vector.extract %slice3A_87[0] : f32 from vector<1xf32>
        %get3A_89 = arith.index_cast %scan3A_53 : i32 to index
        %get3A_90 = arith.constant 32 : index
        %get3A_91 = tpu.vector_load %arg18[%get3A_89, %get3A_90] {strides = array<i32>} : memref<80x128xf32, #tpu.memory_space<vmem>>, vector<1x16xf32>,
        %get3A_92 = vector.shape_cast %get3A_91 : vector<1x16xf32> to vector<16xf32>
        %mul3A_93 = vector.broadcast %squeeze3A_88 : f32 to vector<16xf32>
        %mul3A_94 = arith.mulf %get3A_92, %mul3A_93 : vector<16xf32>
        %swap3A_95 = arith.index_cast %scan3A_53 : i32 to index
        %swap3A_96 = arith.constant 32 : index
        %swap3A_97 = tpu.vector_load %arg18[%swap3A_95, %swap3A_96] {strides = array<i32>} : memref<80x128xf32, #tpu.memory_space<vmem>>, vector<1x16xf32>,
        %swap3A_98 = vector.shape_cast %swap3A_97 : vector<1x16xf32> to vector<16xf32>
        %swap3A_99 = vector.shape_cast %mul3A_94 : vector<16xf32> to vector<1x16xf32>
        tpu.vector_store %arg18[%swap3A_95, %swap3A_96], %swap3A_99 {strides = array<i32>} : memref<80x128xf32, #tpu.memory_space<vmem>>, vector<1x16xf32>,
        %slice3A_100 = vector.extract_strided_slice %div3A {offsets = [3], sizes = [1], strides = [1]} : vector<16xf32> to vector<1xf32>
        %squeeze3A_101 = vector.extract %slice3A_100[0] : f32 from vector<1xf32>
        %get3A_102 = arith.index_cast %scan3A_53 : i32 to index
        %get3A_103 = arith.constant 48 : index
        %get3A_104 = tpu.vector_load %arg18[%get3A_102, %get3A_103] {strides = array<i32>} : memref<80x128xf32, #tpu.memory_space<vmem>>, vector<1x16xf32>,
        %get3A_105 = vector.shape_cast %get3A_104 : vector<1x16xf32> to vector<16xf32>
        %mul3A_106 = vector.broadcast %squeeze3A_101 : f32 to vector<16xf32>
        %mul3A_107 = arith.mulf %get3A_105, %mul3A_106 : vector<16xf32>
        %swap3A_108 = arith.index_cast %scan3A_53 : i32 to index
        %swap3A_109 = arith.constant 48 : index
        %swap3A_110 = tpu.vector_load %arg18[%swap3A_108, %swap3A_109] {strides = array<i32>} : memref<80x128xf32, #tpu.memory_space<vmem>>, vector<1x16xf32>,
        %swap3A_111 = vector.shape_cast %swap3A_110 : vector<1x16xf32> to vector<16xf32>
        %swap3A_112 = vector.shape_cast %mul3A_107 : vector<16xf32> to vector<1x16xf32>
        tpu.vector_store %arg18[%swap3A_108, %swap3A_109], %swap3A_112 {strides = array<i32>} : memref<80x128xf32, #tpu.memory_space<vmem>>, vector<1x16xf32>,
        %slice3A_113 = vector.extract_strided_slice %div3A {offsets = [4], sizes = [1], strides = [1]} : vector<16xf32> to vector<1xf32>
        %squeeze3A_114 = vector.extract %slice3A_113[0] : f32 from vector<1xf32>
        %get3A_115 = arith.index_cast %scan3A_53 : i32 to index
        %get3A_116 = arith.constant 64 : index
        %get3A_117 = tpu.vector_load %arg18[%get3A_115, %get3A_116] {strides = array<i32>} : memref<80x128xf32, #tpu.memory_space<vmem>>, vector<1x16xf32>,
        %get3A_118 = vector.shape_cast %get3A_117 : vector<1x16xf32> to vector<16xf32>
        %mul3A_119 = vector.broadcast %squeeze3A_114 : f32 to vector<16xf32>
        %mul3A_120 = arith.mulf %get3A_118, %mul3A_119 : vector<16xf32>
        %swap3A_121 = arith.index_cast %scan3A_53 : i32 to index
        %swap3A_122 = arith.constant 64 : index
        %swap3A_123 = tpu.vector_load %arg18[%swap3A_121, %swap3A_122] {strides = array<i32>} : memref<80x128xf32, #tpu.memory_space<vmem>>, vector<1x16xf32>,
        %swap3A_124 = vector.shape_cast %swap3A_123 : vector<1x16xf32> to vector<16xf32>
        %swap3A_125 = vector.shape_cast %mul3A_120 : vector<16xf32> to vector<1x16xf32>
        tpu.vector_store %arg18[%swap3A_121, %swap3A_122], %swap3A_125 {strides = array<i32>} : memref<80x128xf32, #tpu.memory_space<vmem>>, vector<1x16xf32>,
        %slice3A_126 = vector.extract_strided_slice %div3A {offsets = [5], sizes = [1], strides = [1]} : vector<16xf32> to vector<1xf32>
        %squeeze3A_127 = vector.extract %slice3A_126[0] : f32 from vector<1xf32>
        %get3A_128 = arith.index_cast %scan3A_53 : i32 to index
        %get3A_129 = arith.constant 80 : index
        %get3A_130 = tpu.vector_load %arg18[%get3A_128, %get3A_129] {strides = array<i32>} : memref<80x128xf32, #tpu.memory_space<vmem>>, vector<1x16xf32>,
        %get3A_131 = vector.shape_cast %get3A_130 : vector<1x16xf32> to vector<16xf32>
        %mul3A_132 = vector.broadcast %squeeze3A_127 : f32 to vector<16xf32>
        %mul3A_133 = arith.mulf %get3A_131, %mul3A_132 : vector<16xf32>
        %swap3A_134 = arith.index_cast %scan3A_53 : i32 to index
        %swap3A_135 = arith.constant 80 : index
        %swap3A_136 = tpu.vector_load %arg18[%swap3A_134, %swap3A_135] {strides = array<i32>} : memref<80x128xf32, #tpu.memory_space<vmem>>, vector<1x16xf32>,
        %swap3A_137 = vector.shape_cast %swap3A_136 : vector<1x16xf32> to vector<16xf32>
        %swap3A_138 = vector.shape_cast %mul3A_133 : vector<16xf32> to vector<1x16xf32>
        tpu.vector_store %arg18[%swap3A_134, %swap3A_135], %swap3A_138 {strides = array<i32>} : memref<80x128xf32, #tpu.memory_space<vmem>>, vector<1x16xf32>,
        %slice3A_139 = vector.extract_strided_slice %div3A {offsets = [6], sizes = [1], strides = [1]} : vector<16xf32> to vector<1xf32>
        %squeeze3A_140 = vector.extract %slice3A_139[0] : f32 from vector<1xf32>
        %get3A_141 = arith.index_cast %scan3A_53 : i32 to index
        %get3A_142 = arith.constant 96 : index
        %get3A_143 = tpu.vector_load %arg18[%get3A_141, %get3A_142] {strides = array<i32>} : memref<80x128xf32, #tpu.memory_space<vmem>>, vector<1x16xf32>,
        %get3A_144 = vector.shape_cast %get3A_143 : vector<1x16xf32> to vector<16xf32>
        %mul3A_145 = vector.broadcast %squeeze3A_140 : f32 to vector<16xf32>
        %mul3A_146 = arith.mulf %get3A_144, %mul3A_145 : vector<16xf32>
        %swap3A_147 = arith.index_cast %scan3A_53 : i32 to index
        %swap3A_148 = arith.constant 96 : index
        %swap3A_149 = tpu.vector_load %arg18[%swap3A_147, %swap3A_148] {strides = array<i32>} : memref<80x128xf32, #tpu.memory_space<vmem>>, vector<1x16xf32>,
        %swap3A_150 = vector.shape_cast %swap3A_149 : vector<1x16xf32> to vector<16xf32>
        %swap3A_151 = vector.shape_cast %mul3A_146 : vector<16xf32> to vector<1x16xf32>
        tpu.vector_store %arg18[%swap3A_147, %swap3A_148], %swap3A_151 {strides = array<i32>} : memref<80x128xf32, #tpu.memory_space<vmem>>, vector<1x16xf32>,
        %slice3A_152 = vector.extract_strided_slice %div3A {offsets = [7], sizes = [1], strides = [1]} : vector<16xf32> to vector<1xf32>
        %squeeze3A_153 = vector.extract %slice3A_152[0] : f32 from vector<1xf32>
        %get3A_154 = arith.index_cast %scan3A_53 : i32 to index
        %get3A_155 = arith.constant 112 : index
        %get3A_156 = tpu.vector_load %arg18[%get3A_154, %get3A_155] {strides = array<i32>} : memref<80x128xf32, #tpu.memory_space<vmem>>, vector<1x16xf32>,
        %get3A_157 = vector.shape_cast %get3A_156 : vector<1x16xf32> to vector<16xf32>
        %mul3A_158 = vector.broadcast %squeeze3A_153 : f32 to vector<16xf32>
        %mul3A_159 = arith.mulf %get3A_157, %mul3A_158 : vector<16xf32>
        %swap3A_160 = arith.index_cast %scan3A_53 : i32 to index
        %swap3A_161 = arith.constant 112 : index
        %swap3A_162 = tpu.vector_load %arg18[%swap3A_160, %swap3A_161] {strides = array<i32>} : memref<80x128xf32, #tpu.memory_space<vmem>>, vector<1x16xf32>,
        %swap3A_163 = vector.shape_cast %swap3A_162 : vector<1x16xf32> to vector<16xf32>
        %swap3A_164 = vector.shape_cast %mul3A_159 : vector<16xf32> to vector<1x16xf32>
        tpu.vector_store %arg18[%swap3A_160, %swap3A_161], %swap3A_164 {strides = array<i32>} : memref<80x128xf32, #tpu.memory_space<vmem>>, vector<1x16xf32>,
      }
      %scan3A_52 = arith.constant 80 : i32
      "tpu.region"() ({
        %run_scoped3A = tpu.sem_alloc : memref<!tpu.dma_semaphore, #tpu.memory_space<semaphore_mem>>
        %dma_start3A_53 = arith.constant 0 : i32
        %dma_start3A_54 = arith.constant 0 : i32
        %dma_start3A_55 = tpu.memref_slice %arg10[%dma_start3A_53, %dma_start3A_54] : memref<10240x128xf32, #tpu.memory_space<vmem_shared>> -> memref<10240x128xf32, #tpu.memory_space<vmem_shared>>
        tpu.enqueue_indirect_dma source(%arg18 : memref<80x128xf32, #tpu.memory_space<vmem>>) target(%dma_start3A_55 : memref<10240x128xf32, #tpu.memory_space<vmem_shared>>) offsets(%arg13 : memref<80xi32, #tpu.memory_space<vmem>>) semaphore(%run_scoped3A : memref<!tpu.dma_semaphore, #tpu.memory_space<semaphore_mem>>) {add = true}
        %dma_wait3A_56 = arith.constant 0 : i32
        %dma_wait3A_57 = arith.constant 0 : i32
        %dma_wait3A_58 = tpu.memref_slice %arg10[%dma_wait3A_56, %dma_wait3A_57] : memref<10240x128xf32, #tpu.memory_space<vmem_shared>> -> memref<10240x128xf32, #tpu.memory_space<vmem_shared>>
        tpu.wait_indirect_dma semaphore(%run_scoped3A : memref<!tpu.dma_semaphore, #tpu.memory_space<semaphore_mem>>) src(%arg18 : memref<80x128xf32, #tpu.memory_space<vmem>>) dst(%dma_wait3A_58 : memref<10240x128xf32, #tpu.memory_space<vmem_shared>>)
        tpu.yield
      }) : () -> ()
    }
    %scan3A_15 = arith.constant 125 : i32
    %barrier3A_16 = arith.constant 0 : index
    tpu.barrier barrier_id(%barrier3A_16)
    "tpu.region"() ({
      %run_scoped3A = tpu.sem_alloc : memref<!tpu.dma_semaphore, #tpu.memory_space<semaphore_mem>>
      %dma_start3A = arith.constant 0 : i32
      %dma_start3A_17 = tpu.memref_slice %arg9[%arg0, %mul3A_2, %dma_start3A] : memref<2x10240x128xf32, #tpu.memory_space<hbm>> -> memref<1x640x128xf32, #tpu.memory_space<hbm>>
      %dma_start3A_18 = tpu.memref_squeeze %dma_start3A_17 : memref<1x640x128xf32, #tpu.memory_space<hbm>> -> memref<640x128xf32, #tpu.memory_space<hbm>>
      %dma_start3A_19 = arith.constant 0 : i32
      %dma_start3A_20 = tpu.memref_slice %arg10[%mul3A_2, %dma_start3A_19] : memref<10240x128xf32, #tpu.memory_space<vmem_shared>> -> memref<640x128xf32, #tpu.memory_space<vmem_shared>>
      tpu.enqueue_dma source(%dma_start3A_20 : memref<640x128xf32, #tpu.memory_space<vmem_shared>>) target(%dma_start3A_18 : memref<640x128xf32, #tpu.memory_space<hbm>>) target_semaphore(%run_scoped3A : memref<!tpu.dma_semaphore, #tpu.memory_space<semaphore_mem>>)
      %dma_wait3A = arith.constant 0 : i32
      %dma_wait3A_21 = tpu.memref_slice %arg9[%arg0, %mul3A_2, %dma_wait3A] : memref<2x10240x128xf32, #tpu.memory_space<hbm>> -> memref<1x640x128xf32, #tpu.memory_space<hbm>>
      %dma_wait3A_22 = tpu.memref_squeeze %dma_wait3A_21 : memref<1x640x128xf32, #tpu.memory_space<hbm>> -> memref<640x128xf32, #tpu.memory_space<hbm>>
      %dma_wait3A_23 = arith.constant 0 : i32
      %dma_wait3A_24 = tpu.memref_slice %arg10[%mul3A_2, %dma_wait3A_23] : memref<10240x128xf32, #tpu.memory_space<vmem_shared>> -> memref<640x128xf32, #tpu.memory_space<vmem_shared>>
      tpu.wait_dma2 semaphore(%run_scoped3A : memref<!tpu.dma_semaphore, #tpu.memory_space<semaphore_mem>>) src(%dma_wait3A_24 : memref<640x128xf32, #tpu.memory_space<vmem_shared>>) dst(%dma_wait3A_22 : memref<640x128xf32, #tpu.memory_space<hbm>>)
      tpu.yield
    }) : () -> ()
    return
  }
}

#map = affine_map<(d0, d1) -> (0)>
#map1 = affine_map<(d0, d1) -> (0, 0)>
#map2 = affine_map<(d0, d1) -> (0, 0, 0)>
module attributes {stable_mosaic.version = 14 : i64} {
  func.func @_sc_attn_body(%arg0: i32, %arg1: i32, %arg2: memref<320000xi32, #tpu.memory_space<hbm>>, %arg3: memref<320000xi32, #tpu.memory_space<hbm>>, %arg4: memref<320000x16xf32, #tpu.memory_space<hbm>>, %arg5: memref<10000x16xf32, #tpu.memory_space<hbm>>, %arg6: memref<10000x16xf32, #tpu.memory_space<hbm>>, %arg7: memref<10240x16xf32, #tpu.memory_space<hbm>>, %arg8: memref<320000x16xf32, #tpu.memory_space<hbm>>, %arg9: memref<2x10240x16xf32, #tpu.memory_space<hbm>>, %arg10: memref<10240x16xf32, #tpu.memory_space<vmem_shared>>, %arg11: memref<80xi32, #tpu.memory_space<vmem>>, %arg12: memref<80xi32, #tpu.memory_space<vmem>>, %arg13: memref<80x16xf32, #tpu.memory_space<vmem>>, %arg14: memref<80x16xf32, #tpu.memory_space<vmem>>, %arg15: memref<80x16xf32, #tpu.memory_space<vmem>>, %arg16: memref<80x16xf32, #tpu.memory_space<vmem>>, %arg17: memref<!tpu.dma_semaphore, #tpu.memory_space<semaphore_mem>>, %arg18: memref<!tpu.dma_semaphore, #tpu.memory_space<semaphore_mem>>) attributes {dimension_semantics = [#tpu.dimension_semantics<core_parallel>, #tpu.dimension_semantics<subcore_parallel>], iteration_bounds = array<i64: 2, 16>, scalar_prefetch = 0 : i64, scratch_operands = 9 : i64, tpu.core_type = #tpu.core_type<sc_vector_subcore>, window_params = [{transform_indices = #map}, {transform_indices = #map}, {transform_indices = #map1}, {transform_indices = #map1}, {transform_indices = #map1}, {transform_indices = #map1}, {transform_indices = #map1}, {transform_indices = #map2}]} {
    %mul3A = arith.constant 2 : i32
    %mul3A_0 = arith.muli %arg1, %mul3A : i32
    %add3A = arith.addi %mul3A_0, %arg0 : i32
    %mul3A_1 = arith.constant 640 : i32
    %mul3A_2 = arith.muli %arg1, %mul3A_1 : i32
    "tpu.region"() ({
      %run_scoped3A = tpu.sem_alloc : memref<!tpu.dma_semaphore, #tpu.memory_space<semaphore_mem>>
      %dma_start3A = arith.constant 0 : i32
      %dma_start3A_11 = tpu.memref_slice %arg10[%mul3A_2, %dma_start3A] : memref<10240x16xf32, #tpu.memory_space<vmem_shared>> -> memref<640x16xf32, #tpu.memory_space<vmem_shared>>
      %dma_start3A_12 = arith.constant 0 : i32
      %dma_start3A_13 = tpu.memref_slice %arg7[%mul3A_2, %dma_start3A_12] : memref<10240x16xf32, #tpu.memory_space<hbm>> -> memref<640x16xf32, #tpu.memory_space<hbm>>
      tpu.enqueue_dma source(%dma_start3A_13 : memref<640x16xf32, #tpu.memory_space<hbm>>) target(%dma_start3A_11 : memref<640x16xf32, #tpu.memory_space<vmem_shared>>) target_semaphore(%run_scoped3A : memref<!tpu.dma_semaphore, #tpu.memory_space<semaphore_mem>>)
      %dma_wait3A = arith.constant 0 : i32
      %dma_wait3A_14 = tpu.memref_slice %arg10[%mul3A_2, %dma_wait3A] : memref<10240x16xf32, #tpu.memory_space<vmem_shared>> -> memref<640x16xf32, #tpu.memory_space<vmem_shared>>
      %dma_wait3A_15 = arith.constant 0 : i32
      %dma_wait3A_16 = tpu.memref_slice %arg7[%mul3A_2, %dma_wait3A_15] : memref<10240x16xf32, #tpu.memory_space<hbm>> -> memref<640x16xf32, #tpu.memory_space<hbm>>
      tpu.wait_dma2 semaphore(%run_scoped3A : memref<!tpu.dma_semaphore, #tpu.memory_space<semaphore_mem>>) src(%dma_wait3A_16 : memref<640x16xf32, #tpu.memory_space<hbm>>) dst(%dma_wait3A_14 : memref<640x16xf32, #tpu.memory_space<vmem_shared>>)
      tpu.yield
    }) : () -> ()
    %barrier3A = arith.constant 0 : index
    tpu.barrier barrier_id(%barrier3A)
    %mul3A_3 = arith.constant 10000 : i32
    %mul3A_4 = arith.muli %add3A, %mul3A_3 : i32
    %scan3A = arith.constant 0 : i32
    %scan3A_5 = arith.constant 0 : i32
    %scan3A_6 = arith.constant 125 : i32
    %scan3A_7 = arith.addi %scan3A_5, %scan3A_6 : i32
    %scan3A_8 = arith.constant 1 : i32
    scf.for %scan3A_11 = %scan3A_5 to %scan3A_7 step %scan3A_8  : i32 {
      %mul3A_12 = arith.constant 80 : i32
      %mul3A_13 = arith.muli %scan3A_11, %mul3A_12 : i32
      %add3A_14 = arith.addi %mul3A_4, %mul3A_13 : i32
      %dma_start3A = tpu.memref_slice %arg2[%add3A_14] : memref<320000xi32, #tpu.memory_space<hbm>> -> memref<80xi32, #tpu.memory_space<hbm>>
      %dma_start3A_15 = tpu.memref_slice %arg2[%add3A_14] : memref<320000xi32, #tpu.memory_space<hbm>> -> memref<80xi32, #tpu.memory_space<hbm>>
      tpu.enqueue_dma source(%dma_start3A_15 : memref<80xi32, #tpu.memory_space<hbm>>) target(%arg11 : memref<80xi32, #tpu.memory_space<vmem>>) target_semaphore(%arg17 : memref<!tpu.dma_semaphore, #tpu.memory_space<semaphore_mem>>)
      %dma_start3A_16 = tpu.memref_slice %arg3[%add3A_14] : memref<320000xi32, #tpu.memory_space<hbm>> -> memref<80xi32, #tpu.memory_space<hbm>>
      %dma_start3A_17 = tpu.memref_slice %arg3[%add3A_14] : memref<320000xi32, #tpu.memory_space<hbm>> -> memref<80xi32, #tpu.memory_space<hbm>>
      tpu.enqueue_dma source(%dma_start3A_17 : memref<80xi32, #tpu.memory_space<hbm>>) target(%arg12 : memref<80xi32, #tpu.memory_space<vmem>>) target_semaphore(%arg17 : memref<!tpu.dma_semaphore, #tpu.memory_space<semaphore_mem>>)
      %dma_start3A_18 = arith.constant 0 : i32
      %dma_start3A_19 = tpu.memref_slice %arg4[%add3A_14, %dma_start3A_18] : memref<320000x16xf32, #tpu.memory_space<hbm>> -> memref<80x16xf32, #tpu.memory_space<hbm>>
      %dma_start3A_20 = arith.constant 0 : i32
      %dma_start3A_21 = tpu.memref_slice %arg4[%add3A_14, %dma_start3A_20] : memref<320000x16xf32, #tpu.memory_space<hbm>> -> memref<80x16xf32, #tpu.memory_space<hbm>>
      tpu.enqueue_dma source(%dma_start3A_21 : memref<80x16xf32, #tpu.memory_space<hbm>>) target(%arg15 : memref<80x16xf32, #tpu.memory_space<vmem>>) target_semaphore(%arg18 : memref<!tpu.dma_semaphore, #tpu.memory_space<semaphore_mem>>)
      %dma_wait3A = tpu.memref_slice %arg2[%add3A_14] : memref<320000xi32, #tpu.memory_space<hbm>> -> memref<80xi32, #tpu.memory_space<hbm>>
      %dma_wait3A_22 = tpu.memref_slice %arg2[%add3A_14] : memref<320000xi32, #tpu.memory_space<hbm>> -> memref<80xi32, #tpu.memory_space<hbm>>
      tpu.wait_dma2 semaphore(%arg17 : memref<!tpu.dma_semaphore, #tpu.memory_space<semaphore_mem>>) src(%dma_wait3A_22 : memref<80xi32, #tpu.memory_space<hbm>>) dst(%arg11 : memref<80xi32, #tpu.memory_space<vmem>>)
      %dma_wait3A_23 = tpu.memref_slice %arg3[%add3A_14] : memref<320000xi32, #tpu.memory_space<hbm>> -> memref<80xi32, #tpu.memory_space<hbm>>
      %dma_wait3A_24 = tpu.memref_slice %arg3[%add3A_14] : memref<320000xi32, #tpu.memory_space<hbm>> -> memref<80xi32, #tpu.memory_space<hbm>>
      tpu.wait_dma2 semaphore(%arg17 : memref<!tpu.dma_semaphore, #tpu.memory_space<semaphore_mem>>) src(%dma_wait3A_24 : memref<80xi32, #tpu.memory_space<hbm>>) dst(%arg12 : memref<80xi32, #tpu.memory_space<vmem>>)
      %dma_start3A_25 = arith.constant 0 : i32
      %dma_start3A_26 = arith.constant 0 : i32
      %dma_start3A_27 = tpu.memref_slice %arg5[%dma_start3A_25, %dma_start3A_26] : memref<10000x16xf32, #tpu.memory_space<hbm>> -> memref<10000x16xf32, #tpu.memory_space<hbm>>
      tpu.enqueue_indirect_dma source(%dma_start3A_27 : memref<10000x16xf32, #tpu.memory_space<hbm>>) target(%arg13 : memref<80x16xf32, #tpu.memory_space<vmem>>) offsets(%arg11 : memref<80xi32, #tpu.memory_space<vmem>>) semaphore(%arg17 : memref<!tpu.dma_semaphore, #tpu.memory_space<semaphore_mem>>)
      %dma_start3A_28 = arith.constant 0 : i32
      %dma_start3A_29 = arith.constant 0 : i32
      %dma_start3A_30 = tpu.memref_slice %arg6[%dma_start3A_28, %dma_start3A_29] : memref<10000x16xf32, #tpu.memory_space<hbm>> -> memref<10000x16xf32, #tpu.memory_space<hbm>>
      tpu.enqueue_indirect_dma source(%dma_start3A_30 : memref<10000x16xf32, #tpu.memory_space<hbm>>) target(%arg14 : memref<80x16xf32, #tpu.memory_space<vmem>>) offsets(%arg12 : memref<80xi32, #tpu.memory_space<vmem>>) semaphore(%arg17 : memref<!tpu.dma_semaphore, #tpu.memory_space<semaphore_mem>>)
      %dma_wait3A_31 = arith.constant 0 : i32
      %dma_wait3A_32 = arith.constant 0 : i32
      %dma_wait3A_33 = tpu.memref_slice %arg5[%dma_wait3A_31, %dma_wait3A_32] : memref<10000x16xf32, #tpu.memory_space<hbm>> -> memref<10000x16xf32, #tpu.memory_space<hbm>>
      tpu.wait_indirect_dma semaphore(%arg17 : memref<!tpu.dma_semaphore, #tpu.memory_space<semaphore_mem>>) src(%dma_wait3A_33 : memref<10000x16xf32, #tpu.memory_space<hbm>>) dst(%arg13 : memref<80x16xf32, #tpu.memory_space<vmem>>)
      %dma_wait3A_34 = arith.constant 0 : i32
      %dma_wait3A_35 = arith.constant 0 : i32
      %dma_wait3A_36 = tpu.memref_slice %arg6[%dma_wait3A_34, %dma_wait3A_35] : memref<10000x16xf32, #tpu.memory_space<hbm>> -> memref<10000x16xf32, #tpu.memory_space<hbm>>
      tpu.wait_indirect_dma semaphore(%arg17 : memref<!tpu.dma_semaphore, #tpu.memory_space<semaphore_mem>>) src(%dma_wait3A_36 : memref<10000x16xf32, #tpu.memory_space<hbm>>) dst(%arg14 : memref<80x16xf32, #tpu.memory_space<vmem>>)
      %dma_wait3A_37 = arith.constant 0 : i32
      %dma_wait3A_38 = tpu.memref_slice %arg4[%add3A_14, %dma_wait3A_37] : memref<320000x16xf32, #tpu.memory_space<hbm>> -> memref<80x16xf32, #tpu.memory_space<hbm>>
      %dma_wait3A_39 = arith.constant 0 : i32
      %dma_wait3A_40 = tpu.memref_slice %arg4[%add3A_14, %dma_wait3A_39] : memref<320000x16xf32, #tpu.memory_space<hbm>> -> memref<80x16xf32, #tpu.memory_space<hbm>>
      tpu.wait_dma2 semaphore(%arg18 : memref<!tpu.dma_semaphore, #tpu.memory_space<semaphore_mem>>) src(%dma_wait3A_40 : memref<80x16xf32, #tpu.memory_space<hbm>>) dst(%arg15 : memref<80x16xf32, #tpu.memory_space<vmem>>)
      %scan3A_41 = arith.constant 0 : i32
      %scan3A_42 = arith.constant 0 : i32
      %scan3A_43 = arith.constant 80 : i32
      %scan3A_44 = arith.addi %scan3A_42, %scan3A_43 : i32
      %scan3A_45 = arith.constant 1 : i32
      scf.for %scan3A_47 = %scan3A_42 to %scan3A_44 step %scan3A_45  : i32 {
        %get3A = arith.index_cast %scan3A_47 : i32 to index
        %get3A_48 = arith.constant 0 : index
        %get3A_49 = tpu.vector_load %arg13[%get3A, %get3A_48] {strides = array<i32>} : memref<80x16xf32, #tpu.memory_space<vmem>>, vector<1x16xf32>,
        %get3A_50 = vector.shape_cast %get3A_49 : vector<1x16xf32> to vector<16xf32>
        %get3A_51 = arith.index_cast %scan3A_47 : i32 to index
        %get3A_52 = arith.constant 0 : index
        %get3A_53 = tpu.vector_load %arg14[%get3A_51, %get3A_52] {strides = array<i32>} : memref<80x16xf32, #tpu.memory_space<vmem>>, vector<1x16xf32>,
        %get3A_54 = vector.shape_cast %get3A_53 : vector<1x16xf32> to vector<16xf32>
        %add3A_55 = arith.addf %get3A_50, %get3A_54 : vector<16xf32>
        %get3A_56 = arith.index_cast %scan3A_47 : i32 to index
        %get3A_57 = arith.constant 0 : index
        %get3A_58 = tpu.vector_load %arg15[%get3A_56, %get3A_57] {strides = array<i32>} : memref<80x16xf32, #tpu.memory_space<vmem>>, vector<1x16xf32>,
        %get3A_59 = vector.shape_cast %get3A_58 : vector<1x16xf32> to vector<16xf32>
        %add3A_60 = arith.addf %add3A_55, %get3A_59 : vector<16xf32>
        %ge3A = arith.constant 0.000000e+00 : f32
        %ge3A_61 = vector.broadcast %ge3A : f32 to vector<16xf32>
        %ge3A_62 = arith.cmpf oge, %add3A_60, %ge3A_61 : vector<16xf32>
        %mul3A_63 = arith.constant 2.000000e-01 : f32
        %mul3A_64 = vector.broadcast %mul3A_63 : f32 to vector<16xf32>
        %mul3A_65 = arith.mulf %mul3A_64, %add3A_60 : vector<16xf32>
        %select_n3A = arith.select %ge3A_62, %add3A_60, %mul3A_65 : vector<16xi1>, vector<16xf32>
        %exp3A = math.exp %select_n3A : vector<16xf32>
        %swap3A = arith.index_cast %scan3A_47 : i32 to index
        %swap3A_66 = arith.constant 0 : index
        %swap3A_67 = tpu.vector_load %arg16[%swap3A, %swap3A_66] {strides = array<i32>} : memref<80x16xf32, #tpu.memory_space<vmem>>, vector<1x16xf32>,
        %swap3A_68 = vector.shape_cast %swap3A_67 : vector<1x16xf32> to vector<16xf32>
        %swap3A_69 = vector.shape_cast %exp3A : vector<16xf32> to vector<1x16xf32>
        tpu.vector_store %arg16[%swap3A, %swap3A_66], %swap3A_69 {strides = array<i32>} : memref<80x16xf32, #tpu.memory_space<vmem>>, vector<1x16xf32>,
      }
      %scan3A_46 = arith.constant 80 : i32
      "tpu.region"() ({
        %run_scoped3A = tpu.sem_alloc : memref<!tpu.dma_semaphore, #tpu.memory_space<semaphore_mem>>
        %dma_start3A_47 = arith.constant 0 : i32
        %dma_start3A_48 = tpu.memref_slice %arg8[%add3A_14, %dma_start3A_47] : memref<320000x16xf32, #tpu.memory_space<hbm>> -> memref<80x16xf32, #tpu.memory_space<hbm>>
        %dma_start3A_49 = arith.constant 0 : i32
        %dma_start3A_50 = tpu.memref_slice %arg8[%add3A_14, %dma_start3A_49] : memref<320000x16xf32, #tpu.memory_space<hbm>> -> memref<80x16xf32, #tpu.memory_space<hbm>>
        tpu.enqueue_dma source(%arg16 : memref<80x16xf32, #tpu.memory_space<vmem>>) target(%dma_start3A_50 : memref<80x16xf32, #tpu.memory_space<hbm>>) target_semaphore(%run_scoped3A : memref<!tpu.dma_semaphore, #tpu.memory_space<semaphore_mem>>)
        %dma_wait3A_51 = arith.constant 0 : i32
        %dma_wait3A_52 = tpu.memref_slice %arg8[%add3A_14, %dma_wait3A_51] : memref<320000x16xf32, #tpu.memory_space<hbm>> -> memref<80x16xf32, #tpu.memory_space<hbm>>
        %dma_wait3A_53 = arith.constant 0 : i32
        %dma_wait3A_54 = tpu.memref_slice %arg8[%add3A_14, %dma_wait3A_53] : memref<320000x16xf32, #tpu.memory_space<hbm>> -> memref<80x16xf32, #tpu.memory_space<hbm>>
        tpu.wait_dma2 semaphore(%run_scoped3A : memref<!tpu.dma_semaphore, #tpu.memory_space<semaphore_mem>>) src(%arg16 : memref<80x16xf32, #tpu.memory_space<vmem>>) dst(%dma_wait3A_54 : memref<80x16xf32, #tpu.memory_space<hbm>>)
        tpu.yield
      }) : () -> ()
      "tpu.region"() ({
        %run_scoped3A = tpu.sem_alloc : memref<!tpu.dma_semaphore, #tpu.memory_space<semaphore_mem>>
        %dma_start3A_47 = arith.constant 0 : i32
        %dma_start3A_48 = arith.constant 0 : i32
        %dma_start3A_49 = tpu.memref_slice %arg10[%dma_start3A_47, %dma_start3A_48] : memref<10240x16xf32, #tpu.memory_space<vmem_shared>> -> memref<10240x16xf32, #tpu.memory_space<vmem_shared>>
        tpu.enqueue_indirect_dma source(%arg16 : memref<80x16xf32, #tpu.memory_space<vmem>>) target(%dma_start3A_49 : memref<10240x16xf32, #tpu.memory_space<vmem_shared>>) offsets(%arg12 : memref<80xi32, #tpu.memory_space<vmem>>) semaphore(%run_scoped3A : memref<!tpu.dma_semaphore, #tpu.memory_space<semaphore_mem>>) {add = true}
        %dma_wait3A_50 = arith.constant 0 : i32
        %dma_wait3A_51 = arith.constant 0 : i32
        %dma_wait3A_52 = tpu.memref_slice %arg10[%dma_wait3A_50, %dma_wait3A_51] : memref<10240x16xf32, #tpu.memory_space<vmem_shared>> -> memref<10240x16xf32, #tpu.memory_space<vmem_shared>>
        tpu.wait_indirect_dma semaphore(%run_scoped3A : memref<!tpu.dma_semaphore, #tpu.memory_space<semaphore_mem>>) src(%arg16 : memref<80x16xf32, #tpu.memory_space<vmem>>) dst(%dma_wait3A_52 : memref<10240x16xf32, #tpu.memory_space<vmem_shared>>)
        tpu.yield
      }) : () -> ()
    }
    %scan3A_9 = arith.constant 125 : i32
    %barrier3A_10 = arith.constant 0 : index
    tpu.barrier barrier_id(%barrier3A_10)
    "tpu.region"() ({
      %run_scoped3A = tpu.sem_alloc : memref<!tpu.dma_semaphore, #tpu.memory_space<semaphore_mem>>
      %dma_start3A = arith.constant 0 : i32
      %dma_start3A_11 = tpu.memref_slice %arg9[%arg0, %mul3A_2, %dma_start3A] : memref<2x10240x16xf32, #tpu.memory_space<hbm>> -> memref<1x640x16xf32, #tpu.memory_space<hbm>>
      %dma_start3A_12 = tpu.memref_squeeze %dma_start3A_11 : memref<1x640x16xf32, #tpu.memory_space<hbm>> -> memref<640x16xf32, #tpu.memory_space<hbm>>
      %dma_start3A_13 = arith.constant 0 : i32
      %dma_start3A_14 = tpu.memref_slice %arg10[%mul3A_2, %dma_start3A_13] : memref<10240x16xf32, #tpu.memory_space<vmem_shared>> -> memref<640x16xf32, #tpu.memory_space<vmem_shared>>
      tpu.enqueue_dma source(%dma_start3A_14 : memref<640x16xf32, #tpu.memory_space<vmem_shared>>) target(%dma_start3A_12 : memref<640x16xf32, #tpu.memory_space<hbm>>) target_semaphore(%run_scoped3A : memref<!tpu.dma_semaphore, #tpu.memory_space<semaphore_mem>>)
      %dma_wait3A = arith.constant 0 : i32
      %dma_wait3A_15 = tpu.memref_slice %arg9[%arg0, %mul3A_2, %dma_wait3A] : memref<2x10240x16xf32, #tpu.memory_space<hbm>> -> memref<1x640x16xf32, #tpu.memory_space<hbm>>
      %dma_wait3A_16 = tpu.memref_squeeze %dma_wait3A_15 : memref<1x640x16xf32, #tpu.memory_space<hbm>> -> memref<640x16xf32, #tpu.memory_space<hbm>>
      %dma_wait3A_17 = arith.constant 0 : i32
      %dma_wait3A_18 = tpu.memref_slice %arg10[%mul3A_2, %dma_wait3A_17] : memref<10240x16xf32, #tpu.memory_space<vmem_shared>> -> memref<640x16xf32, #tpu.memory_space<vmem_shared>>
      tpu.wait_dma2 semaphore(%run_scoped3A : memref<!tpu.dma_semaphore, #tpu.memory_space<semaphore_mem>>) src(%dma_wait3A_18 : memref<640x16xf32, #tpu.memory_space<vmem_shared>>) dst(%dma_wait3A_16 : memref<640x16xf32, #tpu.memory_space<hbm>>)
      tpu.yield
    }) : () -> ()
    return
  }
}

#map = affine_map<(d0, d1) -> (0)>
#map1 = affine_map<(d0, d1) -> (0, 0)>
#map2 = affine_map<(d0, d1) -> (0, 0, 0)>
module attributes {stable_mosaic.version = 14 : i64} {
  func.func @_sc_msg_body(%arg0: i32, %arg1: i32, %arg2: memref<320000xi32, #tpu.memory_space<hbm>>, %arg3: memref<320000xi32, #tpu.memory_space<hbm>>, %arg4: memref<320000x16xf32, #tpu.memory_space<hbm>>, %arg5: memref<10240x16xf32, #tpu.memory_space<hbm>>, %arg6: memref<10240x16xf32, #tpu.memory_space<hbm>>, %arg7: memref<10000x128xf32, #tpu.memory_space<hbm>>, %arg8: memref<10240x128xf32, #tpu.memory_space<hbm>>, %arg9: memref<2x10240x128xf32, #tpu.memory_space<hbm>>, %arg10: memref<10240x128xf32, #tpu.memory_space<vmem_shared>>, %arg11: memref<10240x16xf32, #tpu.memory_space<vmem_shared>>, %arg12: memref<80xi32, #tpu.memory_space<vmem>>, %arg13: memref<80xi32, #tpu.memory_space<vmem>>, %arg14: memref<80x16xf32, #tpu.memory_space<vmem>>, %arg15: memref<640x16xf32, #tpu.memory_space<vmem>>, %arg16: memref<640x16xf32, #tpu.memory_space<vmem>>, %arg17: memref<80x16xf32, #tpu.memory_space<vmem>>, %arg18: memref<80x128xf32, #tpu.memory_space<vmem>>, %arg19: memref<!tpu.dma_semaphore, #tpu.memory_space<semaphore_mem>>, %arg20: memref<!tpu.dma_semaphore, #tpu.memory_space<semaphore_mem>>) attributes {dimension_semantics = [#tpu.dimension_semantics<core_parallel>, #tpu.dimension_semantics<subcore_parallel>], iteration_bounds = array<i64: 2, 16>, scalar_prefetch = 0 : i64, scratch_operands = 11 : i64, tpu.core_type = #tpu.core_type<sc_vector_subcore>, window_params = [{transform_indices = #map}, {transform_indices = #map}, {transform_indices = #map1}, {transform_indices = #map1}, {transform_indices = #map1}, {transform_indices = #map1}, {transform_indices = #map1}, {transform_indices = #map2}]} {
    %mul3A = arith.constant 2 : i32
    %mul3A_0 = arith.muli %arg1, %mul3A : i32
    %add3A = arith.addi %mul3A_0, %arg0 : i32
    %mul3A_1 = arith.constant 640 : i32
    %mul3A_2 = arith.muli %arg1, %mul3A_1 : i32
    "tpu.region"() ({
      %run_scoped3A = tpu.sem_alloc : memref<!tpu.dma_semaphore, #tpu.memory_space<semaphore_mem>>
      %dma_start3A = arith.constant 0 : i32
      %dma_start3A_17 = tpu.memref_slice %arg10[%mul3A_2, %dma_start3A] : memref<10240x128xf32, #tpu.memory_space<vmem_shared>> -> memref<640x128xf32, #tpu.memory_space<vmem_shared>>
      %dma_start3A_18 = arith.constant 0 : i32
      %dma_start3A_19 = tpu.memref_slice %arg8[%mul3A_2, %dma_start3A_18] : memref<10240x128xf32, #tpu.memory_space<hbm>> -> memref<640x128xf32, #tpu.memory_space<hbm>>
      tpu.enqueue_dma source(%dma_start3A_19 : memref<640x128xf32, #tpu.memory_space<hbm>>) target(%dma_start3A_17 : memref<640x128xf32, #tpu.memory_space<vmem_shared>>) target_semaphore(%run_scoped3A : memref<!tpu.dma_semaphore, #tpu.memory_space<semaphore_mem>>)
      %dma_wait3A = arith.constant 0 : i32
      %dma_wait3A_20 = tpu.memref_slice %arg10[%mul3A_2, %dma_wait3A] : memref<10240x128xf32, #tpu.memory_space<vmem_shared>> -> memref<640x128xf32, #tpu.memory_space<vmem_shared>>
      %dma_wait3A_21 = arith.constant 0 : i32
      %dma_wait3A_22 = tpu.memref_slice %arg8[%mul3A_2, %dma_wait3A_21] : memref<10240x128xf32, #tpu.memory_space<hbm>> -> memref<640x128xf32, #tpu.memory_space<hbm>>
      tpu.wait_dma2 semaphore(%run_scoped3A : memref<!tpu.dma_semaphore, #tpu.memory_space<semaphore_mem>>) src(%dma_wait3A_22 : memref<640x128xf32, #tpu.memory_space<hbm>>) dst(%dma_wait3A_20 : memref<640x128xf32, #tpu.memory_space<vmem_shared>>)
      tpu.yield
    }) : () -> ()
    "tpu.region"() ({
      %run_scoped3A = tpu.sem_alloc : memref<!tpu.dma_semaphore, #tpu.memory_space<semaphore_mem>>
      %dma_start3A = arith.constant 0 : i32
      %dma_start3A_17 = tpu.memref_slice %arg5[%mul3A_2, %dma_start3A] : memref<10240x16xf32, #tpu.memory_space<hbm>> -> memref<640x16xf32, #tpu.memory_space<hbm>>
      %dma_start3A_18 = arith.constant 0 : i32
      %dma_start3A_19 = tpu.memref_slice %arg5[%mul3A_2, %dma_start3A_18] : memref<10240x16xf32, #tpu.memory_space<hbm>> -> memref<640x16xf32, #tpu.memory_space<hbm>>
      tpu.enqueue_dma source(%dma_start3A_19 : memref<640x16xf32, #tpu.memory_space<hbm>>) target(%arg15 : memref<640x16xf32, #tpu.memory_space<vmem>>) target_semaphore(%run_scoped3A : memref<!tpu.dma_semaphore, #tpu.memory_space<semaphore_mem>>)
      %dma_wait3A = arith.constant 0 : i32
      %dma_wait3A_20 = tpu.memref_slice %arg5[%mul3A_2, %dma_wait3A] : memref<10240x16xf32, #tpu.memory_space<hbm>> -> memref<640x16xf32, #tpu.memory_space<hbm>>
      %dma_wait3A_21 = arith.constant 0 : i32
      %dma_wait3A_22 = tpu.memref_slice %arg5[%mul3A_2, %dma_wait3A_21] : memref<10240x16xf32, #tpu.memory_space<hbm>> -> memref<640x16xf32, #tpu.memory_space<hbm>>
      tpu.wait_dma2 semaphore(%run_scoped3A : memref<!tpu.dma_semaphore, #tpu.memory_space<semaphore_mem>>) src(%dma_wait3A_22 : memref<640x16xf32, #tpu.memory_space<hbm>>) dst(%arg15 : memref<640x16xf32, #tpu.memory_space<vmem>>)
      tpu.yield
    }) : () -> ()
    "tpu.region"() ({
      %run_scoped3A = tpu.sem_alloc : memref<!tpu.dma_semaphore, #tpu.memory_space<semaphore_mem>>
      %dma_start3A = arith.constant 0 : i32
      %dma_start3A_17 = tpu.memref_slice %arg6[%mul3A_2, %dma_start3A] : memref<10240x16xf32, #tpu.memory_space<hbm>> -> memref<640x16xf32, #tpu.memory_space<hbm>>
      %dma_start3A_18 = arith.constant 0 : i32
      %dma_start3A_19 = tpu.memref_slice %arg6[%mul3A_2, %dma_start3A_18] : memref<10240x16xf32, #tpu.memory_space<hbm>> -> memref<640x16xf32, #tpu.memory_space<hbm>>
      tpu.enqueue_dma source(%dma_start3A_19 : memref<640x16xf32, #tpu.memory_space<hbm>>) target(%arg16 : memref<640x16xf32, #tpu.memory_space<vmem>>) target_semaphore(%run_scoped3A : memref<!tpu.dma_semaphore, #tpu.memory_space<semaphore_mem>>)
      %dma_wait3A = arith.constant 0 : i32
      %dma_wait3A_20 = tpu.memref_slice %arg6[%mul3A_2, %dma_wait3A] : memref<10240x16xf32, #tpu.memory_space<hbm>> -> memref<640x16xf32, #tpu.memory_space<hbm>>
      %dma_wait3A_21 = arith.constant 0 : i32
      %dma_wait3A_22 = tpu.memref_slice %arg6[%mul3A_2, %dma_wait3A_21] : memref<10240x16xf32, #tpu.memory_space<hbm>> -> memref<640x16xf32, #tpu.memory_space<hbm>>
      tpu.wait_dma2 semaphore(%run_scoped3A : memref<!tpu.dma_semaphore, #tpu.memory_space<semaphore_mem>>) src(%dma_wait3A_22 : memref<640x16xf32, #tpu.memory_space<hbm>>) dst(%arg16 : memref<640x16xf32, #tpu.memory_space<vmem>>)
      tpu.yield
    }) : () -> ()
    %scan3A = arith.constant 0 : i32
    %scan3A_3 = arith.constant 0 : i32
    %scan3A_4 = arith.constant 640 : i32
    %scan3A_5 = arith.addi %scan3A_3, %scan3A_4 : i32
    %scan3A_6 = arith.constant 1 : i32
    scf.for %scan3A_17 = %scan3A_3 to %scan3A_5 step %scan3A_6  : i32 {
      %get3A = arith.index_cast %scan3A_17 : i32 to index
      %get3A_18 = arith.constant 0 : index
      %get3A_19 = tpu.vector_load %arg15[%get3A, %get3A_18] {strides = array<i32>} : memref<640x16xf32, #tpu.memory_space<vmem>>, vector<1x16xf32>,
      %get3A_20 = vector.shape_cast %get3A_19 : vector<1x16xf32> to vector<16xf32>
      %get3A_21 = arith.index_cast %scan3A_17 : i32 to index
      %get3A_22 = arith.constant 0 : index
      %get3A_23 = tpu.vector_load %arg16[%get3A_21, %get3A_22] {strides = array<i32>} : memref<640x16xf32, #tpu.memory_space<vmem>>, vector<1x16xf32>,
      %get3A_24 = vector.shape_cast %get3A_23 : vector<1x16xf32> to vector<16xf32>
      %add3A_25 = arith.addf %get3A_20, %get3A_24 : vector<16xf32>
      %swap3A = arith.index_cast %scan3A_17 : i32 to index
      %swap3A_26 = arith.constant 0 : index
      %swap3A_27 = tpu.vector_load %arg15[%swap3A, %swap3A_26] {strides = array<i32>} : memref<640x16xf32, #tpu.memory_space<vmem>>, vector<1x16xf32>,
      %swap3A_28 = vector.shape_cast %swap3A_27 : vector<1x16xf32> to vector<16xf32>
      %swap3A_29 = vector.shape_cast %add3A_25 : vector<16xf32> to vector<1x16xf32>
      tpu.vector_store %arg15[%swap3A, %swap3A_26], %swap3A_29 {strides = array<i32>} : memref<640x16xf32, #tpu.memory_space<vmem>>, vector<1x16xf32>,
    }
    %scan3A_7 = arith.constant 640 : i32
    "tpu.region"() ({
      %run_scoped3A = tpu.sem_alloc : memref<!tpu.dma_semaphore, #tpu.memory_space<semaphore_mem>>
      %dma_start3A = arith.constant 0 : i32
      %dma_start3A_17 = tpu.memref_slice %arg11[%mul3A_2, %dma_start3A] : memref<10240x16xf32, #tpu.memory_space<vmem_shared>> -> memref<640x16xf32, #tpu.memory_space<vmem_shared>>
      %dma_start3A_18 = arith.constant 0 : i32
      %dma_start3A_19 = tpu.memref_slice %arg11[%mul3A_2, %dma_start3A_18] : memref<10240x16xf32, #tpu.memory_space<vmem_shared>> -> memref<640x16xf32, #tpu.memory_space<vmem_shared>>
      tpu.enqueue_dma source(%arg15 : memref<640x16xf32, #tpu.memory_space<vmem>>) target(%dma_start3A_19 : memref<640x16xf32, #tpu.memory_space<vmem_shared>>) target_semaphore(%run_scoped3A : memref<!tpu.dma_semaphore, #tpu.memory_space<semaphore_mem>>)
      %dma_wait3A = arith.constant 0 : i32
      %dma_wait3A_20 = tpu.memref_slice %arg11[%mul3A_2, %dma_wait3A] : memref<10240x16xf32, #tpu.memory_space<vmem_shared>> -> memref<640x16xf32, #tpu.memory_space<vmem_shared>>
      %dma_wait3A_21 = arith.constant 0 : i32
      %dma_wait3A_22 = tpu.memref_slice %arg11[%mul3A_2, %dma_wait3A_21] : memref<10240x16xf32, #tpu.memory_space<vmem_shared>> -> memref<640x16xf32, #tpu.memory_space<vmem_shared>>
      tpu.wait_dma2 semaphore(%run_scoped3A : memref<!tpu.dma_semaphore, #tpu.memory_space<semaphore_mem>>) src(%arg15 : memref<640x16xf32, #tpu.memory_space<vmem>>) dst(%dma_wait3A_22 : memref<640x16xf32, #tpu.memory_space<vmem_shared>>)
      tpu.yield
    }) : () -> ()
    %barrier3A = arith.constant 0 : index
    tpu.barrier barrier_id(%barrier3A)
    %mul3A_8 = arith.constant 10000 : i32
    %mul3A_9 = arith.muli %add3A, %mul3A_8 : i32
    %scan3A_10 = arith.constant 0 : i32
    %scan3A_11 = arith.constant 0 : i32
    %scan3A_12 = arith.constant 125 : i32
    %scan3A_13 = arith.addi %scan3A_11, %scan3A_12 : i32
    %scan3A_14 = arith.constant 1 : i32
    scf.for %scan3A_17 = %scan3A_11 to %scan3A_13 step %scan3A_14  : i32 {
      %mul3A_18 = arith.constant 80 : i32
      %mul3A_19 = arith.muli %scan3A_17, %mul3A_18 : i32
      %add3A_20 = arith.addi %mul3A_9, %mul3A_19 : i32
      %dma_start3A = tpu.memref_slice %arg2[%add3A_20] : memref<320000xi32, #tpu.memory_space<hbm>> -> memref<80xi32, #tpu.memory_space<hbm>>
      %dma_start3A_21 = tpu.memref_slice %arg2[%add3A_20] : memref<320000xi32, #tpu.memory_space<hbm>> -> memref<80xi32, #tpu.memory_space<hbm>>
      tpu.enqueue_dma source(%dma_start3A_21 : memref<80xi32, #tpu.memory_space<hbm>>) target(%arg12 : memref<80xi32, #tpu.memory_space<vmem>>) target_semaphore(%arg19 : memref<!tpu.dma_semaphore, #tpu.memory_space<semaphore_mem>>)
      %dma_start3A_22 = tpu.memref_slice %arg3[%add3A_20] : memref<320000xi32, #tpu.memory_space<hbm>> -> memref<80xi32, #tpu.memory_space<hbm>>
      %dma_start3A_23 = tpu.memref_slice %arg3[%add3A_20] : memref<320000xi32, #tpu.memory_space<hbm>> -> memref<80xi32, #tpu.memory_space<hbm>>
      tpu.enqueue_dma source(%dma_start3A_23 : memref<80xi32, #tpu.memory_space<hbm>>) target(%arg13 : memref<80xi32, #tpu.memory_space<vmem>>) target_semaphore(%arg19 : memref<!tpu.dma_semaphore, #tpu.memory_space<semaphore_mem>>)
      %dma_start3A_24 = arith.constant 0 : i32
      %dma_start3A_25 = tpu.memref_slice %arg4[%add3A_20, %dma_start3A_24] : memref<320000x16xf32, #tpu.memory_space<hbm>> -> memref<80x16xf32, #tpu.memory_space<hbm>>
      %dma_start3A_26 = arith.constant 0 : i32
      %dma_start3A_27 = tpu.memref_slice %arg4[%add3A_20, %dma_start3A_26] : memref<320000x16xf32, #tpu.memory_space<hbm>> -> memref<80x16xf32, #tpu.memory_space<hbm>>
      tpu.enqueue_dma source(%dma_start3A_27 : memref<80x16xf32, #tpu.memory_space<hbm>>) target(%arg14 : memref<80x16xf32, #tpu.memory_space<vmem>>) target_semaphore(%arg20 : memref<!tpu.dma_semaphore, #tpu.memory_space<semaphore_mem>>)
      %dma_wait3A = tpu.memref_slice %arg2[%add3A_20] : memref<320000xi32, #tpu.memory_space<hbm>> -> memref<80xi32, #tpu.memory_space<hbm>>
      %dma_wait3A_28 = tpu.memref_slice %arg2[%add3A_20] : memref<320000xi32, #tpu.memory_space<hbm>> -> memref<80xi32, #tpu.memory_space<hbm>>
      tpu.wait_dma2 semaphore(%arg19 : memref<!tpu.dma_semaphore, #tpu.memory_space<semaphore_mem>>) src(%dma_wait3A_28 : memref<80xi32, #tpu.memory_space<hbm>>) dst(%arg12 : memref<80xi32, #tpu.memory_space<vmem>>)
      %dma_wait3A_29 = tpu.memref_slice %arg3[%add3A_20] : memref<320000xi32, #tpu.memory_space<hbm>> -> memref<80xi32, #tpu.memory_space<hbm>>
      %dma_wait3A_30 = tpu.memref_slice %arg3[%add3A_20] : memref<320000xi32, #tpu.memory_space<hbm>> -> memref<80xi32, #tpu.memory_space<hbm>>
      tpu.wait_dma2 semaphore(%arg19 : memref<!tpu.dma_semaphore, #tpu.memory_space<semaphore_mem>>) src(%dma_wait3A_30 : memref<80xi32, #tpu.memory_space<hbm>>) dst(%arg13 : memref<80xi32, #tpu.memory_space<vmem>>)
      %dma_start3A_31 = arith.constant 0 : i32
      %dma_start3A_32 = arith.constant 0 : i32
      %dma_start3A_33 = tpu.memref_slice %arg7[%dma_start3A_31, %dma_start3A_32] : memref<10000x128xf32, #tpu.memory_space<hbm>> -> memref<10000x128xf32, #tpu.memory_space<hbm>>
      tpu.enqueue_indirect_dma source(%dma_start3A_33 : memref<10000x128xf32, #tpu.memory_space<hbm>>) target(%arg18 : memref<80x128xf32, #tpu.memory_space<vmem>>) offsets(%arg12 : memref<80xi32, #tpu.memory_space<vmem>>) semaphore(%arg19 : memref<!tpu.dma_semaphore, #tpu.memory_space<semaphore_mem>>)
      %dma_start3A_34 = arith.constant 0 : i32
      %dma_start3A_35 = arith.constant 0 : i32
      %dma_start3A_36 = tpu.memref_slice %arg11[%dma_start3A_34, %dma_start3A_35] : memref<10240x16xf32, #tpu.memory_space<vmem_shared>> -> memref<10240x16xf32, #tpu.memory_space<vmem_shared>>
      tpu.enqueue_indirect_dma source(%dma_start3A_36 : memref<10240x16xf32, #tpu.memory_space<vmem_shared>>) target(%arg17 : memref<80x16xf32, #tpu.memory_space<vmem>>) offsets(%arg13 : memref<80xi32, #tpu.memory_space<vmem>>) semaphore(%arg20 : memref<!tpu.dma_semaphore, #tpu.memory_space<semaphore_mem>>)
      %dma_wait3A_37 = arith.constant 0 : i32
      %dma_wait3A_38 = tpu.memref_slice %arg4[%add3A_20, %dma_wait3A_37] : memref<320000x16xf32, #tpu.memory_space<hbm>> -> memref<80x16xf32, #tpu.memory_space<hbm>>
      %dma_wait3A_39 = arith.constant 0 : i32
      %dma_wait3A_40 = tpu.memref_slice %arg4[%add3A_20, %dma_wait3A_39] : memref<320000x16xf32, #tpu.memory_space<hbm>> -> memref<80x16xf32, #tpu.memory_space<hbm>>
      tpu.wait_dma2 semaphore(%arg20 : memref<!tpu.dma_semaphore, #tpu.memory_space<semaphore_mem>>) src(%dma_wait3A_40 : memref<80x16xf32, #tpu.memory_space<hbm>>) dst(%arg14 : memref<80x16xf32, #tpu.memory_space<vmem>>)
      %dma_wait3A_41 = arith.constant 0 : i32
      %dma_wait3A_42 = arith.constant 0 : i32
      %dma_wait3A_43 = tpu.memref_slice %arg11[%dma_wait3A_41, %dma_wait3A_42] : memref<10240x16xf32, #tpu.memory_space<vmem_shared>> -> memref<10240x16xf32, #tpu.memory_space<vmem_shared>>
      tpu.wait_indirect_dma semaphore(%arg20 : memref<!tpu.dma_semaphore, #tpu.memory_space<semaphore_mem>>) src(%dma_wait3A_43 : memref<10240x16xf32, #tpu.memory_space<vmem_shared>>) dst(%arg17 : memref<80x16xf32, #tpu.memory_space<vmem>>)
      %dma_wait3A_44 = arith.constant 0 : i32
      %dma_wait3A_45 = arith.constant 0 : i32
      %dma_wait3A_46 = tpu.memref_slice %arg7[%dma_wait3A_44, %dma_wait3A_45] : memref<10000x128xf32, #tpu.memory_space<hbm>> -> memref<10000x128xf32, #tpu.memory_space<hbm>>
      tpu.wait_indirect_dma semaphore(%arg19 : memref<!tpu.dma_semaphore, #tpu.memory_space<semaphore_mem>>) src(%dma_wait3A_46 : memref<10000x128xf32, #tpu.memory_space<hbm>>) dst(%arg18 : memref<80x128xf32, #tpu.memory_space<vmem>>)
      %scan3A_47 = arith.constant 0 : i32
      %scan3A_48 = arith.constant 0 : i32
      %scan3A_49 = arith.constant 80 : i32
      %scan3A_50 = arith.addi %scan3A_48, %scan3A_49 : i32
      %scan3A_51 = arith.constant 1 : i32
      scf.for %scan3A_53 = %scan3A_48 to %scan3A_50 step %scan3A_51  : i32 {
        %get3A = arith.index_cast %scan3A_53 : i32 to index
        %get3A_54 = arith.constant 0 : index
        %get3A_55 = tpu.vector_load %arg14[%get3A, %get3A_54] {strides = array<i32>} : memref<80x16xf32, #tpu.memory_space<vmem>>, vector<1x16xf32>,
        %get3A_56 = vector.shape_cast %get3A_55 : vector<1x16xf32> to vector<16xf32>
        %get3A_57 = arith.index_cast %scan3A_53 : i32 to index
        %get3A_58 = arith.constant 0 : index
        %get3A_59 = tpu.vector_load %arg17[%get3A_57, %get3A_58] {strides = array<i32>} : memref<80x16xf32, #tpu.memory_space<vmem>>, vector<1x16xf32>,
        %get3A_60 = vector.shape_cast %get3A_59 : vector<1x16xf32> to vector<16xf32>
        %add3A_61 = arith.constant 1.000000e-16 : f32
        %add3A_62 = vector.broadcast %add3A_61 : f32 to vector<16xf32>
        %add3A_63 = arith.addf %get3A_60, %add3A_62 : vector<16xf32>
        %div3A = arith.divf %get3A_56, %add3A_63 : vector<16xf32>
        %slice3A = vector.extract_strided_slice %div3A {offsets = [0], sizes = [1], strides = [1]} : vector<16xf32> to vector<1xf32>
        %squeeze3A = vector.extract %slice3A[0] : f32 from vector<1xf32>
        %get3A_64 = arith.index_cast %scan3A_53 : i32 to index
        %get3A_65 = arith.constant 0 : index
        %get3A_66 = tpu.vector_load %arg18[%get3A_64, %get3A_65] {strides = array<i32>} : memref<80x128xf32, #tpu.memory_space<vmem>>, vector<1x16xf32>,
        %get3A_67 = vector.shape_cast %get3A_66 : vector<1x16xf32> to vector<16xf32>
        %mul3A_68 = vector.broadcast %squeeze3A : f32 to vector<16xf32>
        %mul3A_69 = arith.mulf %get3A_67, %mul3A_68 : vector<16xf32>
        %swap3A = arith.index_cast %scan3A_53 : i32 to index
        %swap3A_70 = arith.constant 0 : index
        %swap3A_71 = tpu.vector_load %arg18[%swap3A, %swap3A_70] {strides = array<i32>} : memref<80x128xf32, #tpu.memory_space<vmem>>, vector<1x16xf32>,
        %swap3A_72 = vector.shape_cast %swap3A_71 : vector<1x16xf32> to vector<16xf32>
        %swap3A_73 = vector.shape_cast %mul3A_69 : vector<16xf32> to vector<1x16xf32>
        tpu.vector_store %arg18[%swap3A, %swap3A_70], %swap3A_73 {strides = array<i32>} : memref<80x128xf32, #tpu.memory_space<vmem>>, vector<1x16xf32>,
        %slice3A_74 = vector.extract_strided_slice %div3A {offsets = [1], sizes = [1], strides = [1]} : vector<16xf32> to vector<1xf32>
        %squeeze3A_75 = vector.extract %slice3A_74[0] : f32 from vector<1xf32>
        %get3A_76 = arith.index_cast %scan3A_53 : i32 to index
        %get3A_77 = arith.constant 16 : index
        %get3A_78 = tpu.vector_load %arg18[%get3A_76, %get3A_77] {strides = array<i32>} : memref<80x128xf32, #tpu.memory_space<vmem>>, vector<1x16xf32>,
        %get3A_79 = vector.shape_cast %get3A_78 : vector<1x16xf32> to vector<16xf32>
        %mul3A_80 = vector.broadcast %squeeze3A_75 : f32 to vector<16xf32>
        %mul3A_81 = arith.mulf %get3A_79, %mul3A_80 : vector<16xf32>
        %swap3A_82 = arith.index_cast %scan3A_53 : i32 to index
        %swap3A_83 = arith.constant 16 : index
        %swap3A_84 = tpu.vector_load %arg18[%swap3A_82, %swap3A_83] {strides = array<i32>} : memref<80x128xf32, #tpu.memory_space<vmem>>, vector<1x16xf32>,
        %swap3A_85 = vector.shape_cast %swap3A_84 : vector<1x16xf32> to vector<16xf32>
        %swap3A_86 = vector.shape_cast %mul3A_81 : vector<16xf32> to vector<1x16xf32>
        tpu.vector_store %arg18[%swap3A_82, %swap3A_83], %swap3A_86 {strides = array<i32>} : memref<80x128xf32, #tpu.memory_space<vmem>>, vector<1x16xf32>,
        %slice3A_87 = vector.extract_strided_slice %div3A {offsets = [2], sizes = [1], strides = [1]} : vector<16xf32> to vector<1xf32>
        %squeeze3A_88 = vector.extract %slice3A_87[0] : f32 from vector<1xf32>
        %get3A_89 = arith.index_cast %scan3A_53 : i32 to index
        %get3A_90 = arith.constant 32 : index
        %get3A_91 = tpu.vector_load %arg18[%get3A_89, %get3A_90] {strides = array<i32>} : memref<80x128xf32, #tpu.memory_space<vmem>>, vector<1x16xf32>,
        %get3A_92 = vector.shape_cast %get3A_91 : vector<1x16xf32> to vector<16xf32>
        %mul3A_93 = vector.broadcast %squeeze3A_88 : f32 to vector<16xf32>
        %mul3A_94 = arith.mulf %get3A_92, %mul3A_93 : vector<16xf32>
        %swap3A_95 = arith.index_cast %scan3A_53 : i32 to index
        %swap3A_96 = arith.constant 32 : index
        %swap3A_97 = tpu.vector_load %arg18[%swap3A_95, %swap3A_96] {strides = array<i32>} : memref<80x128xf32, #tpu.memory_space<vmem>>, vector<1x16xf32>,
        %swap3A_98 = vector.shape_cast %swap3A_97 : vector<1x16xf32> to vector<16xf32>
        %swap3A_99 = vector.shape_cast %mul3A_94 : vector<16xf32> to vector<1x16xf32>
        tpu.vector_store %arg18[%swap3A_95, %swap3A_96], %swap3A_99 {strides = array<i32>} : memref<80x128xf32, #tpu.memory_space<vmem>>, vector<1x16xf32>,
        %slice3A_100 = vector.extract_strided_slice %div3A {offsets = [3], sizes = [1], strides = [1]} : vector<16xf32> to vector<1xf32>
        %squeeze3A_101 = vector.extract %slice3A_100[0] : f32 from vector<1xf32>
        %get3A_102 = arith.index_cast %scan3A_53 : i32 to index
        %get3A_103 = arith.constant 48 : index
        %get3A_104 = tpu.vector_load %arg18[%get3A_102, %get3A_103] {strides = array<i32>} : memref<80x128xf32, #tpu.memory_space<vmem>>, vector<1x16xf32>,
        %get3A_105 = vector.shape_cast %get3A_104 : vector<1x16xf32> to vector<16xf32>
        %mul3A_106 = vector.broadcast %squeeze3A_101 : f32 to vector<16xf32>
        %mul3A_107 = arith.mulf %get3A_105, %mul3A_106 : vector<16xf32>
        %swap3A_108 = arith.index_cast %scan3A_53 : i32 to index
        %swap3A_109 = arith.constant 48 : index
        %swap3A_110 = tpu.vector_load %arg18[%swap3A_108, %swap3A_109] {strides = array<i32>} : memref<80x128xf32, #tpu.memory_space<vmem>>, vector<1x16xf32>,
        %swap3A_111 = vector.shape_cast %swap3A_110 : vector<1x16xf32> to vector<16xf32>
        %swap3A_112 = vector.shape_cast %mul3A_107 : vector<16xf32> to vector<1x16xf32>
        tpu.vector_store %arg18[%swap3A_108, %swap3A_109], %swap3A_112 {strides = array<i32>} : memref<80x128xf32, #tpu.memory_space<vmem>>, vector<1x16xf32>,
        %slice3A_113 = vector.extract_strided_slice %div3A {offsets = [4], sizes = [1], strides = [1]} : vector<16xf32> to vector<1xf32>
        %squeeze3A_114 = vector.extract %slice3A_113[0] : f32 from vector<1xf32>
        %get3A_115 = arith.index_cast %scan3A_53 : i32 to index
        %get3A_116 = arith.constant 64 : index
        %get3A_117 = tpu.vector_load %arg18[%get3A_115, %get3A_116] {strides = array<i32>} : memref<80x128xf32, #tpu.memory_space<vmem>>, vector<1x16xf32>,
        %get3A_118 = vector.shape_cast %get3A_117 : vector<1x16xf32> to vector<16xf32>
        %mul3A_119 = vector.broadcast %squeeze3A_114 : f32 to vector<16xf32>
        %mul3A_120 = arith.mulf %get3A_118, %mul3A_119 : vector<16xf32>
        %swap3A_121 = arith.index_cast %scan3A_53 : i32 to index
        %swap3A_122 = arith.constant 64 : index
        %swap3A_123 = tpu.vector_load %arg18[%swap3A_121, %swap3A_122] {strides = array<i32>} : memref<80x128xf32, #tpu.memory_space<vmem>>, vector<1x16xf32>,
        %swap3A_124 = vector.shape_cast %swap3A_123 : vector<1x16xf32> to vector<16xf32>
        %swap3A_125 = vector.shape_cast %mul3A_120 : vector<16xf32> to vector<1x16xf32>
        tpu.vector_store %arg18[%swap3A_121, %swap3A_122], %swap3A_125 {strides = array<i32>} : memref<80x128xf32, #tpu.memory_space<vmem>>, vector<1x16xf32>,
        %slice3A_126 = vector.extract_strided_slice %div3A {offsets = [5], sizes = [1], strides = [1]} : vector<16xf32> to vector<1xf32>
        %squeeze3A_127 = vector.extract %slice3A_126[0] : f32 from vector<1xf32>
        %get3A_128 = arith.index_cast %scan3A_53 : i32 to index
        %get3A_129 = arith.constant 80 : index
        %get3A_130 = tpu.vector_load %arg18[%get3A_128, %get3A_129] {strides = array<i32>} : memref<80x128xf32, #tpu.memory_space<vmem>>, vector<1x16xf32>,
        %get3A_131 = vector.shape_cast %get3A_130 : vector<1x16xf32> to vector<16xf32>
        %mul3A_132 = vector.broadcast %squeeze3A_127 : f32 to vector<16xf32>
        %mul3A_133 = arith.mulf %get3A_131, %mul3A_132 : vector<16xf32>
        %swap3A_134 = arith.index_cast %scan3A_53 : i32 to index
        %swap3A_135 = arith.constant 80 : index
        %swap3A_136 = tpu.vector_load %arg18[%swap3A_134, %swap3A_135] {strides = array<i32>} : memref<80x128xf32, #tpu.memory_space<vmem>>, vector<1x16xf32>,
        %swap3A_137 = vector.shape_cast %swap3A_136 : vector<1x16xf32> to vector<16xf32>
        %swap3A_138 = vector.shape_cast %mul3A_133 : vector<16xf32> to vector<1x16xf32>
        tpu.vector_store %arg18[%swap3A_134, %swap3A_135], %swap3A_138 {strides = array<i32>} : memref<80x128xf32, #tpu.memory_space<vmem>>, vector<1x16xf32>,
        %slice3A_139 = vector.extract_strided_slice %div3A {offsets = [6], sizes = [1], strides = [1]} : vector<16xf32> to vector<1xf32>
        %squeeze3A_140 = vector.extract %slice3A_139[0] : f32 from vector<1xf32>
        %get3A_141 = arith.index_cast %scan3A_53 : i32 to index
        %get3A_142 = arith.constant 96 : index
        %get3A_143 = tpu.vector_load %arg18[%get3A_141, %get3A_142] {strides = array<i32>} : memref<80x128xf32, #tpu.memory_space<vmem>>, vector<1x16xf32>,
        %get3A_144 = vector.shape_cast %get3A_143 : vector<1x16xf32> to vector<16xf32>
        %mul3A_145 = vector.broadcast %squeeze3A_140 : f32 to vector<16xf32>
        %mul3A_146 = arith.mulf %get3A_144, %mul3A_145 : vector<16xf32>
        %swap3A_147 = arith.index_cast %scan3A_53 : i32 to index
        %swap3A_148 = arith.constant 96 : index
        %swap3A_149 = tpu.vector_load %arg18[%swap3A_147, %swap3A_148] {strides = array<i32>} : memref<80x128xf32, #tpu.memory_space<vmem>>, vector<1x16xf32>,
        %swap3A_150 = vector.shape_cast %swap3A_149 : vector<1x16xf32> to vector<16xf32>
        %swap3A_151 = vector.shape_cast %mul3A_146 : vector<16xf32> to vector<1x16xf32>
        tpu.vector_store %arg18[%swap3A_147, %swap3A_148], %swap3A_151 {strides = array<i32>} : memref<80x128xf32, #tpu.memory_space<vmem>>, vector<1x16xf32>,
        %slice3A_152 = vector.extract_strided_slice %div3A {offsets = [7], sizes = [1], strides = [1]} : vector<16xf32> to vector<1xf32>
        %squeeze3A_153 = vector.extract %slice3A_152[0] : f32 from vector<1xf32>
        %get3A_154 = arith.index_cast %scan3A_53 : i32 to index
        %get3A_155 = arith.constant 112 : index
        %get3A_156 = tpu.vector_load %arg18[%get3A_154, %get3A_155] {strides = array<i32>} : memref<80x128xf32, #tpu.memory_space<vmem>>, vector<1x16xf32>,
        %get3A_157 = vector.shape_cast %get3A_156 : vector<1x16xf32> to vector<16xf32>
        %mul3A_158 = vector.broadcast %squeeze3A_153 : f32 to vector<16xf32>
        %mul3A_159 = arith.mulf %get3A_157, %mul3A_158 : vector<16xf32>
        %swap3A_160 = arith.index_cast %scan3A_53 : i32 to index
        %swap3A_161 = arith.constant 112 : index
        %swap3A_162 = tpu.vector_load %arg18[%swap3A_160, %swap3A_161] {strides = array<i32>} : memref<80x128xf32, #tpu.memory_space<vmem>>, vector<1x16xf32>,
        %swap3A_163 = vector.shape_cast %swap3A_162 : vector<1x16xf32> to vector<16xf32>
        %swap3A_164 = vector.shape_cast %mul3A_159 : vector<16xf32> to vector<1x16xf32>
        tpu.vector_store %arg18[%swap3A_160, %swap3A_161], %swap3A_164 {strides = array<i32>} : memref<80x128xf32, #tpu.memory_space<vmem>>, vector<1x16xf32>,
      }
      %scan3A_52 = arith.constant 80 : i32
      "tpu.region"() ({
        %run_scoped3A = tpu.sem_alloc : memref<!tpu.dma_semaphore, #tpu.memory_space<semaphore_mem>>
        %dma_start3A_53 = arith.constant 0 : i32
        %dma_start3A_54 = arith.constant 0 : i32
        %dma_start3A_55 = tpu.memref_slice %arg10[%dma_start3A_53, %dma_start3A_54] : memref<10240x128xf32, #tpu.memory_space<vmem_shared>> -> memref<10240x128xf32, #tpu.memory_space<vmem_shared>>
        tpu.enqueue_indirect_dma source(%arg18 : memref<80x128xf32, #tpu.memory_space<vmem>>) target(%dma_start3A_55 : memref<10240x128xf32, #tpu.memory_space<vmem_shared>>) offsets(%arg13 : memref<80xi32, #tpu.memory_space<vmem>>) semaphore(%run_scoped3A : memref<!tpu.dma_semaphore, #tpu.memory_space<semaphore_mem>>) {add = true}
        %dma_wait3A_56 = arith.constant 0 : i32
        %dma_wait3A_57 = arith.constant 0 : i32
        %dma_wait3A_58 = tpu.memref_slice %arg10[%dma_wait3A_56, %dma_wait3A_57] : memref<10240x128xf32, #tpu.memory_space<vmem_shared>> -> memref<10240x128xf32, #tpu.memory_space<vmem_shared>>
        tpu.wait_indirect_dma semaphore(%run_scoped3A : memref<!tpu.dma_semaphore, #tpu.memory_space<semaphore_mem>>) src(%arg18 : memref<80x128xf32, #tpu.memory_space<vmem>>) dst(%dma_wait3A_58 : memref<10240x128xf32, #tpu.memory_space<vmem_shared>>)
        tpu.yield
      }) : () -> ()
    }
    %scan3A_15 = arith.constant 125 : i32
    %barrier3A_16 = arith.constant 0 : index
    tpu.barrier barrier_id(%barrier3A_16)
    "tpu.region"() ({
      %run_scoped3A = tpu.sem_alloc : memref<!tpu.dma_semaphore, #tpu.memory_space<semaphore_mem>>
      %dma_start3A = arith.constant 0 : i32
      %dma_start3A_17 = tpu.memref_slice %arg9[%arg0, %mul3A_2, %dma_start3A] : memref<2x10240x128xf32, #tpu.memory_space<hbm>> -> memref<1x640x128xf32, #tpu.memory_space<hbm>>
      %dma_start3A_18 = tpu.memref_squeeze %dma_start3A_17 : memref<1x640x128xf32, #tpu.memory_space<hbm>> -> memref<640x128xf32, #tpu.memory_space<hbm>>
      %dma_start3A_19 = arith.constant 0 : i32
      %dma_start3A_20 = tpu.memref_slice %arg10[%mul3A_2, %dma_start3A_19] : memref<10240x128xf32, #tpu.memory_space<vmem_shared>> -> memref<640x128xf32, #tpu.memory_space<vmem_shared>>
      tpu.enqueue_dma source(%dma_start3A_20 : memref<640x128xf32, #tpu.memory_space<vmem_shared>>) target(%dma_start3A_18 : memref<640x128xf32, #tpu.memory_space<hbm>>) target_semaphore(%run_scoped3A : memref<!tpu.dma_semaphore, #tpu.memory_space<semaphore_mem>>)
      %dma_wait3A = arith.constant 0 : i32
      %dma_wait3A_21 = tpu.memref_slice %arg9[%arg0, %mul3A_2, %dma_wait3A] : memref<2x10240x128xf32, #tpu.memory_space<hbm>> -> memref<1x640x128xf32, #tpu.memory_space<hbm>>
      %dma_wait3A_22 = tpu.memref_squeeze %dma_wait3A_21 : memref<1x640x128xf32, #tpu.memory_space<hbm>> -> memref<640x128xf32, #tpu.memory_space<hbm>>
      %dma_wait3A_23 = arith.constant 0 : i32
      %dma_wait3A_24 = tpu.memref_slice %arg10[%mul3A_2, %dma_wait3A_23] : memref<10240x128xf32, #tpu.memory_space<vmem_shared>> -> memref<640x128xf32, #tpu.memory_space<vmem_shared>>
      tpu.wait_dma2 semaphore(%run_scoped3A : memref<!tpu.dma_semaphore, #tpu.memory_space<semaphore_mem>>) src(%dma_wait3A_24 : memref<640x128xf32, #tpu.memory_space<vmem_shared>>) dst(%dma_wait3A_22 : memref<640x128xf32, #tpu.memory_space<hbm>>)
      tpu.yield
    }) : () -> ()
    return
  }
}

#map = affine_map<(d0, d1) -> (0)>
#map1 = affine_map<(d0, d1) -> (0, 0)>
#map2 = affine_map<(d0, d1) -> (0, 0, 0)>
module attributes {stable_mosaic.version = 14 : i64} {
  func.func @_sc_attn_body(%arg0: i32, %arg1: i32, %arg2: memref<320000xi32, #tpu.memory_space<hbm>>, %arg3: memref<320000xi32, #tpu.memory_space<hbm>>, %arg4: memref<320000x16xf32, #tpu.memory_space<hbm>>, %arg5: memref<10000x16xf32, #tpu.memory_space<hbm>>, %arg6: memref<10000x16xf32, #tpu.memory_space<hbm>>, %arg7: memref<10240x16xf32, #tpu.memory_space<hbm>>, %arg8: memref<320000x16xf32, #tpu.memory_space<hbm>>, %arg9: memref<2x10240x16xf32, #tpu.memory_space<hbm>>, %arg10: memref<10240x16xf32, #tpu.memory_space<vmem_shared>>, %arg11: memref<80xi32, #tpu.memory_space<vmem>>, %arg12: memref<80xi32, #tpu.memory_space<vmem>>, %arg13: memref<80x16xf32, #tpu.memory_space<vmem>>, %arg14: memref<80x16xf32, #tpu.memory_space<vmem>>, %arg15: memref<80x16xf32, #tpu.memory_space<vmem>>, %arg16: memref<80x16xf32, #tpu.memory_space<vmem>>, %arg17: memref<!tpu.dma_semaphore, #tpu.memory_space<semaphore_mem>>, %arg18: memref<!tpu.dma_semaphore, #tpu.memory_space<semaphore_mem>>) attributes {dimension_semantics = [#tpu.dimension_semantics<core_parallel>, #tpu.dimension_semantics<subcore_parallel>], iteration_bounds = array<i64: 2, 16>, scalar_prefetch = 0 : i64, scratch_operands = 9 : i64, tpu.core_type = #tpu.core_type<sc_vector_subcore>, window_params = [{transform_indices = #map}, {transform_indices = #map}, {transform_indices = #map1}, {transform_indices = #map1}, {transform_indices = #map1}, {transform_indices = #map1}, {transform_indices = #map1}, {transform_indices = #map2}]} {
    %mul3A = arith.constant 2 : i32
    %mul3A_0 = arith.muli %arg1, %mul3A : i32
    %add3A = arith.addi %mul3A_0, %arg0 : i32
    %mul3A_1 = arith.constant 640 : i32
    %mul3A_2 = arith.muli %arg1, %mul3A_1 : i32
    "tpu.region"() ({
      %run_scoped3A = tpu.sem_alloc : memref<!tpu.dma_semaphore, #tpu.memory_space<semaphore_mem>>
      %dma_start3A = arith.constant 0 : i32
      %dma_start3A_11 = tpu.memref_slice %arg10[%mul3A_2, %dma_start3A] : memref<10240x16xf32, #tpu.memory_space<vmem_shared>> -> memref<640x16xf32, #tpu.memory_space<vmem_shared>>
      %dma_start3A_12 = arith.constant 0 : i32
      %dma_start3A_13 = tpu.memref_slice %arg7[%mul3A_2, %dma_start3A_12] : memref<10240x16xf32, #tpu.memory_space<hbm>> -> memref<640x16xf32, #tpu.memory_space<hbm>>
      tpu.enqueue_dma source(%dma_start3A_13 : memref<640x16xf32, #tpu.memory_space<hbm>>) target(%dma_start3A_11 : memref<640x16xf32, #tpu.memory_space<vmem_shared>>) target_semaphore(%run_scoped3A : memref<!tpu.dma_semaphore, #tpu.memory_space<semaphore_mem>>)
      %dma_wait3A = arith.constant 0 : i32
      %dma_wait3A_14 = tpu.memref_slice %arg10[%mul3A_2, %dma_wait3A] : memref<10240x16xf32, #tpu.memory_space<vmem_shared>> -> memref<640x16xf32, #tpu.memory_space<vmem_shared>>
      %dma_wait3A_15 = arith.constant 0 : i32
      %dma_wait3A_16 = tpu.memref_slice %arg7[%mul3A_2, %dma_wait3A_15] : memref<10240x16xf32, #tpu.memory_space<hbm>> -> memref<640x16xf32, #tpu.memory_space<hbm>>
      tpu.wait_dma2 semaphore(%run_scoped3A : memref<!tpu.dma_semaphore, #tpu.memory_space<semaphore_mem>>) src(%dma_wait3A_16 : memref<640x16xf32, #tpu.memory_space<hbm>>) dst(%dma_wait3A_14 : memref<640x16xf32, #tpu.memory_space<vmem_shared>>)
      tpu.yield
    }) : () -> ()
    %barrier3A = arith.constant 0 : index
    tpu.barrier barrier_id(%barrier3A)
    %mul3A_3 = arith.constant 10000 : i32
    %mul3A_4 = arith.muli %add3A, %mul3A_3 : i32
    %scan3A = arith.constant 0 : i32
    %scan3A_5 = arith.constant 0 : i32
    %scan3A_6 = arith.constant 125 : i32
    %scan3A_7 = arith.addi %scan3A_5, %scan3A_6 : i32
    %scan3A_8 = arith.constant 1 : i32
    scf.for %scan3A_11 = %scan3A_5 to %scan3A_7 step %scan3A_8  : i32 {
      %mul3A_12 = arith.constant 80 : i32
      %mul3A_13 = arith.muli %scan3A_11, %mul3A_12 : i32
      %add3A_14 = arith.addi %mul3A_4, %mul3A_13 : i32
      %dma_start3A = tpu.memref_slice %arg2[%add3A_14] : memref<320000xi32, #tpu.memory_space<hbm>> -> memref<80xi32, #tpu.memory_space<hbm>>
      %dma_start3A_15 = tpu.memref_slice %arg2[%add3A_14] : memref<320000xi32, #tpu.memory_space<hbm>> -> memref<80xi32, #tpu.memory_space<hbm>>
      tpu.enqueue_dma source(%dma_start3A_15 : memref<80xi32, #tpu.memory_space<hbm>>) target(%arg11 : memref<80xi32, #tpu.memory_space<vmem>>) target_semaphore(%arg17 : memref<!tpu.dma_semaphore, #tpu.memory_space<semaphore_mem>>)
      %dma_start3A_16 = tpu.memref_slice %arg3[%add3A_14] : memref<320000xi32, #tpu.memory_space<hbm>> -> memref<80xi32, #tpu.memory_space<hbm>>
      %dma_start3A_17 = tpu.memref_slice %arg3[%add3A_14] : memref<320000xi32, #tpu.memory_space<hbm>> -> memref<80xi32, #tpu.memory_space<hbm>>
      tpu.enqueue_dma source(%dma_start3A_17 : memref<80xi32, #tpu.memory_space<hbm>>) target(%arg12 : memref<80xi32, #tpu.memory_space<vmem>>) target_semaphore(%arg17 : memref<!tpu.dma_semaphore, #tpu.memory_space<semaphore_mem>>)
      %dma_start3A_18 = arith.constant 0 : i32
      %dma_start3A_19 = tpu.memref_slice %arg4[%add3A_14, %dma_start3A_18] : memref<320000x16xf32, #tpu.memory_space<hbm>> -> memref<80x16xf32, #tpu.memory_space<hbm>>
      %dma_start3A_20 = arith.constant 0 : i32
      %dma_start3A_21 = tpu.memref_slice %arg4[%add3A_14, %dma_start3A_20] : memref<320000x16xf32, #tpu.memory_space<hbm>> -> memref<80x16xf32, #tpu.memory_space<hbm>>
      tpu.enqueue_dma source(%dma_start3A_21 : memref<80x16xf32, #tpu.memory_space<hbm>>) target(%arg15 : memref<80x16xf32, #tpu.memory_space<vmem>>) target_semaphore(%arg18 : memref<!tpu.dma_semaphore, #tpu.memory_space<semaphore_mem>>)
      %dma_wait3A = tpu.memref_slice %arg2[%add3A_14] : memref<320000xi32, #tpu.memory_space<hbm>> -> memref<80xi32, #tpu.memory_space<hbm>>
      %dma_wait3A_22 = tpu.memref_slice %arg2[%add3A_14] : memref<320000xi32, #tpu.memory_space<hbm>> -> memref<80xi32, #tpu.memory_space<hbm>>
      tpu.wait_dma2 semaphore(%arg17 : memref<!tpu.dma_semaphore, #tpu.memory_space<semaphore_mem>>) src(%dma_wait3A_22 : memref<80xi32, #tpu.memory_space<hbm>>) dst(%arg11 : memref<80xi32, #tpu.memory_space<vmem>>)
      %dma_wait3A_23 = tpu.memref_slice %arg3[%add3A_14] : memref<320000xi32, #tpu.memory_space<hbm>> -> memref<80xi32, #tpu.memory_space<hbm>>
      %dma_wait3A_24 = tpu.memref_slice %arg3[%add3A_14] : memref<320000xi32, #tpu.memory_space<hbm>> -> memref<80xi32, #tpu.memory_space<hbm>>
      tpu.wait_dma2 semaphore(%arg17 : memref<!tpu.dma_semaphore, #tpu.memory_space<semaphore_mem>>) src(%dma_wait3A_24 : memref<80xi32, #tpu.memory_space<hbm>>) dst(%arg12 : memref<80xi32, #tpu.memory_space<vmem>>)
      %dma_start3A_25 = arith.constant 0 : i32
      %dma_start3A_26 = arith.constant 0 : i32
      %dma_start3A_27 = tpu.memref_slice %arg5[%dma_start3A_25, %dma_start3A_26] : memref<10000x16xf32, #tpu.memory_space<hbm>> -> memref<10000x16xf32, #tpu.memory_space<hbm>>
      tpu.enqueue_indirect_dma source(%dma_start3A_27 : memref<10000x16xf32, #tpu.memory_space<hbm>>) target(%arg13 : memref<80x16xf32, #tpu.memory_space<vmem>>) offsets(%arg11 : memref<80xi32, #tpu.memory_space<vmem>>) semaphore(%arg17 : memref<!tpu.dma_semaphore, #tpu.memory_space<semaphore_mem>>)
      %dma_start3A_28 = arith.constant 0 : i32
      %dma_start3A_29 = arith.constant 0 : i32
      %dma_start3A_30 = tpu.memref_slice %arg6[%dma_start3A_28, %dma_start3A_29] : memref<10000x16xf32, #tpu.memory_space<hbm>> -> memref<10000x16xf32, #tpu.memory_space<hbm>>
      tpu.enqueue_indirect_dma source(%dma_start3A_30 : memref<10000x16xf32, #tpu.memory_space<hbm>>) target(%arg14 : memref<80x16xf32, #tpu.memory_space<vmem>>) offsets(%arg12 : memref<80xi32, #tpu.memory_space<vmem>>) semaphore(%arg17 : memref<!tpu.dma_semaphore, #tpu.memory_space<semaphore_mem>>)
      %dma_wait3A_31 = arith.constant 0 : i32
      %dma_wait3A_32 = arith.constant 0 : i32
      %dma_wait3A_33 = tpu.memref_slice %arg5[%dma_wait3A_31, %dma_wait3A_32] : memref<10000x16xf32, #tpu.memory_space<hbm>> -> memref<10000x16xf32, #tpu.memory_space<hbm>>
      tpu.wait_indirect_dma semaphore(%arg17 : memref<!tpu.dma_semaphore, #tpu.memory_space<semaphore_mem>>) src(%dma_wait3A_33 : memref<10000x16xf32, #tpu.memory_space<hbm>>) dst(%arg13 : memref<80x16xf32, #tpu.memory_space<vmem>>)
      %dma_wait3A_34 = arith.constant 0 : i32
      %dma_wait3A_35 = arith.constant 0 : i32
      %dma_wait3A_36 = tpu.memref_slice %arg6[%dma_wait3A_34, %dma_wait3A_35] : memref<10000x16xf32, #tpu.memory_space<hbm>> -> memref<10000x16xf32, #tpu.memory_space<hbm>>
      tpu.wait_indirect_dma semaphore(%arg17 : memref<!tpu.dma_semaphore, #tpu.memory_space<semaphore_mem>>) src(%dma_wait3A_36 : memref<10000x16xf32, #tpu.memory_space<hbm>>) dst(%arg14 : memref<80x16xf32, #tpu.memory_space<vmem>>)
      %dma_wait3A_37 = arith.constant 0 : i32
      %dma_wait3A_38 = tpu.memref_slice %arg4[%add3A_14, %dma_wait3A_37] : memref<320000x16xf32, #tpu.memory_space<hbm>> -> memref<80x16xf32, #tpu.memory_space<hbm>>
      %dma_wait3A_39 = arith.constant 0 : i32
      %dma_wait3A_40 = tpu.memref_slice %arg4[%add3A_14, %dma_wait3A_39] : memref<320000x16xf32, #tpu.memory_space<hbm>> -> memref<80x16xf32, #tpu.memory_space<hbm>>
      tpu.wait_dma2 semaphore(%arg18 : memref<!tpu.dma_semaphore, #tpu.memory_space<semaphore_mem>>) src(%dma_wait3A_40 : memref<80x16xf32, #tpu.memory_space<hbm>>) dst(%arg15 : memref<80x16xf32, #tpu.memory_space<vmem>>)
      %scan3A_41 = arith.constant 0 : i32
      %scan3A_42 = arith.constant 0 : i32
      %scan3A_43 = arith.constant 80 : i32
      %scan3A_44 = arith.addi %scan3A_42, %scan3A_43 : i32
      %scan3A_45 = arith.constant 1 : i32
      scf.for %scan3A_47 = %scan3A_42 to %scan3A_44 step %scan3A_45  : i32 {
        %get3A = arith.index_cast %scan3A_47 : i32 to index
        %get3A_48 = arith.constant 0 : index
        %get3A_49 = tpu.vector_load %arg13[%get3A, %get3A_48] {strides = array<i32>} : memref<80x16xf32, #tpu.memory_space<vmem>>, vector<1x16xf32>,
        %get3A_50 = vector.shape_cast %get3A_49 : vector<1x16xf32> to vector<16xf32>
        %get3A_51 = arith.index_cast %scan3A_47 : i32 to index
        %get3A_52 = arith.constant 0 : index
        %get3A_53 = tpu.vector_load %arg14[%get3A_51, %get3A_52] {strides = array<i32>} : memref<80x16xf32, #tpu.memory_space<vmem>>, vector<1x16xf32>,
        %get3A_54 = vector.shape_cast %get3A_53 : vector<1x16xf32> to vector<16xf32>
        %add3A_55 = arith.addf %get3A_50, %get3A_54 : vector<16xf32>
        %get3A_56 = arith.index_cast %scan3A_47 : i32 to index
        %get3A_57 = arith.constant 0 : index
        %get3A_58 = tpu.vector_load %arg15[%get3A_56, %get3A_57] {strides = array<i32>} : memref<80x16xf32, #tpu.memory_space<vmem>>, vector<1x16xf32>,
        %get3A_59 = vector.shape_cast %get3A_58 : vector<1x16xf32> to vector<16xf32>
        %add3A_60 = arith.addf %add3A_55, %get3A_59 : vector<16xf32>
        %ge3A = arith.constant 0.000000e+00 : f32
        %ge3A_61 = vector.broadcast %ge3A : f32 to vector<16xf32>
        %ge3A_62 = arith.cmpf oge, %add3A_60, %ge3A_61 : vector<16xf32>
        %mul3A_63 = arith.constant 2.000000e-01 : f32
        %mul3A_64 = vector.broadcast %mul3A_63 : f32 to vector<16xf32>
        %mul3A_65 = arith.mulf %mul3A_64, %add3A_60 : vector<16xf32>
        %select_n3A = arith.select %ge3A_62, %add3A_60, %mul3A_65 : vector<16xi1>, vector<16xf32>
        %exp3A = math.exp %select_n3A : vector<16xf32>
        %swap3A = arith.index_cast %scan3A_47 : i32 to index
        %swap3A_66 = arith.constant 0 : index
        %swap3A_67 = tpu.vector_load %arg16[%swap3A, %swap3A_66] {strides = array<i32>} : memref<80x16xf32, #tpu.memory_space<vmem>>, vector<1x16xf32>,
        %swap3A_68 = vector.shape_cast %swap3A_67 : vector<1x16xf32> to vector<16xf32>
        %swap3A_69 = vector.shape_cast %exp3A : vector<16xf32> to vector<1x16xf32>
        tpu.vector_store %arg16[%swap3A, %swap3A_66], %swap3A_69 {strides = array<i32>} : memref<80x16xf32, #tpu.memory_space<vmem>>, vector<1x16xf32>,
      }
      %scan3A_46 = arith.constant 80 : i32
      "tpu.region"() ({
        %run_scoped3A = tpu.sem_alloc : memref<!tpu.dma_semaphore, #tpu.memory_space<semaphore_mem>>
        %dma_start3A_47 = arith.constant 0 : i32
        %dma_start3A_48 = tpu.memref_slice %arg8[%add3A_14, %dma_start3A_47] : memref<320000x16xf32, #tpu.memory_space<hbm>> -> memref<80x16xf32, #tpu.memory_space<hbm>>
        %dma_start3A_49 = arith.constant 0 : i32
        %dma_start3A_50 = tpu.memref_slice %arg8[%add3A_14, %dma_start3A_49] : memref<320000x16xf32, #tpu.memory_space<hbm>> -> memref<80x16xf32, #tpu.memory_space<hbm>>
        tpu.enqueue_dma source(%arg16 : memref<80x16xf32, #tpu.memory_space<vmem>>) target(%dma_start3A_50 : memref<80x16xf32, #tpu.memory_space<hbm>>) target_semaphore(%run_scoped3A : memref<!tpu.dma_semaphore, #tpu.memory_space<semaphore_mem>>)
        %dma_wait3A_51 = arith.constant 0 : i32
        %dma_wait3A_52 = tpu.memref_slice %arg8[%add3A_14, %dma_wait3A_51] : memref<320000x16xf32, #tpu.memory_space<hbm>> -> memref<80x16xf32, #tpu.memory_space<hbm>>
        %dma_wait3A_53 = arith.constant 0 : i32
        %dma_wait3A_54 = tpu.memref_slice %arg8[%add3A_14, %dma_wait3A_53] : memref<320000x16xf32, #tpu.memory_space<hbm>> -> memref<80x16xf32, #tpu.memory_space<hbm>>
        tpu.wait_dma2 semaphore(%run_scoped3A : memref<!tpu.dma_semaphore, #tpu.memory_space<semaphore_mem>>) src(%arg16 : memref<80x16xf32, #tpu.memory_space<vmem>>) dst(%dma_wait3A_54 : memref<80x16xf32, #tpu.memory_space<hbm>>)
        tpu.yield
      }) : () -> ()
      "tpu.region"() ({
        %run_scoped3A = tpu.sem_alloc : memref<!tpu.dma_semaphore, #tpu.memory_space<semaphore_mem>>
        %dma_start3A_47 = arith.constant 0 : i32
        %dma_start3A_48 = arith.constant 0 : i32
        %dma_start3A_49 = tpu.memref_slice %arg10[%dma_start3A_47, %dma_start3A_48] : memref<10240x16xf32, #tpu.memory_space<vmem_shared>> -> memref<10240x16xf32, #tpu.memory_space<vmem_shared>>
        tpu.enqueue_indirect_dma source(%arg16 : memref<80x16xf32, #tpu.memory_space<vmem>>) target(%dma_start3A_49 : memref<10240x16xf32, #tpu.memory_space<vmem_shared>>) offsets(%arg12 : memref<80xi32, #tpu.memory_space<vmem>>) semaphore(%run_scoped3A : memref<!tpu.dma_semaphore, #tpu.memory_space<semaphore_mem>>) {add = true}
        %dma_wait3A_50 = arith.constant 0 : i32
        %dma_wait3A_51 = arith.constant 0 : i32
        %dma_wait3A_52 = tpu.memref_slice %arg10[%dma_wait3A_50, %dma_wait3A_51] : memref<10240x16xf32, #tpu.memory_space<vmem_shared>> -> memref<10240x16xf32, #tpu.memory_space<vmem_shared>>
        tpu.wait_indirect_dma semaphore(%run_scoped3A : memref<!tpu.dma_semaphore, #tpu.memory_space<semaphore_mem>>) src(%arg16 : memref<80x16xf32, #tpu.memory_space<vmem>>) dst(%dma_wait3A_52 : memref<10240x16xf32, #tpu.memory_space<vmem_shared>>)
        tpu.yield
      }) : () -> ()
    }
    %scan3A_9 = arith.constant 125 : i32
    %barrier3A_10 = arith.constant 0 : index
    tpu.barrier barrier_id(%barrier3A_10)
    "tpu.region"() ({
      %run_scoped3A = tpu.sem_alloc : memref<!tpu.dma_semaphore, #tpu.memory_space<semaphore_mem>>
      %dma_start3A = arith.constant 0 : i32
      %dma_start3A_11 = tpu.memref_slice %arg9[%arg0, %mul3A_2, %dma_start3A] : memref<2x10240x16xf32, #tpu.memory_space<hbm>> -> memref<1x640x16xf32, #tpu.memory_space<hbm>>
      %dma_start3A_12 = tpu.memref_squeeze %dma_start3A_11 : memref<1x640x16xf32, #tpu.memory_space<hbm>> -> memref<640x16xf32, #tpu.memory_space<hbm>>
      %dma_start3A_13 = arith.constant 0 : i32
      %dma_start3A_14 = tpu.memref_slice %arg10[%mul3A_2, %dma_start3A_13] : memref<10240x16xf32, #tpu.memory_space<vmem_shared>> -> memref<640x16xf32, #tpu.memory_space<vmem_shared>>
      tpu.enqueue_dma source(%dma_start3A_14 : memref<640x16xf32, #tpu.memory_space<vmem_shared>>) target(%dma_start3A_12 : memref<640x16xf32, #tpu.memory_space<hbm>>) target_semaphore(%run_scoped3A : memref<!tpu.dma_semaphore, #tpu.memory_space<semaphore_mem>>)
      %dma_wait3A = arith.constant 0 : i32
      %dma_wait3A_15 = tpu.memref_slice %arg9[%arg0, %mul3A_2, %dma_wait3A] : memref<2x10240x16xf32, #tpu.memory_space<hbm>> -> memref<1x640x16xf32, #tpu.memory_space<hbm>>
      %dma_wait3A_16 = tpu.memref_squeeze %dma_wait3A_15 : memref<1x640x16xf32, #tpu.memory_space<hbm>> -> memref<640x16xf32, #tpu.memory_space<hbm>>
      %dma_wait3A_17 = arith.constant 0 : i32
      %dma_wait3A_18 = tpu.memref_slice %arg10[%mul3A_2, %dma_wait3A_17] : memref<10240x16xf32, #tpu.memory_space<vmem_shared>> -> memref<640x16xf32, #tpu.memory_space<vmem_shared>>
      tpu.wait_dma2 semaphore(%run_scoped3A : memref<!tpu.dma_semaphore, #tpu.memory_space<semaphore_mem>>) src(%dma_wait3A_18 : memref<640x16xf32, #tpu.memory_space<vmem_shared>>) dst(%dma_wait3A_16 : memref<640x16xf32, #tpu.memory_space<hbm>>)
      tpu.yield
    }) : () -> ()
    return
  }
}

#map = affine_map<(d0, d1) -> (0)>
#map1 = affine_map<(d0, d1) -> (0, 0)>
#map2 = affine_map<(d0, d1) -> (0, 0, 0)>
module attributes {stable_mosaic.version = 14 : i64} {
  func.func @_sc_attn_body(%arg0: i32, %arg1: i32, %arg2: memref<320000xi32, #tpu.memory_space<hbm>>, %arg3: memref<320000xi32, #tpu.memory_space<hbm>>, %arg4: memref<320000x16xf32, #tpu.memory_space<hbm>>, %arg5: memref<10000x16xf32, #tpu.memory_space<hbm>>, %arg6: memref<10000x16xf32, #tpu.memory_space<hbm>>, %arg7: memref<10240x16xf32, #tpu.memory_space<hbm>>, %arg8: memref<320000x16xf32, #tpu.memory_space<hbm>>, %arg9: memref<2x10240x16xf32, #tpu.memory_space<hbm>>, %arg10: memref<10240x16xf32, #tpu.memory_space<vmem_shared>>, %arg11: memref<80xi32, #tpu.memory_space<vmem>>, %arg12: memref<80xi32, #tpu.memory_space<vmem>>, %arg13: memref<80x16xf32, #tpu.memory_space<vmem>>, %arg14: memref<80x16xf32, #tpu.memory_space<vmem>>, %arg15: memref<80x16xf32, #tpu.memory_space<vmem>>, %arg16: memref<80x16xf32, #tpu.memory_space<vmem>>, %arg17: memref<!tpu.dma_semaphore, #tpu.memory_space<semaphore_mem>>, %arg18: memref<!tpu.dma_semaphore, #tpu.memory_space<semaphore_mem>>) attributes {dimension_semantics = [#tpu.dimension_semantics<core_parallel>, #tpu.dimension_semantics<subcore_parallel>], iteration_bounds = array<i64: 2, 16>, scalar_prefetch = 0 : i64, scratch_operands = 9 : i64, tpu.core_type = #tpu.core_type<sc_vector_subcore>, window_params = [{transform_indices = #map}, {transform_indices = #map}, {transform_indices = #map1}, {transform_indices = #map1}, {transform_indices = #map1}, {transform_indices = #map1}, {transform_indices = #map1}, {transform_indices = #map2}]} {
    %mul3A = arith.constant 2 : i32
    %mul3A_0 = arith.muli %arg1, %mul3A : i32
    %add3A = arith.addi %mul3A_0, %arg0 : i32
    %mul3A_1 = arith.constant 640 : i32
    %mul3A_2 = arith.muli %arg1, %mul3A_1 : i32
    "tpu.region"() ({
      %run_scoped3A = tpu.sem_alloc : memref<!tpu.dma_semaphore, #tpu.memory_space<semaphore_mem>>
      %dma_start3A = arith.constant 0 : i32
      %dma_start3A_11 = tpu.memref_slice %arg10[%mul3A_2, %dma_start3A] : memref<10240x16xf32, #tpu.memory_space<vmem_shared>> -> memref<640x16xf32, #tpu.memory_space<vmem_shared>>
      %dma_start3A_12 = arith.constant 0 : i32
      %dma_start3A_13 = tpu.memref_slice %arg7[%mul3A_2, %dma_start3A_12] : memref<10240x16xf32, #tpu.memory_space<hbm>> -> memref<640x16xf32, #tpu.memory_space<hbm>>
      tpu.enqueue_dma source(%dma_start3A_13 : memref<640x16xf32, #tpu.memory_space<hbm>>) target(%dma_start3A_11 : memref<640x16xf32, #tpu.memory_space<vmem_shared>>) target_semaphore(%run_scoped3A : memref<!tpu.dma_semaphore, #tpu.memory_space<semaphore_mem>>)
      %dma_wait3A = arith.constant 0 : i32
      %dma_wait3A_14 = tpu.memref_slice %arg10[%mul3A_2, %dma_wait3A] : memref<10240x16xf32, #tpu.memory_space<vmem_shared>> -> memref<640x16xf32, #tpu.memory_space<vmem_shared>>
      %dma_wait3A_15 = arith.constant 0 : i32
      %dma_wait3A_16 = tpu.memref_slice %arg7[%mul3A_2, %dma_wait3A_15] : memref<10240x16xf32, #tpu.memory_space<hbm>> -> memref<640x16xf32, #tpu.memory_space<hbm>>
      tpu.wait_dma2 semaphore(%run_scoped3A : memref<!tpu.dma_semaphore, #tpu.memory_space<semaphore_mem>>) src(%dma_wait3A_16 : memref<640x16xf32, #tpu.memory_space<hbm>>) dst(%dma_wait3A_14 : memref<640x16xf32, #tpu.memory_space<vmem_shared>>)
      tpu.yield
    }) : () -> ()
    %barrier3A = arith.constant 0 : index
    tpu.barrier barrier_id(%barrier3A)
    %mul3A_3 = arith.constant 10000 : i32
    %mul3A_4 = arith.muli %add3A, %mul3A_3 : i32
    %scan3A = arith.constant 0 : i32
    %scan3A_5 = arith.constant 0 : i32
    %scan3A_6 = arith.constant 125 : i32
    %scan3A_7 = arith.addi %scan3A_5, %scan3A_6 : i32
    %scan3A_8 = arith.constant 1 : i32
    scf.for %scan3A_11 = %scan3A_5 to %scan3A_7 step %scan3A_8  : i32 {
      %mul3A_12 = arith.constant 80 : i32
      %mul3A_13 = arith.muli %scan3A_11, %mul3A_12 : i32
      %add3A_14 = arith.addi %mul3A_4, %mul3A_13 : i32
      %dma_start3A = tpu.memref_slice %arg2[%add3A_14] : memref<320000xi32, #tpu.memory_space<hbm>> -> memref<80xi32, #tpu.memory_space<hbm>>
      %dma_start3A_15 = tpu.memref_slice %arg2[%add3A_14] : memref<320000xi32, #tpu.memory_space<hbm>> -> memref<80xi32, #tpu.memory_space<hbm>>
      tpu.enqueue_dma source(%dma_start3A_15 : memref<80xi32, #tpu.memory_space<hbm>>) target(%arg11 : memref<80xi32, #tpu.memory_space<vmem>>) target_semaphore(%arg17 : memref<!tpu.dma_semaphore, #tpu.memory_space<semaphore_mem>>)
      %dma_start3A_16 = tpu.memref_slice %arg3[%add3A_14] : memref<320000xi32, #tpu.memory_space<hbm>> -> memref<80xi32, #tpu.memory_space<hbm>>
      %dma_start3A_17 = tpu.memref_slice %arg3[%add3A_14] : memref<320000xi32, #tpu.memory_space<hbm>> -> memref<80xi32, #tpu.memory_space<hbm>>
      tpu.enqueue_dma source(%dma_start3A_17 : memref<80xi32, #tpu.memory_space<hbm>>) target(%arg12 : memref<80xi32, #tpu.memory_space<vmem>>) target_semaphore(%arg17 : memref<!tpu.dma_semaphore, #tpu.memory_space<semaphore_mem>>)
      %dma_start3A_18 = arith.constant 0 : i32
      %dma_start3A_19 = tpu.memref_slice %arg4[%add3A_14, %dma_start3A_18] : memref<320000x16xf32, #tpu.memory_space<hbm>> -> memref<80x16xf32, #tpu.memory_space<hbm>>
      %dma_start3A_20 = arith.constant 0 : i32
      %dma_start3A_21 = tpu.memref_slice %arg4[%add3A_14, %dma_start3A_20] : memref<320000x16xf32, #tpu.memory_space<hbm>> -> memref<80x16xf32, #tpu.memory_space<hbm>>
      tpu.enqueue_dma source(%dma_start3A_21 : memref<80x16xf32, #tpu.memory_space<hbm>>) target(%arg15 : memref<80x16xf32, #tpu.memory_space<vmem>>) target_semaphore(%arg18 : memref<!tpu.dma_semaphore, #tpu.memory_space<semaphore_mem>>)
      %dma_wait3A = tpu.memref_slice %arg2[%add3A_14] : memref<320000xi32, #tpu.memory_space<hbm>> -> memref<80xi32, #tpu.memory_space<hbm>>
      %dma_wait3A_22 = tpu.memref_slice %arg2[%add3A_14] : memref<320000xi32, #tpu.memory_space<hbm>> -> memref<80xi32, #tpu.memory_space<hbm>>
      tpu.wait_dma2 semaphore(%arg17 : memref<!tpu.dma_semaphore, #tpu.memory_space<semaphore_mem>>) src(%dma_wait3A_22 : memref<80xi32, #tpu.memory_space<hbm>>) dst(%arg11 : memref<80xi32, #tpu.memory_space<vmem>>)
      %dma_wait3A_23 = tpu.memref_slice %arg3[%add3A_14] : memref<320000xi32, #tpu.memory_space<hbm>> -> memref<80xi32, #tpu.memory_space<hbm>>
      %dma_wait3A_24 = tpu.memref_slice %arg3[%add3A_14] : memref<320000xi32, #tpu.memory_space<hbm>> -> memref<80xi32, #tpu.memory_space<hbm>>
      tpu.wait_dma2 semaphore(%arg17 : memref<!tpu.dma_semaphore, #tpu.memory_space<semaphore_mem>>) src(%dma_wait3A_24 : memref<80xi32, #tpu.memory_space<hbm>>) dst(%arg12 : memref<80xi32, #tpu.memory_space<vmem>>)
      %dma_start3A_25 = arith.constant 0 : i32
      %dma_start3A_26 = arith.constant 0 : i32
      %dma_start3A_27 = tpu.memref_slice %arg5[%dma_start3A_25, %dma_start3A_26] : memref<10000x16xf32, #tpu.memory_space<hbm>> -> memref<10000x16xf32, #tpu.memory_space<hbm>>
      tpu.enqueue_indirect_dma source(%dma_start3A_27 : memref<10000x16xf32, #tpu.memory_space<hbm>>) target(%arg13 : memref<80x16xf32, #tpu.memory_space<vmem>>) offsets(%arg11 : memref<80xi32, #tpu.memory_space<vmem>>) semaphore(%arg17 : memref<!tpu.dma_semaphore, #tpu.memory_space<semaphore_mem>>)
      %dma_start3A_28 = arith.constant 0 : i32
      %dma_start3A_29 = arith.constant 0 : i32
      %dma_start3A_30 = tpu.memref_slice %arg6[%dma_start3A_28, %dma_start3A_29] : memref<10000x16xf32, #tpu.memory_space<hbm>> -> memref<10000x16xf32, #tpu.memory_space<hbm>>
      tpu.enqueue_indirect_dma source(%dma_start3A_30 : memref<10000x16xf32, #tpu.memory_space<hbm>>) target(%arg14 : memref<80x16xf32, #tpu.memory_space<vmem>>) offsets(%arg12 : memref<80xi32, #tpu.memory_space<vmem>>) semaphore(%arg17 : memref<!tpu.dma_semaphore, #tpu.memory_space<semaphore_mem>>)
      %dma_wait3A_31 = arith.constant 0 : i32
      %dma_wait3A_32 = arith.constant 0 : i32
      %dma_wait3A_33 = tpu.memref_slice %arg5[%dma_wait3A_31, %dma_wait3A_32] : memref<10000x16xf32, #tpu.memory_space<hbm>> -> memref<10000x16xf32, #tpu.memory_space<hbm>>
      tpu.wait_indirect_dma semaphore(%arg17 : memref<!tpu.dma_semaphore, #tpu.memory_space<semaphore_mem>>) src(%dma_wait3A_33 : memref<10000x16xf32, #tpu.memory_space<hbm>>) dst(%arg13 : memref<80x16xf32, #tpu.memory_space<vmem>>)
      %dma_wait3A_34 = arith.constant 0 : i32
      %dma_wait3A_35 = arith.constant 0 : i32
      %dma_wait3A_36 = tpu.memref_slice %arg6[%dma_wait3A_34, %dma_wait3A_35] : memref<10000x16xf32, #tpu.memory_space<hbm>> -> memref<10000x16xf32, #tpu.memory_space<hbm>>
      tpu.wait_indirect_dma semaphore(%arg17 : memref<!tpu.dma_semaphore, #tpu.memory_space<semaphore_mem>>) src(%dma_wait3A_36 : memref<10000x16xf32, #tpu.memory_space<hbm>>) dst(%arg14 : memref<80x16xf32, #tpu.memory_space<vmem>>)
      %dma_wait3A_37 = arith.constant 0 : i32
      %dma_wait3A_38 = tpu.memref_slice %arg4[%add3A_14, %dma_wait3A_37] : memref<320000x16xf32, #tpu.memory_space<hbm>> -> memref<80x16xf32, #tpu.memory_space<hbm>>
      %dma_wait3A_39 = arith.constant 0 : i32
      %dma_wait3A_40 = tpu.memref_slice %arg4[%add3A_14, %dma_wait3A_39] : memref<320000x16xf32, #tpu.memory_space<hbm>> -> memref<80x16xf32, #tpu.memory_space<hbm>>
      tpu.wait_dma2 semaphore(%arg18 : memref<!tpu.dma_semaphore, #tpu.memory_space<semaphore_mem>>) src(%dma_wait3A_40 : memref<80x16xf32, #tpu.memory_space<hbm>>) dst(%arg15 : memref<80x16xf32, #tpu.memory_space<vmem>>)
      %scan3A_41 = arith.constant 0 : i32
      %scan3A_42 = arith.constant 0 : i32
      %scan3A_43 = arith.constant 80 : i32
      %scan3A_44 = arith.addi %scan3A_42, %scan3A_43 : i32
      %scan3A_45 = arith.constant 1 : i32
      scf.for %scan3A_47 = %scan3A_42 to %scan3A_44 step %scan3A_45  : i32 {
        %get3A = arith.index_cast %scan3A_47 : i32 to index
        %get3A_48 = arith.constant 0 : index
        %get3A_49 = tpu.vector_load %arg13[%get3A, %get3A_48] {strides = array<i32>} : memref<80x16xf32, #tpu.memory_space<vmem>>, vector<1x16xf32>,
        %get3A_50 = vector.shape_cast %get3A_49 : vector<1x16xf32> to vector<16xf32>
        %get3A_51 = arith.index_cast %scan3A_47 : i32 to index
        %get3A_52 = arith.constant 0 : index
        %get3A_53 = tpu.vector_load %arg14[%get3A_51, %get3A_52] {strides = array<i32>} : memref<80x16xf32, #tpu.memory_space<vmem>>, vector<1x16xf32>,
        %get3A_54 = vector.shape_cast %get3A_53 : vector<1x16xf32> to vector<16xf32>
        %add3A_55 = arith.addf %get3A_50, %get3A_54 : vector<16xf32>
        %get3A_56 = arith.index_cast %scan3A_47 : i32 to index
        %get3A_57 = arith.constant 0 : index
        %get3A_58 = tpu.vector_load %arg15[%get3A_56, %get3A_57] {strides = array<i32>} : memref<80x16xf32, #tpu.memory_space<vmem>>, vector<1x16xf32>,
        %get3A_59 = vector.shape_cast %get3A_58 : vector<1x16xf32> to vector<16xf32>
        %add3A_60 = arith.addf %add3A_55, %get3A_59 : vector<16xf32>
        %ge3A = arith.constant 0.000000e+00 : f32
        %ge3A_61 = vector.broadcast %ge3A : f32 to vector<16xf32>
        %ge3A_62 = arith.cmpf oge, %add3A_60, %ge3A_61 : vector<16xf32>
        %mul3A_63 = arith.constant 2.000000e-01 : f32
        %mul3A_64 = vector.broadcast %mul3A_63 : f32 to vector<16xf32>
        %mul3A_65 = arith.mulf %mul3A_64, %add3A_60 : vector<16xf32>
        %select_n3A = arith.select %ge3A_62, %add3A_60, %mul3A_65 : vector<16xi1>, vector<16xf32>
        %exp3A = math.exp %select_n3A : vector<16xf32>
        %swap3A = arith.index_cast %scan3A_47 : i32 to index
        %swap3A_66 = arith.constant 0 : index
        %swap3A_67 = tpu.vector_load %arg16[%swap3A, %swap3A_66] {strides = array<i32>} : memref<80x16xf32, #tpu.memory_space<vmem>>, vector<1x16xf32>,
        %swap3A_68 = vector.shape_cast %swap3A_67 : vector<1x16xf32> to vector<16xf32>
        %swap3A_69 = vector.shape_cast %exp3A : vector<16xf32> to vector<1x16xf32>
        tpu.vector_store %arg16[%swap3A, %swap3A_66], %swap3A_69 {strides = array<i32>} : memref<80x16xf32, #tpu.memory_space<vmem>>, vector<1x16xf32>,
      }
      %scan3A_46 = arith.constant 80 : i32
      "tpu.region"() ({
        %run_scoped3A = tpu.sem_alloc : memref<!tpu.dma_semaphore, #tpu.memory_space<semaphore_mem>>
        %dma_start3A_47 = arith.constant 0 : i32
        %dma_start3A_48 = tpu.memref_slice %arg8[%add3A_14, %dma_start3A_47] : memref<320000x16xf32, #tpu.memory_space<hbm>> -> memref<80x16xf32, #tpu.memory_space<hbm>>
        %dma_start3A_49 = arith.constant 0 : i32
        %dma_start3A_50 = tpu.memref_slice %arg8[%add3A_14, %dma_start3A_49] : memref<320000x16xf32, #tpu.memory_space<hbm>> -> memref<80x16xf32, #tpu.memory_space<hbm>>
        tpu.enqueue_dma source(%arg16 : memref<80x16xf32, #tpu.memory_space<vmem>>) target(%dma_start3A_50 : memref<80x16xf32, #tpu.memory_space<hbm>>) target_semaphore(%run_scoped3A : memref<!tpu.dma_semaphore, #tpu.memory_space<semaphore_mem>>)
        %dma_wait3A_51 = arith.constant 0 : i32
        %dma_wait3A_52 = tpu.memref_slice %arg8[%add3A_14, %dma_wait3A_51] : memref<320000x16xf32, #tpu.memory_space<hbm>> -> memref<80x16xf32, #tpu.memory_space<hbm>>
        %dma_wait3A_53 = arith.constant 0 : i32
        %dma_wait3A_54 = tpu.memref_slice %arg8[%add3A_14, %dma_wait3A_53] : memref<320000x16xf32, #tpu.memory_space<hbm>> -> memref<80x16xf32, #tpu.memory_space<hbm>>
        tpu.wait_dma2 semaphore(%run_scoped3A : memref<!tpu.dma_semaphore, #tpu.memory_space<semaphore_mem>>) src(%arg16 : memref<80x16xf32, #tpu.memory_space<vmem>>) dst(%dma_wait3A_54 : memref<80x16xf32, #tpu.memory_space<hbm>>)
        tpu.yield
      }) : () -> ()
      "tpu.region"() ({
        %run_scoped3A = tpu.sem_alloc : memref<!tpu.dma_semaphore, #tpu.memory_space<semaphore_mem>>
        %dma_start3A_47 = arith.constant 0 : i32
        %dma_start3A_48 = arith.constant 0 : i32
        %dma_start3A_49 = tpu.memref_slice %arg10[%dma_start3A_47, %dma_start3A_48] : memref<10240x16xf32, #tpu.memory_space<vmem_shared>> -> memref<10240x16xf32, #tpu.memory_space<vmem_shared>>
        tpu.enqueue_indirect_dma source(%arg16 : memref<80x16xf32, #tpu.memory_space<vmem>>) target(%dma_start3A_49 : memref<10240x16xf32, #tpu.memory_space<vmem_shared>>) offsets(%arg12 : memref<80xi32, #tpu.memory_space<vmem>>) semaphore(%run_scoped3A : memref<!tpu.dma_semaphore, #tpu.memory_space<semaphore_mem>>) {add = true}
        %dma_wait3A_50 = arith.constant 0 : i32
        %dma_wait3A_51 = arith.constant 0 : i32
        %dma_wait3A_52 = tpu.memref_slice %arg10[%dma_wait3A_50, %dma_wait3A_51] : memref<10240x16xf32, #tpu.memory_space<vmem_shared>> -> memref<10240x16xf32, #tpu.memory_space<vmem_shared>>
        tpu.wait_indirect_dma semaphore(%run_scoped3A : memref<!tpu.dma_semaphore, #tpu.memory_space<semaphore_mem>>) src(%arg16 : memref<80x16xf32, #tpu.memory_space<vmem>>) dst(%dma_wait3A_52 : memref<10240x16xf32, #tpu.memory_space<vmem_shared>>)
        tpu.yield
      }) : () -> ()
    }
    %scan3A_9 = arith.constant 125 : i32
    %barrier3A_10 = arith.constant 0 : index
    tpu.barrier barrier_id(%barrier3A_10)
    "tpu.region"() ({
      %run_scoped3A = tpu.sem_alloc : memref<!tpu.dma_semaphore, #tpu.memory_space<semaphore_mem>>
      %dma_start3A = arith.constant 0 : i32
      %dma_start3A_11 = tpu.memref_slice %arg9[%arg0, %mul3A_2, %dma_start3A] : memref<2x10240x16xf32, #tpu.memory_space<hbm>> -> memref<1x640x16xf32, #tpu.memory_space<hbm>>
      %dma_start3A_12 = tpu.memref_squeeze %dma_start3A_11 : memref<1x640x16xf32, #tpu.memory_space<hbm>> -> memref<640x16xf32, #tpu.memory_space<hbm>>
      %dma_start3A_13 = arith.constant 0 : i32
      %dma_start3A_14 = tpu.memref_slice %arg10[%mul3A_2, %dma_start3A_13] : memref<10240x16xf32, #tpu.memory_space<vmem_shared>> -> memref<640x16xf32, #tpu.memory_space<vmem_shared>>
      tpu.enqueue_dma source(%dma_start3A_14 : memref<640x16xf32, #tpu.memory_space<vmem_shared>>) target(%dma_start3A_12 : memref<640x16xf32, #tpu.memory_space<hbm>>) target_semaphore(%run_scoped3A : memref<!tpu.dma_semaphore, #tpu.memory_space<semaphore_mem>>)
      %dma_wait3A = arith.constant 0 : i32
      %dma_wait3A_15 = tpu.memref_slice %arg9[%arg0, %mul3A_2, %dma_wait3A] : memref<2x10240x16xf32, #tpu.memory_space<hbm>> -> memref<1x640x16xf32, #tpu.memory_space<hbm>>
      %dma_wait3A_16 = tpu.memref_squeeze %dma_wait3A_15 : memref<1x640x16xf32, #tpu.memory_space<hbm>> -> memref<640x16xf32, #tpu.memory_space<hbm>>
      %dma_wait3A_17 = arith.constant 0 : i32
      %dma_wait3A_18 = tpu.memref_slice %arg10[%mul3A_2, %dma_wait3A_17] : memref<10240x16xf32, #tpu.memory_space<vmem_shared>> -> memref<640x16xf32, #tpu.memory_space<vmem_shared>>
      tpu.wait_dma2 semaphore(%run_scoped3A : memref<!tpu.dma_semaphore, #tpu.memory_space<semaphore_mem>>) src(%dma_wait3A_18 : memref<640x16xf32, #tpu.memory_space<vmem_shared>>) dst(%dma_wait3A_16 : memref<640x16xf32, #tpu.memory_space<hbm>>)
      tpu.yield
    }) : () -> ()
    return
  }
}

#map = affine_map<(d0, d1) -> (0)>
#map1 = affine_map<(d0, d1) -> (0, 0)>
#map2 = affine_map<(d0, d1) -> (0, 0, 0)>
module attributes {stable_mosaic.version = 14 : i64} {
  func.func @_sc_msg_body(%arg0: i32, %arg1: i32, %arg2: memref<320000xi32, #tpu.memory_space<hbm>>, %arg3: memref<320000xi32, #tpu.memory_space<hbm>>, %arg4: memref<320000x16xf32, #tpu.memory_space<hbm>>, %arg5: memref<10240x16xf32, #tpu.memory_space<hbm>>, %arg6: memref<10240x16xf32, #tpu.memory_space<hbm>>, %arg7: memref<10000x128xf32, #tpu.memory_space<hbm>>, %arg8: memref<10240x128xf32, #tpu.memory_space<hbm>>, %arg9: memref<2x10240x128xf32, #tpu.memory_space<hbm>>, %arg10: memref<10240x128xf32, #tpu.memory_space<vmem_shared>>, %arg11: memref<10240x16xf32, #tpu.memory_space<vmem_shared>>, %arg12: memref<80xi32, #tpu.memory_space<vmem>>, %arg13: memref<80xi32, #tpu.memory_space<vmem>>, %arg14: memref<80x16xf32, #tpu.memory_space<vmem>>, %arg15: memref<640x16xf32, #tpu.memory_space<vmem>>, %arg16: memref<640x16xf32, #tpu.memory_space<vmem>>, %arg17: memref<80x16xf32, #tpu.memory_space<vmem>>, %arg18: memref<80x128xf32, #tpu.memory_space<vmem>>, %arg19: memref<!tpu.dma_semaphore, #tpu.memory_space<semaphore_mem>>, %arg20: memref<!tpu.dma_semaphore, #tpu.memory_space<semaphore_mem>>) attributes {dimension_semantics = [#tpu.dimension_semantics<core_parallel>, #tpu.dimension_semantics<subcore_parallel>], iteration_bounds = array<i64: 2, 16>, scalar_prefetch = 0 : i64, scratch_operands = 11 : i64, tpu.core_type = #tpu.core_type<sc_vector_subcore>, window_params = [{transform_indices = #map}, {transform_indices = #map}, {transform_indices = #map1}, {transform_indices = #map1}, {transform_indices = #map1}, {transform_indices = #map1}, {transform_indices = #map1}, {transform_indices = #map2}]} {
    %mul3A = arith.constant 2 : i32
    %mul3A_0 = arith.muli %arg1, %mul3A : i32
    %add3A = arith.addi %mul3A_0, %arg0 : i32
    %mul3A_1 = arith.constant 640 : i32
    %mul3A_2 = arith.muli %arg1, %mul3A_1 : i32
    "tpu.region"() ({
      %run_scoped3A = tpu.sem_alloc : memref<!tpu.dma_semaphore, #tpu.memory_space<semaphore_mem>>
      %dma_start3A = arith.constant 0 : i32
      %dma_start3A_17 = tpu.memref_slice %arg10[%mul3A_2, %dma_start3A] : memref<10240x128xf32, #tpu.memory_space<vmem_shared>> -> memref<640x128xf32, #tpu.memory_space<vmem_shared>>
      %dma_start3A_18 = arith.constant 0 : i32
      %dma_start3A_19 = tpu.memref_slice %arg8[%mul3A_2, %dma_start3A_18] : memref<10240x128xf32, #tpu.memory_space<hbm>> -> memref<640x128xf32, #tpu.memory_space<hbm>>
      tpu.enqueue_dma source(%dma_start3A_19 : memref<640x128xf32, #tpu.memory_space<hbm>>) target(%dma_start3A_17 : memref<640x128xf32, #tpu.memory_space<vmem_shared>>) target_semaphore(%run_scoped3A : memref<!tpu.dma_semaphore, #tpu.memory_space<semaphore_mem>>)
      %dma_wait3A = arith.constant 0 : i32
      %dma_wait3A_20 = tpu.memref_slice %arg10[%mul3A_2, %dma_wait3A] : memref<10240x128xf32, #tpu.memory_space<vmem_shared>> -> memref<640x128xf32, #tpu.memory_space<vmem_shared>>
      %dma_wait3A_21 = arith.constant 0 : i32
      %dma_wait3A_22 = tpu.memref_slice %arg8[%mul3A_2, %dma_wait3A_21] : memref<10240x128xf32, #tpu.memory_space<hbm>> -> memref<640x128xf32, #tpu.memory_space<hbm>>
      tpu.wait_dma2 semaphore(%run_scoped3A : memref<!tpu.dma_semaphore, #tpu.memory_space<semaphore_mem>>) src(%dma_wait3A_22 : memref<640x128xf32, #tpu.memory_space<hbm>>) dst(%dma_wait3A_20 : memref<640x128xf32, #tpu.memory_space<vmem_shared>>)
      tpu.yield
    }) : () -> ()
    "tpu.region"() ({
      %run_scoped3A = tpu.sem_alloc : memref<!tpu.dma_semaphore, #tpu.memory_space<semaphore_mem>>
      %dma_start3A = arith.constant 0 : i32
      %dma_start3A_17 = tpu.memref_slice %arg5[%mul3A_2, %dma_start3A] : memref<10240x16xf32, #tpu.memory_space<hbm>> -> memref<640x16xf32, #tpu.memory_space<hbm>>
      %dma_start3A_18 = arith.constant 0 : i32
      %dma_start3A_19 = tpu.memref_slice %arg5[%mul3A_2, %dma_start3A_18] : memref<10240x16xf32, #tpu.memory_space<hbm>> -> memref<640x16xf32, #tpu.memory_space<hbm>>
      tpu.enqueue_dma source(%dma_start3A_19 : memref<640x16xf32, #tpu.memory_space<hbm>>) target(%arg15 : memref<640x16xf32, #tpu.memory_space<vmem>>) target_semaphore(%run_scoped3A : memref<!tpu.dma_semaphore, #tpu.memory_space<semaphore_mem>>)
      %dma_wait3A = arith.constant 0 : i32
      %dma_wait3A_20 = tpu.memref_slice %arg5[%mul3A_2, %dma_wait3A] : memref<10240x16xf32, #tpu.memory_space<hbm>> -> memref<640x16xf32, #tpu.memory_space<hbm>>
      %dma_wait3A_21 = arith.constant 0 : i32
      %dma_wait3A_22 = tpu.memref_slice %arg5[%mul3A_2, %dma_wait3A_21] : memref<10240x16xf32, #tpu.memory_space<hbm>> -> memref<640x16xf32, #tpu.memory_space<hbm>>
      tpu.wait_dma2 semaphore(%run_scoped3A : memref<!tpu.dma_semaphore, #tpu.memory_space<semaphore_mem>>) src(%dma_wait3A_22 : memref<640x16xf32, #tpu.memory_space<hbm>>) dst(%arg15 : memref<640x16xf32, #tpu.memory_space<vmem>>)
      tpu.yield
    }) : () -> ()
    "tpu.region"() ({
      %run_scoped3A = tpu.sem_alloc : memref<!tpu.dma_semaphore, #tpu.memory_space<semaphore_mem>>
      %dma_start3A = arith.constant 0 : i32
      %dma_start3A_17 = tpu.memref_slice %arg6[%mul3A_2, %dma_start3A] : memref<10240x16xf32, #tpu.memory_space<hbm>> -> memref<640x16xf32, #tpu.memory_space<hbm>>
      %dma_start3A_18 = arith.constant 0 : i32
      %dma_start3A_19 = tpu.memref_slice %arg6[%mul3A_2, %dma_start3A_18] : memref<10240x16xf32, #tpu.memory_space<hbm>> -> memref<640x16xf32, #tpu.memory_space<hbm>>
      tpu.enqueue_dma source(%dma_start3A_19 : memref<640x16xf32, #tpu.memory_space<hbm>>) target(%arg16 : memref<640x16xf32, #tpu.memory_space<vmem>>) target_semaphore(%run_scoped3A : memref<!tpu.dma_semaphore, #tpu.memory_space<semaphore_mem>>)
      %dma_wait3A = arith.constant 0 : i32
      %dma_wait3A_20 = tpu.memref_slice %arg6[%mul3A_2, %dma_wait3A] : memref<10240x16xf32, #tpu.memory_space<hbm>> -> memref<640x16xf32, #tpu.memory_space<hbm>>
      %dma_wait3A_21 = arith.constant 0 : i32
      %dma_wait3A_22 = tpu.memref_slice %arg6[%mul3A_2, %dma_wait3A_21] : memref<10240x16xf32, #tpu.memory_space<hbm>> -> memref<640x16xf32, #tpu.memory_space<hbm>>
      tpu.wait_dma2 semaphore(%run_scoped3A : memref<!tpu.dma_semaphore, #tpu.memory_space<semaphore_mem>>) src(%dma_wait3A_22 : memref<640x16xf32, #tpu.memory_space<hbm>>) dst(%arg16 : memref<640x16xf32, #tpu.memory_space<vmem>>)
      tpu.yield
    }) : () -> ()
    %scan3A = arith.constant 0 : i32
    %scan3A_3 = arith.constant 0 : i32
    %scan3A_4 = arith.constant 640 : i32
    %scan3A_5 = arith.addi %scan3A_3, %scan3A_4 : i32
    %scan3A_6 = arith.constant 1 : i32
    scf.for %scan3A_17 = %scan3A_3 to %scan3A_5 step %scan3A_6  : i32 {
      %get3A = arith.index_cast %scan3A_17 : i32 to index
      %get3A_18 = arith.constant 0 : index
      %get3A_19 = tpu.vector_load %arg15[%get3A, %get3A_18] {strides = array<i32>} : memref<640x16xf32, #tpu.memory_space<vmem>>, vector<1x16xf32>,
      %get3A_20 = vector.shape_cast %get3A_19 : vector<1x16xf32> to vector<16xf32>
      %get3A_21 = arith.index_cast %scan3A_17 : i32 to index
      %get3A_22 = arith.constant 0 : index
      %get3A_23 = tpu.vector_load %arg16[%get3A_21, %get3A_22] {strides = array<i32>} : memref<640x16xf32, #tpu.memory_space<vmem>>, vector<1x16xf32>,
      %get3A_24 = vector.shape_cast %get3A_23 : vector<1x16xf32> to vector<16xf32>
      %add3A_25 = arith.addf %get3A_20, %get3A_24 : vector<16xf32>
      %swap3A = arith.index_cast %scan3A_17 : i32 to index
      %swap3A_26 = arith.constant 0 : index
      %swap3A_27 = tpu.vector_load %arg15[%swap3A, %swap3A_26] {strides = array<i32>} : memref<640x16xf32, #tpu.memory_space<vmem>>, vector<1x16xf32>,
      %swap3A_28 = vector.shape_cast %swap3A_27 : vector<1x16xf32> to vector<16xf32>
      %swap3A_29 = vector.shape_cast %add3A_25 : vector<16xf32> to vector<1x16xf32>
      tpu.vector_store %arg15[%swap3A, %swap3A_26], %swap3A_29 {strides = array<i32>} : memref<640x16xf32, #tpu.memory_space<vmem>>, vector<1x16xf32>,
    }
    %scan3A_7 = arith.constant 640 : i32
    "tpu.region"() ({
      %run_scoped3A = tpu.sem_alloc : memref<!tpu.dma_semaphore, #tpu.memory_space<semaphore_mem>>
      %dma_start3A = arith.constant 0 : i32
      %dma_start3A_17 = tpu.memref_slice %arg11[%mul3A_2, %dma_start3A] : memref<10240x16xf32, #tpu.memory_space<vmem_shared>> -> memref<640x16xf32, #tpu.memory_space<vmem_shared>>
      %dma_start3A_18 = arith.constant 0 : i32
      %dma_start3A_19 = tpu.memref_slice %arg11[%mul3A_2, %dma_start3A_18] : memref<10240x16xf32, #tpu.memory_space<vmem_shared>> -> memref<640x16xf32, #tpu.memory_space<vmem_shared>>
      tpu.enqueue_dma source(%arg15 : memref<640x16xf32, #tpu.memory_space<vmem>>) target(%dma_start3A_19 : memref<640x16xf32, #tpu.memory_space<vmem_shared>>) target_semaphore(%run_scoped3A : memref<!tpu.dma_semaphore, #tpu.memory_space<semaphore_mem>>)
      %dma_wait3A = arith.constant 0 : i32
      %dma_wait3A_20 = tpu.memref_slice %arg11[%mul3A_2, %dma_wait3A] : memref<10240x16xf32, #tpu.memory_space<vmem_shared>> -> memref<640x16xf32, #tpu.memory_space<vmem_shared>>
      %dma_wait3A_21 = arith.constant 0 : i32
      %dma_wait3A_22 = tpu.memref_slice %arg11[%mul3A_2, %dma_wait3A_21] : memref<10240x16xf32, #tpu.memory_space<vmem_shared>> -> memref<640x16xf32, #tpu.memory_space<vmem_shared>>
      tpu.wait_dma2 semaphore(%run_scoped3A : memref<!tpu.dma_semaphore, #tpu.memory_space<semaphore_mem>>) src(%arg15 : memref<640x16xf32, #tpu.memory_space<vmem>>) dst(%dma_wait3A_22 : memref<640x16xf32, #tpu.memory_space<vmem_shared>>)
      tpu.yield
    }) : () -> ()
    %barrier3A = arith.constant 0 : index
    tpu.barrier barrier_id(%barrier3A)
    %mul3A_8 = arith.constant 10000 : i32
    %mul3A_9 = arith.muli %add3A, %mul3A_8 : i32
    %scan3A_10 = arith.constant 0 : i32
    %scan3A_11 = arith.constant 0 : i32
    %scan3A_12 = arith.constant 125 : i32
    %scan3A_13 = arith.addi %scan3A_11, %scan3A_12 : i32
    %scan3A_14 = arith.constant 1 : i32
    scf.for %scan3A_17 = %scan3A_11 to %scan3A_13 step %scan3A_14  : i32 {
      %mul3A_18 = arith.constant 80 : i32
      %mul3A_19 = arith.muli %scan3A_17, %mul3A_18 : i32
      %add3A_20 = arith.addi %mul3A_9, %mul3A_19 : i32
      %dma_start3A = tpu.memref_slice %arg2[%add3A_20] : memref<320000xi32, #tpu.memory_space<hbm>> -> memref<80xi32, #tpu.memory_space<hbm>>
      %dma_start3A_21 = tpu.memref_slice %arg2[%add3A_20] : memref<320000xi32, #tpu.memory_space<hbm>> -> memref<80xi32, #tpu.memory_space<hbm>>
      tpu.enqueue_dma source(%dma_start3A_21 : memref<80xi32, #tpu.memory_space<hbm>>) target(%arg12 : memref<80xi32, #tpu.memory_space<vmem>>) target_semaphore(%arg19 : memref<!tpu.dma_semaphore, #tpu.memory_space<semaphore_mem>>)
      %dma_start3A_22 = tpu.memref_slice %arg3[%add3A_20] : memref<320000xi32, #tpu.memory_space<hbm>> -> memref<80xi32, #tpu.memory_space<hbm>>
      %dma_start3A_23 = tpu.memref_slice %arg3[%add3A_20] : memref<320000xi32, #tpu.memory_space<hbm>> -> memref<80xi32, #tpu.memory_space<hbm>>
      tpu.enqueue_dma source(%dma_start3A_23 : memref<80xi32, #tpu.memory_space<hbm>>) target(%arg13 : memref<80xi32, #tpu.memory_space<vmem>>) target_semaphore(%arg19 : memref<!tpu.dma_semaphore, #tpu.memory_space<semaphore_mem>>)
      %dma_start3A_24 = arith.constant 0 : i32
      %dma_start3A_25 = tpu.memref_slice %arg4[%add3A_20, %dma_start3A_24] : memref<320000x16xf32, #tpu.memory_space<hbm>> -> memref<80x16xf32, #tpu.memory_space<hbm>>
      %dma_start3A_26 = arith.constant 0 : i32
      %dma_start3A_27 = tpu.memref_slice %arg4[%add3A_20, %dma_start3A_26] : memref<320000x16xf32, #tpu.memory_space<hbm>> -> memref<80x16xf32, #tpu.memory_space<hbm>>
      tpu.enqueue_dma source(%dma_start3A_27 : memref<80x16xf32, #tpu.memory_space<hbm>>) target(%arg14 : memref<80x16xf32, #tpu.memory_space<vmem>>) target_semaphore(%arg20 : memref<!tpu.dma_semaphore, #tpu.memory_space<semaphore_mem>>)
      %dma_wait3A = tpu.memref_slice %arg2[%add3A_20] : memref<320000xi32, #tpu.memory_space<hbm>> -> memref<80xi32, #tpu.memory_space<hbm>>
      %dma_wait3A_28 = tpu.memref_slice %arg2[%add3A_20] : memref<320000xi32, #tpu.memory_space<hbm>> -> memref<80xi32, #tpu.memory_space<hbm>>
      tpu.wait_dma2 semaphore(%arg19 : memref<!tpu.dma_semaphore, #tpu.memory_space<semaphore_mem>>) src(%dma_wait3A_28 : memref<80xi32, #tpu.memory_space<hbm>>) dst(%arg12 : memref<80xi32, #tpu.memory_space<vmem>>)
      %dma_wait3A_29 = tpu.memref_slice %arg3[%add3A_20] : memref<320000xi32, #tpu.memory_space<hbm>> -> memref<80xi32, #tpu.memory_space<hbm>>
      %dma_wait3A_30 = tpu.memref_slice %arg3[%add3A_20] : memref<320000xi32, #tpu.memory_space<hbm>> -> memref<80xi32, #tpu.memory_space<hbm>>
      tpu.wait_dma2 semaphore(%arg19 : memref<!tpu.dma_semaphore, #tpu.memory_space<semaphore_mem>>) src(%dma_wait3A_30 : memref<80xi32, #tpu.memory_space<hbm>>) dst(%arg13 : memref<80xi32, #tpu.memory_space<vmem>>)
      %dma_start3A_31 = arith.constant 0 : i32
      %dma_start3A_32 = arith.constant 0 : i32
      %dma_start3A_33 = tpu.memref_slice %arg7[%dma_start3A_31, %dma_start3A_32] : memref<10000x128xf32, #tpu.memory_space<hbm>> -> memref<10000x128xf32, #tpu.memory_space<hbm>>
      tpu.enqueue_indirect_dma source(%dma_start3A_33 : memref<10000x128xf32, #tpu.memory_space<hbm>>) target(%arg18 : memref<80x128xf32, #tpu.memory_space<vmem>>) offsets(%arg12 : memref<80xi32, #tpu.memory_space<vmem>>) semaphore(%arg19 : memref<!tpu.dma_semaphore, #tpu.memory_space<semaphore_mem>>)
      %dma_start3A_34 = arith.constant 0 : i32
      %dma_start3A_35 = arith.constant 0 : i32
      %dma_start3A_36 = tpu.memref_slice %arg11[%dma_start3A_34, %dma_start3A_35] : memref<10240x16xf32, #tpu.memory_space<vmem_shared>> -> memref<10240x16xf32, #tpu.memory_space<vmem_shared>>
      tpu.enqueue_indirect_dma source(%dma_start3A_36 : memref<10240x16xf32, #tpu.memory_space<vmem_shared>>) target(%arg17 : memref<80x16xf32, #tpu.memory_space<vmem>>) offsets(%arg13 : memref<80xi32, #tpu.memory_space<vmem>>) semaphore(%arg20 : memref<!tpu.dma_semaphore, #tpu.memory_space<semaphore_mem>>)
      %dma_wait3A_37 = arith.constant 0 : i32
      %dma_wait3A_38 = tpu.memref_slice %arg4[%add3A_20, %dma_wait3A_37] : memref<320000x16xf32, #tpu.memory_space<hbm>> -> memref<80x16xf32, #tpu.memory_space<hbm>>
      %dma_wait3A_39 = arith.constant 0 : i32
      %dma_wait3A_40 = tpu.memref_slice %arg4[%add3A_20, %dma_wait3A_39] : memref<320000x16xf32, #tpu.memory_space<hbm>> -> memref<80x16xf32, #tpu.memory_space<hbm>>
      tpu.wait_dma2 semaphore(%arg20 : memref<!tpu.dma_semaphore, #tpu.memory_space<semaphore_mem>>) src(%dma_wait3A_40 : memref<80x16xf32, #tpu.memory_space<hbm>>) dst(%arg14 : memref<80x16xf32, #tpu.memory_space<vmem>>)
      %dma_wait3A_41 = arith.constant 0 : i32
      %dma_wait3A_42 = arith.constant 0 : i32
      %dma_wait3A_43 = tpu.memref_slice %arg11[%dma_wait3A_41, %dma_wait3A_42] : memref<10240x16xf32, #tpu.memory_space<vmem_shared>> -> memref<10240x16xf32, #tpu.memory_space<vmem_shared>>
      tpu.wait_indirect_dma semaphore(%arg20 : memref<!tpu.dma_semaphore, #tpu.memory_space<semaphore_mem>>) src(%dma_wait3A_43 : memref<10240x16xf32, #tpu.memory_space<vmem_shared>>) dst(%arg17 : memref<80x16xf32, #tpu.memory_space<vmem>>)
      %dma_wait3A_44 = arith.constant 0 : i32
      %dma_wait3A_45 = arith.constant 0 : i32
      %dma_wait3A_46 = tpu.memref_slice %arg7[%dma_wait3A_44, %dma_wait3A_45] : memref<10000x128xf32, #tpu.memory_space<hbm>> -> memref<10000x128xf32, #tpu.memory_space<hbm>>
      tpu.wait_indirect_dma semaphore(%arg19 : memref<!tpu.dma_semaphore, #tpu.memory_space<semaphore_mem>>) src(%dma_wait3A_46 : memref<10000x128xf32, #tpu.memory_space<hbm>>) dst(%arg18 : memref<80x128xf32, #tpu.memory_space<vmem>>)
      %scan3A_47 = arith.constant 0 : i32
      %scan3A_48 = arith.constant 0 : i32
      %scan3A_49 = arith.constant 80 : i32
      %scan3A_50 = arith.addi %scan3A_48, %scan3A_49 : i32
      %scan3A_51 = arith.constant 1 : i32
      scf.for %scan3A_53 = %scan3A_48 to %scan3A_50 step %scan3A_51  : i32 {
        %get3A = arith.index_cast %scan3A_53 : i32 to index
        %get3A_54 = arith.constant 0 : index
        %get3A_55 = tpu.vector_load %arg14[%get3A, %get3A_54] {strides = array<i32>} : memref<80x16xf32, #tpu.memory_space<vmem>>, vector<1x16xf32>,
        %get3A_56 = vector.shape_cast %get3A_55 : vector<1x16xf32> to vector<16xf32>
        %get3A_57 = arith.index_cast %scan3A_53 : i32 to index
        %get3A_58 = arith.constant 0 : index
        %get3A_59 = tpu.vector_load %arg17[%get3A_57, %get3A_58] {strides = array<i32>} : memref<80x16xf32, #tpu.memory_space<vmem>>, vector<1x16xf32>,
        %get3A_60 = vector.shape_cast %get3A_59 : vector<1x16xf32> to vector<16xf32>
        %add3A_61 = arith.constant 1.000000e-16 : f32
        %add3A_62 = vector.broadcast %add3A_61 : f32 to vector<16xf32>
        %add3A_63 = arith.addf %get3A_60, %add3A_62 : vector<16xf32>
        %div3A = arith.divf %get3A_56, %add3A_63 : vector<16xf32>
        %slice3A = vector.extract_strided_slice %div3A {offsets = [0], sizes = [1], strides = [1]} : vector<16xf32> to vector<1xf32>
        %squeeze3A = vector.extract %slice3A[0] : f32 from vector<1xf32>
        %get3A_64 = arith.index_cast %scan3A_53 : i32 to index
        %get3A_65 = arith.constant 0 : index
        %get3A_66 = tpu.vector_load %arg18[%get3A_64, %get3A_65] {strides = array<i32>} : memref<80x128xf32, #tpu.memory_space<vmem>>, vector<1x16xf32>,
        %get3A_67 = vector.shape_cast %get3A_66 : vector<1x16xf32> to vector<16xf32>
        %mul3A_68 = vector.broadcast %squeeze3A : f32 to vector<16xf32>
        %mul3A_69 = arith.mulf %get3A_67, %mul3A_68 : vector<16xf32>
        %swap3A = arith.index_cast %scan3A_53 : i32 to index
        %swap3A_70 = arith.constant 0 : index
        %swap3A_71 = tpu.vector_load %arg18[%swap3A, %swap3A_70] {strides = array<i32>} : memref<80x128xf32, #tpu.memory_space<vmem>>, vector<1x16xf32>,
        %swap3A_72 = vector.shape_cast %swap3A_71 : vector<1x16xf32> to vector<16xf32>
        %swap3A_73 = vector.shape_cast %mul3A_69 : vector<16xf32> to vector<1x16xf32>
        tpu.vector_store %arg18[%swap3A, %swap3A_70], %swap3A_73 {strides = array<i32>} : memref<80x128xf32, #tpu.memory_space<vmem>>, vector<1x16xf32>,
        %slice3A_74 = vector.extract_strided_slice %div3A {offsets = [1], sizes = [1], strides = [1]} : vector<16xf32> to vector<1xf32>
        %squeeze3A_75 = vector.extract %slice3A_74[0] : f32 from vector<1xf32>
        %get3A_76 = arith.index_cast %scan3A_53 : i32 to index
        %get3A_77 = arith.constant 16 : index
        %get3A_78 = tpu.vector_load %arg18[%get3A_76, %get3A_77] {strides = array<i32>} : memref<80x128xf32, #tpu.memory_space<vmem>>, vector<1x16xf32>,
        %get3A_79 = vector.shape_cast %get3A_78 : vector<1x16xf32> to vector<16xf32>
        %mul3A_80 = vector.broadcast %squeeze3A_75 : f32 to vector<16xf32>
        %mul3A_81 = arith.mulf %get3A_79, %mul3A_80 : vector<16xf32>
        %swap3A_82 = arith.index_cast %scan3A_53 : i32 to index
        %swap3A_83 = arith.constant 16 : index
        %swap3A_84 = tpu.vector_load %arg18[%swap3A_82, %swap3A_83] {strides = array<i32>} : memref<80x128xf32, #tpu.memory_space<vmem>>, vector<1x16xf32>,
        %swap3A_85 = vector.shape_cast %swap3A_84 : vector<1x16xf32> to vector<16xf32>
        %swap3A_86 = vector.shape_cast %mul3A_81 : vector<16xf32> to vector<1x16xf32>
        tpu.vector_store %arg18[%swap3A_82, %swap3A_83], %swap3A_86 {strides = array<i32>} : memref<80x128xf32, #tpu.memory_space<vmem>>, vector<1x16xf32>,
        %slice3A_87 = vector.extract_strided_slice %div3A {offsets = [2], sizes = [1], strides = [1]} : vector<16xf32> to vector<1xf32>
        %squeeze3A_88 = vector.extract %slice3A_87[0] : f32 from vector<1xf32>
        %get3A_89 = arith.index_cast %scan3A_53 : i32 to index
        %get3A_90 = arith.constant 32 : index
        %get3A_91 = tpu.vector_load %arg18[%get3A_89, %get3A_90] {strides = array<i32>} : memref<80x128xf32, #tpu.memory_space<vmem>>, vector<1x16xf32>,
        %get3A_92 = vector.shape_cast %get3A_91 : vector<1x16xf32> to vector<16xf32>
        %mul3A_93 = vector.broadcast %squeeze3A_88 : f32 to vector<16xf32>
        %mul3A_94 = arith.mulf %get3A_92, %mul3A_93 : vector<16xf32>
        %swap3A_95 = arith.index_cast %scan3A_53 : i32 to index
        %swap3A_96 = arith.constant 32 : index
        %swap3A_97 = tpu.vector_load %arg18[%swap3A_95, %swap3A_96] {strides = array<i32>} : memref<80x128xf32, #tpu.memory_space<vmem>>, vector<1x16xf32>,
        %swap3A_98 = vector.shape_cast %swap3A_97 : vector<1x16xf32> to vector<16xf32>
        %swap3A_99 = vector.shape_cast %mul3A_94 : vector<16xf32> to vector<1x16xf32>
        tpu.vector_store %arg18[%swap3A_95, %swap3A_96], %swap3A_99 {strides = array<i32>} : memref<80x128xf32, #tpu.memory_space<vmem>>, vector<1x16xf32>,
        %slice3A_100 = vector.extract_strided_slice %div3A {offsets = [3], sizes = [1], strides = [1]} : vector<16xf32> to vector<1xf32>
        %squeeze3A_101 = vector.extract %slice3A_100[0] : f32 from vector<1xf32>
        %get3A_102 = arith.index_cast %scan3A_53 : i32 to index
        %get3A_103 = arith.constant 48 : index
        %get3A_104 = tpu.vector_load %arg18[%get3A_102, %get3A_103] {strides = array<i32>} : memref<80x128xf32, #tpu.memory_space<vmem>>, vector<1x16xf32>,
        %get3A_105 = vector.shape_cast %get3A_104 : vector<1x16xf32> to vector<16xf32>
        %mul3A_106 = vector.broadcast %squeeze3A_101 : f32 to vector<16xf32>
        %mul3A_107 = arith.mulf %get3A_105, %mul3A_106 : vector<16xf32>
        %swap3A_108 = arith.index_cast %scan3A_53 : i32 to index
        %swap3A_109 = arith.constant 48 : index
        %swap3A_110 = tpu.vector_load %arg18[%swap3A_108, %swap3A_109] {strides = array<i32>} : memref<80x128xf32, #tpu.memory_space<vmem>>, vector<1x16xf32>,
        %swap3A_111 = vector.shape_cast %swap3A_110 : vector<1x16xf32> to vector<16xf32>
        %swap3A_112 = vector.shape_cast %mul3A_107 : vector<16xf32> to vector<1x16xf32>
        tpu.vector_store %arg18[%swap3A_108, %swap3A_109], %swap3A_112 {strides = array<i32>} : memref<80x128xf32, #tpu.memory_space<vmem>>, vector<1x16xf32>,
        %slice3A_113 = vector.extract_strided_slice %div3A {offsets = [4], sizes = [1], strides = [1]} : vector<16xf32> to vector<1xf32>
        %squeeze3A_114 = vector.extract %slice3A_113[0] : f32 from vector<1xf32>
        %get3A_115 = arith.index_cast %scan3A_53 : i32 to index
        %get3A_116 = arith.constant 64 : index
        %get3A_117 = tpu.vector_load %arg18[%get3A_115, %get3A_116] {strides = array<i32>} : memref<80x128xf32, #tpu.memory_space<vmem>>, vector<1x16xf32>,
        %get3A_118 = vector.shape_cast %get3A_117 : vector<1x16xf32> to vector<16xf32>
        %mul3A_119 = vector.broadcast %squeeze3A_114 : f32 to vector<16xf32>
        %mul3A_120 = arith.mulf %get3A_118, %mul3A_119 : vector<16xf32>
        %swap3A_121 = arith.index_cast %scan3A_53 : i32 to index
        %swap3A_122 = arith.constant 64 : index
        %swap3A_123 = tpu.vector_load %arg18[%swap3A_121, %swap3A_122] {strides = array<i32>} : memref<80x128xf32, #tpu.memory_space<vmem>>, vector<1x16xf32>,
        %swap3A_124 = vector.shape_cast %swap3A_123 : vector<1x16xf32> to vector<16xf32>
        %swap3A_125 = vector.shape_cast %mul3A_120 : vector<16xf32> to vector<1x16xf32>
        tpu.vector_store %arg18[%swap3A_121, %swap3A_122], %swap3A_125 {strides = array<i32>} : memref<80x128xf32, #tpu.memory_space<vmem>>, vector<1x16xf32>,
        %slice3A_126 = vector.extract_strided_slice %div3A {offsets = [5], sizes = [1], strides = [1]} : vector<16xf32> to vector<1xf32>
        %squeeze3A_127 = vector.extract %slice3A_126[0] : f32 from vector<1xf32>
        %get3A_128 = arith.index_cast %scan3A_53 : i32 to index
        %get3A_129 = arith.constant 80 : index
        %get3A_130 = tpu.vector_load %arg18[%get3A_128, %get3A_129] {strides = array<i32>} : memref<80x128xf32, #tpu.memory_space<vmem>>, vector<1x16xf32>,
        %get3A_131 = vector.shape_cast %get3A_130 : vector<1x16xf32> to vector<16xf32>
        %mul3A_132 = vector.broadcast %squeeze3A_127 : f32 to vector<16xf32>
        %mul3A_133 = arith.mulf %get3A_131, %mul3A_132 : vector<16xf32>
        %swap3A_134 = arith.index_cast %scan3A_53 : i32 to index
        %swap3A_135 = arith.constant 80 : index
        %swap3A_136 = tpu.vector_load %arg18[%swap3A_134, %swap3A_135] {strides = array<i32>} : memref<80x128xf32, #tpu.memory_space<vmem>>, vector<1x16xf32>,
        %swap3A_137 = vector.shape_cast %swap3A_136 : vector<1x16xf32> to vector<16xf32>
        %swap3A_138 = vector.shape_cast %mul3A_133 : vector<16xf32> to vector<1x16xf32>
        tpu.vector_store %arg18[%swap3A_134, %swap3A_135], %swap3A_138 {strides = array<i32>} : memref<80x128xf32, #tpu.memory_space<vmem>>, vector<1x16xf32>,
        %slice3A_139 = vector.extract_strided_slice %div3A {offsets = [6], sizes = [1], strides = [1]} : vector<16xf32> to vector<1xf32>
        %squeeze3A_140 = vector.extract %slice3A_139[0] : f32 from vector<1xf32>
        %get3A_141 = arith.index_cast %scan3A_53 : i32 to index
        %get3A_142 = arith.constant 96 : index
        %get3A_143 = tpu.vector_load %arg18[%get3A_141, %get3A_142] {strides = array<i32>} : memref<80x128xf32, #tpu.memory_space<vmem>>, vector<1x16xf32>,
        %get3A_144 = vector.shape_cast %get3A_143 : vector<1x16xf32> to vector<16xf32>
        %mul3A_145 = vector.broadcast %squeeze3A_140 : f32 to vector<16xf32>
        %mul3A_146 = arith.mulf %get3A_144, %mul3A_145 : vector<16xf32>
        %swap3A_147 = arith.index_cast %scan3A_53 : i32 to index
        %swap3A_148 = arith.constant 96 : index
        %swap3A_149 = tpu.vector_load %arg18[%swap3A_147, %swap3A_148] {strides = array<i32>} : memref<80x128xf32, #tpu.memory_space<vmem>>, vector<1x16xf32>,
        %swap3A_150 = vector.shape_cast %swap3A_149 : vector<1x16xf32> to vector<16xf32>
        %swap3A_151 = vector.shape_cast %mul3A_146 : vector<16xf32> to vector<1x16xf32>
        tpu.vector_store %arg18[%swap3A_147, %swap3A_148], %swap3A_151 {strides = array<i32>} : memref<80x128xf32, #tpu.memory_space<vmem>>, vector<1x16xf32>,
        %slice3A_152 = vector.extract_strided_slice %div3A {offsets = [7], sizes = [1], strides = [1]} : vector<16xf32> to vector<1xf32>
        %squeeze3A_153 = vector.extract %slice3A_152[0] : f32 from vector<1xf32>
        %get3A_154 = arith.index_cast %scan3A_53 : i32 to index
        %get3A_155 = arith.constant 112 : index
        %get3A_156 = tpu.vector_load %arg18[%get3A_154, %get3A_155] {strides = array<i32>} : memref<80x128xf32, #tpu.memory_space<vmem>>, vector<1x16xf32>,
        %get3A_157 = vector.shape_cast %get3A_156 : vector<1x16xf32> to vector<16xf32>
        %mul3A_158 = vector.broadcast %squeeze3A_153 : f32 to vector<16xf32>
        %mul3A_159 = arith.mulf %get3A_157, %mul3A_158 : vector<16xf32>
        %swap3A_160 = arith.index_cast %scan3A_53 : i32 to index
        %swap3A_161 = arith.constant 112 : index
        %swap3A_162 = tpu.vector_load %arg18[%swap3A_160, %swap3A_161] {strides = array<i32>} : memref<80x128xf32, #tpu.memory_space<vmem>>, vector<1x16xf32>,
        %swap3A_163 = vector.shape_cast %swap3A_162 : vector<1x16xf32> to vector<16xf32>
        %swap3A_164 = vector.shape_cast %mul3A_159 : vector<16xf32> to vector<1x16xf32>
        tpu.vector_store %arg18[%swap3A_160, %swap3A_161], %swap3A_164 {strides = array<i32>} : memref<80x128xf32, #tpu.memory_space<vmem>>, vector<1x16xf32>,
      }
      %scan3A_52 = arith.constant 80 : i32
      "tpu.region"() ({
        %run_scoped3A = tpu.sem_alloc : memref<!tpu.dma_semaphore, #tpu.memory_space<semaphore_mem>>
        %dma_start3A_53 = arith.constant 0 : i32
        %dma_start3A_54 = arith.constant 0 : i32
        %dma_start3A_55 = tpu.memref_slice %arg10[%dma_start3A_53, %dma_start3A_54] : memref<10240x128xf32, #tpu.memory_space<vmem_shared>> -> memref<10240x128xf32, #tpu.memory_space<vmem_shared>>
        tpu.enqueue_indirect_dma source(%arg18 : memref<80x128xf32, #tpu.memory_space<vmem>>) target(%dma_start3A_55 : memref<10240x128xf32, #tpu.memory_space<vmem_shared>>) offsets(%arg13 : memref<80xi32, #tpu.memory_space<vmem>>) semaphore(%run_scoped3A : memref<!tpu.dma_semaphore, #tpu.memory_space<semaphore_mem>>) {add = true}
        %dma_wait3A_56 = arith.constant 0 : i32
        %dma_wait3A_57 = arith.constant 0 : i32
        %dma_wait3A_58 = tpu.memref_slice %arg10[%dma_wait3A_56, %dma_wait3A_57] : memref<10240x128xf32, #tpu.memory_space<vmem_shared>> -> memref<10240x128xf32, #tpu.memory_space<vmem_shared>>
        tpu.wait_indirect_dma semaphore(%run_scoped3A : memref<!tpu.dma_semaphore, #tpu.memory_space<semaphore_mem>>) src(%arg18 : memref<80x128xf32, #tpu.memory_space<vmem>>) dst(%dma_wait3A_58 : memref<10240x128xf32, #tpu.memory_space<vmem_shared>>)
        tpu.yield
      }) : () -> ()
    }
    %scan3A_15 = arith.constant 125 : i32
    %barrier3A_16 = arith.constant 0 : index
    tpu.barrier barrier_id(%barrier3A_16)
    "tpu.region"() ({
      %run_scoped3A = tpu.sem_alloc : memref<!tpu.dma_semaphore, #tpu.memory_space<semaphore_mem>>
      %dma_start3A = arith.constant 0 : i32
      %dma_start3A_17 = tpu.memref_slice %arg9[%arg0, %mul3A_2, %dma_start3A] : memref<2x10240x128xf32, #tpu.memory_space<hbm>> -> memref<1x640x128xf32, #tpu.memory_space<hbm>>
      %dma_start3A_18 = tpu.memref_squeeze %dma_start3A_17 : memref<1x640x128xf32, #tpu.memory_space<hbm>> -> memref<640x128xf32, #tpu.memory_space<hbm>>
      %dma_start3A_19 = arith.constant 0 : i32
      %dma_start3A_20 = tpu.memref_slice %arg10[%mul3A_2, %dma_start3A_19] : memref<10240x128xf32, #tpu.memory_space<vmem_shared>> -> memref<640x128xf32, #tpu.memory_space<vmem_shared>>
      tpu.enqueue_dma source(%dma_start3A_20 : memref<640x128xf32, #tpu.memory_space<vmem_shared>>) target(%dma_start3A_18 : memref<640x128xf32, #tpu.memory_space<hbm>>) target_semaphore(%run_scoped3A : memref<!tpu.dma_semaphore, #tpu.memory_space<semaphore_mem>>)
      %dma_wait3A = arith.constant 0 : i32
      %dma_wait3A_21 = tpu.memref_slice %arg9[%arg0, %mul3A_2, %dma_wait3A] : memref<2x10240x128xf32, #tpu.memory_space<hbm>> -> memref<1x640x128xf32, #tpu.memory_space<hbm>>
      %dma_wait3A_22 = tpu.memref_squeeze %dma_wait3A_21 : memref<1x640x128xf32, #tpu.memory_space<hbm>> -> memref<640x128xf32, #tpu.memory_space<hbm>>
      %dma_wait3A_23 = arith.constant 0 : i32
      %dma_wait3A_24 = tpu.memref_slice %arg10[%mul3A_2, %dma_wait3A_23] : memref<10240x128xf32, #tpu.memory_space<vmem_shared>> -> memref<640x128xf32, #tpu.memory_space<vmem_shared>>
      tpu.wait_dma2 semaphore(%run_scoped3A : memref<!tpu.dma_semaphore, #tpu.memory_space<semaphore_mem>>) src(%dma_wait3A_24 : memref<640x128xf32, #tpu.memory_space<vmem_shared>>) dst(%dma_wait3A_22 : memref<640x128xf32, #tpu.memory_space<hbm>>)
      tpu.yield
    }) : () -> ()
    return
  }
}

#map = affine_map<(d0, d1) -> (0)>
#map1 = affine_map<(d0, d1) -> (0, 0)>
#map2 = affine_map<(d0, d1) -> (0, 0, 0)>
module attributes {stable_mosaic.version = 14 : i64} {
  func.func @_sc_attn_body(%arg0: i32, %arg1: i32, %arg2: memref<320000xi32, #tpu.memory_space<hbm>>, %arg3: memref<320000xi32, #tpu.memory_space<hbm>>, %arg4: memref<320000x16xf32, #tpu.memory_space<hbm>>, %arg5: memref<10000x16xf32, #tpu.memory_space<hbm>>, %arg6: memref<10000x16xf32, #tpu.memory_space<hbm>>, %arg7: memref<10240x16xf32, #tpu.memory_space<hbm>>, %arg8: memref<320000x16xf32, #tpu.memory_space<hbm>>, %arg9: memref<2x10240x16xf32, #tpu.memory_space<hbm>>, %arg10: memref<10240x16xf32, #tpu.memory_space<vmem_shared>>, %arg11: memref<80xi32, #tpu.memory_space<vmem>>, %arg12: memref<80xi32, #tpu.memory_space<vmem>>, %arg13: memref<80x16xf32, #tpu.memory_space<vmem>>, %arg14: memref<80x16xf32, #tpu.memory_space<vmem>>, %arg15: memref<80x16xf32, #tpu.memory_space<vmem>>, %arg16: memref<80x16xf32, #tpu.memory_space<vmem>>, %arg17: memref<!tpu.dma_semaphore, #tpu.memory_space<semaphore_mem>>, %arg18: memref<!tpu.dma_semaphore, #tpu.memory_space<semaphore_mem>>) attributes {dimension_semantics = [#tpu.dimension_semantics<core_parallel>, #tpu.dimension_semantics<subcore_parallel>], iteration_bounds = array<i64: 2, 16>, scalar_prefetch = 0 : i64, scratch_operands = 9 : i64, tpu.core_type = #tpu.core_type<sc_vector_subcore>, window_params = [{transform_indices = #map}, {transform_indices = #map}, {transform_indices = #map1}, {transform_indices = #map1}, {transform_indices = #map1}, {transform_indices = #map1}, {transform_indices = #map1}, {transform_indices = #map2}]} {
    %mul3A = arith.constant 2 : i32
    %mul3A_0 = arith.muli %arg1, %mul3A : i32
    %add3A = arith.addi %mul3A_0, %arg0 : i32
    %mul3A_1 = arith.constant 640 : i32
    %mul3A_2 = arith.muli %arg1, %mul3A_1 : i32
    "tpu.region"() ({
      %run_scoped3A = tpu.sem_alloc : memref<!tpu.dma_semaphore, #tpu.memory_space<semaphore_mem>>
      %dma_start3A = arith.constant 0 : i32
      %dma_start3A_11 = tpu.memref_slice %arg10[%mul3A_2, %dma_start3A] : memref<10240x16xf32, #tpu.memory_space<vmem_shared>> -> memref<640x16xf32, #tpu.memory_space<vmem_shared>>
      %dma_start3A_12 = arith.constant 0 : i32
      %dma_start3A_13 = tpu.memref_slice %arg7[%mul3A_2, %dma_start3A_12] : memref<10240x16xf32, #tpu.memory_space<hbm>> -> memref<640x16xf32, #tpu.memory_space<hbm>>
      tpu.enqueue_dma source(%dma_start3A_13 : memref<640x16xf32, #tpu.memory_space<hbm>>) target(%dma_start3A_11 : memref<640x16xf32, #tpu.memory_space<vmem_shared>>) target_semaphore(%run_scoped3A : memref<!tpu.dma_semaphore, #tpu.memory_space<semaphore_mem>>)
      %dma_wait3A = arith.constant 0 : i32
      %dma_wait3A_14 = tpu.memref_slice %arg10[%mul3A_2, %dma_wait3A] : memref<10240x16xf32, #tpu.memory_space<vmem_shared>> -> memref<640x16xf32, #tpu.memory_space<vmem_shared>>
      %dma_wait3A_15 = arith.constant 0 : i32
      %dma_wait3A_16 = tpu.memref_slice %arg7[%mul3A_2, %dma_wait3A_15] : memref<10240x16xf32, #tpu.memory_space<hbm>> -> memref<640x16xf32, #tpu.memory_space<hbm>>
      tpu.wait_dma2 semaphore(%run_scoped3A : memref<!tpu.dma_semaphore, #tpu.memory_space<semaphore_mem>>) src(%dma_wait3A_16 : memref<640x16xf32, #tpu.memory_space<hbm>>) dst(%dma_wait3A_14 : memref<640x16xf32, #tpu.memory_space<vmem_shared>>)
      tpu.yield
    }) : () -> ()
    %barrier3A = arith.constant 0 : index
    tpu.barrier barrier_id(%barrier3A)
    %mul3A_3 = arith.constant 10000 : i32
    %mul3A_4 = arith.muli %add3A, %mul3A_3 : i32
    %scan3A = arith.constant 0 : i32
    %scan3A_5 = arith.constant 0 : i32
    %scan3A_6 = arith.constant 125 : i32
    %scan3A_7 = arith.addi %scan3A_5, %scan3A_6 : i32
    %scan3A_8 = arith.constant 1 : i32
    scf.for %scan3A_11 = %scan3A_5 to %scan3A_7 step %scan3A_8  : i32 {
      %mul3A_12 = arith.constant 80 : i32
      %mul3A_13 = arith.muli %scan3A_11, %mul3A_12 : i32
      %add3A_14 = arith.addi %mul3A_4, %mul3A_13 : i32
      %dma_start3A = tpu.memref_slice %arg2[%add3A_14] : memref<320000xi32, #tpu.memory_space<hbm>> -> memref<80xi32, #tpu.memory_space<hbm>>
      %dma_start3A_15 = tpu.memref_slice %arg2[%add3A_14] : memref<320000xi32, #tpu.memory_space<hbm>> -> memref<80xi32, #tpu.memory_space<hbm>>
      tpu.enqueue_dma source(%dma_start3A_15 : memref<80xi32, #tpu.memory_space<hbm>>) target(%arg11 : memref<80xi32, #tpu.memory_space<vmem>>) target_semaphore(%arg17 : memref<!tpu.dma_semaphore, #tpu.memory_space<semaphore_mem>>)
      %dma_start3A_16 = tpu.memref_slice %arg3[%add3A_14] : memref<320000xi32, #tpu.memory_space<hbm>> -> memref<80xi32, #tpu.memory_space<hbm>>
      %dma_start3A_17 = tpu.memref_slice %arg3[%add3A_14] : memref<320000xi32, #tpu.memory_space<hbm>> -> memref<80xi32, #tpu.memory_space<hbm>>
      tpu.enqueue_dma source(%dma_start3A_17 : memref<80xi32, #tpu.memory_space<hbm>>) target(%arg12 : memref<80xi32, #tpu.memory_space<vmem>>) target_semaphore(%arg17 : memref<!tpu.dma_semaphore, #tpu.memory_space<semaphore_mem>>)
      %dma_start3A_18 = arith.constant 0 : i32
      %dma_start3A_19 = tpu.memref_slice %arg4[%add3A_14, %dma_start3A_18] : memref<320000x16xf32, #tpu.memory_space<hbm>> -> memref<80x16xf32, #tpu.memory_space<hbm>>
      %dma_start3A_20 = arith.constant 0 : i32
      %dma_start3A_21 = tpu.memref_slice %arg4[%add3A_14, %dma_start3A_20] : memref<320000x16xf32, #tpu.memory_space<hbm>> -> memref<80x16xf32, #tpu.memory_space<hbm>>
      tpu.enqueue_dma source(%dma_start3A_21 : memref<80x16xf32, #tpu.memory_space<hbm>>) target(%arg15 : memref<80x16xf32, #tpu.memory_space<vmem>>) target_semaphore(%arg18 : memref<!tpu.dma_semaphore, #tpu.memory_space<semaphore_mem>>)
      %dma_wait3A = tpu.memref_slice %arg2[%add3A_14] : memref<320000xi32, #tpu.memory_space<hbm>> -> memref<80xi32, #tpu.memory_space<hbm>>
      %dma_wait3A_22 = tpu.memref_slice %arg2[%add3A_14] : memref<320000xi32, #tpu.memory_space<hbm>> -> memref<80xi32, #tpu.memory_space<hbm>>
      tpu.wait_dma2 semaphore(%arg17 : memref<!tpu.dma_semaphore, #tpu.memory_space<semaphore_mem>>) src(%dma_wait3A_22 : memref<80xi32, #tpu.memory_space<hbm>>) dst(%arg11 : memref<80xi32, #tpu.memory_space<vmem>>)
      %dma_wait3A_23 = tpu.memref_slice %arg3[%add3A_14] : memref<320000xi32, #tpu.memory_space<hbm>> -> memref<80xi32, #tpu.memory_space<hbm>>
      %dma_wait3A_24 = tpu.memref_slice %arg3[%add3A_14] : memref<320000xi32, #tpu.memory_space<hbm>> -> memref<80xi32, #tpu.memory_space<hbm>>
      tpu.wait_dma2 semaphore(%arg17 : memref<!tpu.dma_semaphore, #tpu.memory_space<semaphore_mem>>) src(%dma_wait3A_24 : memref<80xi32, #tpu.memory_space<hbm>>) dst(%arg12 : memref<80xi32, #tpu.memory_space<vmem>>)
      %dma_start3A_25 = arith.constant 0 : i32
      %dma_start3A_26 = arith.constant 0 : i32
      %dma_start3A_27 = tpu.memref_slice %arg5[%dma_start3A_25, %dma_start3A_26] : memref<10000x16xf32, #tpu.memory_space<hbm>> -> memref<10000x16xf32, #tpu.memory_space<hbm>>
      tpu.enqueue_indirect_dma source(%dma_start3A_27 : memref<10000x16xf32, #tpu.memory_space<hbm>>) target(%arg13 : memref<80x16xf32, #tpu.memory_space<vmem>>) offsets(%arg11 : memref<80xi32, #tpu.memory_space<vmem>>) semaphore(%arg17 : memref<!tpu.dma_semaphore, #tpu.memory_space<semaphore_mem>>)
      %dma_start3A_28 = arith.constant 0 : i32
      %dma_start3A_29 = arith.constant 0 : i32
      %dma_start3A_30 = tpu.memref_slice %arg6[%dma_start3A_28, %dma_start3A_29] : memref<10000x16xf32, #tpu.memory_space<hbm>> -> memref<10000x16xf32, #tpu.memory_space<hbm>>
      tpu.enqueue_indirect_dma source(%dma_start3A_30 : memref<10000x16xf32, #tpu.memory_space<hbm>>) target(%arg14 : memref<80x16xf32, #tpu.memory_space<vmem>>) offsets(%arg12 : memref<80xi32, #tpu.memory_space<vmem>>) semaphore(%arg17 : memref<!tpu.dma_semaphore, #tpu.memory_space<semaphore_mem>>)
      %dma_wait3A_31 = arith.constant 0 : i32
      %dma_wait3A_32 = arith.constant 0 : i32
      %dma_wait3A_33 = tpu.memref_slice %arg5[%dma_wait3A_31, %dma_wait3A_32] : memref<10000x16xf32, #tpu.memory_space<hbm>> -> memref<10000x16xf32, #tpu.memory_space<hbm>>
      tpu.wait_indirect_dma semaphore(%arg17 : memref<!tpu.dma_semaphore, #tpu.memory_space<semaphore_mem>>) src(%dma_wait3A_33 : memref<10000x16xf32, #tpu.memory_space<hbm>>) dst(%arg13 : memref<80x16xf32, #tpu.memory_space<vmem>>)
      %dma_wait3A_34 = arith.constant 0 : i32
      %dma_wait3A_35 = arith.constant 0 : i32
      %dma_wait3A_36 = tpu.memref_slice %arg6[%dma_wait3A_34, %dma_wait3A_35] : memref<10000x16xf32, #tpu.memory_space<hbm>> -> memref<10000x16xf32, #tpu.memory_space<hbm>>
      tpu.wait_indirect_dma semaphore(%arg17 : memref<!tpu.dma_semaphore, #tpu.memory_space<semaphore_mem>>) src(%dma_wait3A_36 : memref<10000x16xf32, #tpu.memory_space<hbm>>) dst(%arg14 : memref<80x16xf32, #tpu.memory_space<vmem>>)
      %dma_wait3A_37 = arith.constant 0 : i32
      %dma_wait3A_38 = tpu.memref_slice %arg4[%add3A_14, %dma_wait3A_37] : memref<320000x16xf32, #tpu.memory_space<hbm>> -> memref<80x16xf32, #tpu.memory_space<hbm>>
      %dma_wait3A_39 = arith.constant 0 : i32
      %dma_wait3A_40 = tpu.memref_slice %arg4[%add3A_14, %dma_wait3A_39] : memref<320000x16xf32, #tpu.memory_space<hbm>> -> memref<80x16xf32, #tpu.memory_space<hbm>>
      tpu.wait_dma2 semaphore(%arg18 : memref<!tpu.dma_semaphore, #tpu.memory_space<semaphore_mem>>) src(%dma_wait3A_40 : memref<80x16xf32, #tpu.memory_space<hbm>>) dst(%arg15 : memref<80x16xf32, #tpu.memory_space<vmem>>)
      %scan3A_41 = arith.constant 0 : i32
      %scan3A_42 = arith.constant 0 : i32
      %scan3A_43 = arith.constant 80 : i32
      %scan3A_44 = arith.addi %scan3A_42, %scan3A_43 : i32
      %scan3A_45 = arith.constant 1 : i32
      scf.for %scan3A_47 = %scan3A_42 to %scan3A_44 step %scan3A_45  : i32 {
        %get3A = arith.index_cast %scan3A_47 : i32 to index
        %get3A_48 = arith.constant 0 : index
        %get3A_49 = tpu.vector_load %arg13[%get3A, %get3A_48] {strides = array<i32>} : memref<80x16xf32, #tpu.memory_space<vmem>>, vector<1x16xf32>,
        %get3A_50 = vector.shape_cast %get3A_49 : vector<1x16xf32> to vector<16xf32>
        %get3A_51 = arith.index_cast %scan3A_47 : i32 to index
        %get3A_52 = arith.constant 0 : index
        %get3A_53 = tpu.vector_load %arg14[%get3A_51, %get3A_52] {strides = array<i32>} : memref<80x16xf32, #tpu.memory_space<vmem>>, vector<1x16xf32>,
        %get3A_54 = vector.shape_cast %get3A_53 : vector<1x16xf32> to vector<16xf32>
        %add3A_55 = arith.addf %get3A_50, %get3A_54 : vector<16xf32>
        %get3A_56 = arith.index_cast %scan3A_47 : i32 to index
        %get3A_57 = arith.constant 0 : index
        %get3A_58 = tpu.vector_load %arg15[%get3A_56, %get3A_57] {strides = array<i32>} : memref<80x16xf32, #tpu.memory_space<vmem>>, vector<1x16xf32>,
        %get3A_59 = vector.shape_cast %get3A_58 : vector<1x16xf32> to vector<16xf32>
        %add3A_60 = arith.addf %add3A_55, %get3A_59 : vector<16xf32>
        %ge3A = arith.constant 0.000000e+00 : f32
        %ge3A_61 = vector.broadcast %ge3A : f32 to vector<16xf32>
        %ge3A_62 = arith.cmpf oge, %add3A_60, %ge3A_61 : vector<16xf32>
        %mul3A_63 = arith.constant 2.000000e-01 : f32
        %mul3A_64 = vector.broadcast %mul3A_63 : f32 to vector<16xf32>
        %mul3A_65 = arith.mulf %mul3A_64, %add3A_60 : vector<16xf32>
        %select_n3A = arith.select %ge3A_62, %add3A_60, %mul3A_65 : vector<16xi1>, vector<16xf32>
        %exp3A = math.exp %select_n3A : vector<16xf32>
        %swap3A = arith.index_cast %scan3A_47 : i32 to index
        %swap3A_66 = arith.constant 0 : index
        %swap3A_67 = tpu.vector_load %arg16[%swap3A, %swap3A_66] {strides = array<i32>} : memref<80x16xf32, #tpu.memory_space<vmem>>, vector<1x16xf32>,
        %swap3A_68 = vector.shape_cast %swap3A_67 : vector<1x16xf32> to vector<16xf32>
        %swap3A_69 = vector.shape_cast %exp3A : vector<16xf32> to vector<1x16xf32>
        tpu.vector_store %arg16[%swap3A, %swap3A_66], %swap3A_69 {strides = array<i32>} : memref<80x16xf32, #tpu.memory_space<vmem>>, vector<1x16xf32>,
      }
      %scan3A_46 = arith.constant 80 : i32
      "tpu.region"() ({
        %run_scoped3A = tpu.sem_alloc : memref<!tpu.dma_semaphore, #tpu.memory_space<semaphore_mem>>
        %dma_start3A_47 = arith.constant 0 : i32
        %dma_start3A_48 = tpu.memref_slice %arg8[%add3A_14, %dma_start3A_47] : memref<320000x16xf32, #tpu.memory_space<hbm>> -> memref<80x16xf32, #tpu.memory_space<hbm>>
        %dma_start3A_49 = arith.constant 0 : i32
        %dma_start3A_50 = tpu.memref_slice %arg8[%add3A_14, %dma_start3A_49] : memref<320000x16xf32, #tpu.memory_space<hbm>> -> memref<80x16xf32, #tpu.memory_space<hbm>>
        tpu.enqueue_dma source(%arg16 : memref<80x16xf32, #tpu.memory_space<vmem>>) target(%dma_start3A_50 : memref<80x16xf32, #tpu.memory_space<hbm>>) target_semaphore(%run_scoped3A : memref<!tpu.dma_semaphore, #tpu.memory_space<semaphore_mem>>)
        %dma_wait3A_51 = arith.constant 0 : i32
        %dma_wait3A_52 = tpu.memref_slice %arg8[%add3A_14, %dma_wait3A_51] : memref<320000x16xf32, #tpu.memory_space<hbm>> -> memref<80x16xf32, #tpu.memory_space<hbm>>
        %dma_wait3A_53 = arith.constant 0 : i32
        %dma_wait3A_54 = tpu.memref_slice %arg8[%add3A_14, %dma_wait3A_53] : memref<320000x16xf32, #tpu.memory_space<hbm>> -> memref<80x16xf32, #tpu.memory_space<hbm>>
        tpu.wait_dma2 semaphore(%run_scoped3A : memref<!tpu.dma_semaphore, #tpu.memory_space<semaphore_mem>>) src(%arg16 : memref<80x16xf32, #tpu.memory_space<vmem>>) dst(%dma_wait3A_54 : memref<80x16xf32, #tpu.memory_space<hbm>>)
        tpu.yield
      }) : () -> ()
      "tpu.region"() ({
        %run_scoped3A = tpu.sem_alloc : memref<!tpu.dma_semaphore, #tpu.memory_space<semaphore_mem>>
        %dma_start3A_47 = arith.constant 0 : i32
        %dma_start3A_48 = arith.constant 0 : i32
        %dma_start3A_49 = tpu.memref_slice %arg10[%dma_start3A_47, %dma_start3A_48] : memref<10240x16xf32, #tpu.memory_space<vmem_shared>> -> memref<10240x16xf32, #tpu.memory_space<vmem_shared>>
        tpu.enqueue_indirect_dma source(%arg16 : memref<80x16xf32, #tpu.memory_space<vmem>>) target(%dma_start3A_49 : memref<10240x16xf32, #tpu.memory_space<vmem_shared>>) offsets(%arg12 : memref<80xi32, #tpu.memory_space<vmem>>) semaphore(%run_scoped3A : memref<!tpu.dma_semaphore, #tpu.memory_space<semaphore_mem>>) {add = true}
        %dma_wait3A_50 = arith.constant 0 : i32
        %dma_wait3A_51 = arith.constant 0 : i32
        %dma_wait3A_52 = tpu.memref_slice %arg10[%dma_wait3A_50, %dma_wait3A_51] : memref<10240x16xf32, #tpu.memory_space<vmem_shared>> -> memref<10240x16xf32, #tpu.memory_space<vmem_shared>>
        tpu.wait_indirect_dma semaphore(%run_scoped3A : memref<!tpu.dma_semaphore, #tpu.memory_space<semaphore_mem>>) src(%arg16 : memref<80x16xf32, #tpu.memory_space<vmem>>) dst(%dma_wait3A_52 : memref<10240x16xf32, #tpu.memory_space<vmem_shared>>)
        tpu.yield
      }) : () -> ()
    }
    %scan3A_9 = arith.constant 125 : i32
    %barrier3A_10 = arith.constant 0 : index
    tpu.barrier barrier_id(%barrier3A_10)
    "tpu.region"() ({
      %run_scoped3A = tpu.sem_alloc : memref<!tpu.dma_semaphore, #tpu.memory_space<semaphore_mem>>
      %dma_start3A = arith.constant 0 : i32
      %dma_start3A_11 = tpu.memref_slice %arg9[%arg0, %mul3A_2, %dma_start3A] : memref<2x10240x16xf32, #tpu.memory_space<hbm>> -> memref<1x640x16xf32, #tpu.memory_space<hbm>>
      %dma_start3A_12 = tpu.memref_squeeze %dma_start3A_11 : memref<1x640x16xf32, #tpu.memory_space<hbm>> -> memref<640x16xf32, #tpu.memory_space<hbm>>
      %dma_start3A_13 = arith.constant 0 : i32
      %dma_start3A_14 = tpu.memref_slice %arg10[%mul3A_2, %dma_start3A_13] : memref<10240x16xf32, #tpu.memory_space<vmem_shared>> -> memref<640x16xf32, #tpu.memory_space<vmem_shared>>
      tpu.enqueue_dma source(%dma_start3A_14 : memref<640x16xf32, #tpu.memory_space<vmem_shared>>) target(%dma_start3A_12 : memref<640x16xf32, #tpu.memory_space<hbm>>) target_semaphore(%run_scoped3A : memref<!tpu.dma_semaphore, #tpu.memory_space<semaphore_mem>>)
      %dma_wait3A = arith.constant 0 : i32
      %dma_wait3A_15 = tpu.memref_slice %arg9[%arg0, %mul3A_2, %dma_wait3A] : memref<2x10240x16xf32, #tpu.memory_space<hbm>> -> memref<1x640x16xf32, #tpu.memory_space<hbm>>
      %dma_wait3A_16 = tpu.memref_squeeze %dma_wait3A_15 : memref<1x640x16xf32, #tpu.memory_space<hbm>> -> memref<640x16xf32, #tpu.memory_space<hbm>>
      %dma_wait3A_17 = arith.constant 0 : i32
      %dma_wait3A_18 = tpu.memref_slice %arg10[%mul3A_2, %dma_wait3A_17] : memref<10240x16xf32, #tpu.memory_space<vmem_shared>> -> memref<640x16xf32, #tpu.memory_space<vmem_shared>>
      tpu.wait_dma2 semaphore(%run_scoped3A : memref<!tpu.dma_semaphore, #tpu.memory_space<semaphore_mem>>) src(%dma_wait3A_18 : memref<640x16xf32, #tpu.memory_space<vmem_shared>>) dst(%dma_wait3A_16 : memref<640x16xf32, #tpu.memory_space<hbm>>)
      tpu.yield
    }) : () -> ()
    return
  }
}

#map = affine_map<(d0, d1) -> (0)>
#map1 = affine_map<(d0, d1) -> (0, 0)>
#map2 = affine_map<(d0, d1) -> (0, 0, 0)>
module attributes {stable_mosaic.version = 14 : i64} {
  func.func @_sc_msg_body(%arg0: i32, %arg1: i32, %arg2: memref<320000xi32, #tpu.memory_space<hbm>>, %arg3: memref<320000xi32, #tpu.memory_space<hbm>>, %arg4: memref<320000x16xf32, #tpu.memory_space<hbm>>, %arg5: memref<10240x16xf32, #tpu.memory_space<hbm>>, %arg6: memref<10240x16xf32, #tpu.memory_space<hbm>>, %arg7: memref<10000x128xf32, #tpu.memory_space<hbm>>, %arg8: memref<10240x128xf32, #tpu.memory_space<hbm>>, %arg9: memref<2x10240x128xf32, #tpu.memory_space<hbm>>, %arg10: memref<10240x128xf32, #tpu.memory_space<vmem_shared>>, %arg11: memref<10240x16xf32, #tpu.memory_space<vmem_shared>>, %arg12: memref<80xi32, #tpu.memory_space<vmem>>, %arg13: memref<80xi32, #tpu.memory_space<vmem>>, %arg14: memref<80x16xf32, #tpu.memory_space<vmem>>, %arg15: memref<640x16xf32, #tpu.memory_space<vmem>>, %arg16: memref<640x16xf32, #tpu.memory_space<vmem>>, %arg17: memref<80x16xf32, #tpu.memory_space<vmem>>, %arg18: memref<80x128xf32, #tpu.memory_space<vmem>>, %arg19: memref<!tpu.dma_semaphore, #tpu.memory_space<semaphore_mem>>, %arg20: memref<!tpu.dma_semaphore, #tpu.memory_space<semaphore_mem>>) attributes {dimension_semantics = [#tpu.dimension_semantics<core_parallel>, #tpu.dimension_semantics<subcore_parallel>], iteration_bounds = array<i64: 2, 16>, scalar_prefetch = 0 : i64, scratch_operands = 11 : i64, tpu.core_type = #tpu.core_type<sc_vector_subcore>, window_params = [{transform_indices = #map}, {transform_indices = #map}, {transform_indices = #map1}, {transform_indices = #map1}, {transform_indices = #map1}, {transform_indices = #map1}, {transform_indices = #map1}, {transform_indices = #map2}]} {
    %mul3A = arith.constant 2 : i32
    %mul3A_0 = arith.muli %arg1, %mul3A : i32
    %add3A = arith.addi %mul3A_0, %arg0 : i32
    %mul3A_1 = arith.constant 640 : i32
    %mul3A_2 = arith.muli %arg1, %mul3A_1 : i32
    "tpu.region"() ({
      %run_scoped3A = tpu.sem_alloc : memref<!tpu.dma_semaphore, #tpu.memory_space<semaphore_mem>>
      %dma_start3A = arith.constant 0 : i32
      %dma_start3A_17 = tpu.memref_slice %arg10[%mul3A_2, %dma_start3A] : memref<10240x128xf32, #tpu.memory_space<vmem_shared>> -> memref<640x128xf32, #tpu.memory_space<vmem_shared>>
      %dma_start3A_18 = arith.constant 0 : i32
      %dma_start3A_19 = tpu.memref_slice %arg8[%mul3A_2, %dma_start3A_18] : memref<10240x128xf32, #tpu.memory_space<hbm>> -> memref<640x128xf32, #tpu.memory_space<hbm>>
      tpu.enqueue_dma source(%dma_start3A_19 : memref<640x128xf32, #tpu.memory_space<hbm>>) target(%dma_start3A_17 : memref<640x128xf32, #tpu.memory_space<vmem_shared>>) target_semaphore(%run_scoped3A : memref<!tpu.dma_semaphore, #tpu.memory_space<semaphore_mem>>)
      %dma_wait3A = arith.constant 0 : i32
      %dma_wait3A_20 = tpu.memref_slice %arg10[%mul3A_2, %dma_wait3A] : memref<10240x128xf32, #tpu.memory_space<vmem_shared>> -> memref<640x128xf32, #tpu.memory_space<vmem_shared>>
      %dma_wait3A_21 = arith.constant 0 : i32
      %dma_wait3A_22 = tpu.memref_slice %arg8[%mul3A_2, %dma_wait3A_21] : memref<10240x128xf32, #tpu.memory_space<hbm>> -> memref<640x128xf32, #tpu.memory_space<hbm>>
      tpu.wait_dma2 semaphore(%run_scoped3A : memref<!tpu.dma_semaphore, #tpu.memory_space<semaphore_mem>>) src(%dma_wait3A_22 : memref<640x128xf32, #tpu.memory_space<hbm>>) dst(%dma_wait3A_20 : memref<640x128xf32, #tpu.memory_space<vmem_shared>>)
      tpu.yield
    }) : () -> ()
    "tpu.region"() ({
      %run_scoped3A = tpu.sem_alloc : memref<!tpu.dma_semaphore, #tpu.memory_space<semaphore_mem>>
      %dma_start3A = arith.constant 0 : i32
      %dma_start3A_17 = tpu.memref_slice %arg5[%mul3A_2, %dma_start3A] : memref<10240x16xf32, #tpu.memory_space<hbm>> -> memref<640x16xf32, #tpu.memory_space<hbm>>
      %dma_start3A_18 = arith.constant 0 : i32
      %dma_start3A_19 = tpu.memref_slice %arg5[%mul3A_2, %dma_start3A_18] : memref<10240x16xf32, #tpu.memory_space<hbm>> -> memref<640x16xf32, #tpu.memory_space<hbm>>
      tpu.enqueue_dma source(%dma_start3A_19 : memref<640x16xf32, #tpu.memory_space<hbm>>) target(%arg15 : memref<640x16xf32, #tpu.memory_space<vmem>>) target_semaphore(%run_scoped3A : memref<!tpu.dma_semaphore, #tpu.memory_space<semaphore_mem>>)
      %dma_wait3A = arith.constant 0 : i32
      %dma_wait3A_20 = tpu.memref_slice %arg5[%mul3A_2, %dma_wait3A] : memref<10240x16xf32, #tpu.memory_space<hbm>> -> memref<640x16xf32, #tpu.memory_space<hbm>>
      %dma_wait3A_21 = arith.constant 0 : i32
      %dma_wait3A_22 = tpu.memref_slice %arg5[%mul3A_2, %dma_wait3A_21] : memref<10240x16xf32, #tpu.memory_space<hbm>> -> memref<640x16xf32, #tpu.memory_space<hbm>>
      tpu.wait_dma2 semaphore(%run_scoped3A : memref<!tpu.dma_semaphore, #tpu.memory_space<semaphore_mem>>) src(%dma_wait3A_22 : memref<640x16xf32, #tpu.memory_space<hbm>>) dst(%arg15 : memref<640x16xf32, #tpu.memory_space<vmem>>)
      tpu.yield
    }) : () -> ()
    "tpu.region"() ({
      %run_scoped3A = tpu.sem_alloc : memref<!tpu.dma_semaphore, #tpu.memory_space<semaphore_mem>>
      %dma_start3A = arith.constant 0 : i32
      %dma_start3A_17 = tpu.memref_slice %arg6[%mul3A_2, %dma_start3A] : memref<10240x16xf32, #tpu.memory_space<hbm>> -> memref<640x16xf32, #tpu.memory_space<hbm>>
      %dma_start3A_18 = arith.constant 0 : i32
      %dma_start3A_19 = tpu.memref_slice %arg6[%mul3A_2, %dma_start3A_18] : memref<10240x16xf32, #tpu.memory_space<hbm>> -> memref<640x16xf32, #tpu.memory_space<hbm>>
      tpu.enqueue_dma source(%dma_start3A_19 : memref<640x16xf32, #tpu.memory_space<hbm>>) target(%arg16 : memref<640x16xf32, #tpu.memory_space<vmem>>) target_semaphore(%run_scoped3A : memref<!tpu.dma_semaphore, #tpu.memory_space<semaphore_mem>>)
      %dma_wait3A = arith.constant 0 : i32
      %dma_wait3A_20 = tpu.memref_slice %arg6[%mul3A_2, %dma_wait3A] : memref<10240x16xf32, #tpu.memory_space<hbm>> -> memref<640x16xf32, #tpu.memory_space<hbm>>
      %dma_wait3A_21 = arith.constant 0 : i32
      %dma_wait3A_22 = tpu.memref_slice %arg6[%mul3A_2, %dma_wait3A_21] : memref<10240x16xf32, #tpu.memory_space<hbm>> -> memref<640x16xf32, #tpu.memory_space<hbm>>
      tpu.wait_dma2 semaphore(%run_scoped3A : memref<!tpu.dma_semaphore, #tpu.memory_space<semaphore_mem>>) src(%dma_wait3A_22 : memref<640x16xf32, #tpu.memory_space<hbm>>) dst(%arg16 : memref<640x16xf32, #tpu.memory_space<vmem>>)
      tpu.yield
    }) : () -> ()
    %scan3A = arith.constant 0 : i32
    %scan3A_3 = arith.constant 0 : i32
    %scan3A_4 = arith.constant 640 : i32
    %scan3A_5 = arith.addi %scan3A_3, %scan3A_4 : i32
    %scan3A_6 = arith.constant 1 : i32
    scf.for %scan3A_17 = %scan3A_3 to %scan3A_5 step %scan3A_6  : i32 {
      %get3A = arith.index_cast %scan3A_17 : i32 to index
      %get3A_18 = arith.constant 0 : index
      %get3A_19 = tpu.vector_load %arg15[%get3A, %get3A_18] {strides = array<i32>} : memref<640x16xf32, #tpu.memory_space<vmem>>, vector<1x16xf32>,
      %get3A_20 = vector.shape_cast %get3A_19 : vector<1x16xf32> to vector<16xf32>
      %get3A_21 = arith.index_cast %scan3A_17 : i32 to index
      %get3A_22 = arith.constant 0 : index
      %get3A_23 = tpu.vector_load %arg16[%get3A_21, %get3A_22] {strides = array<i32>} : memref<640x16xf32, #tpu.memory_space<vmem>>, vector<1x16xf32>,
      %get3A_24 = vector.shape_cast %get3A_23 : vector<1x16xf32> to vector<16xf32>
      %add3A_25 = arith.addf %get3A_20, %get3A_24 : vector<16xf32>
      %swap3A = arith.index_cast %scan3A_17 : i32 to index
      %swap3A_26 = arith.constant 0 : index
      %swap3A_27 = tpu.vector_load %arg15[%swap3A, %swap3A_26] {strides = array<i32>} : memref<640x16xf32, #tpu.memory_space<vmem>>, vector<1x16xf32>,
      %swap3A_28 = vector.shape_cast %swap3A_27 : vector<1x16xf32> to vector<16xf32>
      %swap3A_29 = vector.shape_cast %add3A_25 : vector<16xf32> to vector<1x16xf32>
      tpu.vector_store %arg15[%swap3A, %swap3A_26], %swap3A_29 {strides = array<i32>} : memref<640x16xf32, #tpu.memory_space<vmem>>, vector<1x16xf32>,
    }
    %scan3A_7 = arith.constant 640 : i32
    "tpu.region"() ({
      %run_scoped3A = tpu.sem_alloc : memref<!tpu.dma_semaphore, #tpu.memory_space<semaphore_mem>>
      %dma_start3A = arith.constant 0 : i32
      %dma_start3A_17 = tpu.memref_slice %arg11[%mul3A_2, %dma_start3A] : memref<10240x16xf32, #tpu.memory_space<vmem_shared>> -> memref<640x16xf32, #tpu.memory_space<vmem_shared>>
      %dma_start3A_18 = arith.constant 0 : i32
      %dma_start3A_19 = tpu.memref_slice %arg11[%mul3A_2, %dma_start3A_18] : memref<10240x16xf32, #tpu.memory_space<vmem_shared>> -> memref<640x16xf32, #tpu.memory_space<vmem_shared>>
      tpu.enqueue_dma source(%arg15 : memref<640x16xf32, #tpu.memory_space<vmem>>) target(%dma_start3A_19 : memref<640x16xf32, #tpu.memory_space<vmem_shared>>) target_semaphore(%run_scoped3A : memref<!tpu.dma_semaphore, #tpu.memory_space<semaphore_mem>>)
      %dma_wait3A = arith.constant 0 : i32
      %dma_wait3A_20 = tpu.memref_slice %arg11[%mul3A_2, %dma_wait3A] : memref<10240x16xf32, #tpu.memory_space<vmem_shared>> -> memref<640x16xf32, #tpu.memory_space<vmem_shared>>
      %dma_wait3A_21 = arith.constant 0 : i32
      %dma_wait3A_22 = tpu.memref_slice %arg11[%mul3A_2, %dma_wait3A_21] : memref<10240x16xf32, #tpu.memory_space<vmem_shared>> -> memref<640x16xf32, #tpu.memory_space<vmem_shared>>
      tpu.wait_dma2 semaphore(%run_scoped3A : memref<!tpu.dma_semaphore, #tpu.memory_space<semaphore_mem>>) src(%arg15 : memref<640x16xf32, #tpu.memory_space<vmem>>) dst(%dma_wait3A_22 : memref<640x16xf32, #tpu.memory_space<vmem_shared>>)
      tpu.yield
    }) : () -> ()
    %barrier3A = arith.constant 0 : index
    tpu.barrier barrier_id(%barrier3A)
    %mul3A_8 = arith.constant 10000 : i32
    %mul3A_9 = arith.muli %add3A, %mul3A_8 : i32
    %scan3A_10 = arith.constant 0 : i32
    %scan3A_11 = arith.constant 0 : i32
    %scan3A_12 = arith.constant 125 : i32
    %scan3A_13 = arith.addi %scan3A_11, %scan3A_12 : i32
    %scan3A_14 = arith.constant 1 : i32
    scf.for %scan3A_17 = %scan3A_11 to %scan3A_13 step %scan3A_14  : i32 {
      %mul3A_18 = arith.constant 80 : i32
      %mul3A_19 = arith.muli %scan3A_17, %mul3A_18 : i32
      %add3A_20 = arith.addi %mul3A_9, %mul3A_19 : i32
      %dma_start3A = tpu.memref_slice %arg2[%add3A_20] : memref<320000xi32, #tpu.memory_space<hbm>> -> memref<80xi32, #tpu.memory_space<hbm>>
      %dma_start3A_21 = tpu.memref_slice %arg2[%add3A_20] : memref<320000xi32, #tpu.memory_space<hbm>> -> memref<80xi32, #tpu.memory_space<hbm>>
      tpu.enqueue_dma source(%dma_start3A_21 : memref<80xi32, #tpu.memory_space<hbm>>) target(%arg12 : memref<80xi32, #tpu.memory_space<vmem>>) target_semaphore(%arg19 : memref<!tpu.dma_semaphore, #tpu.memory_space<semaphore_mem>>)
      %dma_start3A_22 = tpu.memref_slice %arg3[%add3A_20] : memref<320000xi32, #tpu.memory_space<hbm>> -> memref<80xi32, #tpu.memory_space<hbm>>
      %dma_start3A_23 = tpu.memref_slice %arg3[%add3A_20] : memref<320000xi32, #tpu.memory_space<hbm>> -> memref<80xi32, #tpu.memory_space<hbm>>
      tpu.enqueue_dma source(%dma_start3A_23 : memref<80xi32, #tpu.memory_space<hbm>>) target(%arg13 : memref<80xi32, #tpu.memory_space<vmem>>) target_semaphore(%arg19 : memref<!tpu.dma_semaphore, #tpu.memory_space<semaphore_mem>>)
      %dma_start3A_24 = arith.constant 0 : i32
      %dma_start3A_25 = tpu.memref_slice %arg4[%add3A_20, %dma_start3A_24] : memref<320000x16xf32, #tpu.memory_space<hbm>> -> memref<80x16xf32, #tpu.memory_space<hbm>>
      %dma_start3A_26 = arith.constant 0 : i32
      %dma_start3A_27 = tpu.memref_slice %arg4[%add3A_20, %dma_start3A_26] : memref<320000x16xf32, #tpu.memory_space<hbm>> -> memref<80x16xf32, #tpu.memory_space<hbm>>
      tpu.enqueue_dma source(%dma_start3A_27 : memref<80x16xf32, #tpu.memory_space<hbm>>) target(%arg14 : memref<80x16xf32, #tpu.memory_space<vmem>>) target_semaphore(%arg20 : memref<!tpu.dma_semaphore, #tpu.memory_space<semaphore_mem>>)
      %dma_wait3A = tpu.memref_slice %arg2[%add3A_20] : memref<320000xi32, #tpu.memory_space<hbm>> -> memref<80xi32, #tpu.memory_space<hbm>>
      %dma_wait3A_28 = tpu.memref_slice %arg2[%add3A_20] : memref<320000xi32, #tpu.memory_space<hbm>> -> memref<80xi32, #tpu.memory_space<hbm>>
      tpu.wait_dma2 semaphore(%arg19 : memref<!tpu.dma_semaphore, #tpu.memory_space<semaphore_mem>>) src(%dma_wait3A_28 : memref<80xi32, #tpu.memory_space<hbm>>) dst(%arg12 : memref<80xi32, #tpu.memory_space<vmem>>)
      %dma_wait3A_29 = tpu.memref_slice %arg3[%add3A_20] : memref<320000xi32, #tpu.memory_space<hbm>> -> memref<80xi32, #tpu.memory_space<hbm>>
      %dma_wait3A_30 = tpu.memref_slice %arg3[%add3A_20] : memref<320000xi32, #tpu.memory_space<hbm>> -> memref<80xi32, #tpu.memory_space<hbm>>
      tpu.wait_dma2 semaphore(%arg19 : memref<!tpu.dma_semaphore, #tpu.memory_space<semaphore_mem>>) src(%dma_wait3A_30 : memref<80xi32, #tpu.memory_space<hbm>>) dst(%arg13 : memref<80xi32, #tpu.memory_space<vmem>>)
      %dma_start3A_31 = arith.constant 0 : i32
      %dma_start3A_32 = arith.constant 0 : i32
      %dma_start3A_33 = tpu.memref_slice %arg7[%dma_start3A_31, %dma_start3A_32] : memref<10000x128xf32, #tpu.memory_space<hbm>> -> memref<10000x128xf32, #tpu.memory_space<hbm>>
      tpu.enqueue_indirect_dma source(%dma_start3A_33 : memref<10000x128xf32, #tpu.memory_space<hbm>>) target(%arg18 : memref<80x128xf32, #tpu.memory_space<vmem>>) offsets(%arg12 : memref<80xi32, #tpu.memory_space<vmem>>) semaphore(%arg19 : memref<!tpu.dma_semaphore, #tpu.memory_space<semaphore_mem>>)
      %dma_start3A_34 = arith.constant 0 : i32
      %dma_start3A_35 = arith.constant 0 : i32
      %dma_start3A_36 = tpu.memref_slice %arg11[%dma_start3A_34, %dma_start3A_35] : memref<10240x16xf32, #tpu.memory_space<vmem_shared>> -> memref<10240x16xf32, #tpu.memory_space<vmem_shared>>
      tpu.enqueue_indirect_dma source(%dma_start3A_36 : memref<10240x16xf32, #tpu.memory_space<vmem_shared>>) target(%arg17 : memref<80x16xf32, #tpu.memory_space<vmem>>) offsets(%arg13 : memref<80xi32, #tpu.memory_space<vmem>>) semaphore(%arg20 : memref<!tpu.dma_semaphore, #tpu.memory_space<semaphore_mem>>)
      %dma_wait3A_37 = arith.constant 0 : i32
      %dma_wait3A_38 = tpu.memref_slice %arg4[%add3A_20, %dma_wait3A_37] : memref<320000x16xf32, #tpu.memory_space<hbm>> -> memref<80x16xf32, #tpu.memory_space<hbm>>
      %dma_wait3A_39 = arith.constant 0 : i32
      %dma_wait3A_40 = tpu.memref_slice %arg4[%add3A_20, %dma_wait3A_39] : memref<320000x16xf32, #tpu.memory_space<hbm>> -> memref<80x16xf32, #tpu.memory_space<hbm>>
      tpu.wait_dma2 semaphore(%arg20 : memref<!tpu.dma_semaphore, #tpu.memory_space<semaphore_mem>>) src(%dma_wait3A_40 : memref<80x16xf32, #tpu.memory_space<hbm>>) dst(%arg14 : memref<80x16xf32, #tpu.memory_space<vmem>>)
      %dma_wait3A_41 = arith.constant 0 : i32
      %dma_wait3A_42 = arith.constant 0 : i32
      %dma_wait3A_43 = tpu.memref_slice %arg11[%dma_wait3A_41, %dma_wait3A_42] : memref<10240x16xf32, #tpu.memory_space<vmem_shared>> -> memref<10240x16xf32, #tpu.memory_space<vmem_shared>>
      tpu.wait_indirect_dma semaphore(%arg20 : memref<!tpu.dma_semaphore, #tpu.memory_space<semaphore_mem>>) src(%dma_wait3A_43 : memref<10240x16xf32, #tpu.memory_space<vmem_shared>>) dst(%arg17 : memref<80x16xf32, #tpu.memory_space<vmem>>)
      %dma_wait3A_44 = arith.constant 0 : i32
      %dma_wait3A_45 = arith.constant 0 : i32
      %dma_wait3A_46 = tpu.memref_slice %arg7[%dma_wait3A_44, %dma_wait3A_45] : memref<10000x128xf32, #tpu.memory_space<hbm>> -> memref<10000x128xf32, #tpu.memory_space<hbm>>
      tpu.wait_indirect_dma semaphore(%arg19 : memref<!tpu.dma_semaphore, #tpu.memory_space<semaphore_mem>>) src(%dma_wait3A_46 : memref<10000x128xf32, #tpu.memory_space<hbm>>) dst(%arg18 : memref<80x128xf32, #tpu.memory_space<vmem>>)
      %scan3A_47 = arith.constant 0 : i32
      %scan3A_48 = arith.constant 0 : i32
      %scan3A_49 = arith.constant 80 : i32
      %scan3A_50 = arith.addi %scan3A_48, %scan3A_49 : i32
      %scan3A_51 = arith.constant 1 : i32
      scf.for %scan3A_53 = %scan3A_48 to %scan3A_50 step %scan3A_51  : i32 {
        %get3A = arith.index_cast %scan3A_53 : i32 to index
        %get3A_54 = arith.constant 0 : index
        %get3A_55 = tpu.vector_load %arg14[%get3A, %get3A_54] {strides = array<i32>} : memref<80x16xf32, #tpu.memory_space<vmem>>, vector<1x16xf32>,
        %get3A_56 = vector.shape_cast %get3A_55 : vector<1x16xf32> to vector<16xf32>
        %get3A_57 = arith.index_cast %scan3A_53 : i32 to index
        %get3A_58 = arith.constant 0 : index
        %get3A_59 = tpu.vector_load %arg17[%get3A_57, %get3A_58] {strides = array<i32>} : memref<80x16xf32, #tpu.memory_space<vmem>>, vector<1x16xf32>,
        %get3A_60 = vector.shape_cast %get3A_59 : vector<1x16xf32> to vector<16xf32>
        %add3A_61 = arith.constant 1.000000e-16 : f32
        %add3A_62 = vector.broadcast %add3A_61 : f32 to vector<16xf32>
        %add3A_63 = arith.addf %get3A_60, %add3A_62 : vector<16xf32>
        %div3A = arith.divf %get3A_56, %add3A_63 : vector<16xf32>
        %slice3A = vector.extract_strided_slice %div3A {offsets = [0], sizes = [1], strides = [1]} : vector<16xf32> to vector<1xf32>
        %squeeze3A = vector.extract %slice3A[0] : f32 from vector<1xf32>
        %get3A_64 = arith.index_cast %scan3A_53 : i32 to index
        %get3A_65 = arith.constant 0 : index
        %get3A_66 = tpu.vector_load %arg18[%get3A_64, %get3A_65] {strides = array<i32>} : memref<80x128xf32, #tpu.memory_space<vmem>>, vector<1x16xf32>,
        %get3A_67 = vector.shape_cast %get3A_66 : vector<1x16xf32> to vector<16xf32>
        %mul3A_68 = vector.broadcast %squeeze3A : f32 to vector<16xf32>
        %mul3A_69 = arith.mulf %get3A_67, %mul3A_68 : vector<16xf32>
        %swap3A = arith.index_cast %scan3A_53 : i32 to index
        %swap3A_70 = arith.constant 0 : index
        %swap3A_71 = tpu.vector_load %arg18[%swap3A, %swap3A_70] {strides = array<i32>} : memref<80x128xf32, #tpu.memory_space<vmem>>, vector<1x16xf32>,
        %swap3A_72 = vector.shape_cast %swap3A_71 : vector<1x16xf32> to vector<16xf32>
        %swap3A_73 = vector.shape_cast %mul3A_69 : vector<16xf32> to vector<1x16xf32>
        tpu.vector_store %arg18[%swap3A, %swap3A_70], %swap3A_73 {strides = array<i32>} : memref<80x128xf32, #tpu.memory_space<vmem>>, vector<1x16xf32>,
        %slice3A_74 = vector.extract_strided_slice %div3A {offsets = [1], sizes = [1], strides = [1]} : vector<16xf32> to vector<1xf32>
        %squeeze3A_75 = vector.extract %slice3A_74[0] : f32 from vector<1xf32>
        %get3A_76 = arith.index_cast %scan3A_53 : i32 to index
        %get3A_77 = arith.constant 16 : index
        %get3A_78 = tpu.vector_load %arg18[%get3A_76, %get3A_77] {strides = array<i32>} : memref<80x128xf32, #tpu.memory_space<vmem>>, vector<1x16xf32>,
        %get3A_79 = vector.shape_cast %get3A_78 : vector<1x16xf32> to vector<16xf32>
        %mul3A_80 = vector.broadcast %squeeze3A_75 : f32 to vector<16xf32>
        %mul3A_81 = arith.mulf %get3A_79, %mul3A_80 : vector<16xf32>
        %swap3A_82 = arith.index_cast %scan3A_53 : i32 to index
        %swap3A_83 = arith.constant 16 : index
        %swap3A_84 = tpu.vector_load %arg18[%swap3A_82, %swap3A_83] {strides = array<i32>} : memref<80x128xf32, #tpu.memory_space<vmem>>, vector<1x16xf32>,
        %swap3A_85 = vector.shape_cast %swap3A_84 : vector<1x16xf32> to vector<16xf32>
        %swap3A_86 = vector.shape_cast %mul3A_81 : vector<16xf32> to vector<1x16xf32>
        tpu.vector_store %arg18[%swap3A_82, %swap3A_83], %swap3A_86 {strides = array<i32>} : memref<80x128xf32, #tpu.memory_space<vmem>>, vector<1x16xf32>,
        %slice3A_87 = vector.extract_strided_slice %div3A {offsets = [2], sizes = [1], strides = [1]} : vector<16xf32> to vector<1xf32>
        %squeeze3A_88 = vector.extract %slice3A_87[0] : f32 from vector<1xf32>
        %get3A_89 = arith.index_cast %scan3A_53 : i32 to index
        %get3A_90 = arith.constant 32 : index
        %get3A_91 = tpu.vector_load %arg18[%get3A_89, %get3A_90] {strides = array<i32>} : memref<80x128xf32, #tpu.memory_space<vmem>>, vector<1x16xf32>,
        %get3A_92 = vector.shape_cast %get3A_91 : vector<1x16xf32> to vector<16xf32>
        %mul3A_93 = vector.broadcast %squeeze3A_88 : f32 to vector<16xf32>
        %mul3A_94 = arith.mulf %get3A_92, %mul3A_93 : vector<16xf32>
        %swap3A_95 = arith.index_cast %scan3A_53 : i32 to index
        %swap3A_96 = arith.constant 32 : index
        %swap3A_97 = tpu.vector_load %arg18[%swap3A_95, %swap3A_96] {strides = array<i32>} : memref<80x128xf32, #tpu.memory_space<vmem>>, vector<1x16xf32>,
        %swap3A_98 = vector.shape_cast %swap3A_97 : vector<1x16xf32> to vector<16xf32>
        %swap3A_99 = vector.shape_cast %mul3A_94 : vector<16xf32> to vector<1x16xf32>
        tpu.vector_store %arg18[%swap3A_95, %swap3A_96], %swap3A_99 {strides = array<i32>} : memref<80x128xf32, #tpu.memory_space<vmem>>, vector<1x16xf32>,
        %slice3A_100 = vector.extract_strided_slice %div3A {offsets = [3], sizes = [1], strides = [1]} : vector<16xf32> to vector<1xf32>
        %squeeze3A_101 = vector.extract %slice3A_100[0] : f32 from vector<1xf32>
        %get3A_102 = arith.index_cast %scan3A_53 : i32 to index
        %get3A_103 = arith.constant 48 : index
        %get3A_104 = tpu.vector_load %arg18[%get3A_102, %get3A_103] {strides = array<i32>} : memref<80x128xf32, #tpu.memory_space<vmem>>, vector<1x16xf32>,
        %get3A_105 = vector.shape_cast %get3A_104 : vector<1x16xf32> to vector<16xf32>
        %mul3A_106 = vector.broadcast %squeeze3A_101 : f32 to vector<16xf32>
        %mul3A_107 = arith.mulf %get3A_105, %mul3A_106 : vector<16xf32>
        %swap3A_108 = arith.index_cast %scan3A_53 : i32 to index
        %swap3A_109 = arith.constant 48 : index
        %swap3A_110 = tpu.vector_load %arg18[%swap3A_108, %swap3A_109] {strides = array<i32>} : memref<80x128xf32, #tpu.memory_space<vmem>>, vector<1x16xf32>,
        %swap3A_111 = vector.shape_cast %swap3A_110 : vector<1x16xf32> to vector<16xf32>
        %swap3A_112 = vector.shape_cast %mul3A_107 : vector<16xf32> to vector<1x16xf32>
        tpu.vector_store %arg18[%swap3A_108, %swap3A_109], %swap3A_112 {strides = array<i32>} : memref<80x128xf32, #tpu.memory_space<vmem>>, vector<1x16xf32>,
        %slice3A_113 = vector.extract_strided_slice %div3A {offsets = [4], sizes = [1], strides = [1]} : vector<16xf32> to vector<1xf32>
        %squeeze3A_114 = vector.extract %slice3A_113[0] : f32 from vector<1xf32>
        %get3A_115 = arith.index_cast %scan3A_53 : i32 to index
        %get3A_116 = arith.constant 64 : index
        %get3A_117 = tpu.vector_load %arg18[%get3A_115, %get3A_116] {strides = array<i32>} : memref<80x128xf32, #tpu.memory_space<vmem>>, vector<1x16xf32>,
        %get3A_118 = vector.shape_cast %get3A_117 : vector<1x16xf32> to vector<16xf32>
        %mul3A_119 = vector.broadcast %squeeze3A_114 : f32 to vector<16xf32>
        %mul3A_120 = arith.mulf %get3A_118, %mul3A_119 : vector<16xf32>
        %swap3A_121 = arith.index_cast %scan3A_53 : i32 to index
        %swap3A_122 = arith.constant 64 : index
        %swap3A_123 = tpu.vector_load %arg18[%swap3A_121, %swap3A_122] {strides = array<i32>} : memref<80x128xf32, #tpu.memory_space<vmem>>, vector<1x16xf32>,
        %swap3A_124 = vector.shape_cast %swap3A_123 : vector<1x16xf32> to vector<16xf32>
        %swap3A_125 = vector.shape_cast %mul3A_120 : vector<16xf32> to vector<1x16xf32>
        tpu.vector_store %arg18[%swap3A_121, %swap3A_122], %swap3A_125 {strides = array<i32>} : memref<80x128xf32, #tpu.memory_space<vmem>>, vector<1x16xf32>,
        %slice3A_126 = vector.extract_strided_slice %div3A {offsets = [5], sizes = [1], strides = [1]} : vector<16xf32> to vector<1xf32>
        %squeeze3A_127 = vector.extract %slice3A_126[0] : f32 from vector<1xf32>
        %get3A_128 = arith.index_cast %scan3A_53 : i32 to index
        %get3A_129 = arith.constant 80 : index
        %get3A_130 = tpu.vector_load %arg18[%get3A_128, %get3A_129] {strides = array<i32>} : memref<80x128xf32, #tpu.memory_space<vmem>>, vector<1x16xf32>,
        %get3A_131 = vector.shape_cast %get3A_130 : vector<1x16xf32> to vector<16xf32>
        %mul3A_132 = vector.broadcast %squeeze3A_127 : f32 to vector<16xf32>
        %mul3A_133 = arith.mulf %get3A_131, %mul3A_132 : vector<16xf32>
        %swap3A_134 = arith.index_cast %scan3A_53 : i32 to index
        %swap3A_135 = arith.constant 80 : index
        %swap3A_136 = tpu.vector_load %arg18[%swap3A_134, %swap3A_135] {strides = array<i32>} : memref<80x128xf32, #tpu.memory_space<vmem>>, vector<1x16xf32>,
        %swap3A_137 = vector.shape_cast %swap3A_136 : vector<1x16xf32> to vector<16xf32>
        %swap3A_138 = vector.shape_cast %mul3A_133 : vector<16xf32> to vector<1x16xf32>
        tpu.vector_store %arg18[%swap3A_134, %swap3A_135], %swap3A_138 {strides = array<i32>} : memref<80x128xf32, #tpu.memory_space<vmem>>, vector<1x16xf32>,
        %slice3A_139 = vector.extract_strided_slice %div3A {offsets = [6], sizes = [1], strides = [1]} : vector<16xf32> to vector<1xf32>
        %squeeze3A_140 = vector.extract %slice3A_139[0] : f32 from vector<1xf32>
        %get3A_141 = arith.index_cast %scan3A_53 : i32 to index
        %get3A_142 = arith.constant 96 : index
        %get3A_143 = tpu.vector_load %arg18[%get3A_141, %get3A_142] {strides = array<i32>} : memref<80x128xf32, #tpu.memory_space<vmem>>, vector<1x16xf32>,
        %get3A_144 = vector.shape_cast %get3A_143 : vector<1x16xf32> to vector<16xf32>
        %mul3A_145 = vector.broadcast %squeeze3A_140 : f32 to vector<16xf32>
        %mul3A_146 = arith.mulf %get3A_144, %mul3A_145 : vector<16xf32>
        %swap3A_147 = arith.index_cast %scan3A_53 : i32 to index
        %swap3A_148 = arith.constant 96 : index
        %swap3A_149 = tpu.vector_load %arg18[%swap3A_147, %swap3A_148] {strides = array<i32>} : memref<80x128xf32, #tpu.memory_space<vmem>>, vector<1x16xf32>,
        %swap3A_150 = vector.shape_cast %swap3A_149 : vector<1x16xf32> to vector<16xf32>
        %swap3A_151 = vector.shape_cast %mul3A_146 : vector<16xf32> to vector<1x16xf32>
        tpu.vector_store %arg18[%swap3A_147, %swap3A_148], %swap3A_151 {strides = array<i32>} : memref<80x128xf32, #tpu.memory_space<vmem>>, vector<1x16xf32>,
        %slice3A_152 = vector.extract_strided_slice %div3A {offsets = [7], sizes = [1], strides = [1]} : vector<16xf32> to vector<1xf32>
        %squeeze3A_153 = vector.extract %slice3A_152[0] : f32 from vector<1xf32>
        %get3A_154 = arith.index_cast %scan3A_53 : i32 to index
        %get3A_155 = arith.constant 112 : index
        %get3A_156 = tpu.vector_load %arg18[%get3A_154, %get3A_155] {strides = array<i32>} : memref<80x128xf32, #tpu.memory_space<vmem>>, vector<1x16xf32>,
        %get3A_157 = vector.shape_cast %get3A_156 : vector<1x16xf32> to vector<16xf32>
        %mul3A_158 = vector.broadcast %squeeze3A_153 : f32 to vector<16xf32>
        %mul3A_159 = arith.mulf %get3A_157, %mul3A_158 : vector<16xf32>
        %swap3A_160 = arith.index_cast %scan3A_53 : i32 to index
        %swap3A_161 = arith.constant 112 : index
        %swap3A_162 = tpu.vector_load %arg18[%swap3A_160, %swap3A_161] {strides = array<i32>} : memref<80x128xf32, #tpu.memory_space<vmem>>, vector<1x16xf32>,
        %swap3A_163 = vector.shape_cast %swap3A_162 : vector<1x16xf32> to vector<16xf32>
        %swap3A_164 = vector.shape_cast %mul3A_159 : vector<16xf32> to vector<1x16xf32>
        tpu.vector_store %arg18[%swap3A_160, %swap3A_161], %swap3A_164 {strides = array<i32>} : memref<80x128xf32, #tpu.memory_space<vmem>>, vector<1x16xf32>,
      }
      %scan3A_52 = arith.constant 80 : i32
      "tpu.region"() ({
        %run_scoped3A = tpu.sem_alloc : memref<!tpu.dma_semaphore, #tpu.memory_space<semaphore_mem>>
        %dma_start3A_53 = arith.constant 0 : i32
        %dma_start3A_54 = arith.constant 0 : i32
        %dma_start3A_55 = tpu.memref_slice %arg10[%dma_start3A_53, %dma_start3A_54] : memref<10240x128xf32, #tpu.memory_space<vmem_shared>> -> memref<10240x128xf32, #tpu.memory_space<vmem_shared>>
        tpu.enqueue_indirect_dma source(%arg18 : memref<80x128xf32, #tpu.memory_space<vmem>>) target(%dma_start3A_55 : memref<10240x128xf32, #tpu.memory_space<vmem_shared>>) offsets(%arg13 : memref<80xi32, #tpu.memory_space<vmem>>) semaphore(%run_scoped3A : memref<!tpu.dma_semaphore, #tpu.memory_space<semaphore_mem>>) {add = true}
        %dma_wait3A_56 = arith.constant 0 : i32
        %dma_wait3A_57 = arith.constant 0 : i32
        %dma_wait3A_58 = tpu.memref_slice %arg10[%dma_wait3A_56, %dma_wait3A_57] : memref<10240x128xf32, #tpu.memory_space<vmem_shared>> -> memref<10240x128xf32, #tpu.memory_space<vmem_shared>>
        tpu.wait_indirect_dma semaphore(%run_scoped3A : memref<!tpu.dma_semaphore, #tpu.memory_space<semaphore_mem>>) src(%arg18 : memref<80x128xf32, #tpu.memory_space<vmem>>) dst(%dma_wait3A_58 : memref<10240x128xf32, #tpu.memory_space<vmem_shared>>)
        tpu.yield
      }) : () -> ()
    }
    %scan3A_15 = arith.constant 125 : i32
    %barrier3A_16 = arith.constant 0 : index
    tpu.barrier barrier_id(%barrier3A_16)
    "tpu.region"() ({
      %run_scoped3A = tpu.sem_alloc : memref<!tpu.dma_semaphore, #tpu.memory_space<semaphore_mem>>
      %dma_start3A = arith.constant 0 : i32
      %dma_start3A_17 = tpu.memref_slice %arg9[%arg0, %mul3A_2, %dma_start3A] : memref<2x10240x128xf32, #tpu.memory_space<hbm>> -> memref<1x640x128xf32, #tpu.memory_space<hbm>>
      %dma_start3A_18 = tpu.memref_squeeze %dma_start3A_17 : memref<1x640x128xf32, #tpu.memory_space<hbm>> -> memref<640x128xf32, #tpu.memory_space<hbm>>
      %dma_start3A_19 = arith.constant 0 : i32
      %dma_start3A_20 = tpu.memref_slice %arg10[%mul3A_2, %dma_start3A_19] : memref<10240x128xf32, #tpu.memory_space<vmem_shared>> -> memref<640x128xf32, #tpu.memory_space<vmem_shared>>
      tpu.enqueue_dma source(%dma_start3A_20 : memref<640x128xf32, #tpu.memory_space<vmem_shared>>) target(%dma_start3A_18 : memref<640x128xf32, #tpu.memory_space<hbm>>) target_semaphore(%run_scoped3A : memref<!tpu.dma_semaphore, #tpu.memory_space<semaphore_mem>>)
      %dma_wait3A = arith.constant 0 : i32
      %dma_wait3A_21 = tpu.memref_slice %arg9[%arg0, %mul3A_2, %dma_wait3A] : memref<2x10240x128xf32, #tpu.memory_space<hbm>> -> memref<1x640x128xf32, #tpu.memory_space<hbm>>
      %dma_wait3A_22 = tpu.memref_squeeze %dma_wait3A_21 : memref<1x640x128xf32, #tpu.memory_space<hbm>> -> memref<640x128xf32, #tpu.memory_space<hbm>>
      %dma_wait3A_23 = arith.constant 0 : i32
      %dma_wait3A_24 = tpu.memref_slice %arg10[%mul3A_2, %dma_wait3A_23] : memref<10240x128xf32, #tpu.memory_space<vmem_shared>> -> memref<640x128xf32, #tpu.memory_space<vmem_shared>>
      tpu.wait_dma2 semaphore(%run_scoped3A : memref<!tpu.dma_semaphore, #tpu.memory_space<semaphore_mem>>) src(%dma_wait3A_24 : memref<640x128xf32, #tpu.memory_space<vmem_shared>>) dst(%dma_wait3A_22 : memref<640x128xf32, #tpu.memory_space<hbm>>)
      tpu.yield
    }) : () -> ()
    return
  }
}

module attributes {stable_mosaic.version = 14 : i64} {
  func.func @_ae_mm_body(%arg0: i32, %arg1: memref<4000x128xf32, #tpu.memory_space<vmem>>, %arg2: memref<128x64xf32, #tpu.memory_space<vmem>>, %arg3: memref<4000x16xf32, #tpu.memory_space<vmem>>, %arg4: memref<4000x16xf32, #tpu.memory_space<vmem>>, %arg5: memref<4000x16xf32, #tpu.memory_space<vmem>>, %arg6: memref<4000x16xf32, #tpu.memory_space<vmem>>) attributes {dimension_semantics = [#tpu.dimension_semantics<arbitrary>], iteration_bounds = array<i64: 80>, scalar_prefetch = 0 : i64, scratch_operands = 0 : i64, tpu.core_type = #tpu.core_type<tc>, window_params = [{transform_indices = @transform_0, window_bounds = array<i64: 4000, 128>}, {pipeline_mode = #tpu.pipeline_mode<synchronous>, transform_indices = @transform_1, window_bounds = array<i64: 128, 64>}, {transform_indices = @transform_2, window_bounds = array<i64: 4000, 16>}, {transform_indices = @transform_3, window_bounds = array<i64: 4000, 16>}, {transform_indices = @transform_4, window_bounds = array<i64: 4000, 16>}, {transform_indices = @transform_5, window_bounds = array<i64: 4000, 16>}]} {
    %get3A = arith.constant 0 : index
    %get3A_0 = arith.constant 0 : index
    %get3A_1 = vector.load %arg1[%get3A, %get3A_0] : memref<4000x128xf32, #tpu.memory_space<vmem>>, vector<4000x128xf32>
    %get3A_2 = arith.constant 0 : index
    %get3A_3 = arith.constant 0 : index
    %get3A_4 = vector.load %arg2[%get3A_2, %get3A_3] : memref<128x64xf32, #tpu.memory_space<vmem>>, vector<128x64xf32>
    %dot_general3A = arith.constant dense<0.000000e+00> : vector<4000x64xf32>
    %dot_general3A_5 = tpu.matmul %get3A_1, %get3A_4, %dot_general3A {dimension_numbers = #tpu.dot_dimension_numbers<[1], [0], [0], [1], [0, 0, 1, 1], [], []>, transpose_lhs_hint = false} : vector<4000x128xf32>, vector<128x64xf32>, vector<4000x64xf32> -> vector<4000x64xf32>
    %slice3A = vector.extract_strided_slice %dot_general3A_5 {offsets = [0, 0], sizes = [4000, 16], strides = [1, 1]} : vector<4000x64xf32> to vector<4000x16xf32>
    %swap3A = arith.constant 0 : index
    %swap3A_6 = arith.constant 0 : index
    %swap3A_7 = vector.load %arg3[%swap3A, %swap3A_6] : memref<4000x16xf32, #tpu.memory_space<vmem>>, vector<4000x16xf32>
    tpu.vector_store %arg3[%swap3A, %swap3A_6], %slice3A {strides = array<i32>} : memref<4000x16xf32, #tpu.memory_space<vmem>>, vector<4000x16xf32>,
    %slice3A_8 = vector.extract_strided_slice %dot_general3A_5 {offsets = [0, 16], sizes = [4000, 16], strides = [1, 1]} : vector<4000x64xf32> to vector<4000x16xf32>
    %swap3A_9 = arith.constant 0 : index
    %swap3A_10 = arith.constant 0 : index
    %swap3A_11 = vector.load %arg4[%swap3A_9, %swap3A_10] : memref<4000x16xf32, #tpu.memory_space<vmem>>, vector<4000x16xf32>
    tpu.vector_store %arg4[%swap3A_9, %swap3A_10], %slice3A_8 {strides = array<i32>} : memref<4000x16xf32, #tpu.memory_space<vmem>>, vector<4000x16xf32>,
    %slice3A_12 = vector.extract_strided_slice %dot_general3A_5 {offsets = [0, 32], sizes = [4000, 16], strides = [1, 1]} : vector<4000x64xf32> to vector<4000x16xf32>
    %swap3A_13 = arith.constant 0 : index
    %swap3A_14 = arith.constant 0 : index
    %swap3A_15 = vector.load %arg5[%swap3A_13, %swap3A_14] : memref<4000x16xf32, #tpu.memory_space<vmem>>, vector<4000x16xf32>
    tpu.vector_store %arg5[%swap3A_13, %swap3A_14], %slice3A_12 {strides = array<i32>} : memref<4000x16xf32, #tpu.memory_space<vmem>>, vector<4000x16xf32>,
    %slice3A_16 = vector.extract_strided_slice %dot_general3A_5 {offsets = [0, 48], sizes = [4000, 16], strides = [1, 1]} : vector<4000x64xf32> to vector<4000x16xf32>
    %swap3A_17 = arith.constant 0 : index
    %swap3A_18 = arith.constant 0 : index
    %swap3A_19 = vector.load %arg6[%swap3A_17, %swap3A_18] : memref<4000x16xf32, #tpu.memory_space<vmem>>, vector<4000x16xf32>
    tpu.vector_store %arg6[%swap3A_17, %swap3A_18], %slice3A_16 {strides = array<i32>} : memref<4000x16xf32, #tpu.memory_space<vmem>>, vector<4000x16xf32>,
    return
  }
  func.func @transform_0(%arg0: i32) -> (i32, i32) {
    %c0_i32 = arith.constant 0 : i32
    %c0_i32_0 = arith.constant 0 : i32
    return %arg0, %c0_i32 : i32, i32
  }
  func.func @transform_1(%arg0: i32) -> (i32, i32) {
    %c0_i32 = arith.constant 0 : i32
    %c0_i32_0 = arith.constant 0 : i32
    %c0_i32_1 = arith.constant 0 : i32
    return %c0_i32, %c0_i32_0 : i32, i32
  }
  func.func @transform_2(%arg0: i32) -> (i32, i32) {
    %c0_i32 = arith.constant 0 : i32
    %c0_i32_0 = arith.constant 0 : i32
    return %arg0, %c0_i32 : i32, i32
  }
  func.func @transform_3(%arg0: i32) -> (i32, i32) {
    %c0_i32 = arith.constant 0 : i32
    %c0_i32_0 = arith.constant 0 : i32
    return %arg0, %c0_i32 : i32, i32
  }
  func.func @transform_4(%arg0: i32) -> (i32, i32) {
    %c0_i32 = arith.constant 0 : i32
    %c0_i32_0 = arith.constant 0 : i32
    return %arg0, %c0_i32 : i32, i32
  }
  func.func @transform_5(%arg0: i32) -> (i32, i32) {
    %c0_i32 = arith.constant 0 : i32
    %c0_i32_0 = arith.constant 0 : i32
    return %arg0, %c0_i32 : i32, i32
  }
}

module attributes {stable_mosaic.version = 14 : i64} {
  func.func @_mm_proj_body(%arg0: i32, %arg1: memref<2000x128xf32, #tpu.memory_space<vmem>>, %arg2: memref<128x128xf32, #tpu.memory_space<vmem>>, %arg3: memref<128x16xf32, #tpu.memory_space<vmem>>, %arg4: memref<128x16xf32, #tpu.memory_space<vmem>>, %arg5: memref<2000x128xf32, #tpu.memory_space<vmem>>, %arg6: memref<2000x16xf32, #tpu.memory_space<vmem>>, %arg7: memref<2000x16xf32, #tpu.memory_space<vmem>>) attributes {dimension_semantics = [#tpu.dimension_semantics<arbitrary>], iteration_bounds = array<i64: 5>, scalar_prefetch = 0 : i64, scratch_operands = 0 : i64, tpu.core_type = #tpu.core_type<tc>, window_params = [{transform_indices = @transform_0, window_bounds = array<i64: 2000, 128>}, {pipeline_mode = #tpu.pipeline_mode<synchronous>, transform_indices = @transform_1, window_bounds = array<i64: 128, 128>}, {pipeline_mode = #tpu.pipeline_mode<synchronous>, transform_indices = @transform_2, window_bounds = array<i64: 128, 16>}, {pipeline_mode = #tpu.pipeline_mode<synchronous>, transform_indices = @transform_3, window_bounds = array<i64: 128, 16>}, {transform_indices = @transform_4, window_bounds = array<i64: 2000, 128>}, {transform_indices = @transform_5, window_bounds = array<i64: 2000, 16>}, {transform_indices = @transform_6, window_bounds = array<i64: 2000, 16>}]} {
    %get3A = arith.constant 0 : index
    %get3A_0 = arith.constant 0 : index
    %get3A_1 = vector.load %arg1[%get3A, %get3A_0] : memref<2000x128xf32, #tpu.memory_space<vmem>>, vector<2000x128xf32>
    %get3A_2 = arith.constant 0 : index
    %get3A_3 = arith.constant 0 : index
    %get3A_4 = vector.load %arg2[%get3A_2, %get3A_3] : memref<128x128xf32, #tpu.memory_space<vmem>>, vector<128x128xf32>
    %dot_general3A = arith.constant dense<0.000000e+00> : vector<2000x128xf32>
    %dot_general3A_5 = tpu.matmul %get3A_1, %get3A_4, %dot_general3A {dimension_numbers = #tpu.dot_dimension_numbers<[1], [0], [0], [1], [0, 0, 1, 1], [], []>, transpose_lhs_hint = false} : vector<2000x128xf32>, vector<128x128xf32>, vector<2000x128xf32> -> vector<2000x128xf32>
    %swap3A = arith.constant 0 : index
    %swap3A_6 = arith.constant 0 : index
    %swap3A_7 = vector.load %arg5[%swap3A, %swap3A_6] : memref<2000x128xf32, #tpu.memory_space<vmem>>, vector<2000x128xf32>
    tpu.vector_store %arg5[%swap3A, %swap3A_6], %dot_general3A_5 {strides = array<i32>} : memref<2000x128xf32, #tpu.memory_space<vmem>>, vector<2000x128xf32>,
    %get3A_8 = arith.constant 0 : index
    %get3A_9 = arith.constant 0 : index
    %get3A_10 = vector.load %arg3[%get3A_8, %get3A_9] : memref<128x16xf32, #tpu.memory_space<vmem>>, vector<128x16xf32>
    %dot_general3A_11 = arith.constant dense<0.000000e+00> : vector<2000x16xf32>
    %dot_general3A_12 = tpu.matmul %dot_general3A_5, %get3A_10, %dot_general3A_11 {dimension_numbers = #tpu.dot_dimension_numbers<[1], [0], [0], [1], [0, 0, 1, 1], [], []>, transpose_lhs_hint = false} : vector<2000x128xf32>, vector<128x16xf32>, vector<2000x16xf32> -> vector<2000x16xf32>
    %swap3A_13 = arith.constant 0 : index
    %swap3A_14 = arith.constant 0 : index
    %swap3A_15 = vector.load %arg6[%swap3A_13, %swap3A_14] : memref<2000x16xf32, #tpu.memory_space<vmem>>, vector<2000x16xf32>
    tpu.vector_store %arg6[%swap3A_13, %swap3A_14], %dot_general3A_12 {strides = array<i32>} : memref<2000x16xf32, #tpu.memory_space<vmem>>, vector<2000x16xf32>,
    %get3A_16 = arith.constant 0 : index
    %get3A_17 = arith.constant 0 : index
    %get3A_18 = vector.load %arg4[%get3A_16, %get3A_17] : memref<128x16xf32, #tpu.memory_space<vmem>>, vector<128x16xf32>
    %dot_general3A_19 = arith.constant dense<0.000000e+00> : vector<2000x16xf32>
    %dot_general3A_20 = tpu.matmul %dot_general3A_5, %get3A_18, %dot_general3A_19 {dimension_numbers = #tpu.dot_dimension_numbers<[1], [0], [0], [1], [0, 0, 1, 1], [], []>, transpose_lhs_hint = false} : vector<2000x128xf32>, vector<128x16xf32>, vector<2000x16xf32> -> vector<2000x16xf32>
    %swap3A_21 = arith.constant 0 : index
    %swap3A_22 = arith.constant 0 : index
    %swap3A_23 = vector.load %arg7[%swap3A_21, %swap3A_22] : memref<2000x16xf32, #tpu.memory_space<vmem>>, vector<2000x16xf32>
    tpu.vector_store %arg7[%swap3A_21, %swap3A_22], %dot_general3A_20 {strides = array<i32>} : memref<2000x16xf32, #tpu.memory_space<vmem>>, vector<2000x16xf32>,
    return
  }
  func.func @transform_0(%arg0: i32) -> (i32, i32) {
    %c0_i32 = arith.constant 0 : i32
    %c0_i32_0 = arith.constant 0 : i32
    return %arg0, %c0_i32 : i32, i32
  }
  func.func @transform_1(%arg0: i32) -> (i32, i32) {
    %c0_i32 = arith.constant 0 : i32
    %c0_i32_0 = arith.constant 0 : i32
    %c0_i32_1 = arith.constant 0 : i32
    return %c0_i32, %c0_i32_0 : i32, i32
  }
  func.func @transform_2(%arg0: i32) -> (i32, i32) {
    %c0_i32 = arith.constant 0 : i32
    %c0_i32_0 = arith.constant 0 : i32
    %c0_i32_1 = arith.constant 0 : i32
    return %c0_i32, %c0_i32_0 : i32, i32
  }
  func.func @transform_3(%arg0: i32) -> (i32, i32) {
    %c0_i32 = arith.constant 0 : i32
    %c0_i32_0 = arith.constant 0 : i32
    %c0_i32_1 = arith.constant 0 : i32
    return %c0_i32, %c0_i32_0 : i32, i32
  }
  func.func @transform_4(%arg0: i32) -> (i32, i32) {
    %c0_i32 = arith.constant 0 : i32
    %c0_i32_0 = arith.constant 0 : i32
    return %arg0, %c0_i32 : i32, i32
  }
  func.func @transform_5(%arg0: i32) -> (i32, i32) {
    %c0_i32 = arith.constant 0 : i32
    %c0_i32_0 = arith.constant 0 : i32
    return %arg0, %c0_i32 : i32, i32
  }
  func.func @transform_6(%arg0: i32) -> (i32, i32) {
    %c0_i32 = arith.constant 0 : i32
    %c0_i32_0 = arith.constant 0 : i32
    return %arg0, %c0_i32 : i32, i32
  }
}

module attributes {stable_mosaic.version = 14 : i64} {
  func.func @_dense_mid_body(%arg0: i32, %arg1: i32, %arg2: memref<2x2000x128xf32, #tpu.memory_space<vmem>>, %arg3: memref<1x128xf32, #tpu.memory_space<vmem>>, %arg4: memref<1x128xf32, #tpu.memory_space<vmem>>, %arg5: memref<1x128xf32, #tpu.memory_space<vmem>>, %arg6: memref<128x128xf32, #tpu.memory_space<vmem>>, %arg7: memref<128x16xf32, #tpu.memory_space<vmem>>, %arg8: memref<128x16xf32, #tpu.memory_space<vmem>>, %arg9: memref<2000x128xf32, #tpu.memory_space<vmem>>, %arg10: memref<2000x16xf32, #tpu.memory_space<vmem>>, %arg11: memref<2000x16xf32, #tpu.memory_space<vmem>>, %arg12: memref<1x128xf32, #tpu.memory_space<vmem>>, %arg13: memref<1x128xf32, #tpu.memory_space<vmem>>) attributes {dimension_semantics = [#tpu.dimension_semantics<arbitrary>, #tpu.dimension_semantics<arbitrary>], iteration_bounds = array<i64: 2, 5>, scalar_prefetch = 0 : i64, scratch_operands = 2 : i64, tpu.core_type = #tpu.core_type<tc>, window_params = [{transform_indices = @transform_0, window_bounds = array<i64: 2, 2000, 128>}, {pipeline_mode = #tpu.pipeline_mode<synchronous>, transform_indices = @transform_1, window_bounds = array<i64: 1, 128>}, {pipeline_mode = #tpu.pipeline_mode<synchronous>, transform_indices = @transform_2, window_bounds = array<i64: 1, 128>}, {pipeline_mode = #tpu.pipeline_mode<synchronous>, transform_indices = @transform_3, window_bounds = array<i64: 1, 128>}, {pipeline_mode = #tpu.pipeline_mode<synchronous>, transform_indices = @transform_4, window_bounds = array<i64: 128, 128>}, {pipeline_mode = #tpu.pipeline_mode<synchronous>, transform_indices = @transform_5, window_bounds = array<i64: 128, 16>}, {pipeline_mode = #tpu.pipeline_mode<synchronous>, transform_indices = @transform_6, window_bounds = array<i64: 128, 16>}, {transform_indices = @transform_7, window_bounds = array<i64: 2000, 128>}, {transform_indices = @transform_8, window_bounds = array<i64: 2000, 16>}, {transform_indices = @transform_9, window_bounds = array<i64: 2000, 16>}]} {
    %get3A = arith.constant 0 : index
    %get3A_0 = arith.constant 0 : index
    %get3A_1 = arith.constant 0 : index
    %get3A_2 = vector.load %arg2[%get3A, %get3A_0, %get3A_1] : memref<2x2000x128xf32, #tpu.memory_space<vmem>>, vector<1x2000x128xf32>
    %get3A_3 = vector.shape_cast %get3A_2 : vector<1x2000x128xf32> to vector<2000x128xf32>
    %get3A_4 = arith.constant 1 : index
    %get3A_5 = arith.constant 0 : index
    %get3A_6 = arith.constant 0 : index
    %get3A_7 = vector.load %arg2[%get3A_4, %get3A_5, %get3A_6] : memref<2x2000x128xf32, #tpu.memory_space<vmem>>, vector<1x2000x128xf32>
    %get3A_8 = vector.shape_cast %get3A_7 : vector<1x2000x128xf32> to vector<2000x128xf32>
    %add3A = arith.addf %get3A_3, %get3A_8 : vector<2000x128xf32>
    %get3A_9 = arith.constant 0 : index
    %get3A_10 = arith.constant 0 : index
    %get3A_11 = vector.load %arg3[%get3A_9, %get3A_10] : memref<1x128xf32, #tpu.memory_space<vmem>>, vector<1x128xf32>
    %add3A_12 = vector.broadcast %get3A_11 : vector<1x128xf32> to vector<2000x128xf32>
    %add3A_13 = arith.addf %add3A, %add3A_12 : vector<2000x128xf32>
    %eq3A = arith.constant 0 : i32
    %eq3A_14 = arith.cmpi eq, %arg0, %eq3A : i32
    %eq3A_15 = arith.constant 0 : i32
    %eq3A_16 = arith.cmpi eq, %arg1, %eq3A_15 : i32
    %and3A = arith.andi %eq3A_14, %eq3A_16 : i1
    %convert_element_type3A = arith.extui %and3A : i1 to i32
    %cond3A = arith.constant 0 : i32
    %cond3A_17 = arith.cmpi ne, %convert_element_type3A, %cond3A : i32
    scf.if %cond3A_17 {
      %broadcast_in_dim3A = arith.constant 0.000000e+00 : f32
      %broadcast_in_dim3A_28 = vector.broadcast %broadcast_in_dim3A : f32 to vector<1x128xf32>
      %swap3A = arith.constant 0 : index
      %swap3A_29 = arith.constant 0 : index
      %swap3A_30 = vector.load %arg12[%swap3A, %swap3A_29] : memref<1x128xf32, #tpu.memory_space<vmem>>, vector<1x128xf32>
      tpu.vector_store %arg12[%swap3A, %swap3A_29], %broadcast_in_dim3A_28 {strides = array<i32>} : memref<1x128xf32, #tpu.memory_space<vmem>>, vector<1x128xf32>,
      %broadcast_in_dim3A_31 = arith.constant 0.000000e+00 : f32
      %broadcast_in_dim3A_32 = vector.broadcast %broadcast_in_dim3A_31 : f32 to vector<1x128xf32>
      %swap3A_33 = arith.constant 0 : index
      %swap3A_34 = arith.constant 0 : index
      %swap3A_35 = vector.load %arg13[%swap3A_33, %swap3A_34] : memref<1x128xf32, #tpu.memory_space<vmem>>, vector<1x128xf32>
      tpu.vector_store %arg13[%swap3A_33, %swap3A_34], %broadcast_in_dim3A_32 {strides = array<i32>} : memref<1x128xf32, #tpu.memory_space<vmem>>, vector<1x128xf32>,
    } else {
    }
    %eq3A_18 = arith.constant 0 : i32
    %eq3A_19 = arith.cmpi eq, %arg0, %eq3A_18 : i32
    %convert_element_type3A_20 = arith.extui %eq3A_19 : i1 to i32
    %cond3A_21 = arith.constant 0 : i32
    %cond3A_22 = arith.cmpi ne, %convert_element_type3A_20, %cond3A_21 : i32
    scf.if %cond3A_22 {
      %get3A_28 = arith.constant 0 : index
      %get3A_29 = arith.constant 0 : index
      %get3A_30 = vector.load %arg12[%get3A_28, %get3A_29] : memref<1x128xf32, #tpu.memory_space<vmem>>, vector<1x128xf32>
      %reduce_sum3A = arith.constant dense<0.000000e+00> : vector<128xf32>
      %reduce_sum3A_31 = vector.multi_reduction <add>, %add3A_13, %reduce_sum3A [0] : vector<2000x128xf32> to vector<128xf32>
      %broadcast_in_dim3A = vector.shape_cast %reduce_sum3A_31 : vector<128xf32> to vector<1x128xf32>
      %add3A_32 = arith.addf %get3A_30, %broadcast_in_dim3A : vector<1x128xf32>
      %swap3A = arith.constant 0 : index
      %swap3A_33 = arith.constant 0 : index
      %swap3A_34 = vector.load %arg12[%swap3A, %swap3A_33] : memref<1x128xf32, #tpu.memory_space<vmem>>, vector<1x128xf32>
      tpu.vector_store %arg12[%swap3A, %swap3A_33], %add3A_32 {strides = array<i32>} : memref<1x128xf32, #tpu.memory_space<vmem>>, vector<1x128xf32>,
      %get3A_35 = arith.constant 0 : index
      %get3A_36 = arith.constant 0 : index
      %get3A_37 = vector.load %arg13[%get3A_35, %get3A_36] : memref<1x128xf32, #tpu.memory_space<vmem>>, vector<1x128xf32>
      %mul3A = arith.mulf %add3A_13, %add3A_13 : vector<2000x128xf32>
      %reduce_sum3A_38 = arith.constant dense<0.000000e+00> : vector<128xf32>
      %reduce_sum3A_39 = vector.multi_reduction <add>, %mul3A, %reduce_sum3A_38 [0] : vector<2000x128xf32> to vector<128xf32>
      %broadcast_in_dim3A_40 = vector.shape_cast %reduce_sum3A_39 : vector<128xf32> to vector<1x128xf32>
      %add3A_41 = arith.addf %get3A_37, %broadcast_in_dim3A_40 : vector<1x128xf32>
      %swap3A_42 = arith.constant 0 : index
      %swap3A_43 = arith.constant 0 : index
      %swap3A_44 = vector.load %arg13[%swap3A_42, %swap3A_43] : memref<1x128xf32, #tpu.memory_space<vmem>>, vector<1x128xf32>
      tpu.vector_store %arg13[%swap3A_42, %swap3A_43], %add3A_41 {strides = array<i32>} : memref<1x128xf32, #tpu.memory_space<vmem>>, vector<1x128xf32>,
    } else {
    }
    %eq3A_23 = arith.constant 1 : i32
    %eq3A_24 = arith.cmpi eq, %arg0, %eq3A_23 : i32
    %convert_element_type3A_25 = arith.extui %eq3A_24 : i1 to i32
    %cond3A_26 = arith.constant 0 : i32
    %cond3A_27 = arith.cmpi ne, %convert_element_type3A_25, %cond3A_26 : i32
    scf.if %cond3A_27 {
      %get3A_28 = arith.constant 0 : index
      %get3A_29 = arith.constant 0 : index
      %get3A_30 = vector.load %arg12[%get3A_28, %get3A_29] : memref<1x128xf32, #tpu.memory_space<vmem>>, vector<1x128xf32>
      %div3A = arith.constant 1.000000e+04 : f32
      %div3A_31 = vector.broadcast %div3A : f32 to vector<1x128xf32>
      %div3A_32 = arith.divf %get3A_30, %div3A_31 : vector<1x128xf32>
      %get3A_33 = arith.constant 0 : index
      %get3A_34 = arith.constant 0 : index
      %get3A_35 = vector.load %arg13[%get3A_33, %get3A_34] : memref<1x128xf32, #tpu.memory_space<vmem>>, vector<1x128xf32>
      %div3A_36 = arith.constant 1.000000e+04 : f32
      %div3A_37 = vector.broadcast %div3A_36 : f32 to vector<1x128xf32>
      %div3A_38 = arith.divf %get3A_35, %div3A_37 : vector<1x128xf32>
      %mul3A = arith.mulf %div3A_32, %div3A_32 : vector<1x128xf32>
      %sub3A = arith.subf %div3A_38, %mul3A : vector<1x128xf32>
      %sub3A_39 = vector.broadcast %div3A_32 : vector<1x128xf32> to vector<2000x128xf32>
      %sub3A_40 = arith.subf %add3A_13, %sub3A_39 : vector<2000x128xf32>
      %add3A_41 = arith.constant 9.99999974E-6 : f32
      %add3A_42 = vector.broadcast %add3A_41 : f32 to vector<1x128xf32>
      %add3A_43 = arith.addf %sub3A, %add3A_42 : vector<1x128xf32>
      %rsqrt3A = math.rsqrt %add3A_43 : vector<1x128xf32>
      %mul3A_44 = vector.broadcast %rsqrt3A : vector<1x128xf32> to vector<2000x128xf32>
      %mul3A_45 = arith.mulf %sub3A_40, %mul3A_44 : vector<2000x128xf32>
      %get3A_46 = arith.constant 0 : index
      %get3A_47 = arith.constant 0 : index
      %get3A_48 = vector.load %arg4[%get3A_46, %get3A_47] : memref<1x128xf32, #tpu.memory_space<vmem>>, vector<1x128xf32>
      %mul3A_49 = vector.broadcast %get3A_48 : vector<1x128xf32> to vector<2000x128xf32>
      %mul3A_50 = arith.mulf %mul3A_45, %mul3A_49 : vector<2000x128xf32>
      %get3A_51 = arith.constant 0 : index
      %get3A_52 = arith.constant 0 : index
      %get3A_53 = vector.load %arg5[%get3A_51, %get3A_52] : memref<1x128xf32, #tpu.memory_space<vmem>>, vector<1x128xf32>
      %add3A_54 = vector.broadcast %get3A_53 : vector<1x128xf32> to vector<2000x128xf32>
      %add3A_55 = arith.addf %mul3A_50, %add3A_54 : vector<2000x128xf32>
      %gt3A = arith.constant 0.000000e+00 : f32
      %gt3A_56 = vector.broadcast %gt3A : f32 to vector<2000x128xf32>
      %gt3A_57 = arith.cmpf ogt, %add3A_55, %gt3A_56 : vector<2000x128xf32>
      %exp3A = math.exp %add3A_55 : vector<2000x128xf32>
      %sub3A_58 = arith.constant 1.000000e+00 : f32
      %sub3A_59 = vector.broadcast %sub3A_58 : f32 to vector<2000x128xf32>
      %sub3A_60 = arith.subf %exp3A, %sub3A_59 : vector<2000x128xf32>
      %select_n3A = arith.select %gt3A_57, %add3A_55, %sub3A_60 : vector<2000x128xi1>, vector<2000x128xf32>
      %get3A_61 = arith.constant 0 : index
      %get3A_62 = arith.constant 0 : index
      %get3A_63 = vector.load %arg6[%get3A_61, %get3A_62] : memref<128x128xf32, #tpu.memory_space<vmem>>, vector<128x128xf32>
      %dot_general3A = arith.constant dense<0.000000e+00> : vector<2000x128xf32>
      %dot_general3A_64 = tpu.matmul %select_n3A, %get3A_63, %dot_general3A {dimension_numbers = #tpu.dot_dimension_numbers<[1], [0], [0], [1], [0, 0, 1, 1], [], []>, transpose_lhs_hint = false} : vector<2000x128xf32>, vector<128x128xf32>, vector<2000x128xf32> -> vector<2000x128xf32>
      %swap3A = arith.constant 0 : index
      %swap3A_65 = arith.constant 0 : index
      %swap3A_66 = vector.load %arg9[%swap3A, %swap3A_65] : memref<2000x128xf32, #tpu.memory_space<vmem>>, vector<2000x128xf32>
      tpu.vector_store %arg9[%swap3A, %swap3A_65], %dot_general3A_64 {strides = array<i32>} : memref<2000x128xf32, #tpu.memory_space<vmem>>, vector<2000x128xf32>,
      %get3A_67 = arith.constant 0 : index
      %get3A_68 = arith.constant 0 : index
      %get3A_69 = vector.load %arg7[%get3A_67, %get3A_68] : memref<128x16xf32, #tpu.memory_space<vmem>>, vector<128x16xf32>
      %dot_general3A_70 = arith.constant dense<0.000000e+00> : vector<2000x16xf32>
      %dot_general3A_71 = tpu.matmul %dot_general3A_64, %get3A_69, %dot_general3A_70 {dimension_numbers = #tpu.dot_dimension_numbers<[1], [0], [0], [1], [0, 0, 1, 1], [], []>, transpose_lhs_hint = false} : vector<2000x128xf32>, vector<128x16xf32>, vector<2000x16xf32> -> vector<2000x16xf32>
      %swap3A_72 = arith.constant 0 : index
      %swap3A_73 = arith.constant 0 : index
      %swap3A_74 = vector.load %arg10[%swap3A_72, %swap3A_73] : memref<2000x16xf32, #tpu.memory_space<vmem>>, vector<2000x16xf32>
      tpu.vector_store %arg10[%swap3A_72, %swap3A_73], %dot_general3A_71 {strides = array<i32>} : memref<2000x16xf32, #tpu.memory_space<vmem>>, vector<2000x16xf32>,
      %get3A_75 = arith.constant 0 : index
      %get3A_76 = arith.constant 0 : index
      %get3A_77 = vector.load %arg8[%get3A_75, %get3A_76] : memref<128x16xf32, #tpu.memory_space<vmem>>, vector<128x16xf32>
      %dot_general3A_78 = arith.constant dense<0.000000e+00> : vector<2000x16xf32>
      %dot_general3A_79 = tpu.matmul %dot_general3A_64, %get3A_77, %dot_general3A_78 {dimension_numbers = #tpu.dot_dimension_numbers<[1], [0], [0], [1], [0, 0, 1, 1], [], []>, transpose_lhs_hint = false} : vector<2000x128xf32>, vector<128x16xf32>, vector<2000x16xf32> -> vector<2000x16xf32>
      %swap3A_80 = arith.constant 0 : index
      %swap3A_81 = arith.constant 0 : index
      %swap3A_82 = vector.load %arg11[%swap3A_80, %swap3A_81] : memref<2000x16xf32, #tpu.memory_space<vmem>>, vector<2000x16xf32>
      tpu.vector_store %arg11[%swap3A_80, %swap3A_81], %dot_general3A_79 {strides = array<i32>} : memref<2000x16xf32, #tpu.memory_space<vmem>>, vector<2000x16xf32>,
    } else {
    }
    return
  }
  func.func @transform_0(%arg0: i32, %arg1: i32) -> (i32, i32, i32) {
    %c0_i32 = arith.constant 0 : i32
    %c0_i32_0 = arith.constant 0 : i32
    %c0_i32_1 = arith.constant 0 : i32
    return %c0_i32, %arg1, %c0_i32_0 : i32, i32, i32
  }
  func.func @transform_1(%arg0: i32, %arg1: i32) -> (i32, i32) {
    %c0_i32 = arith.constant 0 : i32
    %c0_i32_0 = arith.constant 0 : i32
    %c0_i32_1 = arith.constant 0 : i32
    return %c0_i32, %c0_i32_0 : i32, i32
  }
  func.func @transform_2(%arg0: i32, %arg1: i32) -> (i32, i32) {
    %c0_i32 = arith.constant 0 : i32
    %c0_i32_0 = arith.constant 0 : i32
    %c0_i32_1 = arith.constant 0 : i32
    return %c0_i32, %c0_i32_0 : i32, i32
  }
  func.func @transform_3(%arg0: i32, %arg1: i32) -> (i32, i32) {
    %c0_i32 = arith.constant 0 : i32
    %c0_i32_0 = arith.constant 0 : i32
    %c0_i32_1 = arith.constant 0 : i32
    return %c0_i32, %c0_i32_0 : i32, i32
  }
  func.func @transform_4(%arg0: i32, %arg1: i32) -> (i32, i32) {
    %c0_i32 = arith.constant 0 : i32
    %c0_i32_0 = arith.constant 0 : i32
    %c0_i32_1 = arith.constant 0 : i32
    return %c0_i32, %c0_i32_0 : i32, i32
  }
  func.func @transform_5(%arg0: i32, %arg1: i32) -> (i32, i32) {
    %c0_i32 = arith.constant 0 : i32
    %c0_i32_0 = arith.constant 0 : i32
    %c0_i32_1 = arith.constant 0 : i32
    return %c0_i32, %c0_i32_0 : i32, i32
  }
  func.func @transform_6(%arg0: i32, %arg1: i32) -> (i32, i32) {
    %c0_i32 = arith.constant 0 : i32
    %c0_i32_0 = arith.constant 0 : i32
    %c0_i32_1 = arith.constant 0 : i32
    return %c0_i32, %c0_i32_0 : i32, i32
  }
  func.func @transform_7(%arg0: i32, %arg1: i32) -> (i32, i32) {
    %c0_i32 = arith.constant 0 : i32
    %c0_i32_0 = arith.constant 0 : i32
    return %arg1, %c0_i32 : i32, i32
  }
  func.func @transform_8(%arg0: i32, %arg1: i32) -> (i32, i32) {
    %c0_i32 = arith.constant 0 : i32
    %c0_i32_0 = arith.constant 0 : i32
    return %arg1, %c0_i32 : i32, i32
  }
  func.func @transform_9(%arg0: i32, %arg1: i32) -> (i32, i32) {
    %c0_i32 = arith.constant 0 : i32
    %c0_i32_0 = arith.constant 0 : i32
    return %arg1, %c0_i32 : i32, i32
  }
}

module attributes {stable_mosaic.version = 14 : i64} {
  func.func @_dense_final_body(%arg0: i32, %arg1: i32, %arg2: memref<2x2000x128xf32, #tpu.memory_space<vmem>>, %arg3: memref<1x16xf32, #tpu.memory_space<vmem>>, %arg4: memref<1x16xf32, #tpu.memory_space<vmem>>, %arg5: memref<1x16xf32, #tpu.memory_space<vmem>>, %arg6: memref<2000x1xi32, #tpu.memory_space<vmem>>, %arg7: memref<64x16xf32, #tpu.memory_space<vmem>>, %arg8: memref<1x16xf32, #tpu.memory_space<vmem>>, %arg9: memref<1x16xf32, #tpu.memory_space<vmem>>, %arg10: memref<64x16xf32, #tpu.memory_space<vmem>>, %arg11: memref<64x1xf32, #tpu.memory_space<vmem>>) attributes {dimension_semantics = [#tpu.dimension_semantics<arbitrary>, #tpu.dimension_semantics<arbitrary>], iteration_bounds = array<i64: 2, 5>, scalar_prefetch = 0 : i64, scratch_operands = 4 : i64, tpu.core_type = #tpu.core_type<tc>, window_params = [{transform_indices = @transform_0, window_bounds = array<i64: 2, 2000, 128>}, {pipeline_mode = #tpu.pipeline_mode<synchronous>, transform_indices = @transform_1, window_bounds = array<i64: 1, 16>}, {pipeline_mode = #tpu.pipeline_mode<synchronous>, transform_indices = @transform_2, window_bounds = array<i64: 1, 16>}, {pipeline_mode = #tpu.pipeline_mode<synchronous>, transform_indices = @transform_3, window_bounds = array<i64: 1, 16>}, {transform_indices = @transform_4, window_bounds = array<i64: 2000, 1>}, {pipeline_mode = #tpu.pipeline_mode<synchronous>, transform_indices = @transform_5, window_bounds = array<i64: 64, 16>}]} {
    %get3A = arith.constant 0 : index
    %get3A_0 = arith.constant 0 : index
    %get3A_1 = arith.constant 0 : index
    %get3A_2 = vector.load %arg2[%get3A, %get3A_0, %get3A_1] : memref<2x2000x128xf32, #tpu.memory_space<vmem>>, vector<1x2000x128xf32>
    %get3A_3 = vector.shape_cast %get3A_2 : vector<1x2000x128xf32> to vector<2000x128xf32>
    %get3A_4 = arith.constant 1 : index
    %get3A_5 = arith.constant 0 : index
    %get3A_6 = arith.constant 0 : index
    %get3A_7 = vector.load %arg2[%get3A_4, %get3A_5, %get3A_6] : memref<2x2000x128xf32, #tpu.memory_space<vmem>>, vector<1x2000x128xf32>
    %get3A_8 = vector.shape_cast %get3A_7 : vector<1x2000x128xf32> to vector<2000x128xf32>
    %add3A = arith.addf %get3A_3, %get3A_8 : vector<2000x128xf32>
    %slice3A = vector.extract_strided_slice %add3A {offsets = [0, 0], sizes = [2000, 16], strides = [1, 1]} : vector<2000x128xf32> to vector<2000x16xf32>
    %slice3A_9 = vector.extract_strided_slice %add3A {offsets = [0, 16], sizes = [2000, 16], strides = [1, 1]} : vector<2000x128xf32> to vector<2000x16xf32>
    %add3A_10 = arith.addf %slice3A, %slice3A_9 : vector<2000x16xf32>
    %slice3A_11 = vector.extract_strided_slice %add3A {offsets = [0, 32], sizes = [2000, 16], strides = [1, 1]} : vector<2000x128xf32> to vector<2000x16xf32>
    %add3A_12 = arith.addf %add3A_10, %slice3A_11 : vector<2000x16xf32>
    %slice3A_13 = vector.extract_strided_slice %add3A {offsets = [0, 48], sizes = [2000, 16], strides = [1, 1]} : vector<2000x128xf32> to vector<2000x16xf32>
    %add3A_14 = arith.addf %add3A_12, %slice3A_13 : vector<2000x16xf32>
    %slice3A_15 = vector.extract_strided_slice %add3A {offsets = [0, 64], sizes = [2000, 16], strides = [1, 1]} : vector<2000x128xf32> to vector<2000x16xf32>
    %add3A_16 = arith.addf %add3A_14, %slice3A_15 : vector<2000x16xf32>
    %slice3A_17 = vector.extract_strided_slice %add3A {offsets = [0, 80], sizes = [2000, 16], strides = [1, 1]} : vector<2000x128xf32> to vector<2000x16xf32>
    %add3A_18 = arith.addf %add3A_16, %slice3A_17 : vector<2000x16xf32>
    %slice3A_19 = vector.extract_strided_slice %add3A {offsets = [0, 96], sizes = [2000, 16], strides = [1, 1]} : vector<2000x128xf32> to vector<2000x16xf32>
    %add3A_20 = arith.addf %add3A_18, %slice3A_19 : vector<2000x16xf32>
    %slice3A_21 = vector.extract_strided_slice %add3A {offsets = [0, 112], sizes = [2000, 16], strides = [1, 1]} : vector<2000x128xf32> to vector<2000x16xf32>
    %add3A_22 = arith.addf %add3A_20, %slice3A_21 : vector<2000x16xf32>
    %mul3A = arith.constant 1.250000e-01 : f32
    %mul3A_23 = vector.broadcast %mul3A : f32 to vector<2000x16xf32>
    %mul3A_24 = arith.mulf %add3A_22, %mul3A_23 : vector<2000x16xf32>
    %get3A_25 = arith.constant 0 : index
    %get3A_26 = arith.constant 0 : index
    %get3A_27 = vector.load %arg3[%get3A_25, %get3A_26] : memref<1x16xf32, #tpu.memory_space<vmem>>, vector<1x16xf32>
    %add3A_28 = vector.broadcast %get3A_27 : vector<1x16xf32> to vector<2000x16xf32>
    %add3A_29 = arith.addf %mul3A_24, %add3A_28 : vector<2000x16xf32>
    %eq3A = arith.constant 0 : i32
    %eq3A_30 = arith.cmpi eq, %arg0, %eq3A : i32
    %eq3A_31 = arith.constant 0 : i32
    %eq3A_32 = arith.cmpi eq, %arg1, %eq3A_31 : i32
    %and3A = arith.andi %eq3A_30, %eq3A_32 : i1
    %convert_element_type3A = arith.extui %and3A : i1 to i32
    %cond3A = arith.constant 0 : i32
    %cond3A_33 = arith.cmpi ne, %convert_element_type3A, %cond3A : i32
    scf.if %cond3A_33 {
      %broadcast_in_dim3A = arith.constant 0.000000e+00 : f32
      %broadcast_in_dim3A_44 = vector.broadcast %broadcast_in_dim3A : f32 to vector<1x16xf32>
      %swap3A = arith.constant 0 : index
      %swap3A_45 = arith.constant 0 : index
      %swap3A_46 = vector.load %arg8[%swap3A, %swap3A_45] : memref<1x16xf32, #tpu.memory_space<vmem>>, vector<1x16xf32>
      tpu.vector_store %arg8[%swap3A, %swap3A_45], %broadcast_in_dim3A_44 {strides = array<i32>} : memref<1x16xf32, #tpu.memory_space<vmem>>, vector<1x16xf32>,
      %broadcast_in_dim3A_47 = arith.constant 0.000000e+00 : f32
      %broadcast_in_dim3A_48 = vector.broadcast %broadcast_in_dim3A_47 : f32 to vector<1x16xf32>
      %swap3A_49 = arith.constant 0 : index
      %swap3A_50 = arith.constant 0 : index
      %swap3A_51 = vector.load %arg9[%swap3A_49, %swap3A_50] : memref<1x16xf32, #tpu.memory_space<vmem>>, vector<1x16xf32>
      tpu.vector_store %arg9[%swap3A_49, %swap3A_50], %broadcast_in_dim3A_48 {strides = array<i32>} : memref<1x16xf32, #tpu.memory_space<vmem>>, vector<1x16xf32>,
      %broadcast_in_dim3A_52 = arith.constant 0.000000e+00 : f32
      %broadcast_in_dim3A_53 = vector.broadcast %broadcast_in_dim3A_52 : f32 to vector<64x16xf32>
      %swap3A_54 = arith.constant 0 : index
      %swap3A_55 = arith.constant 0 : index
      %swap3A_56 = vector.load %arg10[%swap3A_54, %swap3A_55] : memref<64x16xf32, #tpu.memory_space<vmem>>, vector<64x16xf32>
      tpu.vector_store %arg10[%swap3A_54, %swap3A_55], %broadcast_in_dim3A_53 {strides = array<i32>} : memref<64x16xf32, #tpu.memory_space<vmem>>, vector<64x16xf32>,
      %broadcast_in_dim3A_57 = arith.constant 0.000000e+00 : f32
      %broadcast_in_dim3A_58 = vector.broadcast %broadcast_in_dim3A_57 : f32 to vector<64x1xf32>
      %swap3A_59 = arith.constant 0 : index
      %swap3A_60 = arith.constant 0 : index
      %swap3A_61 = vector.load %arg11[%swap3A_59, %swap3A_60] : memref<64x1xf32, #tpu.memory_space<vmem>>, vector<64x1xf32>
      tpu.vector_store %arg11[%swap3A_59, %swap3A_60], %broadcast_in_dim3A_58 {strides = array<i32>} : memref<64x1xf32, #tpu.memory_space<vmem>>, vector<64x1xf32>,
    } else {
    }
    %eq3A_34 = arith.constant 0 : i32
    %eq3A_35 = arith.cmpi eq, %arg0, %eq3A_34 : i32
    %convert_element_type3A_36 = arith.extui %eq3A_35 : i1 to i32
    %cond3A_37 = arith.constant 0 : i32
    %cond3A_38 = arith.cmpi ne, %convert_element_type3A_36, %cond3A_37 : i32
    scf.if %cond3A_38 {
      %get3A_44 = arith.constant 0 : index
      %get3A_45 = arith.constant 0 : index
      %get3A_46 = vector.load %arg8[%get3A_44, %get3A_45] : memref<1x16xf32, #tpu.memory_space<vmem>>, vector<1x16xf32>
      %reduce_sum3A = arith.constant dense<0.000000e+00> : vector<16xf32>
      %reduce_sum3A_47 = vector.multi_reduction <add>, %add3A_29, %reduce_sum3A [0] : vector<2000x16xf32> to vector<16xf32>
      %broadcast_in_dim3A = vector.shape_cast %reduce_sum3A_47 : vector<16xf32> to vector<1x16xf32>
      %add3A_48 = arith.addf %get3A_46, %broadcast_in_dim3A : vector<1x16xf32>
      %swap3A = arith.constant 0 : index
      %swap3A_49 = arith.constant 0 : index
      %swap3A_50 = vector.load %arg8[%swap3A, %swap3A_49] : memref<1x16xf32, #tpu.memory_space<vmem>>, vector<1x16xf32>
      tpu.vector_store %arg8[%swap3A, %swap3A_49], %add3A_48 {strides = array<i32>} : memref<1x16xf32, #tpu.memory_space<vmem>>, vector<1x16xf32>,
      %get3A_51 = arith.constant 0 : index
      %get3A_52 = arith.constant 0 : index
      %get3A_53 = vector.load %arg9[%get3A_51, %get3A_52] : memref<1x16xf32, #tpu.memory_space<vmem>>, vector<1x16xf32>
      %mul3A_54 = arith.mulf %add3A_29, %add3A_29 : vector<2000x16xf32>
      %reduce_sum3A_55 = arith.constant dense<0.000000e+00> : vector<16xf32>
      %reduce_sum3A_56 = vector.multi_reduction <add>, %mul3A_54, %reduce_sum3A_55 [0] : vector<2000x16xf32> to vector<16xf32>
      %broadcast_in_dim3A_57 = vector.shape_cast %reduce_sum3A_56 : vector<16xf32> to vector<1x16xf32>
      %add3A_58 = arith.addf %get3A_53, %broadcast_in_dim3A_57 : vector<1x16xf32>
      %swap3A_59 = arith.constant 0 : index
      %swap3A_60 = arith.constant 0 : index
      %swap3A_61 = vector.load %arg9[%swap3A_59, %swap3A_60] : memref<1x16xf32, #tpu.memory_space<vmem>>, vector<1x16xf32>
      tpu.vector_store %arg9[%swap3A_59, %swap3A_60], %add3A_58 {strides = array<i32>} : memref<1x16xf32, #tpu.memory_space<vmem>>, vector<1x16xf32>,
    } else {
    }
    %eq3A_39 = arith.constant 1 : i32
    %eq3A_40 = arith.cmpi eq, %arg0, %eq3A_39 : i32
    %convert_element_type3A_41 = arith.extui %eq3A_40 : i1 to i32
    %cond3A_42 = arith.constant 0 : i32
    %cond3A_43 = arith.cmpi ne, %convert_element_type3A_41, %cond3A_42 : i32
    scf.if %cond3A_43 {
      %get3A_44 = arith.constant 0 : index
      %get3A_45 = arith.constant 0 : index
      %get3A_46 = vector.load %arg8[%get3A_44, %get3A_45] : memref<1x16xf32, #tpu.memory_space<vmem>>, vector<1x16xf32>
      %div3A = arith.constant 1.000000e+04 : f32
      %div3A_47 = vector.broadcast %div3A : f32 to vector<1x16xf32>
      %div3A_48 = arith.divf %get3A_46, %div3A_47 : vector<1x16xf32>
      %get3A_49 = arith.constant 0 : index
      %get3A_50 = arith.constant 0 : index
      %get3A_51 = vector.load %arg9[%get3A_49, %get3A_50] : memref<1x16xf32, #tpu.memory_space<vmem>>, vector<1x16xf32>
      %div3A_52 = arith.constant 1.000000e+04 : f32
      %div3A_53 = vector.broadcast %div3A_52 : f32 to vector<1x16xf32>
      %div3A_54 = arith.divf %get3A_51, %div3A_53 : vector<1x16xf32>
      %mul3A_55 = arith.mulf %div3A_48, %div3A_48 : vector<1x16xf32>
      %sub3A = arith.subf %div3A_54, %mul3A_55 : vector<1x16xf32>
      %sub3A_56 = vector.broadcast %div3A_48 : vector<1x16xf32> to vector<2000x16xf32>
      %sub3A_57 = arith.subf %add3A_29, %sub3A_56 : vector<2000x16xf32>
      %add3A_58 = arith.constant 9.99999974E-6 : f32
      %add3A_59 = vector.broadcast %add3A_58 : f32 to vector<1x16xf32>
      %add3A_60 = arith.addf %sub3A, %add3A_59 : vector<1x16xf32>
      %rsqrt3A = math.rsqrt %add3A_60 : vector<1x16xf32>
      %mul3A_61 = vector.broadcast %rsqrt3A : vector<1x16xf32> to vector<2000x16xf32>
      %mul3A_62 = arith.mulf %sub3A_57, %mul3A_61 : vector<2000x16xf32>
      %get3A_63 = arith.constant 0 : index
      %get3A_64 = arith.constant 0 : index
      %get3A_65 = vector.load %arg4[%get3A_63, %get3A_64] : memref<1x16xf32, #tpu.memory_space<vmem>>, vector<1x16xf32>
      %mul3A_66 = vector.broadcast %get3A_65 : vector<1x16xf32> to vector<2000x16xf32>
      %mul3A_67 = arith.mulf %mul3A_62, %mul3A_66 : vector<2000x16xf32>
      %get3A_68 = arith.constant 0 : index
      %get3A_69 = arith.constant 0 : index
      %get3A_70 = vector.load %arg5[%get3A_68, %get3A_69] : memref<1x16xf32, #tpu.memory_space<vmem>>, vector<1x16xf32>
      %add3A_71 = vector.broadcast %get3A_70 : vector<1x16xf32> to vector<2000x16xf32>
      %add3A_72 = arith.addf %mul3A_67, %add3A_71 : vector<2000x16xf32>
      %gt3A = arith.constant 0.000000e+00 : f32
      %gt3A_73 = vector.broadcast %gt3A : f32 to vector<2000x16xf32>
      %gt3A_74 = arith.cmpf ogt, %add3A_72, %gt3A_73 : vector<2000x16xf32>
      %exp3A = math.exp %add3A_72 : vector<2000x16xf32>
      %sub3A_75 = arith.constant 1.000000e+00 : f32
      %sub3A_76 = vector.broadcast %sub3A_75 : f32 to vector<2000x16xf32>
      %sub3A_77 = arith.subf %exp3A, %sub3A_76 : vector<2000x16xf32>
      %select_n3A = arith.select %gt3A_74, %add3A_72, %sub3A_77 : vector<2000x16xi1>, vector<2000x16xf32>
      %iota3A = tpu.iota {dimensions = array<i32: 1>} : vector<2000x64xi32>
      %get3A_78 = arith.constant 0 : index
      %get3A_79 = arith.constant 0 : index
      %get3A_80 = vector.load %arg6[%get3A_78, %get3A_79] : memref<2000x1xi32, #tpu.memory_space<vmem>>, vector<2000x1xi32>
      %eq3A_81 = vector.broadcast %get3A_80 : vector<2000x1xi32> to vector<2000x64xi32>
      %eq3A_82 = arith.cmpi eq, %eq3A_81, %iota3A : vector<2000x64xi32>
      %convert_element_type3A_83 = arith.extui %eq3A_82 : vector<2000x64xi1> to vector<2000x64xi32>
      %convert_element_type3A_84 = arith.sitofp %convert_element_type3A_83 : vector<2000x64xi32> to vector<2000x64xf32>
      %get3A_85 = arith.constant 0 : index
      %get3A_86 = arith.constant 0 : index
      %get3A_87 = vector.load %arg10[%get3A_85, %get3A_86] : memref<64x16xf32, #tpu.memory_space<vmem>>, vector<64x16xf32>
      %dot_general3A = arith.constant dense<0.000000e+00> : vector<64x16xf32>
      %dot_general3A_88 = tpu.matmul %convert_element_type3A_84, %select_n3A, %dot_general3A {dimension_numbers = #tpu.dot_dimension_numbers<[0], [0], [1], [1], [0, 1, 1, 1], [], []>, transpose_lhs_hint = false} : vector<2000x64xf32>, vector<2000x16xf32>, vector<64x16xf32> -> vector<64x16xf32>
      %add3A_89 = arith.addf %get3A_87, %dot_general3A_88 : vector<64x16xf32>
      %swap3A = arith.constant 0 : index
      %swap3A_90 = arith.constant 0 : index
      %swap3A_91 = vector.load %arg10[%swap3A, %swap3A_90] : memref<64x16xf32, #tpu.memory_space<vmem>>, vector<64x16xf32>
      tpu.vector_store %arg10[%swap3A, %swap3A_90], %add3A_89 {strides = array<i32>} : memref<64x16xf32, #tpu.memory_space<vmem>>, vector<64x16xf32>,
      %get3A_92 = arith.constant 0 : index
      %get3A_93 = arith.constant 0 : index
      %get3A_94 = vector.load %arg11[%get3A_92, %get3A_93] : memref<64x1xf32, #tpu.memory_space<vmem>>, vector<64x1xf32>
      %broadcast_in_dim3A = arith.constant 1.000000e+00 : f32
      %broadcast_in_dim3A_95 = vector.broadcast %broadcast_in_dim3A : f32 to vector<2000x1xf32>
      %dot_general3A_96 = arith.constant dense<0.000000e+00> : vector<64x1xf32>
      %dot_general3A_97 = tpu.matmul %convert_element_type3A_84, %broadcast_in_dim3A_95, %dot_general3A_96 {dimension_numbers = #tpu.dot_dimension_numbers<[0], [0], [1], [1], [0, 1, 1, 1], [], []>, transpose_lhs_hint = false} : vector<2000x64xf32>, vector<2000x1xf32>, vector<64x1xf32> -> vector<64x1xf32>
      %add3A_98 = arith.addf %get3A_94, %dot_general3A_97 : vector<64x1xf32>
      %swap3A_99 = arith.constant 0 : index
      %swap3A_100 = arith.constant 0 : index
      %swap3A_101 = vector.load %arg11[%swap3A_99, %swap3A_100] : memref<64x1xf32, #tpu.memory_space<vmem>>, vector<64x1xf32>
      tpu.vector_store %arg11[%swap3A_99, %swap3A_100], %add3A_98 {strides = array<i32>} : memref<64x1xf32, #tpu.memory_space<vmem>>, vector<64x1xf32>,
      %eq3A_102 = arith.constant 4 : i32
      %eq3A_103 = arith.cmpi eq, %arg1, %eq3A_102 : i32
      %convert_element_type3A_104 = arith.extui %eq3A_103 : i1 to i32
      %cond3A_105 = arith.constant 0 : i32
      %cond3A_106 = arith.cmpi ne, %convert_element_type3A_104, %cond3A_105 : i32
      scf.if %cond3A_106 {
        %get3A_107 = arith.constant 0 : index
        %get3A_108 = arith.constant 0 : index
        %get3A_109 = vector.load %arg10[%get3A_107, %get3A_108] : memref<64x16xf32, #tpu.memory_space<vmem>>, vector<64x16xf32>
        %get3A_110 = arith.constant 0 : index
        %get3A_111 = arith.constant 0 : index
        %get3A_112 = vector.load %arg11[%get3A_110, %get3A_111] : memref<64x1xf32, #tpu.memory_space<vmem>>, vector<64x1xf32>
        %max3A = arith.constant 1.000000e+00 : f32
        %max3A_113 = vector.broadcast %max3A : f32 to vector<64x1xf32>
        %max3A_114 = arith.maximumf %get3A_112, %max3A_113 : vector<64x1xf32>
        %div3A_115 = vector.broadcast %max3A_114 : vector<64x1xf32> to vector<64x16xf32>
        %div3A_116 = arith.divf %get3A_109, %div3A_115 : vector<64x16xf32>
        %swap3A_117 = arith.constant 0 : index
        %swap3A_118 = arith.constant 0 : index
        %swap3A_119 = vector.load %arg7[%swap3A_117, %swap3A_118] : memref<64x16xf32, #tpu.memory_space<vmem>>, vector<64x16xf32>
        tpu.vector_store %arg7[%swap3A_117, %swap3A_118], %div3A_116 {strides = array<i32>} : memref<64x16xf32, #tpu.memory_space<vmem>>, vector<64x16xf32>,
      } else {
      }
    } else {
    }
    return
  }
  func.func @transform_0(%arg0: i32, %arg1: i32) -> (i32, i32, i32) {
    %c0_i32 = arith.constant 0 : i32
    %c0_i32_0 = arith.constant 0 : i32
    %c0_i32_1 = arith.constant 0 : i32
    return %c0_i32, %arg1, %c0_i32_0 : i32, i32, i32
  }
  func.func @transform_1(%arg0: i32, %arg1: i32) -> (i32, i32) {
    %c0_i32 = arith.constant 0 : i32
    %c0_i32_0 = arith.constant 0 : i32
    %c0_i32_1 = arith.constant 0 : i32
    return %c0_i32, %c0_i32_0 : i32, i32
  }
  func.func @transform_2(%arg0: i32, %arg1: i32) -> (i32, i32) {
    %c0_i32 = arith.constant 0 : i32
    %c0_i32_0 = arith.constant 0 : i32
    %c0_i32_1 = arith.constant 0 : i32
    return %c0_i32, %c0_i32_0 : i32, i32
  }
  func.func @transform_3(%arg0: i32, %arg1: i32) -> (i32, i32) {
    %c0_i32 = arith.constant 0 : i32
    %c0_i32_0 = arith.constant 0 : i32
    %c0_i32_1 = arith.constant 0 : i32
    return %c0_i32, %c0_i32_0 : i32, i32
  }
  func.func @transform_4(%arg0: i32, %arg1: i32) -> (i32, i32) {
    %c0_i32 = arith.constant 0 : i32
    %c0_i32_0 = arith.constant 0 : i32
    return %arg1, %c0_i32 : i32, i32
  }
  func.func @transform_5(%arg0: i32, %arg1: i32) -> (i32, i32) {
    %c0_i32 = arith.constant 0 : i32
    %c0_i32_0 = arith.constant 0 : i32
    %c0_i32_1 = arith.constant 0 : i32
    return %c0_i32, %c0_i32_0 : i32, i32
  }
}

</mosaic_0001>

<sc_bundles>
// kernel: kernel.16.cloned.1.call-start
scs
__scs_entry_jumppad:
0x0: {  	(pc) =	sbr.rel $0x88, $3  }
0x1: {  	(tag) =	ssettag $0x0;
	lr =	simm.s32 $0x1  }
0x2: {  	[smem:$0x3F92] =	sst lr;
	_ =	strace $0xD0000000  }
0x3: {  	_ = 	snop  }
0x4: {  	_ = 	snop  }
0x5: {  	_ = 	snop  }
0x6: {  	_ = 	snop  }
0x7: {  	_ = 	snop  }
__scs_overlays_trampoline_lowered:
0x8: {  	[smem:$0x3FA1] =	sst s0  }
0x9: {  	[smem:$0x3FA2] =	sst s1  }
0xa: {  	[smem:$0x3FA3] =	sst s2  }
0xb: {  	[smem:$0x3FA4] =	sst s3  }
0xc: {  	[smem:$0x3FA5] =	sst s4  }
0xd: {  	[smem:$0x3FA6] =	sst s5  }
0xe: {  	[smem:$0x3FA7] =	sst s6  }
0xf: {  	[smem:$0x3FA8] =	sst s7  }
0x10: {  	[smem:$0x3FA9] =	sst s8  }
0x11: {  	[smem:$0x3FAA] =	sst s9;
	s0 =	simm.s32 @!p0 $0x0  }
0x12: {  	s1 =	sld [smem:$0x3F90];
	s0 =	simm.s32 @p0 $0x1  }
0x13: {  	[smem:$0x3FAB] =	sst s0;
	s0 =	simm.s32 @!p1 $0x0  }
0x14: {  	s2 =	sld [smem:$0x3F8F];
	s0 =	simm.s32 @p1 $0x1  }
0x15: {  	[smem:$0x3FAC] =	sst s0;
	s0 =	simm.s32 @!p2 $0x0  }
0x16: {  	s3 =	sld [smem:$0x3FDB];
	s0 =	simm.s32 @p2 $0x1  }
0x17: {  	s4 =	simm.s32 $0x1BF5;
	[smem:$0x3FAE] =	sst s0  }
0x18: {  	s0 =	sld [smem:$0x3F91];
	_ =	swait.ge [sflag:s4], $0x0  }
0x19: {  	s7 =	sld [smem:$0x3F92]  }
0x1a: {  	s8 =	sadd.s32 $0xFFFFE003, lr  }
0x1b: {  	s9 =	sadd.s32 $0xFFFFFEF7, lr;
	s5 =	simm.s32 $0xFFFFFFFF;
	p2 =	slt.u32 s8, $0xFFFFF086  }
0x1c: {  	p1 =	slt.u32 s9, $0xF7A;
	s5 =	simm.s32 @!p2 $0x0  }
0x1d: {  	s5 =	simm.s32 @p1 $0x1;
	p0 =	seq.s32 s7, s2  }
0x1e: {  	s7 =	smul.u32 @!p0 $0xF7A, s2;
	p2 =	seq.s32 @!p0 s5, $0x0  }
0x1f: {  	s9 =	smul.u32 $0xF7A, s1;
	s8 =	simm.s32 @!p0 $0x1BF5;
	p2 =	por !p2, p0  }
0x20: {  	[sflag:s8] =	ssyncset.s32 @!p0 $0xFFFFF086;
	s6 =	sadd.s32 @!p0 s3, s7;
	s7 =	simm.s32 @!p0 $0x108  }
0x21: {  	s3 =	sadd.s32 s3, s9;
	s6 =	sadd.s32 @!p0 $0x88, s6;
	s7 =	simm.s32 @p2 $0x1082  }
0x22: {  	[simem:s7], [sflag:s8] =	dma.local @!p0 [hbm:s6], $0xF7A  }
0x23: {  	s9 =	sor.u32 $0xD0000000, s2;
	s6 =	simm.s32 $0x108;
	_ =	swait.ge @!p0 [sflag:s8], $0x0  }
0x24: {  	s3 =	sadd.s32 $0x88, s3;
	s6 =	simm.s32 @!p1 $0x1082;
	[sflag:s4] =	ssyncset.s32 $0xFFFFF086  }
0x25: {  	[simem:s6], [sflag:s4] =	dma.local [hbm:s3], $0xF7A  }
0x26: {  	[smem:$0x3F92] =	sst s1;
	(tag) =	ssettag s2;
	_ =	strace s9  }
0x27: {  	s1 =	sld [smem:$0x3FA2]  }
0x28: {  	s2 =	sld [smem:$0x3FA3]  }
0x29: {  	s4 =	sld [smem:$0x3FA5]  }
0x2a: {  	p0 =	seq.s32 s5, $0x0;
	s5 =	sld [smem:$0x3FA6]  }
0x2b: {  	s6 =	sld [smem:$0x3FA7]  }
0x2c: {  	s7 =	sld [smem:$0x3FA8]  }
0x2d: {  	s3 =	simm.s32 $0x108;
	s8 =	sld [smem:$0x3FA9]  }
0x2e: {  	s3 =	simm.s32 @!p0 $0x1082;
	s9 =	sld [smem:$0x3FAA]  }
0x2f: {  	lr =	sadd.s32 s0, s3;
	s0 =	sld [smem:$0x3FA1]  }
0x30: {  	s3 =	sld [smem:$0x3FA4]  }
0x31: {  	[smem:$0x3FAD] =	sst s10  }
0x32: {  	s10 =	sld [smem:$0x3FAB];
	_ =	sdelay $0x3  }
0x33: {  	p0 =	seq.s32 s10, $0x1;
	s10 =	sld [smem:$0x3FAD];
	_ =	sdelay $0x3  }
0x34: {  	[smem:$0x3FAD] =	sst s10  }
0x35: {  	s10 =	sld [smem:$0x3FAC];
	_ =	sdelay $0x3  }
0x36: {  	p1 =	seq.s32 s10, $0x1;
	s10 =	sld [smem:$0x3FAD];
	_ =	sdelay $0x3  }
0x37: {  	[smem:$0x3FAD] =	sst s10  }
0x38: {  	s10 =	sld [smem:$0x3FAE]  }
0x39: {  	_ = 	snop;
	(pc) =	sbr.ind lr, $3  }
0x3a: {  	_ = 	snop  }
0x3b: {  	_ = 	snop  }
0x3c: {  	p2 =	seq.s32 s10, $0x1;
	s10 =	sld [smem:$0x3FAD]  }
0x3d: {  	_ =	shalt  }
0x3e: {  	_ =	shalt  }
0x3f: {  	_ =	shalt  }
0x40: {  	_ =	shalt  }
0x41: {  	_ =	shalt  }
0x42: {  	_ =	shalt  }
0x43: {  	_ =	shalt  }
0x44: {  	_ =	shalt  }
0x45: {  	_ =	shalt  }
0x46: {  	_ =	shalt  }
0x47: {  	_ =	shalt  }
0x48: {  	_ =	shalt  }
0x49: {  	_ =	shalt  }
0x4a: {  	_ =	shalt  }
0x4b: {  	_ =	shalt  }
0x4c: {  	_ =	shalt  }
0x4d: {  	_ =	shalt  }
0x4e: {  	_ =	shalt  }
0x4f: {  	_ =	shalt  }
0x50: {  	_ =	shalt  }
0x51: {  	_ =	shalt  }
0x52: {  	_ =	shalt  }
0x53: {  	_ =	shalt  }
0x54: {  	_ =	shalt  }
0x55: {  	_ =	shalt  }
0x56: {  	_ =	shalt  }
0x57: {  	_ =	shalt  }
0x58: {  	_ =	shalt  }
0x59: {  	_ =	shalt  }
0x5a: {  	_ =	shalt  }
0x5b: {  	_ =	shalt  }
0x5c: {  	_ =	shalt  }
0x5d: {  	_ =	shalt  }
0x5e: {  	_ =	shalt  }
0x5f: {  	_ =	shalt  }
0x60: {  	_ =	shalt  }
0x61: {  	_ =	shalt  }
0x62: {  	_ =	shalt  }
0x63: {  	_ =	shalt  }
0x64: {  	_ =	shalt  }
0x65: {  	_ =	shalt  }
0x66: {  	_ =	shalt  }
0x67: {  	_ =	shalt  }
0x68: {  	_ =	shalt  }
0x69: {  	_ =	shalt  }
0x6a: {  	_ =	shalt  }
0x6b: {  	_ =	shalt  }
0x6c: {  	_ =	shalt  }
0x6d: {  	_ =	shalt  }
0x6e: {  	_ =	shalt  }
0x6f: {  	_ =	shalt  }
0x70: {  	_ =	shalt  }
0x71: {  	_ =	shalt  }
0x72: {  	_ =	shalt  }
0x73: {  	_ =	shalt  }
0x74: {  	_ =	shalt  }
0x75: {  	_ =	shalt  }
0x76: {  	_ =	shalt  }
0x77: {  	_ =	shalt  }
0x78: {  	_ =	shalt  }
0x79: {  	_ =	shalt  }
0x7a: {  	_ =	shalt  }
0x7b: {  	_ =	shalt  }
0x7c: {  	_ =	shalt  }
0x7d: {  	_ =	shalt  }
0x7e: {  	_ =	shalt  }
0x7f: {  	_ =	shalt  }
0x80: {  	_ =	shalt  }
0x81: {  	_ =	shalt  }
0x82: {  	_ =	shalt  }
0x83: {  	_ =	shalt  }
0x84: {  	_ =	shalt  }
0x85: {  	_ =	shalt  }
0x86: {  	_ =	shalt  }
0x87: {  	_ =	shalt  }
.Lfunc_end0:
.L_simem_size_0:
called_computation_lowered:
.L_overlay_start_0:
0x88: {  	s2 =	sld [smem:$0x3FD9]  }
0x89: {  	s3 =	sld [smem:$0x3FFE];
	_ =	sdelay $0x1  }
0x8a: {  	s1 =	srdreg.scid  }
0x8b: {  	s0 =	sand.u32 $0x1, s1  }
0x8c: {  	s16 =	sshll.u32 s0, $0xA;
	s2 =	sadd.s32 s3, s2  }
0x8d: {  	s2 =	sadd.s32 s2, s16  }
0x8e: {  	[smem:$0x3FB9] =	sst s2  }
0x8f: {  	_ = 	snop  }
0x90: {  	(tm) =	ssettm $0x1  }
0x91: {  	s17 =	sld [smem:$0x3FFB];
	_ =	sdelay $0x3  }
0x92: {  	_ =	strace s17  }
0x93: {  	s2 =	sld [smem:$0x3FFC];
	_ =	sdelay $0x3  }
0x94: {  	_ =	strace s2  }
0x95: {  	s2 =	sld [smem:$0x3FFD];
	_ =	sdelay $0x3  }
0x96: {  	_ =	strace s2  }
0x97: {  	_ =	strace $0x8FFFFFFF  }
0x98: {  	s18 =	sld [smem:$0x3FDB];
	_ =	sdelay $0x1  }
0x99: {  	s19 =	simm.s32 $_scs_section_size  }
0x9a: {  	s4 =	simm.s32 $_size__tile_overlayer_lowered;
	s5 =	simm.s32 $_tile_overlayer_lowered  }
0x9b: {  	s22 =	simm.s32 $0x1BFF;
	s21 =	sshll.u32 s5, $0x1;
	s2 =	sadd.s32 s19, s18  }
0x9c: {  	s6 =	simm.s32 $0x0;
	s20 =	sshll.u32 s4, $0x1;
	s4 =	sadd.s32 s21, s2  }
0x9d: {  	[timem:s6], [sflag:s22] =	dma.local [hbm:s4], s20  }
0x9e: {  	_ =	swait.ge [sflag:s22], s20  }
0x9f: {  	s3 =	ssub.s32 $0x0, s20;
	[sflag:s22] =	ssyncset.done $0x0  }
0xa0: {  	[sflag:s22] =	ssyncadd.s32 s3;
	_ =	sdelay $0x1  }
0xa1: {  	s23 =	simm.s32 $0x1B8B  }
0xa2: {  	_ =	swait.ge [sflag:s23], $0x1  }
0xa3: {  	[sflag:s23] =	ssyncset.done $0x0  }
0xa4: {  	s25 =	simm.s32 $0x1B8E;
	s24 =	sld [smem:$0x3FFE];
	[sflag:s23] =	ssyncadd.s32 $0xFFFFFFFF  }
0xa5: {  	s26 =	simm.s32 $execute0_lowered;
	[smem:$0x3FD2] =	sst s25  }
0xa6: {  	s4 =	sshll.u32 s26, $0x1;
	_ =	strace $0x80000046;
	[dreg:$0x1] =	wrdreg $0xFFFFFFFF  }
0xa7: {  	s28 =	simm.s32 $_size_execute0_lowered;
	s2 =	sadd.s32 s2, s4;
	[dreg:$0x0] =	wrdreg $0x0  }
0xa8: {  	s4 =	sshll.u32 s28, $0x1;
	[dreg:$0x2] =	wrdreg s2  }
0xa9: {  	[dreg:$0x3] =	wrdreg s4  }
0xaa: {  	[dreg:$0x4] =	wrdreg $0xC0  }
0xab: {  	_ =	task [dreg:s6], $0x5FFFF  }
0xac: {  	[dreg:$0x1] =	wrdreg $0xFFFFFFFF  }
0xad: {  	[dreg:$0x0] =	wrdreg $0x60  }
0xae: {  	[dreg:$0x2] =	wrdreg s24  }
0xaf: {  	[dreg:$0x3] =	wrdreg $0x0  }
0xb0: {  	[dreg:$0x4] =	wrdreg $0x9  }
0xb1: {  	_ =	task.clear_ibuf [dreg:s6], $0x5FFFF;
	_ =	strace $0x90000046  }
0xb2: {  	s29 =	simm.s32 $0x9;
	_ =	strace $0x80000048  }
0xb3: {  	_ =	swait.ge [sflag:s29], $0x1  }
0xb4: {  	[sflag:s29] =	ssyncadd.s32 $0xFFFFFFFF  }
0xb5: {  	_ =	strace $0x90000048  }
0xb6: {  	_ =	sfence  }
0xb7: {  	s30 =	sld [smem:$0x0];
	_ =	sdelay $0x2  }
0xb8: {  	s31 =	sshll.u32 s1, $0xD;
	s1 =	sshrl.u32 s1, $0x2  }
0xb9: {  	s3 =	sand.u32 $0x4000, s31;
	s1 =	sadd.s32 s1, s30  }
0xba: {  	s0 =	sor.u32 s3, s0;
	s1 =	sshll.u32 s1, $0x11  }
0xbb: {  	s0 =	sor.u32 s1, s0  }
0xbc: {  	s0 =	sadd.s32 $0x8F2B, s0  }
0xbd: {  	[sflag:s0] =	ssyncadd.remote.s32 $0x1  }
0xbe: {  	_ =	sfence.sel $0xFFFF  }
0xbf: {  	[dreg:$0x0] =	wrdreg $0xFFFFFFFF;
	(pc) =	sbr.abs _section_cstart, $3  }
0xc0: {  	[dreg:$0x1] =	wrdreg $0xFFFFFFFF  }
0xc1: {  	_ =	task.clear_ibuf [dreg:s6], $0x2FFFF;
	_ =	strace $0x9FFFFFFF  }
0xc2: {  	(tm) =	ssettm $0x7FFFFFFF  }
0xc3: {  	_ =	shalt  }
tec
execute0_lowered:
.L_overlay_start_1:
0x0: {  	(tag) =	ssettag $0x1  }
0x1: {  	s0 =	rddreg [dreg:$0x0]  }
0x2: {  	s2 =	rddreg [dreg:$0x1]  }
0x3: {  	s3 =	simm.s32 $0x0;
	s15 =	stileid.u32;
	s1 =	srdreg.scid  }
0x4: {  	s16 =	simm.s32 $0x3;
	s17 =	simm.s32 $0x2800;
	s18 =	simm.s32 $0x2850  }
0x5: {  	s19 =	simm.s32 $0x32A0;
	s20 =	simm.s32 $0x1;
	s21 =	simm.s32 $0x50  }
0x6: {  	s22 =	simm.s32 $0x28A0;
	s23 =	simm.s32 $0x2DA0;
	s24 =	simm.s32 $0x2  }
0x7: {  	s25 =	simm.s32 $0x37A0;
	s26 =	simm.s32 $0x0;
	[smem:$0x7FF] =	sst s3  }
0x8: {  	s10 =	smul.u32 $0x2800, s15;
	s1 =	sand.u32 $0x1, s1;
	s4 =	sadd.s32 $0x11800, s0  }
0x9: {  	s5 =	sadd.s32 $0x7A00, s0;
	s6 =	sadd.s32 $0x13A3600, s0;
	s7 =	sadd.s32 $0x45800, s0  }
0xa: {  	s8 =	sadd.s32 $0x4A800, s0;
	s30 =	sshll.u32 s15, $0x1;
	s31 =	sshll.u32 s15, $0x6  }
0xb: {  	_ =	strace $0x80000047;
	s9 =	smul.u32 $0x28000, s1;
	s12 =	ssub.s32 $0x2, s1  }
0xc: {  	s1 =	sor.u32 s1, s30;
	s11 =	sshrl.u32 s10, $0x3;
	s14 =	sshrl.u32 s12, $0x1  }
0xd: {  	s9 =	sadd.s32 s10, s9;
	s11 =	sadd.s32 s11, s0;
	s14 =	ssub.s32 s12, s14  }
0xe: {  	s10 =	sadd.s32 s10, s2;
	s12 =	smul.u32 $0x2710, s1;
	s13 =	sshrl.u32 s9, $0x3  }
0xf: {  	s9 =	sadd.s32 $0x5E800, s0;
	s11 =	sadd.s32 $0x4F800, s11;
	s0 =	sadd.s32 s13, s0  }
0x10: {  	s14 =	smax.u32 s14, $0x1;
	[dreg:$0x3] =	wrdreg s11;
	s0 =	sadd.s32 $0x54800, s0  }
0x11: {  	s15 =	sshrl.u32 s10, $0x3;
	s11 =	sor.u32 $0x1C03, s31;
	[dreg:$0x4] =	wrdreg s0  }
.LBB2_1:
0x12: {  	s0 =	rddreg [dreg:$0x3]  }
0x13: {  	[spmem:s15], [sflag:s11] =	dma.local [hbm:s0], $0x500  }
0x14: {  	_ =	swait.ge [sflag:s16], $0x500  }
0x15: {  	[sflag:s16] =	ssyncset.done $0x0  }
0x16: {  	[sflag:s16] =	ssyncadd.s32 $0xFFFFFB00  }
0x17: {  	s28 =	simm.s32 $0x0;
	[bflag:$0x0] =	sbarrier.arrive $0xFFFF  }
.LBB2_2:
0x18: {  	s0 =	smul.u32 $0x50, s28;
	_ =	sdelay $0x1  }
0x19: {  	s0 =	sadd.s32 s12, s0  }
0x1a: {  	s1 =	sshrl.u32 s0, $0x3  }
0x1b: {  	s30 =	simm.s32 $0x0;
	s10 =	sadd.s32 s4, s1  }
0x1c: {  	[tilespmem:s17], [sflag:$0x1] =	stream.linear.gather [hbm4b:s10+s30], $0x50, $0x38;
	[tilespmem:$0x3CA0] =	vst v63  }
0x1d: {  	s29 =	sshll.u32 s0, $0x1;
	s1 =	sadd.s32 s5, s1  }
0x1e: {  	[tilespmem:s18], [sflag:$0x1] =	stream.linear.gather [hbm4b:s1+s30], $0x50, $0x38;
	[tilespmem:$0x3CA0] =	vst v63  }
0x1f: {  	s0 =	sadd.s32 s6, s29  }
0x20: {  	[tilespmem:s19], [sflag:$0x2] =	stream.linear.gather [hbm4b:s0+s30], $0x500, $0x38;
	[tilespmem:$0x3CA0] =	vst v63  }
0x21: {  	_ =	swait.ge [sflag:s20], $0x50  }
0x22: {  	[sflag:s20] =	ssyncset.done $0x0  }
0x23: {  	[sflag:s20] =	ssyncadd.s32 $0xFFFFFFB0  }
0x24: {  	_ =	swait.ge [sflag:s20], $0x50  }
0x25: {  	[sflag:s20] =	ssyncset.done $0x0  }
0x26: {  	[sflag:s20] =	ssyncadd.s32 $0xFFFFFFB0  }
0x27: {  	[tilespmem:s22], [sflag:$0x1] =	stream.indirect.gather [hbm4b:s7+s21], $0x10, s17, s21, $0xb8;
	[tilespmem:$0x3CA0] =	vst v63  }
0x28: {  	_ = 	snop  }
0x29: {  	[tilespmem:s23], [sflag:$0x1] =	stream.indirect.gather [hbm4b:s8+s21], $0x10, s18, s21, $0xb8;
	[tilespmem:$0x3CA0] =	vst v63  }
0x2a: {  	_ =	swait.ge [sflag:s20], $0x500  }
0x2b: {  	[sflag:s20] =	ssyncset.done $0x0  }
0x2c: {  	[sflag:s20] =	ssyncadd.s32 $0xFFFFFB00  }
0x2d: {  	_ =	swait.ge [sflag:s20], $0x500  }
0x2e: {  	[sflag:s20] =	ssyncset.done $0x0  }
0x2f: {  	[sflag:s20] =	ssyncadd.s32 $0xFFFFFB00  }
0x30: {  	_ =	swait.ge [sflag:s24], $0x500  }
0x31: {  	[sflag:s24] =	ssyncset.done $0x0  }
0x32: {  	s30 =	simm.s32 $0x0;
	[sflag:s24] =	ssyncadd.s32 $0xFFFFFB00  }
0x33: {  	v0 =	vld [tilespmem:s30+$0x28A0]  }
0x34: {  	s31 =	simm.s32 $0x10;
	v1 =	vld [tilespmem:s30+$0x2DA0]  }
0x35: {  	v2 =	vld [tilespmem:s31+$0x28A0]  }
0x36: {  	v3 =	vld [tilespmem:s31+$0x2DA0]  }
0x37: {  	v4 =	vld [tilespmem:s30+$0x32A0];
	_ =	sdelay $0x1  }
0x38: {  	v5 =	vld [tilespmem:s31+$0x32A0]  }
0x39: {  	s0 =	simm.s32 $0x20;
	v0 =	vadd.f32 v1, v0  }
0x3a: {  	v1 =	vld [tilespmem:s0+$0x28A0]  }
0x3b: {  	v2 =	vadd.f32 v3, v2;
	v3 =	vld [tilespmem:s0+$0x2DA0];
	v0 =	vadd.f32 v4, v0;
	_ =	sdelay $0x1  }
0x3c: {  	v2 =	vadd.f32 v5, v2;
	v5 =	vmul.f32 $2.000000030e-01, v0  }
0x3d: {  	vm0 =	vge.f32 v0, $0.0e+00  }
0x3e: {  	v0 =	vsel vm0, v0, v5  }
0x3f: {  	v1 =	vadd.f32 v3, v1;
	v3 =	vmul.f32 $1.442695020e+00, v0  }
0x40: {  	v6 =	vmul.f32 $2.000000030e-01, v2  }
0x41: {  	v4 =	vld [tilespmem:s0+$0x32A0];
	vm15 =	vge.f32 v2, $0.0e+00;
	(erf) = vpow2.f32 v3  }
0x42: {  	v2 =	vsel vm15, v2, v6  }
0x43: {  	s1 =	simm.s32 $0x30;
	v5 =	vmul.f32 $1.442695020e+00, v2  }
0x44: {  	v0 =	vld [tilespmem:s1+$0x28A0]  }
0x45: {  	v3 =	vld [tilespmem:s1+$0x2DA0];
	(erf) = vpow2.f32 v5  }
0x46: {  	v1 =	vadd.f32 v4, v1  }
0x47: {  	v2 =	vld [tilespmem:s1+$0x32A0]  }
0x48: {  	s10 =	simm.s32 $0x100;
	v4 =	vmul.f32 $2.000000030e-01, v1  }
.LBB2_3:
0x49: {  	s13 =	sshra.s32 s10, $0x2;
	vm0 =	vge.f32 v1, $0.0e+00;
	p0 =	sne.s32 s10, $0x13C0  }
.Ltmp0:
0x4a: {  	s10 =	sadd.s32 $0x40, s10;
	v5 =	vadd.f32 v3, v0;
	v0 =	vld [tilespmem:s13+$0x28A0];
	v1 =	vsel vm0, v1, v4;
	v4 =	vpop (erf);
	(pc) =	sbr.rel @p0 .LBB2_3-.Ltmp0, $4  }
0x4b: {  	v3 =	vld [tilespmem:s13+$0x2DA0];
	v6 =	vmul.f32 $1.442695020e+00, v1;
	[tilespmem:s30+$0x37A0] =	vst v4;
	s30 =	smov.u32 s31;
	s31 =	smov.u32 s0;
	s0 =	smov.u32 s1  }
0x4c: {  	s1 =	smov.u32 s13;
	v1 =	vadd.f32 v2, v5  }
0x4d: {  	v2 =	vld [tilespmem:s1+$0x32A0];
	(erf) = vpow2.f32 v6  }
0x4e: {  	v4 =	vmul.f32 $2.000000030e-01, v1  }
0x4f: {  	_ = 	snop  }
0x50: {  	v0 =	vadd.f32 v3, v0;
	_ =	sdelay $0x1  }
0x51: {  	v0 =	vadd.f32 v2, v0;
	_ =	sdelay $0x1  }
0x52: {  	vm0 =	vge.f32 v1, $0.0e+00;
	v2 =	vmul.f32 $2.000000030e-01, v0  }
0x53: {  	v1 =	vsel vm0, v1, v4;
	vm15 =	vge.f32 v0, $0.0e+00  }
0x54: {  	v1 =	vmul.f32 $1.442695020e+00, v1;
	v0 =	vsel vm15, v0, v2  }
0x55: {  	v0 =	vmul.f32 $1.442695020e+00, v0  }
0x56: {  	(erf) = vpow2.f32 v1  }
0x57: {  	(erf) = vpow2.f32 v0;
	_ =	sdelay $0x5  }
0x58: {  	v60 =	vpop (erf)  }
0x59: {  	[tilespmem:s30+$0x37A0] =	vst v60;
	v61 =	vpop (erf)  }
0x5a: {  	[tilespmem:s31+$0x37A0] =	vst v61;
	v62 =	vpop (erf)  }
0x5b: {  	[tilespmem:s0+$0x37A0] =	vst v62;
	v63 =	vpop (erf)  }
0x5c: {  	s31 =	sadd.s32 s9, s29;
	[tilespmem:s1+$0x37A0] =	vst v63  }
0x5d: {  	[hbm4b:s31+s3] =	stream.linear.scatter [tilespmem:s25], [sflag:$0x3], $0x500, $0x38;
	[tilespmem:$0x3CA0] =	vst v63  }
0x5e: {  	s28 =	sadd.s32 $0x1, s28;
	_ =	swait.ge [sflag:s16], $0x500  }
0x5f: {  	p0 =	sne.s32 s28, $0x7D;
	[sflag:s16] =	ssyncset.done $0x0  }
.Ltmp1:
0x60: {  	[sflag:s16] =	ssyncadd.s32 $0xFFFFFB00;
	(pc) =	sbr.rel @p0 .LBB2_2-.Ltmp1, $4  }
0x61: {  	[spmem:s2] =	stream.indirect.scatter.add.f32 [tilespmem:s25], [sflag:$0x3], $0x10, s18, s21, $0xb8;
	[tilespmem:$0x3CA0] =	vst v63  }
0x62: {  	_ =	swait.ge [sflag:s16], $0x500  }
0x63: {  	[sflag:s16] =	ssyncset.done $0x0  }
0x64: {  	[sflag:s16] =	ssyncadd.s32 $0xFFFFFB00  }
0x65: {  	s26 =	sadd.s32 $0x1, s26  }
0x66: {  	[bflag:$0x0] =	sbarrier.arrive $0xFFFF;
	p0 =	sne.s32 s26, s14  }
.Ltmp2:
0x67: {  	s0 =	rddreg [dreg:$0x4];
	(pc) =	sbr.rel @p0 .LBB2_1-.Ltmp2, $4  }
0x68: {  	[hbm:s0], [sflag:s11] =	dma.local [spmem:s15], $0x500  }
0x69: {  	_ =	swait.ge [sflag:s16], $0x500  }
0x6a: {  	[sflag:s16] =	ssyncset.done $0x0  }
0x6b: {  	[sflag:s16] =	ssyncadd.s32 $0xFFFFFB00  }
0x6c: {  	_ =	sfence.sel $0x180000  }
0x6d: {  	[bflag:$0x0] =	sbarrier.arrive $0xFFFF  }
0x6e: {  	_ =	strace $0x90000047  }
0x6f: {  	s0 =	stileid.u32;
	[bflag:$0x2] =	sbarrier.arrive $0xFFFF  }
0x70: {  	p0 =	sne.s32 s0, $0x0;
	s0 =	rddreg [dreg:$0x2]  }
0x71: {  	s0 =	sadd.s32 @!p0 $0x100000, s0  }
0x72: {  	[sflag:s0] =	ssyncadd.tile.s32 @!p0 $0x1;
	_ =	shalt  }
.Lfunc_end2:
_tile_overlayer_lowered:
.L_overlay_start_2:
0x73: {  	(tag) =	ssettag $0x2  }
0x74: {  	s0 =	rddreg [dreg:$0x0];
	s2 =	stileid.u32  }
0x75: {  	s1 =	rddreg [dreg:$0x1];
	p0 =	sne.s32 s2, $0x0  }
0x76: {  	s3 =	rddreg [dreg:$0x2];
	[bflag:$0x3] =	sbarrier.arrive $0xFFFF;
	s2 =	simm.s32 @!p0 $0x1C03  }
0x77: {  	[timem:s3], [sflag:s2] =	dma.local @!p0 [hbm:s0], s1  }
0x78: {  	s0 =	simm.s32 @!p0 $0x3  }
0x79: {  	_ =	swait.ge @!p0 [sflag:s0], s1  }
0x7a: {  	s1 =	ssub.s32 @!p0 $0x0, s1;
	[sflag:s0] =	ssyncset.done @!p0 $0x0  }
0x7b: {  	[sflag:s0] =	ssyncadd.s32 @!p0 s1  }
0x7c: {  	[bflag:$0x3] =	sbarrier.arrive $0xFFFF  }
0x7d: {  	_ =	shalt  }

// kernel: kernel.19.cloned.1.call-start
scs
__scs_entry_jumppad:
0x0: {  	(pc) =	sbr.rel $0x88, $3  }
0x1: {  	(tag) =	ssettag $0x0;
	lr =	simm.s32 $0x1  }
0x2: {  	[smem:$0x3F92] =	sst lr;
	_ =	strace $0xD0000000  }
0x3: {  	_ = 	snop  }
0x4: {  	_ = 	snop  }
0x5: {  	_ = 	snop  }
0x6: {  	_ = 	snop  }
0x7: {  	_ = 	snop  }
__scs_overlays_trampoline_lowered:
0x8: {  	[smem:$0x3FA1] =	sst s0  }
0x9: {  	[smem:$0x3FA2] =	sst s1  }
0xa: {  	[smem:$0x3FA3] =	sst s2  }
0xb: {  	[smem:$0x3FA4] =	sst s3  }
0xc: {  	[smem:$0x3FA5] =	sst s4  }
0xd: {  	[smem:$0x3FA6] =	sst s5  }
0xe: {  	[smem:$0x3FA7] =	sst s6  }
0xf: {  	[smem:$0x3FA8] =	sst s7  }
0x10: {  	[smem:$0x3FA9] =	sst s8  }
0x11: {  	[smem:$0x3FAA] =	sst s9;
	s0 =	simm.s32 @!p0 $0x0  }
0x12: {  	s1 =	sld [smem:$0x3F90];
	s0 =	simm.s32 @p0 $0x1  }
0x13: {  	[smem:$0x3FAB] =	sst s0;
	s0 =	simm.s32 @!p1 $0x0  }
0x14: {  	s2 =	sld [smem:$0x3F8F];
	s0 =	simm.s32 @p1 $0x1  }
0x15: {  	[smem:$0x3FAC] =	sst s0;
	s0 =	simm.s32 @!p2 $0x0  }
0x16: {  	s3 =	sld [smem:$0x3FDB];
	s0 =	simm.s32 @p2 $0x1  }
0x17: {  	s4 =	simm.s32 $0x1BF5;
	[smem:$0x3FAE] =	sst s0  }
0x18: {  	s0 =	sld [smem:$0x3F91];
	_ =	swait.ge [sflag:s4], $0x0  }
0x19: {  	s7 =	sld [smem:$0x3F92]  }
0x1a: {  	s8 =	sadd.s32 $0xFFFFE003, lr  }
0x1b: {  	s9 =	sadd.s32 $0xFFFFFEF7, lr;
	s5 =	simm.s32 $0xFFFFFFFF;
	p2 =	slt.u32 s8, $0xFFFFF086  }
0x1c: {  	p1 =	slt.u32 s9, $0xF7A;
	s5 =	simm.s32 @!p2 $0x0  }
0x1d: {  	s5 =	simm.s32 @p1 $0x1;
	p0 =	seq.s32 s7, s2  }
0x1e: {  	s7 =	smul.u32 @!p0 $0xF7A, s2;
	p2 =	seq.s32 @!p0 s5, $0x0  }
0x1f: {  	s9 =	smul.u32 $0xF7A, s1;
	s8 =	simm.s32 @!p0 $0x1BF5;
	p2 =	por !p2, p0  }
0x20: {  	[sflag:s8] =	ssyncset.s32 @!p0 $0xFFFFF086;
	s6 =	sadd.s32 @!p0 s3, s7;
	s7 =	simm.s32 @!p0 $0x108  }
0x21: {  	s3 =	sadd.s32 s3, s9;
	s6 =	sadd.s32 @!p0 $0x88, s6;
	s7 =	simm.s32 @p2 $0x1082  }
0x22: {  	[simem:s7], [sflag:s8] =	dma.local @!p0 [hbm:s6], $0xF7A  }
0x23: {  	s9 =	sor.u32 $0xD0000000, s2;
	s6 =	simm.s32 $0x108;
	_ =	swait.ge @!p0 [sflag:s8], $0x0  }
0x24: {  	s3 =	sadd.s32 $0x88, s3;
	s6 =	simm.s32 @!p1 $0x1082;
	[sflag:s4] =	ssyncset.s32 $0xFFFFF086  }
0x25: {  	[simem:s6], [sflag:s4] =	dma.local [hbm:s3], $0xF7A  }
0x26: {  	[smem:$0x3F92] =	sst s1;
	(tag) =	ssettag s2;
	_ =	strace s9  }
0x27: {  	s1 =	sld [smem:$0x3FA2]  }
0x28: {  	s2 =	sld [smem:$0x3FA3]  }
0x29: {  	s4 =	sld [smem:$0x3FA5]  }
0x2a: {  	p0 =	seq.s32 s5, $0x0;
	s5 =	sld [smem:$0x3FA6]  }
0x2b: {  	s6 =	sld [smem:$0x3FA7]  }
0x2c: {  	s7 =	sld [smem:$0x3FA8]  }
0x2d: {  	s3 =	simm.s32 $0x108;
	s8 =	sld [smem:$0x3FA9]  }
0x2e: {  	s3 =	simm.s32 @!p0 $0x1082;
	s9 =	sld [smem:$0x3FAA]  }
0x2f: {  	lr =	sadd.s32 s0, s3;
	s0 =	sld [smem:$0x3FA1]  }
0x30: {  	s3 =	sld [smem:$0x3FA4]  }
0x31: {  	[smem:$0x3FAD] =	sst s10  }
0x32: {  	s10 =	sld [smem:$0x3FAB];
	_ =	sdelay $0x3  }
0x33: {  	p0 =	seq.s32 s10, $0x1;
	s10 =	sld [smem:$0x3FAD];
	_ =	sdelay $0x3  }
0x34: {  	[smem:$0x3FAD] =	sst s10  }
0x35: {  	s10 =	sld [smem:$0x3FAC];
	_ =	sdelay $0x3  }
0x36: {  	p1 =	seq.s32 s10, $0x1;
	s10 =	sld [smem:$0x3FAD];
	_ =	sdelay $0x3  }
0x37: {  	[smem:$0x3FAD] =	sst s10  }
0x38: {  	s10 =	sld [smem:$0x3FAE]  }
0x39: {  	_ = 	snop;
	(pc) =	sbr.ind lr, $3  }
0x3a: {  	_ = 	snop  }
0x3b: {  	_ = 	snop  }
0x3c: {  	p2 =	seq.s32 s10, $0x1;
	s10 =	sld [smem:$0x3FAD]  }
0x3d: {  	_ =	shalt  }
0x3e: {  	_ =	shalt  }
0x3f: {  	_ =	shalt  }
0x40: {  	_ =	shalt  }
0x41: {  	_ =	shalt  }
0x42: {  	_ =	shalt  }
0x43: {  	_ =	shalt  }
0x44: {  	_ =	shalt  }
0x45: {  	_ =	shalt  }
0x46: {  	_ =	shalt  }
0x47: {  	_ =	shalt  }
0x48: {  	_ =	shalt  }
0x49: {  	_ =	shalt  }
0x4a: {  	_ =	shalt  }
0x4b: {  	_ =	shalt  }
0x4c: {  	_ =	shalt  }
0x4d: {  	_ =	shalt  }
0x4e: {  	_ =	shalt  }
0x4f: {  	_ =	shalt  }
0x50: {  	_ =	shalt  }
0x51: {  	_ =	shalt  }
0x52: {  	_ =	shalt  }
0x53: {  	_ =	shalt  }
0x54: {  	_ =	shalt  }
0x55: {  	_ =	shalt  }
0x56: {  	_ =	shalt  }
0x57: {  	_ =	shalt  }
0x58: {  	_ =	shalt  }
0x59: {  	_ =	shalt  }
0x5a: {  	_ =	shalt  }
0x5b: {  	_ =	shalt  }
0x5c: {  	_ =	shalt  }
0x5d: {  	_ =	shalt  }
0x5e: {  	_ =	shalt  }
0x5f: {  	_ =	shalt  }
0x60: {  	_ =	shalt  }
0x61: {  	_ =	shalt  }
0x62: {  	_ =	shalt  }
0x63: {  	_ =	shalt  }
0x64: {  	_ =	shalt  }
0x65: {  	_ =	shalt  }
0x66: {  	_ =	shalt  }
0x67: {  	_ =	shalt  }
0x68: {  	_ =	shalt  }
0x69: {  	_ =	shalt  }
0x6a: {  	_ =	shalt  }
0x6b: {  	_ =	shalt  }
0x6c: {  	_ =	shalt  }
0x6d: {  	_ =	shalt  }
0x6e: {  	_ =	shalt  }
0x6f: {  	_ =	shalt  }
0x70: {  	_ =	shalt  }
0x71: {  	_ =	shalt  }
0x72: {  	_ =	shalt  }
0x73: {  	_ =	shalt  }
0x74: {  	_ =	shalt  }
0x75: {  	_ =	shalt  }
0x76: {  	_ =	shalt  }
0x77: {  	_ =	shalt  }
0x78: {  	_ =	shalt  }
0x79: {  	_ =	shalt  }
0x7a: {  	_ =	shalt  }
0x7b: {  	_ =	shalt  }
0x7c: {  	_ =	shalt  }
0x7d: {  	_ =	shalt  }
0x7e: {  	_ =	shalt  }
0x7f: {  	_ =	shalt  }
0x80: {  	_ =	shalt  }
0x81: {  	_ =	shalt  }
0x82: {  	_ =	shalt  }
0x83: {  	_ =	shalt  }
0x84: {  	_ =	shalt  }
0x85: {  	_ =	shalt  }
0x86: {  	_ =	shalt  }
0x87: {  	_ =	shalt  }
.Lfunc_end0:
.L_simem_size_0:
called_computation.1_lowered:
.L_overlay_start_0:
0x88: {  	s2 =	sld [smem:$0x3FD9]  }
0x89: {  	s3 =	sld [smem:$0x3FFE];
	_ =	sdelay $0x1  }
0x8a: {  	s1 =	srdreg.scid  }
0x8b: {  	s0 =	sand.u32 $0x1, s1  }
0x8c: {  	s16 =	sshll.u32 s0, $0xA;
	s2 =	sadd.s32 s3, s2  }
0x8d: {  	s2 =	sadd.s32 s2, s16  }
0x8e: {  	[smem:$0x3FB9] =	sst s2  }
0x8f: {  	_ = 	snop  }
0x90: {  	(tm) =	ssettm $0x1  }
0x91: {  	s17 =	sld [smem:$0x3FFB];
	_ =	sdelay $0x3  }
0x92: {  	_ =	strace s17  }
0x93: {  	s2 =	sld [smem:$0x3FFC];
	_ =	sdelay $0x3  }
0x94: {  	_ =	strace s2  }
0x95: {  	s2 =	sld [smem:$0x3FFD];
	_ =	sdelay $0x3  }
0x96: {  	_ =	strace s2  }
0x97: {  	_ =	strace $0x8FFFFFFF  }
0x98: {  	s18 =	sld [smem:$0x3FDB];
	_ =	sdelay $0x1  }
0x99: {  	s19 =	simm.s32 $_scs_section_size  }
0x9a: {  	s4 =	simm.s32 $_size__tile_overlayer_lowered;
	s5 =	simm.s32 $_tile_overlayer_lowered  }
0x9b: {  	s22 =	simm.s32 $0x1BFF;
	s21 =	sshll.u32 s5, $0x1;
	s2 =	sadd.s32 s19, s18  }
0x9c: {  	s6 =	simm.s32 $0x0;
	s20 =	sshll.u32 s4, $0x1;
	s4 =	sadd.s32 s21, s2  }
0x9d: {  	[timem:s6], [sflag:s22] =	dma.local [hbm:s4], s20  }
0x9e: {  	_ =	swait.ge [sflag:s22], s20  }
0x9f: {  	s3 =	ssub.s32 $0x0, s20;
	[sflag:s22] =	ssyncset.done $0x0  }
0xa0: {  	[sflag:s22] =	ssyncadd.s32 s3;
	_ =	sdelay $0x1  }
0xa1: {  	s23 =	simm.s32 $0x1B8B  }
0xa2: {  	_ =	swait.ge [sflag:s23], $0x1  }
0xa3: {  	[sflag:s23] =	ssyncset.done $0x0  }
0xa4: {  	s25 =	simm.s32 $0x1B8E;
	s24 =	sld [smem:$0x3FFE];
	[sflag:s23] =	ssyncadd.s32 $0xFFFFFFFF  }
0xa5: {  	s26 =	simm.s32 $execute0_lowered;
	[smem:$0x3FD2] =	sst s25  }
0xa6: {  	s4 =	sshll.u32 s26, $0x1;
	_ =	strace $0x80000049;
	[dreg:$0x1] =	wrdreg $0xFFFFFFFF  }
0xa7: {  	s28 =	simm.s32 $_size_execute0_lowered;
	s2 =	sadd.s32 s2, s4;
	[dreg:$0x0] =	wrdreg $0x0  }
0xa8: {  	s4 =	sshll.u32 s28, $0x1;
	[dreg:$0x2] =	wrdreg s2  }
0xa9: {  	[dreg:$0x3] =	wrdreg s4  }
0xaa: {  	[dreg:$0x4] =	wrdreg $0xC0  }
0xab: {  	_ =	task [dreg:s6], $0x5FFFF  }
0xac: {  	[dreg:$0x1] =	wrdreg $0xFFFFFFFF  }
0xad: {  	[dreg:$0x0] =	wrdreg $0x60  }
0xae: {  	[dreg:$0x2] =	wrdreg s24  }
0xaf: {  	[dreg:$0x3] =	wrdreg $0x0  }
0xb0: {  	[dreg:$0x4] =	wrdreg $0x140000  }
0xb1: {  	[dreg:$0x5] =	wrdreg $0x9  }
0xb2: {  	_ =	task.clear_ibuf [dreg:s6], $0x6FFFF;
	_ =	strace $0x90000049  }
0xb3: {  	s29 =	simm.s32 $0x9;
	_ =	strace $0x8000004B  }
0xb4: {  	_ =	swait.ge [sflag:s29], $0x1  }
0xb5: {  	[sflag:s29] =	ssyncadd.s32 $0xFFFFFFFF  }
0xb6: {  	_ =	strace $0x9000004B  }
0xb7: {  	_ =	sfence  }
0xb8: {  	s30 =	sld [smem:$0x0];
	_ =	sdelay $0x2  }
0xb9: {  	s31 =	sshll.u32 s1, $0xD;
	s1 =	sshrl.u32 s1, $0x2  }
0xba: {  	s3 =	sand.u32 $0x4000, s31;
	s1 =	sadd.s32 s1, s30  }
0xbb: {  	s0 =	sor.u32 s3, s0;
	s1 =	sshll.u32 s1, $0x11  }
0xbc: {  	s0 =	sor.u32 s1, s0  }
0xbd: {  	s0 =	sadd.s32 $0x8F2B, s0  }
0xbe: {  	[sflag:s0] =	ssyncadd.remote.s32 $0x1  }
0xbf: {  	_ =	sfence.sel $0xFFFF  }
0xc0: {  	[dreg:$0x0] =	wrdreg $0xFFFFFFFF;
	(pc) =	sbr.abs _section_cstart, $3  }
0xc1: {  	[dreg:$0x1] =	wrdreg $0xFFFFFFFF  }
0xc2: {  	_ =	task.clear_ibuf [dreg:s6], $0x2FFFF;
	_ =	strace $0x9FFFFFFF  }
0xc3: {  	(tm) =	ssettm $0x7FFFFFFF  }
tec
execute0_lowered:
.L_overlay_start_1:
0x0: {  	(tag) =	ssettag $0x1  }
0x1: {  	s0 =	rddreg [dreg:$0x0]  }
0x2: {  	s1 =	rddreg [dreg:$0x1]  }
0x3: {  	s3 =	rddreg [dreg:$0x2]  }
0x4: {  	s2 =	simm.s32 $0x0;
	s15 =	stileid.u32;
	s4 =	srdreg.scid  }
0x5: {  	s18 =	simm.s32 $0x3;
	s19 =	simm.s32 $0x16DA0;
	s21 =	simm.s32 $0x16800  }
0x6: {  	s22 =	simm.s32 $0x16850;
	s23 =	simm.s32 $0x168A0;
	s28 =	simm.s32 $0x1BDA0  }
0x7: {  	s29 =	simm.s32 $0x2;
	s30 =	simm.s32 $0x0;
	s31 =	simm.s32 $0x0  }
0x8: {  	[smem:$0x7FF] =	sst s2;
	s24 =	smul.u32 $0x2800, s15;
	s5 =	sadd.s32 $0x11800, s0  }
0x9: {  	s9 =	smul.u32 $0x14000, s15;
	s4 =	sand.u32 $0x1, s4;
	s6 =	sadd.s32 $0x7A00, s0  }
0xa: {  	s7 =	sadd.s32 $0x5E800, s0;
	s25 =	sshll.u32 s15, $0x1;
	s26 =	sshll.u32 s15, $0x6  }
0xb: {  	_ =	strace $0x8000004A;
	s10 =	smul.u32 $0x140000, s4;
	s13 =	ssub.s32 $0x2, s4  }
0xc: {  	s4 =	sor.u32 s4, s25;
	s25 =	simm.s32 $0x50;
	s8 =	sshrl.u32 s24, $0x3  }
0xd: {  	s11 =	sshrl.u32 s9, $0x3;
	s14 =	sshrl.u32 s13, $0x1;
	s17 =	sadd.s32 s9, s1  }
0xe: {  	s12 =	sadd.s32 s8, s0;
	s8 =	sadd.s32 $0x1E600, s0;
	s10 =	sadd.s32 s9, s10  }
0xf: {  	s11 =	sadd.s32 s11, s0;
	s16 =	ssub.s32 s13, s14;
	s13 =	sadd.s32 s24, s3  }
0x10: {  	s14 =	smul.u32 $0x2710, s4;
	s17 =	sshrl.u32 s17, $0x3;
	s24 =	simm.s32 $0x1  }
0x11: {  	s10 =	sshrl.u32 s10, $0x3;
	s9 =	sadd.s32 $0xFAC00, s11;
	s11 =	sadd.s32 $0x45800, s12  }
0x12: {  	s12 =	sadd.s32 $0x54800, s12;
	s16 =	smax.u32 s16, $0x1;
	s0 =	sadd.s32 s10, s0  }
0x13: {  	s10 =	sor.u32 $0x1C03, s26;
	s26 =	simm.s32 $0x1C2A0;
	s15 =	sadd.s32 $0x122C00, s0  }
.LBB2_1:
0x14: {  	[spmem:s17], [sflag:s10] =	dma.local [hbm:s9], $0x2800  }
0x15: {  	_ =	swait.ge [sflag:s18], $0x2800  }
0x16: {  	[sflag:s18] =	ssyncset.done $0x0  }
0x17: {  	s0 =	simm.s32 $0x0;
	[sflag:s18] =	ssyncadd.s32 $0xFFFFD800  }
0x18: {  	[tilespmem:s19], [sflag:$0x3] =	stream.linear.gather [hbm4b:s11+s0], $0x2800, $0x38;
	[tilespmem:$0x1EAA0] =	vst v63  }
0x19: {  	_ =	swait.ge [sflag:s18], $0x2800  }
0x1a: {  	[sflag:s18] =	ssyncset.done $0x0  }
0x1b: {  	s2 =	simm.s32 $0x195A0;
	[sflag:s18] =	ssyncadd.s32 $0xFFFFD800  }
0x1c: {  	[tilespmem:s2], [sflag:$0x3] =	stream.linear.gather [hbm4b:s12+s0], $0x2800, $0x38;
	[tilespmem:$0x1EAA0] =	vst v63  }
0x1d: {  	_ =	swait.ge [sflag:s18], $0x2800  }
0x1e: {  	[sflag:s18] =	ssyncset.done $0x0  }
0x1f: {  	s0 =	simm.s32 $0x0;
	[sflag:s18] =	ssyncadd.s32 $0xFFFFD800  }
0x20: {  	s2 =	simm.s32 $0x40;
	v0 =	vld [tilespmem:s0+$0x195A0]  }
.LBB2_2:
0x21: {  	p0 =	sne.s32 s2, $0x9FC0;
	v1 =	vld [tilespmem:s0+$0x16DA0];
	_ =	sdelay $0x2  }
.Ltmp0:
0x22: {  	(pc) =	sbr.rel @p0 .LBB2_2-.Ltmp0, $4  }
0x23: {  	_ = 	snop  }
0x24: {  	v1 =	vadd.f32 v0, v1  }
0x25: {  	s4 =	sshra.s32 s2, $0x2  }
0x26: {  	s2 =	sadd.s32 $0x40, s2;
	v0 =	vld [tilespmem:s4+$0x195A0];
	[tilespmem:s0+$0x16DA0] =	vst v1;
	s0 =	smov.u32 s4  }
0x27: {  	v1 =	vld [tilespmem:s0+$0x16DA0];
	_ =	sdelay $0x4  }
0x28: {  	v0 =	vadd.f32 v0, v1;
	_ =	sdelay $0x1  }
0x29: {  	[tilespmem:s0+$0x16DA0] =	vst v0  }
0x2a: {  	[spmem:s13] =	stream.linear.scatter [tilespmem:s19], [sflag:$0x3], $0x2800, $0x38;
	[tilespmem:$0x1EAA0] =	vst v63  }
0x2b: {  	_ =	swait.ge [sflag:s18], $0x2800  }
0x2c: {  	[sflag:s18] =	ssyncset.done $0x0  }
0x2d: {  	[sflag:s18] =	ssyncadd.s32 $0xFFFFD800  }
0x2e: {  	s0 =	simm.s32 $0x0;
	[bflag:$0x0] =	sbarrier.arrive $0xFFFF  }
.LBB2_4:
0x2f: {  	s2 =	smul.u32 $0x50, s0;
	_ =	sdelay $0x1  }
0x30: {  	s2 =	sadd.s32 s14, s2  }
0x31: {  	s4 =	sshrl.u32 s2, $0x3  }
0x32: {  	s20 =	sadd.s32 s5, s4  }
0x33: {  	[tilespmem:s21], [sflag:$0x1] =	stream.linear.gather [hbm4b:s20+s31], $0x50, $0x38;
	[tilespmem:$0x1EAA0] =	vst v63  }
0x34: {  	s2 =	sshll.u32 s2, $0x1;
	s4 =	sadd.s32 s6, s4  }
0x35: {  	[tilespmem:s22], [sflag:$0x1] =	stream.linear.gather [hbm4b:s4+s31], $0x50, $0x38;
	[tilespmem:$0x1EAA0] =	vst v63  }
0x36: {  	s2 =	sadd.s32 s7, s2  }
0x37: {  	[tilespmem:s23], [sflag:$0x2] =	stream.linear.gather [hbm4b:s2+s31], $0x500, $0x38;
	[tilespmem:$0x1EAA0] =	vst v63  }
0x38: {  	_ =	swait.ge [sflag:s24], $0x50  }
0x39: {  	[sflag:s24] =	ssyncset.done $0x0  }
0x3a: {  	[sflag:s24] =	ssyncadd.s32 $0xFFFFFFB0  }
0x3b: {  	_ =	swait.ge [sflag:s24], $0x50  }
0x3c: {  	[sflag:s24] =	ssyncset.done $0x0  }
0x3d: {  	[sflag:s24] =	ssyncadd.s32 $0xFFFFFFB0  }
0x3e: {  	[tilespmem:s26], [sflag:$0x1] =	stream.indirect.gather [hbm4b:s8+s25], $0x80, s21, s25, $0xb8;
	[tilespmem:$0x1EAA0] =	vst v63  }
0x3f: {  	_ = 	snop  }
0x40: {  	[tilespmem:s28], [sflag:$0x2] =	stream.indirect.gather [spmem:s3], $0x10, s22, s25, $0xb8;
	[tilespmem:$0x1EAA0] =	vst v63  }
0x41: {  	_ =	swait.ge [sflag:s29], $0x500  }
0x42: {  	[sflag:s29] =	ssyncset.done $0x0  }
0x43: {  	[sflag:s29] =	ssyncadd.s32 $0xFFFFFB00  }
0x44: {  	_ =	swait.ge [sflag:s29], $0x500  }
0x45: {  	[sflag:s29] =	ssyncset.done $0x0  }
0x46: {  	[sflag:s29] =	ssyncadd.s32 $0xFFFFFB00  }
0x47: {  	_ =	swait.ge [sflag:s24], $0x2800  }
0x48: {  	[sflag:s24] =	ssyncset.done $0x0  }
0x49: {  	s20 =	simm.s32 $0x0;
	[sflag:s24] =	ssyncadd.s32 $0xFFFFD800  }
0x4a: {  	v0 =	vld [tilespmem:s20+$0x1BDA0];
	_ =	sdelay $0x4  }
0x4b: {  	v0 =	vadd.f32 $1.000000020e-16, v0;
	_ =	sdelay $0x1  }
0x4c: {  	(erf) = vrcp.f32 v0;
	_ =	sdelay $0x4  }
0x4d: {  	v56 =	vld [tilespmem:s20+$0x168A0];
	_ =	sdelay $0x2  }
0x4e: {  	s2 =	simm.s32 $0x1C2E0  }
0x4f: {  	v1 =	vld [tilespmem:s2+$0xFFFFFFC0];
	v2 =	vpop (erf)  }
0x50: {  	v3 =	vld [tilespmem:s2+$0xFFFFFFD0];
	v0 =	vmul.f32 v2, v56  }
0x51: {  	v57 =	vld [tilespmem:s2+$0xFFFFFFE0]  }
0x52: {  	v4 =	vld [tilespmem:s2+$0xFFFFFFF0];
	v5 =	vbroadcast v0, $0x0;
	v6 =	vbroadcast v0, $0x1  }
0x53: {  	v8 =	vld [tilespmem:s2+$0x10];
	v9 =	vbroadcast v0, $0x2;
	v58 =	vbroadcast v0, $0x3  }
0x54: {  	v10 =	vld [tilespmem:s2+$0x30];
	v60 =	vbroadcast v0, $0x4;
	v1 =	vmul.f32 v5, v1  }
0x55: {  	v7 =	vld [tilespmem:s2+$0x0];
	v61 =	vbroadcast v0, $0x5;
	v3 =	vmul.f32 v6, v3  }
0x56: {  	v59 =	vld [tilespmem:s2+$0x20];
	v62 =	vbroadcast v0, $0x6;
	v2 =	vmul.f32 v57, v9;
	[tilespmem:s2+$0xFFFFFFC0] =	vst v1  }
0x57: {  	v0 =	vbroadcast v0, $0x7;
	v4 =	vmul.f32 v4, v58;
	[tilespmem:s2+$0xFFFFFFD0] =	vst v3  }
0x58: {  	v63 =	vmul.f32 v8, v61;
	[tilespmem:s2+$0xFFFFFFE0] =	vst v2  }
0x59: {  	v0 =	vmul.f32 v10, v0;
	[tilespmem:s2+$0xFFFFFFF0] =	vst v4  }
0x5a: {  	v1 =	vmul.f32 v7, v60;
	[tilespmem:s2+$0x10] =	vst v63  }
0x5b: {  	v3 =	vmul.f32 v59, v62;
	[tilespmem:s2+$0x30] =	vst v0  }
0x5c: {  	[tilespmem:s2+$0x0] =	vst v1  }
0x5d: {  	s4 =	simm.s32 $0x10;
	s20 =	simm.s32 $0x80;
	[tilespmem:s2+$0x20] =	vst v3  }
.LBB2_5:
0x5e: {  	p0 =	sne.s32 s20, $0x13C0;
	v0 =	vld [tilespmem:s4+$0x1BDA0]  }
0x5f: {  	v1 =	vld [tilespmem:s4+$0x168A0];
	_ =	sdelay $0x3  }
0x60: {  	v0 =	vadd.f32 $1.000000020e-16, v0;
	_ =	sdelay $0x1  }
0x61: {  	(erf) = vrcp.f32 v0;
	_ =	sdelay $0x5  }
0x62: {  	s2 =	sadd.s32 $0x80, s2  }
0x63: {  	v0 =	vld [tilespmem:s2+$0xFFFFFFF0]  }
0x64: {  	v2 =	vld [tilespmem:s2+$0xFFFFFFC0]  }
0x65: {  	v3 =	vld [tilespmem:s2+$0xFFFFFFD0];
	v4 =	vpop (erf)  }
0x66: {  	v1 =	vmul.f32 v4, v1;
	v4 =	vld [tilespmem:s2+$0xFFFFFFE0]  }
0x67: {  	v5 =	vld [tilespmem:s2+$0x30]  }
0x68: {  	v6 =	vbroadcast v1, $0x0;
	v7 =	vbroadcast v1, $0x1;
	v8 =	vld [tilespmem:s2+$0x10]  }
0x69: {  	v9 =	vbroadcast v1, $0x2;
	v10 =	vbroadcast v1, $0x3;
	v11 =	vld [tilespmem:s2+$0x0]  }
0x6a: {  	v2 =	vmul.f32 v6, v2;
	v3 =	vmul.f32 v7, v3;
	v6 =	vld [tilespmem:s2+$0x20]  }
0x6b: {  	v0 =	vmul.f32 v0, v10;
	v4 =	vmul.f32 v4, v9  }
0x6c: {  	v7 =	vbroadcast v1, $0x5;
	[tilespmem:s2+$0xFFFFFFC0] =	vst v2;
	v2 =	vbroadcast v1, $0x4  }
0x6d: {  	[tilespmem:s2+$0xFFFFFFD0] =	vst v3;
	v3 =	vbroadcast v1, $0x6;
	v1 =	vbroadcast v1, $0x7  }
0x6e: {  	[tilespmem:s2+$0xFFFFFFE0] =	vst v4;
	v2 =	vmul.f32 v11, v2;
	v4 =	vmul.f32 v8, v7  }
.Ltmp1:
0x6f: {  	[tilespmem:s2+$0xFFFFFFF0] =	vst v0;
	v0 =	vmul.f32 v6, v3;
	v1 =	vmul.f32 v5, v1;
	(pc) =	sbr.rel @p0 .LBB2_5-.Ltmp1, $4  }
0x70: {  	[tilespmem:s2+$0x0] =	vst v2  }
0x71: {  	[tilespmem:s2+$0x10] =	vst v4  }
0x72: {  	[tilespmem:s2+$0x20] =	vst v0  }
0x73: {  	s4 =	sshra.s32 s20, $0x2;
	s20 =	sadd.s32 $0x40, s20;
	[tilespmem:s2+$0x30] =	vst v1  }
0x74: {  	v0 =	vld [tilespmem:s4+$0x1BDA0];
	_ =	sdelay $0x4  }
0x75: {  	v0 =	vadd.f32 $1.000000020e-16, v0;
	_ =	sdelay $0x1  }
0x76: {  	(erf) = vrcp.f32 v0;
	_ =	sdelay $0x4  }
0x77: {  	v56 =	vld [tilespmem:s4+$0x168A0];
	_ =	sdelay $0x2  }
0x78: {  	s2 =	sadd.s32 $0x80, s2  }
0x79: {  	v1 =	vld [tilespmem:s2+$0xFFFFFFC0];
	v2 =	vpop (erf)  }
0x7a: {  	v3 =	vld [tilespmem:s2+$0xFFFFFFD0];
	v0 =	vmul.f32 v2, v56  }
0x7b: {  	v57 =	vld [tilespmem:s2+$0xFFFFFFE0]  }
0x7c: {  	v4 =	vld [tilespmem:s2+$0xFFFFFFF0];
	v5 =	vbroadcast v0, $0x0;
	v6 =	vbroadcast v0, $0x1  }
0x7d: {  	v8 =	vld [tilespmem:s2+$0x10];
	v9 =	vbroadcast v0, $0x2;
	v58 =	vbroadcast v0, $0x3  }
0x7e: {  	v10 =	vld [tilespmem:s2+$0x30];
	v60 =	vbroadcast v0, $0x4;
	v1 =	vmul.f32 v5, v1  }
0x7f: {  	v7 =	vld [tilespmem:s2+$0x0];
	v61 =	vbroadcast v0, $0x5;
	v3 =	vmul.f32 v6, v3  }
0x80: {  	v59 =	vld [tilespmem:s2+$0x20];
	v62 =	vbroadcast v0, $0x6;
	v2 =	vmul.f32 v57, v9;
	[tilespmem:s2+$0xFFFFFFC0] =	vst v1  }
0x81: {  	v0 =	vbroadcast v0, $0x7;
	v4 =	vmul.f32 v4, v58;
	[tilespmem:s2+$0xFFFFFFD0] =	vst v3  }
0x82: {  	v63 =	vmul.f32 v8, v61;
	[tilespmem:s2+$0xFFFFFFE0] =	vst v2  }
0x83: {  	v0 =	vmul.f32 v10, v0;
	[tilespmem:s2+$0xFFFFFFF0] =	vst v4  }
0x84: {  	v1 =	vmul.f32 v7, v60;
	[tilespmem:s2+$0x10] =	vst v63  }
0x85: {  	s0 =	sadd.s32 $0x1, s0;
	v3 =	vmul.f32 v59, v62;
	[tilespmem:s2+$0x30] =	vst v0  }
0x86: {  	p0 =	sne.s32 s0, $0x7D;
	[tilespmem:s2+$0x0] =	vst v1  }
.Ltmp2:
0x87: {  	[tilespmem:s2+$0x20] =	vst v3;
	(pc) =	sbr.rel @p0 .LBB2_4-.Ltmp2, $4  }
0x88: {  	[spmem:s1] =	stream.indirect.scatter.add.f32 [tilespmem:s26], [sflag:$0x3], $0x80, s22, s25, $0xb8;
	[tilespmem:$0x1EAA0] =	vst v63  }
0x89: {  	_ =	swait.ge [sflag:s18], $0x2800  }
0x8a: {  	[sflag:s18] =	ssyncset.done $0x0  }
0x8b: {  	[sflag:s18] =	ssyncadd.s32 $0xFFFFD800  }
0x8c: {  	s30 =	sadd.s32 $0x1, s30  }
0x8d: {  	p0 =	sne.s32 s30, s16  }
.Ltmp3:
0x8e: {  	[bflag:$0x0] =	sbarrier.arrive $0xFFFF;
	(pc) =	sbr.rel @p0 .LBB2_1-.Ltmp3, $4  }
0x8f: {  	[hbm:s15], [sflag:s10] =	dma.local [spmem:s17], $0x2800  }
0x90: {  	_ =	swait.ge [sflag:s18], $0x2800  }
0x91: {  	[sflag:s18] =	ssyncset.done $0x0  }
0x92: {  	[sflag:s18] =	ssyncadd.s32 $0xFFFFD800  }
0x93: {  	_ =	sfence.sel $0x180000  }
0x94: {  	[bflag:$0x0] =	sbarrier.arrive $0xFFFF  }
0x95: {  	_ =	strace $0x9000004A  }
0x96: {  	s0 =	stileid.u32;
	[bflag:$0x2] =	sbarrier.arrive $0xFFFF  }
0x97: {  	p0 =	sne.s32 s0, $0x0;
	s0 =	rddreg [dreg:$0x3]  }
0x98: {  	s0 =	sadd.s32 @!p0 $0x100000, s0  }
0x99: {  	[sflag:s0] =	ssyncadd.tile.s32 @!p0 $0x1;
	_ =	shalt  }
.Lfunc_end2:
_tile_overlayer_lowered:
.L_overlay_start_2:
0x9a: {  	(tag) =	ssettag $0x2  }
0x9b: {  	s0 =	rddreg [dreg:$0x0];
	s2 =	stileid.u32  }
0x9c: {  	s1 =	rddreg [dreg:$0x1];
	p0 =	sne.s32 s2, $0x0  }
0x9d: {  	s3 =	rddreg [dreg:$0x2];
	[bflag:$0x3] =	sbarrier.arrive $0xFFFF;
	s2 =	simm.s32 @!p0 $0x1C03  }
0x9e: {  	[timem:s3], [sflag:s2] =	dma.local @!p0 [hbm:s0], s1  }
0x9f: {  	s0 =	simm.s32 @!p0 $0x3  }
0xa0: {  	_ =	swait.ge @!p0 [sflag:s0], s1  }
0xa1: {  	s1 =	ssub.s32 @!p0 $0x0, s1;
	[sflag:s0] =	ssyncset.done @!p0 $0x0  }
0xa2: {  	[sflag:s0] =	ssyncadd.s32 @!p0 s1  }
0xa3: {  	[bflag:$0x3] =	sbarrier.arrive $0xFFFF  }
0xa4: {  	_ =	shalt  }

// kernel: kernel.22.cloned.1.call-start
scs
__scs_entry_jumppad:
0x0: {  	(pc) =	sbr.rel $0x88, $3  }
0x1: {  	(tag) =	ssettag $0x0;
	lr =	simm.s32 $0x1  }
0x2: {  	[smem:$0x3F92] =	sst lr;
	_ =	strace $0xD0000000  }
0x3: {  	_ = 	snop  }
0x4: {  	_ = 	snop  }
0x5: {  	_ = 	snop  }
0x6: {  	_ = 	snop  }
0x7: {  	_ = 	snop  }
__scs_overlays_trampoline_lowered:
0x8: {  	[smem:$0x3FA1] =	sst s0  }
0x9: {  	[smem:$0x3FA2] =	sst s1  }
0xa: {  	[smem:$0x3FA3] =	sst s2  }
0xb: {  	[smem:$0x3FA4] =	sst s3  }
0xc: {  	[smem:$0x3FA5] =	sst s4  }
0xd: {  	[smem:$0x3FA6] =	sst s5  }
0xe: {  	[smem:$0x3FA7] =	sst s6  }
0xf: {  	[smem:$0x3FA8] =	sst s7  }
0x10: {  	[smem:$0x3FA9] =	sst s8  }
0x11: {  	[smem:$0x3FAA] =	sst s9;
	s0 =	simm.s32 @!p0 $0x0  }
0x12: {  	s1 =	sld [smem:$0x3F90];
	s0 =	simm.s32 @p0 $0x1  }
0x13: {  	[smem:$0x3FAB] =	sst s0;
	s0 =	simm.s32 @!p1 $0x0  }
0x14: {  	s2 =	sld [smem:$0x3F8F];
	s0 =	simm.s32 @p1 $0x1  }
0x15: {  	[smem:$0x3FAC] =	sst s0;
	s0 =	simm.s32 @!p2 $0x0  }
0x16: {  	s3 =	sld [smem:$0x3FDB];
	s0 =	simm.s32 @p2 $0x1  }
0x17: {  	s4 =	simm.s32 $0x1BF5;
	[smem:$0x3FAE] =	sst s0  }
0x18: {  	s0 =	sld [smem:$0x3F91];
	_ =	swait.ge [sflag:s4], $0x0  }
0x19: {  	s7 =	sld [smem:$0x3F92]  }
0x1a: {  	s8 =	sadd.s32 $0xFFFFE003, lr  }
0x1b: {  	s9 =	sadd.s32 $0xFFFFFEF7, lr;
	s5 =	simm.s32 $0xFFFFFFFF;
	p2 =	slt.u32 s8, $0xFFFFF086  }
0x1c: {  	p1 =	slt.u32 s9, $0xF7A;
	s5 =	simm.s32 @!p2 $0x0  }
0x1d: {  	s5 =	simm.s32 @p1 $0x1;
	p0 =	seq.s32 s7, s2  }
0x1e: {  	s7 =	smul.u32 @!p0 $0xF7A, s2;
	p2 =	seq.s32 @!p0 s5, $0x0  }
0x1f: {  	s9 =	smul.u32 $0xF7A, s1;
	s8 =	simm.s32 @!p0 $0x1BF5;
	p2 =	por !p2, p0  }
0x20: {  	[sflag:s8] =	ssyncset.s32 @!p0 $0xFFFFF086;
	s6 =	sadd.s32 @!p0 s3, s7;
	s7 =	simm.s32 @!p0 $0x108  }
0x21: {  	s3 =	sadd.s32 s3, s9;
	s6 =	sadd.s32 @!p0 $0x88, s6;
	s7 =	simm.s32 @p2 $0x1082  }
0x22: {  	[simem:s7], [sflag:s8] =	dma.local @!p0 [hbm:s6], $0xF7A  }
0x23: {  	s9 =	sor.u32 $0xD0000000, s2;
	s6 =	simm.s32 $0x108;
	_ =	swait.ge @!p0 [sflag:s8], $0x0  }
0x24: {  	s3 =	sadd.s32 $0x88, s3;
	s6 =	simm.s32 @!p1 $0x1082;
	[sflag:s4] =	ssyncset.s32 $0xFFFFF086  }
0x25: {  	[simem:s6], [sflag:s4] =	dma.local [hbm:s3], $0xF7A  }
0x26: {  	[smem:$0x3F92] =	sst s1;
	(tag) =	ssettag s2;
	_ =	strace s9  }
0x27: {  	s1 =	sld [smem:$0x3FA2]  }
0x28: {  	s2 =	sld [smem:$0x3FA3]  }
0x29: {  	s4 =	sld [smem:$0x3FA5]  }
0x2a: {  	p0 =	seq.s32 s5, $0x0;
	s5 =	sld [smem:$0x3FA6]  }
0x2b: {  	s6 =	sld [smem:$0x3FA7]  }
0x2c: {  	s7 =	sld [smem:$0x3FA8]  }
0x2d: {  	s3 =	simm.s32 $0x108;
	s8 =	sld [smem:$0x3FA9]  }
0x2e: {  	s3 =	simm.s32 @!p0 $0x1082;
	s9 =	sld [smem:$0x3FAA]  }
0x2f: {  	lr =	sadd.s32 s0, s3;
	s0 =	sld [smem:$0x3FA1]  }
0x30: {  	s3 =	sld [smem:$0x3FA4]  }
0x31: {  	[smem:$0x3FAD] =	sst s10  }
0x32: {  	s10 =	sld [smem:$0x3FAB];
	_ =	sdelay $0x3  }
0x33: {  	p0 =	seq.s32 s10, $0x1;
	s10 =	sld [smem:$0x3FAD];
	_ =	sdelay $0x3  }
0x34: {  	[smem:$0x3FAD] =	sst s10  }
0x35: {  	s10 =	sld [smem:$0x3FAC];
	_ =	sdelay $0x3  }
0x36: {  	p1 =	seq.s32 s10, $0x1;
	s10 =	sld [smem:$0x3FAD];
	_ =	sdelay $0x3  }
0x37: {  	[smem:$0x3FAD] =	sst s10  }
0x38: {  	s10 =	sld [smem:$0x3FAE]  }
0x39: {  	_ = 	snop;
	(pc) =	sbr.ind lr, $3  }
0x3a: {  	_ = 	snop  }
0x3b: {  	_ = 	snop  }
0x3c: {  	p2 =	seq.s32 s10, $0x1;
	s10 =	sld [smem:$0x3FAD]  }
0x3d: {  	_ =	shalt  }
0x3e: {  	_ =	shalt  }
0x3f: {  	_ =	shalt  }
0x40: {  	_ =	shalt  }
0x41: {  	_ =	shalt  }
0x42: {  	_ =	shalt  }
0x43: {  	_ =	shalt  }
0x44: {  	_ =	shalt  }
0x45: {  	_ =	shalt  }
0x46: {  	_ =	shalt  }
0x47: {  	_ =	shalt  }
0x48: {  	_ =	shalt  }
0x49: {  	_ =	shalt  }
0x4a: {  	_ =	shalt  }
0x4b: {  	_ =	shalt  }
0x4c: {  	_ =	shalt  }
0x4d: {  	_ =	shalt  }
0x4e: {  	_ =	shalt  }
0x4f: {  	_ =	shalt  }
0x50: {  	_ =	shalt  }
0x51: {  	_ =	shalt  }
0x52: {  	_ =	shalt  }
0x53: {  	_ =	shalt  }
0x54: {  	_ =	shalt  }
0x55: {  	_ =	shalt  }
0x56: {  	_ =	shalt  }
0x57: {  	_ =	shalt  }
0x58: {  	_ =	shalt  }
0x59: {  	_ =	shalt  }
0x5a: {  	_ =	shalt  }
0x5b: {  	_ =	shalt  }
0x5c: {  	_ =	shalt  }
0x5d: {  	_ =	shalt  }
0x5e: {  	_ =	shalt  }
0x5f: {  	_ =	shalt  }
0x60: {  	_ =	shalt  }
0x61: {  	_ =	shalt  }
0x62: {  	_ =	shalt  }
0x63: {  	_ =	shalt  }
0x64: {  	_ =	shalt  }
0x65: {  	_ =	shalt  }
0x66: {  	_ =	shalt  }
0x67: {  	_ =	shalt  }
0x68: {  	_ =	shalt  }
0x69: {  	_ =	shalt  }
0x6a: {  	_ =	shalt  }
0x6b: {  	_ =	shalt  }
0x6c: {  	_ =	shalt  }
0x6d: {  	_ =	shalt  }
0x6e: {  	_ =	shalt  }
0x6f: {  	_ =	shalt  }
0x70: {  	_ =	shalt  }
0x71: {  	_ =	shalt  }
0x72: {  	_ =	shalt  }
0x73: {  	_ =	shalt  }
0x74: {  	_ =	shalt  }
0x75: {  	_ =	shalt  }
0x76: {  	_ =	shalt  }
0x77: {  	_ =	shalt  }
0x78: {  	_ =	shalt  }
0x79: {  	_ =	shalt  }
0x7a: {  	_ =	shalt  }
0x7b: {  	_ =	shalt  }
0x7c: {  	_ =	shalt  }
0x7d: {  	_ =	shalt  }
0x7e: {  	_ =	shalt  }
0x7f: {  	_ =	shalt  }
0x80: {  	_ =	shalt  }
0x81: {  	_ =	shalt  }
0x82: {  	_ =	shalt  }
0x83: {  	_ =	shalt  }
0x84: {  	_ =	shalt  }
0x85: {  	_ =	shalt  }
0x86: {  	_ =	shalt  }
0x87: {  	_ =	shalt  }
.Lfunc_end0:
.L_simem_size_0:
called_computation.2_lowered:
.L_overlay_start_0:
0x88: {  	s2 =	sld [smem:$0x3FD9]  }
0x89: {  	s3 =	sld [smem:$0x3FFE];
	_ =	sdelay $0x1  }
0x8a: {  	s1 =	srdreg.scid  }
0x8b: {  	s0 =	sand.u32 $0x1, s1  }
0x8c: {  	s16 =	sshll.u32 s0, $0xA;
	s2 =	sadd.s32 s3, s2  }
0x8d: {  	s2 =	sadd.s32 s2, s16  }
0x8e: {  	[smem:$0x3FB9] =	sst s2  }
0x8f: {  	_ = 	snop  }
0x90: {  	(tm) =	ssettm $0x1  }
0x91: {  	s17 =	sld [smem:$0x3FFB];
	_ =	sdelay $0x3  }
0x92: {  	_ =	strace s17  }
0x93: {  	s2 =	sld [smem:$0x3FFC];
	_ =	sdelay $0x3  }
0x94: {  	_ =	strace s2  }
0x95: {  	s2 =	sld [smem:$0x3FFD];
	_ =	sdelay $0x3  }
0x96: {  	_ =	strace s2  }
0x97: {  	_ =	strace $0x8FFFFFFF  }
0x98: {  	s18 =	sld [smem:$0x3FDB];
	_ =	sdelay $0x1  }
0x99: {  	s19 =	simm.s32 $_scs_section_size  }
0x9a: {  	s4 =	simm.s32 $_size__tile_overlayer_lowered;
	s5 =	simm.s32 $_tile_overlayer_lowered  }
0x9b: {  	s22 =	simm.s32 $0x1BFF;
	s21 =	sshll.u32 s5, $0x1;
	s2 =	sadd.s32 s19, s18  }
0x9c: {  	s6 =	simm.s32 $0x0;
	s20 =	sshll.u32 s4, $0x1;
	s4 =	sadd.s32 s21, s2  }
0x9d: {  	[timem:s6], [sflag:s22] =	dma.local [hbm:s4], s20  }
0x9e: {  	_ =	swait.ge [sflag:s22], s20  }
0x9f: {  	s3 =	ssub.s32 $0x0, s20;
	[sflag:s22] =	ssyncset.done $0x0  }
0xa0: {  	[sflag:s22] =	ssyncadd.s32 s3;
	_ =	sdelay $0x1  }
0xa1: {  	s23 =	simm.s32 $0x1B8B  }
0xa2: {  	_ =	swait.ge [sflag:s23], $0x1  }
0xa3: {  	[sflag:s23] =	ssyncset.done $0x0  }
0xa4: {  	s25 =	simm.s32 $0x1B8E;
	s24 =	sld [smem:$0x3FFE];
	[sflag:s23] =	ssyncadd.s32 $0xFFFFFFFF  }
0xa5: {  	s26 =	simm.s32 $execute0_lowered;
	[smem:$0x3FD2] =	sst s25  }
0xa6: {  	s4 =	sshll.u32 s26, $0x1;
	_ =	strace $0x8000004C;
	[dreg:$0x1] =	wrdreg $0xFFFFFFFF  }
0xa7: {  	s28 =	simm.s32 $_size_execute0_lowered;
	s2 =	sadd.s32 s2, s4;
	[dreg:$0x0] =	wrdreg $0x0  }
0xa8: {  	s4 =	sshll.u32 s28, $0x1;
	[dreg:$0x2] =	wrdreg s2  }
0xa9: {  	[dreg:$0x3] =	wrdreg s4  }
0xaa: {  	[dreg:$0x4] =	wrdreg $0xC0  }
0xab: {  	_ =	task [dreg:s6], $0x5FFFF  }
0xac: {  	[dreg:$0x1] =	wrdreg $0xFFFFFFFF  }
0xad: {  	[dreg:$0x0] =	wrdreg $0x60  }
0xae: {  	[dreg:$0x2] =	wrdreg s24  }
0xaf: {  	[dreg:$0x3] =	wrdreg $0x0  }
0xb0: {  	[dreg:$0x4] =	wrdreg $0x9  }
0xb1: {  	_ =	task.clear_ibuf [dreg:s6], $0x5FFFF;
	_ =	strace $0x9000004C  }
0xb2: {  	s29 =	simm.s32 $0x9;
	_ =	strace $0x8000004E  }
0xb3: {  	_ =	swait.ge [sflag:s29], $0x1  }
0xb4: {  	[sflag:s29] =	ssyncadd.s32 $0xFFFFFFFF  }
0xb5: {  	_ =	strace $0x9000004E  }
0xb6: {  	_ =	sfence  }
0xb7: {  	s30 =	sld [smem:$0x0];
	_ =	sdelay $0x2  }
0xb8: {  	s31 =	sshll.u32 s1, $0xD;
	s1 =	sshrl.u32 s1, $0x2  }
0xb9: {  	s3 =	sand.u32 $0x4000, s31;
	s1 =	sadd.s32 s1, s30  }
0xba: {  	s0 =	sor.u32 s3, s0;
	s1 =	sshll.u32 s1, $0x11  }
0xbb: {  	s0 =	sor.u32 s1, s0  }
0xbc: {  	s0 =	sadd.s32 $0x8F2B, s0  }
0xbd: {  	[sflag:s0] =	ssyncadd.remote.s32 $0x1  }
0xbe: {  	_ =	sfence.sel $0xFFFF  }
0xbf: {  	[dreg:$0x0] =	wrdreg $0xFFFFFFFF;
	(pc) =	sbr.abs _section_cstart, $3  }
0xc0: {  	[dreg:$0x1] =	wrdreg $0xFFFFFFFF  }
0xc1: {  	_ =	task.clear_ibuf [dreg:s6], $0x2FFFF;
	_ =	strace $0x9FFFFFFF  }
0xc2: {  	(tm) =	ssettm $0x7FFFFFFF  }
0xc3: {  	_ =	shalt  }
tec
execute0_lowered:
.L_overlay_start_1:
0x0: {  	(tag) =	ssettag $0x1  }
0x1: {  	s0 =	rddreg [dreg:$0x0]  }
0x2: {  	s2 =	rddreg [dreg:$0x1]  }
0x3: {  	s3 =	simm.s32 $0x0;
	s15 =	stileid.u32;
	s1 =	srdreg.scid  }
0x4: {  	s16 =	simm.s32 $0x3;
	s17 =	simm.s32 $0x2800;
	s18 =	simm.s32 $0x2850  }
0x5: {  	s19 =	simm.s32 $0x32A0;
	s20 =	simm.s32 $0x1;
	s21 =	simm.s32 $0x50  }
0x6: {  	s22 =	simm.s32 $0x28A0;
	s23 =	simm.s32 $0x2DA0;
	s24 =	simm.s32 $0x2  }
0x7: {  	s25 =	simm.s32 $0x37A0;
	s26 =	simm.s32 $0x0;
	[smem:$0x7FF] =	sst s3  }
0x8: {  	s10 =	smul.u32 $0x2800, s15;
	s1 =	sand.u32 $0x1, s1;
	s4 =	sadd.s32 $0x11800, s0  }
0x9: {  	s5 =	sadd.s32 $0x172C00, s0;
	s6 =	sadd.s32 $0x7A00, s0;
	s7 =	sadd.s32 $0x45800, s0  }
0xa: {  	s8 =	sadd.s32 $0x122C00, s0;
	s30 =	sshll.u32 s15, $0x1;
	s31 =	sshll.u32 s15, $0x6  }
0xb: {  	_ =	strace $0x8000004D;
	s9 =	smul.u32 $0x28000, s1;
	s12 =	ssub.s32 $0x2, s1  }
0xc: {  	s1 =	sor.u32 s1, s30;
	s11 =	sshrl.u32 s10, $0x3;
	s14 =	sshrl.u32 s12, $0x1  }
0xd: {  	s9 =	sadd.s32 s10, s9;
	s11 =	sadd.s32 s11, s0;
	s14 =	ssub.s32 s12, s14  }
0xe: {  	s10 =	sadd.s32 s10, s2;
	s12 =	smul.u32 $0x2710, s1;
	s13 =	sshrl.u32 s9, $0x3  }
0xf: {  	s9 =	sadd.s32 $0x54800, s0;
	s11 =	sadd.s32 $0x4F800, s11;
	s0 =	sadd.s32 s13, s0  }
0x10: {  	s14 =	smax.u32 s14, $0x1;
	[dreg:$0x3] =	wrdreg s11;
	s0 =	sadd.s32 $0x127C00, s0  }
0x11: {  	s15 =	sshrl.u32 s10, $0x3;
	s11 =	sor.u32 $0x1C03, s31;
	[dreg:$0x4] =	wrdreg s0  }
.LBB2_1:
0x12: {  	s0 =	rddreg [dreg:$0x3]  }
0x13: {  	[spmem:s15], [sflag:s11] =	dma.local [hbm:s0], $0x500  }
0x14: {  	_ =	swait.ge [sflag:s16], $0x500  }
0x15: {  	[sflag:s16] =	ssyncset.done $0x0  }
0x16: {  	[sflag:s16] =	ssyncadd.s32 $0xFFFFFB00  }
0x17: {  	s28 =	simm.s32 $0x0;
	[bflag:$0x0] =	sbarrier.arrive $0xFFFF  }
.LBB2_2:
0x18: {  	s0 =	smul.u32 $0x50, s28;
	_ =	sdelay $0x1  }
0x19: {  	s0 =	sadd.s32 s12, s0  }
0x1a: {  	s1 =	sshrl.u32 s0, $0x3  }
0x1b: {  	s30 =	simm.s32 $0x0;
	s10 =	sadd.s32 s4, s1  }
0x1c: {  	[tilespmem:s17], [sflag:$0x1] =	stream.linear.gather [hbm4b:s10+s30], $0x50, $0x38;
	[tilespmem:$0x3CA0] =	vst v63  }
0x1d: {  	s29 =	sshll.u32 s0, $0x1;
	s1 =	sadd.s32 s6, s1  }
0x1e: {  	[tilespmem:s18], [sflag:$0x1] =	stream.linear.gather [hbm4b:s1+s30], $0x50, $0x38;
	[tilespmem:$0x3CA0] =	vst v63  }
0x1f: {  	s0 =	sadd.s32 s5, s29  }
0x20: {  	[tilespmem:s19], [sflag:$0x2] =	stream.linear.gather [hbm4b:s0+s30], $0x500, $0x38;
	[tilespmem:$0x3CA0] =	vst v63  }
0x21: {  	_ =	swait.ge [sflag:s20], $0x50  }
0x22: {  	[sflag:s20] =	ssyncset.done $0x0  }
0x23: {  	[sflag:s20] =	ssyncadd.s32 $0xFFFFFFB0  }
0x24: {  	_ =	swait.ge [sflag:s20], $0x50  }
0x25: {  	[sflag:s20] =	ssyncset.done $0x0  }
0x26: {  	[sflag:s20] =	ssyncadd.s32 $0xFFFFFFB0  }
0x27: {  	[tilespmem:s22], [sflag:$0x1] =	stream.indirect.gather [hbm4b:s7+s21], $0x10, s17, s21, $0xb8;
	[tilespmem:$0x3CA0] =	vst v63  }
0x28: {  	_ = 	snop  }
0x29: {  	[tilespmem:s23], [sflag:$0x1] =	stream.indirect.gather [hbm4b:s8+s21], $0x10, s18, s21, $0xb8;
	[tilespmem:$0x3CA0] =	vst v63  }
0x2a: {  	_ =	swait.ge [sflag:s20], $0x500  }
0x2b: {  	[sflag:s20] =	ssyncset.done $0x0  }
0x2c: {  	[sflag:s20] =	ssyncadd.s32 $0xFFFFFB00  }
0x2d: {  	_ =	swait.ge [sflag:s20], $0x500  }
0x2e: {  	[sflag:s20] =	ssyncset.done $0x0  }
0x2f: {  	[sflag:s20] =	ssyncadd.s32 $0xFFFFFB00  }
0x30: {  	_ =	swait.ge [sflag:s24], $0x500  }
0x31: {  	[sflag:s24] =	ssyncset.done $0x0  }
0x32: {  	s30 =	simm.s32 $0x0;
	[sflag:s24] =	ssyncadd.s32 $0xFFFFFB00  }
0x33: {  	v0 =	vld [tilespmem:s30+$0x28A0]  }
0x34: {  	s31 =	simm.s32 $0x10;
	v1 =	vld [tilespmem:s30+$0x2DA0]  }
0x35: {  	v2 =	vld [tilespmem:s31+$0x28A0]  }
0x36: {  	v3 =	vld [tilespmem:s31+$0x2DA0]  }
0x37: {  	v4 =	vld [tilespmem:s30+$0x32A0];
	_ =	sdelay $0x1  }
0x38: {  	v5 =	vld [tilespmem:s31+$0x32A0]  }
0x39: {  	s0 =	simm.s32 $0x20;
	v0 =	vadd.f32 v1, v0  }
0x3a: {  	v1 =	vld [tilespmem:s0+$0x28A0]  }
0x3b: {  	v2 =	vadd.f32 v3, v2;
	v3 =	vld [tilespmem:s0+$0x2DA0];
	v0 =	vadd.f32 v4, v0;
	_ =	sdelay $0x1  }
0x3c: {  	v2 =	vadd.f32 v5, v2;
	v5 =	vmul.f32 $2.000000030e-01, v0  }
0x3d: {  	vm0 =	vge.f32 v0, $0.0e+00  }
0x3e: {  	v0 =	vsel vm0, v0, v5  }
0x3f: {  	v1 =	vadd.f32 v3, v1;
	v3 =	vmul.f32 $1.442695020e+00, v0  }
0x40: {  	v6 =	vmul.f32 $2.000000030e-01, v2  }
0x41: {  	v4 =	vld [tilespmem:s0+$0x32A0];
	vm15 =	vge.f32 v2, $0.0e+00;
	(erf) = vpow2.f32 v3  }
0x42: {  	v2 =	vsel vm15, v2, v6  }
0x43: {  	s1 =	simm.s32 $0x30;
	v5 =	vmul.f32 $1.442695020e+00, v2  }
0x44: {  	v0 =	vld [tilespmem:s1+$0x28A0]  }
0x45: {  	v3 =	vld [tilespmem:s1+$0x2DA0];
	(erf) = vpow2.f32 v5  }
0x46: {  	v1 =	vadd.f32 v4, v1  }
0x47: {  	v2 =	vld [tilespmem:s1+$0x32A0]  }
0x48: {  	s10 =	simm.s32 $0x100;
	v4 =	vmul.f32 $2.000000030e-01, v1  }
.LBB2_3:
0x49: {  	s13 =	sshra.s32 s10, $0x2;
	vm0 =	vge.f32 v1, $0.0e+00;
	p0 =	sne.s32 s10, $0x13C0  }
.Ltmp0:
0x4a: {  	s10 =	sadd.s32 $0x40, s10;
	v5 =	vadd.f32 v3, v0;
	v0 =	vld [tilespmem:s13+$0x28A0];
	v1 =	vsel vm0, v1, v4;
	v4 =	vpop (erf);
	(pc) =	sbr.rel @p0 .LBB2_3-.Ltmp0, $4  }
0x4b: {  	v3 =	vld [tilespmem:s13+$0x2DA0];
	v6 =	vmul.f32 $1.442695020e+00, v1;
	[tilespmem:s30+$0x37A0] =	vst v4;
	s30 =	smov.u32 s31;
	s31 =	smov.u32 s0;
	s0 =	smov.u32 s1  }
0x4c: {  	s1 =	smov.u32 s13;
	v1 =	vadd.f32 v2, v5  }
0x4d: {  	v2 =	vld [tilespmem:s1+$0x32A0];
	(erf) = vpow2.f32 v6  }
0x4e: {  	v4 =	vmul.f32 $2.000000030e-01, v1  }
0x4f: {  	_ = 	snop  }
0x50: {  	v0 =	vadd.f32 v3, v0;
	_ =	sdelay $0x1  }
0x51: {  	v0 =	vadd.f32 v2, v0;
	_ =	sdelay $0x1  }
0x52: {  	vm0 =	vge.f32 v1, $0.0e+00;
	v2 =	vmul.f32 $2.000000030e-01, v0  }
0x53: {  	v1 =	vsel vm0, v1, v4;
	vm15 =	vge.f32 v0, $0.0e+00  }
0x54: {  	v1 =	vmul.f32 $1.442695020e+00, v1;
	v0 =	vsel vm15, v0, v2  }
0x55: {  	v0 =	vmul.f32 $1.442695020e+00, v0  }
0x56: {  	(erf) = vpow2.f32 v1  }
0x57: {  	(erf) = vpow2.f32 v0;
	_ =	sdelay $0x5  }
0x58: {  	v60 =	vpop (erf)  }
0x59: {  	[tilespmem:s30+$0x37A0] =	vst v60;
	v61 =	vpop (erf)  }
0x5a: {  	[tilespmem:s31+$0x37A0] =	vst v61;
	v62 =	vpop (erf)  }
0x5b: {  	[tilespmem:s0+$0x37A0] =	vst v62;
	v63 =	vpop (erf)  }
0x5c: {  	s31 =	sadd.s32 s9, s29;
	[tilespmem:s1+$0x37A0] =	vst v63  }
0x5d: {  	[hbm4b:s31+s3] =	stream.linear.scatter [tilespmem:s25], [sflag:$0x3], $0x500, $0x38;
	[tilespmem:$0x3CA0] =	vst v63  }
0x5e: {  	s28 =	sadd.s32 $0x1, s28;
	_ =	swait.ge [sflag:s16], $0x500  }
0x5f: {  	p0 =	sne.s32 s28, $0x7D;
	[sflag:s16] =	ssyncset.done $0x0  }
.Ltmp1:
0x60: {  	[sflag:s16] =	ssyncadd.s32 $0xFFFFFB00;
	(pc) =	sbr.rel @p0 .LBB2_2-.Ltmp1, $4  }
0x61: {  	[spmem:s2] =	stream.indirect.scatter.add.f32 [tilespmem:s25], [sflag:$0x3], $0x10, s18, s21, $0xb8;
	[tilespmem:$0x3CA0] =	vst v63  }
0x62: {  	_ =	swait.ge [sflag:s16], $0x500  }
0x63: {  	[sflag:s16] =	ssyncset.done $0x0  }
0x64: {  	[sflag:s16] =	ssyncadd.s32 $0xFFFFFB00  }
0x65: {  	s26 =	sadd.s32 $0x1, s26  }
0x66: {  	[bflag:$0x0] =	sbarrier.arrive $0xFFFF;
	p0 =	sne.s32 s26, s14  }
.Ltmp2:
0x67: {  	s0 =	rddreg [dreg:$0x4];
	(pc) =	sbr.rel @p0 .LBB2_1-.Ltmp2, $4  }
0x68: {  	[hbm:s0], [sflag:s11] =	dma.local [spmem:s15], $0x500  }
0x69: {  	_ =	swait.ge [sflag:s16], $0x500  }
0x6a: {  	[sflag:s16] =	ssyncset.done $0x0  }
0x6b: {  	[sflag:s16] =	ssyncadd.s32 $0xFFFFFB00  }
0x6c: {  	_ =	sfence.sel $0x180000  }
0x6d: {  	[bflag:$0x0] =	sbarrier.arrive $0xFFFF  }
0x6e: {  	_ =	strace $0x9000004D  }
0x6f: {  	s0 =	stileid.u32;
	[bflag:$0x2] =	sbarrier.arrive $0xFFFF  }
0x70: {  	p0 =	sne.s32 s0, $0x0;
	s0 =	rddreg [dreg:$0x2]  }
0x71: {  	s0 =	sadd.s32 @!p0 $0x100000, s0  }
0x72: {  	[sflag:s0] =	ssyncadd.tile.s32 @!p0 $0x1;
	_ =	shalt  }
.Lfunc_end2:
_tile_overlayer_lowered:
.L_overlay_start_2:
0x73: {  	(tag) =	ssettag $0x2  }
0x74: {  	s0 =	rddreg [dreg:$0x0];
	s2 =	stileid.u32  }
0x75: {  	s1 =	rddreg [dreg:$0x1];
	p0 =	sne.s32 s2, $0x0  }
0x76: {  	s3 =	rddreg [dreg:$0x2];
	[bflag:$0x3] =	sbarrier.arrive $0xFFFF;
	s2 =	simm.s32 @!p0 $0x1C03  }
0x77: {  	[timem:s3], [sflag:s2] =	dma.local @!p0 [hbm:s0], s1  }
0x78: {  	s0 =	simm.s32 @!p0 $0x3  }
0x79: {  	_ =	swait.ge @!p0 [sflag:s0], s1  }
0x7a: {  	s1 =	ssub.s32 @!p0 $0x0, s1;
	[sflag:s0] =	ssyncset.done @!p0 $0x0  }
0x7b: {  	[sflag:s0] =	ssyncadd.s32 @!p0 s1  }
0x7c: {  	[bflag:$0x3] =	sbarrier.arrive $0xFFFF  }
0x7d: {  	_ =	shalt  }

// kernel: kernel.25.cloned.1.call-start
scs
__scs_entry_jumppad:
0x0: {  	(pc) =	sbr.rel $0x88, $3  }
0x1: {  	(tag) =	ssettag $0x0;
	lr =	simm.s32 $0x1  }
0x2: {  	[smem:$0x3F92] =	sst lr;
	_ =	strace $0xD0000000  }
0x3: {  	_ = 	snop  }
0x4: {  	_ = 	snop  }
0x5: {  	_ = 	snop  }
0x6: {  	_ = 	snop  }
0x7: {  	_ = 	snop  }
__scs_overlays_trampoline_lowered:
0x8: {  	[smem:$0x3FA1] =	sst s0  }
0x9: {  	[smem:$0x3FA2] =	sst s1  }
0xa: {  	[smem:$0x3FA3] =	sst s2  }
0xb: {  	[smem:$0x3FA4] =	sst s3  }
0xc: {  	[smem:$0x3FA5] =	sst s4  }
0xd: {  	[smem:$0x3FA6] =	sst s5  }
0xe: {  	[smem:$0x3FA7] =	sst s6  }
0xf: {  	[smem:$0x3FA8] =	sst s7  }
0x10: {  	[smem:$0x3FA9] =	sst s8  }
0x11: {  	[smem:$0x3FAA] =	sst s9;
	s0 =	simm.s32 @!p0 $0x0  }
0x12: {  	s1 =	sld [smem:$0x3F90];
	s0 =	simm.s32 @p0 $0x1  }
0x13: {  	[smem:$0x3FAB] =	sst s0;
	s0 =	simm.s32 @!p1 $0x0  }
0x14: {  	s2 =	sld [smem:$0x3F8F];
	s0 =	simm.s32 @p1 $0x1  }
0x15: {  	[smem:$0x3FAC] =	sst s0;
	s0 =	simm.s32 @!p2 $0x0  }
0x16: {  	s3 =	sld [smem:$0x3FDB];
	s0 =	simm.s32 @p2 $0x1  }
0x17: {  	s4 =	simm.s32 $0x1BF5;
	[smem:$0x3FAE] =	sst s0  }
0x18: {  	s0 =	sld [smem:$0x3F91];
	_ =	swait.ge [sflag:s4], $0x0  }
0x19: {  	s7 =	sld [smem:$0x3F92]  }
0x1a: {  	s8 =	sadd.s32 $0xFFFFE003, lr  }
0x1b: {  	s9 =	sadd.s32 $0xFFFFFEF7, lr;
	s5 =	simm.s32 $0xFFFFFFFF;
	p2 =	slt.u32 s8, $0xFFFFF086  }
0x1c: {  	p1 =	slt.u32 s9, $0xF7A;
	s5 =	simm.s32 @!p2 $0x0  }
0x1d: {  	s5 =	simm.s32 @p1 $0x1;
	p0 =	seq.s32 s7, s2  }
0x1e: {  	s7 =	smul.u32 @!p0 $0xF7A, s2;
	p2 =	seq.s32 @!p0 s5, $0x0  }
0x1f: {  	s9 =	smul.u32 $0xF7A, s1;
	s8 =	simm.s32 @!p0 $0x1BF5;
	p2 =	por !p2, p0  }
0x20: {  	[sflag:s8] =	ssyncset.s32 @!p0 $0xFFFFF086;
	s6 =	sadd.s32 @!p0 s3, s7;
	s7 =	simm.s32 @!p0 $0x108  }
0x21: {  	s3 =	sadd.s32 s3, s9;
	s6 =	sadd.s32 @!p0 $0x88, s6;
	s7 =	simm.s32 @p2 $0x1082  }
0x22: {  	[simem:s7], [sflag:s8] =	dma.local @!p0 [hbm:s6], $0xF7A  }
0x23: {  	s9 =	sor.u32 $0xD0000000, s2;
	s6 =	simm.s32 $0x108;
	_ =	swait.ge @!p0 [sflag:s8], $0x0  }
0x24: {  	s3 =	sadd.s32 $0x88, s3;
	s6 =	simm.s32 @!p1 $0x1082;
	[sflag:s4] =	ssyncset.s32 $0xFFFFF086  }
0x25: {  	[simem:s6], [sflag:s4] =	dma.local [hbm:s3], $0xF7A  }
0x26: {  	[smem:$0x3F92] =	sst s1;
	(tag) =	ssettag s2;
	_ =	strace s9  }
0x27: {  	s1 =	sld [smem:$0x3FA2]  }
0x28: {  	s2 =	sld [smem:$0x3FA3]  }
0x29: {  	s4 =	sld [smem:$0x3FA5]  }
0x2a: {  	p0 =	seq.s32 s5, $0x0;
	s5 =	sld [smem:$0x3FA6]  }
0x2b: {  	s6 =	sld [smem:$0x3FA7]  }
0x2c: {  	s7 =	sld [smem:$0x3FA8]  }
0x2d: {  	s3 =	simm.s32 $0x108;
	s8 =	sld [smem:$0x3FA9]  }
0x2e: {  	s3 =	simm.s32 @!p0 $0x1082;
	s9 =	sld [smem:$0x3FAA]  }
0x2f: {  	lr =	sadd.s32 s0, s3;
	s0 =	sld [smem:$0x3FA1]  }
0x30: {  	s3 =	sld [smem:$0x3FA4]  }
0x31: {  	[smem:$0x3FAD] =	sst s10  }
0x32: {  	s10 =	sld [smem:$0x3FAB];
	_ =	sdelay $0x3  }
0x33: {  	p0 =	seq.s32 s10, $0x1;
	s10 =	sld [smem:$0x3FAD];
	_ =	sdelay $0x3  }
0x34: {  	[smem:$0x3FAD] =	sst s10  }
0x35: {  	s10 =	sld [smem:$0x3FAC];
	_ =	sdelay $0x3  }
0x36: {  	p1 =	seq.s32 s10, $0x1;
	s10 =	sld [smem:$0x3FAD];
	_ =	sdelay $0x3  }
0x37: {  	[smem:$0x3FAD] =	sst s10  }
0x38: {  	s10 =	sld [smem:$0x3FAE]  }
0x39: {  	_ = 	snop;
	(pc) =	sbr.ind lr, $3  }
0x3a: {  	_ = 	snop  }
0x3b: {  	_ = 	snop  }
0x3c: {  	p2 =	seq.s32 s10, $0x1;
	s10 =	sld [smem:$0x3FAD]  }
0x3d: {  	_ =	shalt  }
0x3e: {  	_ =	shalt  }
0x3f: {  	_ =	shalt  }
0x40: {  	_ =	shalt  }
0x41: {  	_ =	shalt  }
0x42: {  	_ =	shalt  }
0x43: {  	_ =	shalt  }
0x44: {  	_ =	shalt  }
0x45: {  	_ =	shalt  }
0x46: {  	_ =	shalt  }
0x47: {  	_ =	shalt  }
0x48: {  	_ =	shalt  }
0x49: {  	_ =	shalt  }
0x4a: {  	_ =	shalt  }
0x4b: {  	_ =	shalt  }
0x4c: {  	_ =	shalt  }
0x4d: {  	_ =	shalt  }
0x4e: {  	_ =	shalt  }
0x4f: {  	_ =	shalt  }
0x50: {  	_ =	shalt  }
0x51: {  	_ =	shalt  }
0x52: {  	_ =	shalt  }
0x53: {  	_ =	shalt  }
0x54: {  	_ =	shalt  }
0x55: {  	_ =	shalt  }
0x56: {  	_ =	shalt  }
0x57: {  	_ =	shalt  }
0x58: {  	_ =	shalt  }
0x59: {  	_ =	shalt  }
0x5a: {  	_ =	shalt  }
0x5b: {  	_ =	shalt  }
0x5c: {  	_ =	shalt  }
0x5d: {  	_ =	shalt  }
0x5e: {  	_ =	shalt  }
0x5f: {  	_ =	shalt  }
0x60: {  	_ =	shalt  }
0x61: {  	_ =	shalt  }
0x62: {  	_ =	shalt  }
0x63: {  	_ =	shalt  }
0x64: {  	_ =	shalt  }
0x65: {  	_ =	shalt  }
0x66: {  	_ =	shalt  }
0x67: {  	_ =	shalt  }
0x68: {  	_ =	shalt  }
0x69: {  	_ =	shalt  }
0x6a: {  	_ =	shalt  }
0x6b: {  	_ =	shalt  }
0x6c: {  	_ =	shalt  }
0x6d: {  	_ =	shalt  }
0x6e: {  	_ =	shalt  }
0x6f: {  	_ =	shalt  }
0x70: {  	_ =	shalt  }
0x71: {  	_ =	shalt  }
0x72: {  	_ =	shalt  }
0x73: {  	_ =	shalt  }
0x74: {  	_ =	shalt  }
0x75: {  	_ =	shalt  }
0x76: {  	_ =	shalt  }
0x77: {  	_ =	shalt  }
0x78: {  	_ =	shalt  }
0x79: {  	_ =	shalt  }
0x7a: {  	_ =	shalt  }
0x7b: {  	_ =	shalt  }
0x7c: {  	_ =	shalt  }
0x7d: {  	_ =	shalt  }
0x7e: {  	_ =	shalt  }
0x7f: {  	_ =	shalt  }
0x80: {  	_ =	shalt  }
0x81: {  	_ =	shalt  }
0x82: {  	_ =	shalt  }
0x83: {  	_ =	shalt  }
0x84: {  	_ =	shalt  }
0x85: {  	_ =	shalt  }
0x86: {  	_ =	shalt  }
0x87: {  	_ =	shalt  }
.Lfunc_end0:
.L_simem_size_0:
called_computation.3_lowered:
.L_overlay_start_0:
0x88: {  	s2 =	sld [smem:$0x3FD9]  }
0x89: {  	s3 =	sld [smem:$0x3FFE];
	_ =	sdelay $0x1  }
0x8a: {  	s1 =	srdreg.scid  }
0x8b: {  	s0 =	sand.u32 $0x1, s1  }
0x8c: {  	s16 =	sshll.u32 s0, $0xA;
	s2 =	sadd.s32 s3, s2  }
0x8d: {  	s2 =	sadd.s32 s2, s16  }
0x8e: {  	[smem:$0x3FB9] =	sst s2  }
0x8f: {  	_ = 	snop  }
0x90: {  	(tm) =	ssettm $0x1  }
0x91: {  	s17 =	sld [smem:$0x3FFB];
	_ =	sdelay $0x3  }
0x92: {  	_ =	strace s17  }
0x93: {  	s2 =	sld [smem:$0x3FFC];
	_ =	sdelay $0x3  }
0x94: {  	_ =	strace s2  }
0x95: {  	s2 =	sld [smem:$0x3FFD];
	_ =	sdelay $0x3  }
0x96: {  	_ =	strace s2  }
0x97: {  	_ =	strace $0x8FFFFFFF  }
0x98: {  	s18 =	sld [smem:$0x3FDB];
	_ =	sdelay $0x1  }
0x99: {  	s19 =	simm.s32 $_scs_section_size  }
0x9a: {  	s4 =	simm.s32 $_size__tile_overlayer_lowered;
	s5 =	simm.s32 $_tile_overlayer_lowered  }
0x9b: {  	s22 =	simm.s32 $0x1BFF;
	s21 =	sshll.u32 s5, $0x1;
	s2 =	sadd.s32 s19, s18  }
0x9c: {  	s6 =	simm.s32 $0x0;
	s20 =	sshll.u32 s4, $0x1;
	s4 =	sadd.s32 s21, s2  }
0x9d: {  	[timem:s6], [sflag:s22] =	dma.local [hbm:s4], s20  }
0x9e: {  	_ =	swait.ge [sflag:s22], s20  }
0x9f: {  	s3 =	ssub.s32 $0x0, s20;
	[sflag:s22] =	ssyncset.done $0x0  }
0xa0: {  	[sflag:s22] =	ssyncadd.s32 s3;
	_ =	sdelay $0x1  }
0xa1: {  	s23 =	simm.s32 $0x1B8B  }
0xa2: {  	_ =	swait.ge [sflag:s23], $0x1  }
0xa3: {  	[sflag:s23] =	ssyncset.done $0x0  }
0xa4: {  	s25 =	simm.s32 $0x1B8E;
	s24 =	sld [smem:$0x3FFE];
	[sflag:s23] =	ssyncadd.s32 $0xFFFFFFFF  }
0xa5: {  	s26 =	simm.s32 $execute0_lowered;
	[smem:$0x3FD2] =	sst s25  }
0xa6: {  	s4 =	sshll.u32 s26, $0x1;
	_ =	strace $0x8000004F;
	[dreg:$0x1] =	wrdreg $0xFFFFFFFF  }
0xa7: {  	s28 =	simm.s32 $_size_execute0_lowered;
	s2 =	sadd.s32 s2, s4;
	[dreg:$0x0] =	wrdreg $0x0  }
0xa8: {  	s4 =	sshll.u32 s28, $0x1;
	[dreg:$0x2] =	wrdreg s2  }
0xa9: {  	[dreg:$0x3] =	wrdreg s4  }
0xaa: {  	[dreg:$0x4] =	wrdreg $0xC0  }
0xab: {  	_ =	task [dreg:s6], $0x5FFFF  }
0xac: {  	[dreg:$0x1] =	wrdreg $0xFFFFFFFF  }
0xad: {  	[dreg:$0x0] =	wrdreg $0x60  }
0xae: {  	[dreg:$0x2] =	wrdreg s24  }
0xaf: {  	[dreg:$0x3] =	wrdreg $0x0  }
0xb0: {  	[dreg:$0x4] =	wrdreg $0x140000  }
0xb1: {  	[dreg:$0x5] =	wrdreg $0x9  }
0xb2: {  	_ =	task.clear_ibuf [dreg:s6], $0x6FFFF;
	_ =	strace $0x9000004F  }
0xb3: {  	s29 =	simm.s32 $0x9;
	_ =	strace $0x80000051  }
0xb4: {  	_ =	swait.ge [sflag:s29], $0x1  }
0xb5: {  	[sflag:s29] =	ssyncadd.s32 $0xFFFFFFFF  }
0xb6: {  	_ =	strace $0x90000051  }
0xb7: {  	_ =	sfence  }
0xb8: {  	s30 =	sld [smem:$0x0];
	_ =	sdelay $0x2  }
0xb9: {  	s31 =	sshll.u32 s1, $0xD;
	s1 =	sshrl.u32 s1, $0x2  }
0xba: {  	s3 =	sand.u32 $0x4000, s31;
	s1 =	sadd.s32 s1, s30  }
0xbb: {  	s0 =	sor.u32 s3, s0;
	s1 =	sshll.u32 s1, $0x11  }
0xbc: {  	s0 =	sor.u32 s1, s0  }
0xbd: {  	s0 =	sadd.s32 $0x8F2B, s0  }
0xbe: {  	[sflag:s0] =	ssyncadd.remote.s32 $0x1  }
0xbf: {  	_ =	sfence.sel $0xFFFF  }
0xc0: {  	[dreg:$0x0] =	wrdreg $0xFFFFFFFF;
	(pc) =	sbr.abs _section_cstart, $3  }
0xc1: {  	[dreg:$0x1] =	wrdreg $0xFFFFFFFF  }
0xc2: {  	_ =	task.clear_ibuf [dreg:s6], $0x2FFFF;
	_ =	strace $0x9FFFFFFF  }
0xc3: {  	(tm) =	ssettm $0x7FFFFFFF  }
tec
execute0_lowered:
.L_overlay_start_1:
0x0: {  	(tag) =	ssettag $0x1  }
0x1: {  	s0 =	rddreg [dreg:$0x0]  }
0x2: {  	s1 =	rddreg [dreg:$0x1]  }
0x3: {  	s3 =	rddreg [dreg:$0x2]  }
0x4: {  	s2 =	simm.s32 $0x0;
	s15 =	stileid.u32;
	s4 =	srdreg.scid  }
0x5: {  	s18 =	simm.s32 $0x3;
	s19 =	simm.s32 $0x16DA0;
	s21 =	simm.s32 $0x16800  }
0x6: {  	s22 =	simm.s32 $0x16850;
	s23 =	simm.s32 $0x168A0;
	s28 =	simm.s32 $0x1BDA0  }
0x7: {  	s29 =	simm.s32 $0x2;
	s30 =	simm.s32 $0x0;
	s31 =	simm.s32 $0x0  }
0x8: {  	[smem:$0x7FF] =	sst s2;
	s24 =	smul.u32 $0x2800, s15;
	s5 =	sadd.s32 $0x11800, s0  }
0x9: {  	s9 =	smul.u32 $0x14000, s15;
	s4 =	sand.u32 $0x1, s4;
	s6 =	sadd.s32 $0x7A00, s0  }
0xa: {  	s7 =	sadd.s32 $0x54800, s0;
	s25 =	sshll.u32 s15, $0x1;
	s26 =	sshll.u32 s15, $0x6  }
0xb: {  	_ =	strace $0x80000050;
	s10 =	smul.u32 $0x140000, s4;
	s13 =	ssub.s32 $0x2, s4  }
0xc: {  	s4 =	sor.u32 s4, s25;
	s25 =	simm.s32 $0x50;
	s8 =	sshrl.u32 s24, $0x3  }
0xd: {  	s11 =	sshrl.u32 s9, $0x3;
	s14 =	sshrl.u32 s13, $0x1;
	s17 =	sadd.s32 s9, s1  }
0xe: {  	s12 =	sadd.s32 s8, s0;
	s8 =	sadd.s32 $0x1E600, s0;
	s10 =	sadd.s32 s9, s10  }
0xf: {  	s11 =	sadd.s32 s11, s0;
	s16 =	ssub.s32 s13, s14;
	s13 =	sadd.s32 s24, s3  }
0x10: {  	s14 =	smul.u32 $0x2710, s4;
	s17 =	sshrl.u32 s17, $0x3;
	s24 =	simm.s32 $0x1  }
0x11: {  	s10 =	sshrl.u32 s10, $0x3;
	s9 =	sadd.s32 $0xFAC00, s11;
	s11 =	sadd.s32 $0x45800, s12  }
0x12: {  	s12 =	sadd.s32 $0xF0C00, s12;
	s16 =	smax.u32 s16, $0x1;
	s0 =	sadd.s32 s10, s0  }
0x13: {  	s10 =	sor.u32 $0x1C03, s26;
	s26 =	simm.s32 $0x1C2A0;
	s15 =	sadd.s32 $0x122C00, s0  }
.LBB2_1:
0x14: {  	[spmem:s17], [sflag:s10] =	dma.local [hbm:s9], $0x2800  }
0x15: {  	_ =	swait.ge [sflag:s18], $0x2800  }
0x16: {  	[sflag:s18] =	ssyncset.done $0x0  }
0x17: {  	s0 =	simm.s32 $0x0;
	[sflag:s18] =	ssyncadd.s32 $0xFFFFD800  }
0x18: {  	[tilespmem:s19], [sflag:$0x3] =	stream.linear.gather [hbm4b:s11+s0], $0x2800, $0x38;
	[tilespmem:$0x1EAA0] =	vst v63  }
0x19: {  	_ =	swait.ge [sflag:s18], $0x2800  }
0x1a: {  	[sflag:s18] =	ssyncset.done $0x0  }
0x1b: {  	s2 =	simm.s32 $0x195A0;
	[sflag:s18] =	ssyncadd.s32 $0xFFFFD800  }
0x1c: {  	[tilespmem:s2], [sflag:$0x3] =	stream.linear.gather [hbm4b:s12+s0], $0x2800, $0x38;
	[tilespmem:$0x1EAA0] =	vst v63  }
0x1d: {  	_ =	swait.ge [sflag:s18], $0x2800  }
0x1e: {  	[sflag:s18] =	ssyncset.done $0x0  }
0x1f: {  	s0 =	simm.s32 $0x0;
	[sflag:s18] =	ssyncadd.s32 $0xFFFFD800  }
0x20: {  	s2 =	simm.s32 $0x40;
	v0 =	vld [tilespmem:s0+$0x195A0]  }
.LBB2_2:
0x21: {  	p0 =	sne.s32 s2, $0x9FC0;
	v1 =	vld [tilespmem:s0+$0x16DA0];
	_ =	sdelay $0x2  }
.Ltmp0:
0x22: {  	(pc) =	sbr.rel @p0 .LBB2_2-.Ltmp0, $4  }
0x23: {  	_ = 	snop  }
0x24: {  	v1 =	vadd.f32 v0, v1  }
0x25: {  	s4 =	sshra.s32 s2, $0x2  }
0x26: {  	s2 =	sadd.s32 $0x40, s2;
	v0 =	vld [tilespmem:s4+$0x195A0];
	[tilespmem:s0+$0x16DA0] =	vst v1;
	s0 =	smov.u32 s4  }
0x27: {  	v1 =	vld [tilespmem:s0+$0x16DA0];
	_ =	sdelay $0x4  }
0x28: {  	v0 =	vadd.f32 v0, v1;
	_ =	sdelay $0x1  }
0x29: {  	[tilespmem:s0+$0x16DA0] =	vst v0  }
0x2a: {  	[spmem:s13] =	stream.linear.scatter [tilespmem:s19], [sflag:$0x3], $0x2800, $0x38;
	[tilespmem:$0x1EAA0] =	vst v63  }
0x2b: {  	_ =	swait.ge [sflag:s18], $0x2800  }
0x2c: {  	[sflag:s18] =	ssyncset.done $0x0  }
0x2d: {  	[sflag:s18] =	ssyncadd.s32 $0xFFFFD800  }
0x2e: {  	s0 =	simm.s32 $0x0;
	[bflag:$0x0] =	sbarrier.arrive $0xFFFF  }
.LBB2_4:
0x2f: {  	s2 =	smul.u32 $0x50, s0;
	_ =	sdelay $0x1  }
0x30: {  	s2 =	sadd.s32 s14, s2  }
0x31: {  	s4 =	sshrl.u32 s2, $0x3  }
0x32: {  	s20 =	sadd.s32 s5, s4  }
0x33: {  	[tilespmem:s21], [sflag:$0x1] =	stream.linear.gather [hbm4b:s20+s31], $0x50, $0x38;
	[tilespmem:$0x1EAA0] =	vst v63  }
0x34: {  	s2 =	sshll.u32 s2, $0x1;
	s4 =	sadd.s32 s6, s4  }
0x35: {  	[tilespmem:s22], [sflag:$0x1] =	stream.linear.gather [hbm4b:s4+s31], $0x50, $0x38;
	[tilespmem:$0x1EAA0] =	vst v63  }
0x36: {  	s2 =	sadd.s32 s7, s2  }
0x37: {  	[tilespmem:s23], [sflag:$0x2] =	stream.linear.gather [hbm4b:s2+s31], $0x500, $0x38;
	[tilespmem:$0x1EAA0] =	vst v63  }
0x38: {  	_ =	swait.ge [sflag:s24], $0x50  }
0x39: {  	[sflag:s24] =	ssyncset.done $0x0  }
0x3a: {  	[sflag:s24] =	ssyncadd.s32 $0xFFFFFFB0  }
0x3b: {  	_ =	swait.ge [sflag:s24], $0x50  }
0x3c: {  	[sflag:s24] =	ssyncset.done $0x0  }
0x3d: {  	[sflag:s24] =	ssyncadd.s32 $0xFFFFFFB0  }
0x3e: {  	[tilespmem:s26], [sflag:$0x1] =	stream.indirect.gather [hbm4b:s8+s25], $0x80, s21, s25, $0xb8;
	[tilespmem:$0x1EAA0] =	vst v63  }
0x3f: {  	_ = 	snop  }
0x40: {  	[tilespmem:s28], [sflag:$0x2] =	stream.indirect.gather [spmem:s3], $0x10, s22, s25, $0xb8;
	[tilespmem:$0x1EAA0] =	vst v63  }
0x41: {  	_ =	swait.ge [sflag:s29], $0x500  }
0x42: {  	[sflag:s29] =	ssyncset.done $0x0  }
0x43: {  	[sflag:s29] =	ssyncadd.s32 $0xFFFFFB00  }
0x44: {  	_ =	swait.ge [sflag:s29], $0x500  }
0x45: {  	[sflag:s29] =	ssyncset.done $0x0  }
0x46: {  	[sflag:s29] =	ssyncadd.s32 $0xFFFFFB00  }
0x47: {  	_ =	swait.ge [sflag:s24], $0x2800  }
0x48: {  	[sflag:s24] =	ssyncset.done $0x0  }
0x49: {  	s20 =	simm.s32 $0x0;
	[sflag:s24] =	ssyncadd.s32 $0xFFFFD800  }
0x4a: {  	v0 =	vld [tilespmem:s20+$0x1BDA0];
	_ =	sdelay $0x4  }
0x4b: {  	v0 =	vadd.f32 $1.000000020e-16, v0;
	_ =	sdelay $0x1  }
0x4c: {  	(erf) = vrcp.f32 v0;
	_ =	sdelay $0x4  }
0x4d: {  	v56 =	vld [tilespmem:s20+$0x168A0];
	_ =	sdelay $0x2  }
0x4e: {  	s2 =	simm.s32 $0x1C2E0  }
0x4f: {  	v1 =	vld [tilespmem:s2+$0xFFFFFFC0];
	v2 =	vpop (erf)  }
0x50: {  	v3 =	vld [tilespmem:s2+$0xFFFFFFD0];
	v0 =	vmul.f32 v2, v56  }
0x51: {  	v57 =	vld [tilespmem:s2+$0xFFFFFFE0]  }
0x52: {  	v4 =	vld [tilespmem:s2+$0xFFFFFFF0];
	v5 =	vbroadcast v0, $0x0;
	v6 =	vbroadcast v0, $0x1  }
0x53: {  	v8 =	vld [tilespmem:s2+$0x10];
	v9 =	vbroadcast v0, $0x2;
	v58 =	vbroadcast v0, $0x3  }
0x54: {  	v10 =	vld [tilespmem:s2+$0x30];
	v60 =	vbroadcast v0, $0x4;
	v1 =	vmul.f32 v5, v1  }
0x55: {  	v7 =	vld [tilespmem:s2+$0x0];
	v61 =	vbroadcast v0, $0x5;
	v3 =	vmul.f32 v6, v3  }
0x56: {  	v59 =	vld [tilespmem:s2+$0x20];
	v62 =	vbroadcast v0, $0x6;
	v2 =	vmul.f32 v57, v9;
	[tilespmem:s2+$0xFFFFFFC0] =	vst v1  }
0x57: {  	v0 =	vbroadcast v0, $0x7;
	v4 =	vmul.f32 v4, v58;
	[tilespmem:s2+$0xFFFFFFD0] =	vst v3  }
0x58: {  	v63 =	vmul.f32 v8, v61;
	[tilespmem:s2+$0xFFFFFFE0] =	vst v2  }
0x59: {  	v0 =	vmul.f32 v10, v0;
	[tilespmem:s2+$0xFFFFFFF0] =	vst v4  }
0x5a: {  	v1 =	vmul.f32 v7, v60;
	[tilespmem:s2+$0x10] =	vst v63  }
0x5b: {  	v3 =	vmul.f32 v59, v62;
	[tilespmem:s2+$0x30] =	vst v0  }
0x5c: {  	[tilespmem:s2+$0x0] =	vst v1  }
0x5d: {  	s4 =	simm.s32 $0x10;
	s20 =	simm.s32 $0x80;
	[tilespmem:s2+$0x20] =	vst v3  }
.LBB2_5:
0x5e: {  	p0 =	sne.s32 s20, $0x13C0;
	v0 =	vld [tilespmem:s4+$0x1BDA0]  }
0x5f: {  	v1 =	vld [tilespmem:s4+$0x168A0];
	_ =	sdelay $0x3  }
0x60: {  	v0 =	vadd.f32 $1.000000020e-16, v0;
	_ =	sdelay $0x1  }
0x61: {  	(erf) = vrcp.f32 v0;
	_ =	sdelay $0x5  }
0x62: {  	s2 =	sadd.s32 $0x80, s2  }
0x63: {  	v0 =	vld [tilespmem:s2+$0xFFFFFFF0]  }
0x64: {  	v2 =	vld [tilespmem:s2+$0xFFFFFFC0]  }
0x65: {  	v3 =	vld [tilespmem:s2+$0xFFFFFFD0];
	v4 =	vpop (erf)  }
0x66: {  	v1 =	vmul.f32 v4, v1;
	v4 =	vld [tilespmem:s2+$0xFFFFFFE0]  }
0x67: {  	v5 =	vld [tilespmem:s2+$0x30]  }
0x68: {  	v6 =	vbroadcast v1, $0x0;
	v7 =	vbroadcast v1, $0x1;
	v8 =	vld [tilespmem:s2+$0x10]  }
0x69: {  	v9 =	vbroadcast v1, $0x2;
	v10 =	vbroadcast v1, $0x3;
	v11 =	vld [tilespmem:s2+$0x0]  }
0x6a: {  	v2 =	vmul.f32 v6, v2;
	v3 =	vmul.f32 v7, v3;
	v6 =	vld [tilespmem:s2+$0x20]  }
0x6b: {  	v0 =	vmul.f32 v0, v10;
	v4 =	vmul.f32 v4, v9  }
0x6c: {  	v7 =	vbroadcast v1, $0x5;
	[tilespmem:s2+$0xFFFFFFC0] =	vst v2;
	v2 =	vbroadcast v1, $0x4  }
0x6d: {  	[tilespmem:s2+$0xFFFFFFD0] =	vst v3;
	v3 =	vbroadcast v1, $0x6;
	v1 =	vbroadcast v1, $0x7  }
0x6e: {  	[tilespmem:s2+$0xFFFFFFE0] =	vst v4;
	v2 =	vmul.f32 v11, v2;
	v4 =	vmul.f32 v8, v7  }
.Ltmp1:
0x6f: {  	[tilespmem:s2+$0xFFFFFFF0] =	vst v0;
	v0 =	vmul.f32 v6, v3;
	v1 =	vmul.f32 v5, v1;
	(pc) =	sbr.rel @p0 .LBB2_5-.Ltmp1, $4  }
0x70: {  	[tilespmem:s2+$0x0] =	vst v2  }
0x71: {  	[tilespmem:s2+$0x10] =	vst v4  }
0x72: {  	[tilespmem:s2+$0x20] =	vst v0  }
0x73: {  	s4 =	sshra.s32 s20, $0x2;
	s20 =	sadd.s32 $0x40, s20;
	[tilespmem:s2+$0x30] =	vst v1  }
0x74: {  	v0 =	vld [tilespmem:s4+$0x1BDA0];
	_ =	sdelay $0x4  }
0x75: {  	v0 =	vadd.f32 $1.000000020e-16, v0;
	_ =	sdelay $0x1  }
0x76: {  	(erf) = vrcp.f32 v0;
	_ =	sdelay $0x4  }
0x77: {  	v56 =	vld [tilespmem:s4+$0x168A0];
	_ =	sdelay $0x2  }
0x78: {  	s2 =	sadd.s32 $0x80, s2  }
0x79: {  	v1 =	vld [tilespmem:s2+$0xFFFFFFC0];
	v2 =	vpop (erf)  }
0x7a: {  	v3 =	vld [tilespmem:s2+$0xFFFFFFD0];
	v0 =	vmul.f32 v2, v56  }
0x7b: {  	v57 =	vld [tilespmem:s2+$0xFFFFFFE0]  }
0x7c: {  	v4 =	vld [tilespmem:s2+$0xFFFFFFF0];
	v5 =	vbroadcast v0, $0x0;
	v6 =	vbroadcast v0, $0x1  }
0x7d: {  	v8 =	vld [tilespmem:s2+$0x10];
	v9 =	vbroadcast v0, $0x2;
	v58 =	vbroadcast v0, $0x3  }
0x7e: {  	v10 =	vld [tilespmem:s2+$0x30];
	v60 =	vbroadcast v0, $0x4;
	v1 =	vmul.f32 v5, v1  }
0x7f: {  	v7 =	vld [tilespmem:s2+$0x0];
	v61 =	vbroadcast v0, $0x5;
	v3 =	vmul.f32 v6, v3  }
0x80: {  	v59 =	vld [tilespmem:s2+$0x20];
	v62 =	vbroadcast v0, $0x6;
	v2 =	vmul.f32 v57, v9;
	[tilespmem:s2+$0xFFFFFFC0] =	vst v1  }
0x81: {  	v0 =	vbroadcast v0, $0x7;
	v4 =	vmul.f32 v4, v58;
	[tilespmem:s2+$0xFFFFFFD0] =	vst v3  }
0x82: {  	v63 =	vmul.f32 v8, v61;
	[tilespmem:s2+$0xFFFFFFE0] =	vst v2  }
0x83: {  	v0 =	vmul.f32 v10, v0;
	[tilespmem:s2+$0xFFFFFFF0] =	vst v4  }
0x84: {  	v1 =	vmul.f32 v7, v60;
	[tilespmem:s2+$0x10] =	vst v63  }
0x85: {  	s0 =	sadd.s32 $0x1, s0;
	v3 =	vmul.f32 v59, v62;
	[tilespmem:s2+$0x30] =	vst v0  }
0x86: {  	p0 =	sne.s32 s0, $0x7D;
	[tilespmem:s2+$0x0] =	vst v1  }
.Ltmp2:
0x87: {  	[tilespmem:s2+$0x20] =	vst v3;
	(pc) =	sbr.rel @p0 .LBB2_4-.Ltmp2, $4  }
0x88: {  	[spmem:s1] =	stream.indirect.scatter.add.f32 [tilespmem:s26], [sflag:$0x3], $0x80, s22, s25, $0xb8;
	[tilespmem:$0x1EAA0] =	vst v63  }
0x89: {  	_ =	swait.ge [sflag:s18], $0x2800  }
0x8a: {  	[sflag:s18] =	ssyncset.done $0x0  }
0x8b: {  	[sflag:s18] =	ssyncadd.s32 $0xFFFFD800  }
0x8c: {  	s30 =	sadd.s32 $0x1, s30  }
0x8d: {  	p0 =	sne.s32 s30, s16  }
.Ltmp3:
0x8e: {  	[bflag:$0x0] =	sbarrier.arrive $0xFFFF;
	(pc) =	sbr.rel @p0 .LBB2_1-.Ltmp3, $4  }
0x8f: {  	[hbm:s15], [sflag:s10] =	dma.local [spmem:s17], $0x2800  }
0x90: {  	_ =	swait.ge [sflag:s18], $0x2800  }
0x91: {  	[sflag:s18] =	ssyncset.done $0x0  }
0x92: {  	[sflag:s18] =	ssyncadd.s32 $0xFFFFD800  }
0x93: {  	_ =	sfence.sel $0x180000  }
0x94: {  	[bflag:$0x0] =	sbarrier.arrive $0xFFFF  }
0x95: {  	_ =	strace $0x90000050  }
0x96: {  	s0 =	stileid.u32;
	[bflag:$0x2] =	sbarrier.arrive $0xFFFF  }
0x97: {  	p0 =	sne.s32 s0, $0x0;
	s0 =	rddreg [dreg:$0x3]  }
0x98: {  	s0 =	sadd.s32 @!p0 $0x100000, s0  }
0x99: {  	[sflag:s0] =	ssyncadd.tile.s32 @!p0 $0x1;
	_ =	shalt  }
.Lfunc_end2:
_tile_overlayer_lowered:
.L_overlay_start_2:
0x9a: {  	(tag) =	ssettag $0x2  }
0x9b: {  	s0 =	rddreg [dreg:$0x0];
	s2 =	stileid.u32  }
0x9c: {  	s1 =	rddreg [dreg:$0x1];
	p0 =	sne.s32 s2, $0x0  }
0x9d: {  	s3 =	rddreg [dreg:$0x2];
	[bflag:$0x3] =	sbarrier.arrive $0xFFFF;
	s2 =	simm.s32 @!p0 $0x1C03  }
0x9e: {  	[timem:s3], [sflag:s2] =	dma.local @!p0 [hbm:s0], s1  }
0x9f: {  	s0 =	simm.s32 @!p0 $0x3  }
0xa0: {  	_ =	swait.ge @!p0 [sflag:s0], s1  }
0xa1: {  	s1 =	ssub.s32 @!p0 $0x0, s1;
	[sflag:s0] =	ssyncset.done @!p0 $0x0  }
0xa2: {  	[sflag:s0] =	ssyncadd.s32 @!p0 s1  }
0xa3: {  	[bflag:$0x3] =	sbarrier.arrive $0xFFFF  }
0xa4: {  	_ =	shalt  }

// kernel: kernel.28.cloned.1.call-start
scs
__scs_entry_jumppad:
0x0: {  	(pc) =	sbr.rel $0x88, $3  }
0x1: {  	(tag) =	ssettag $0x0;
	lr =	simm.s32 $0x1  }
0x2: {  	[smem:$0x3F92] =	sst lr;
	_ =	strace $0xD0000000  }
0x3: {  	_ = 	snop  }
0x4: {  	_ = 	snop  }
0x5: {  	_ = 	snop  }
0x6: {  	_ = 	snop  }
0x7: {  	_ = 	snop  }
__scs_overlays_trampoline_lowered:
0x8: {  	[smem:$0x3FA1] =	sst s0  }
0x9: {  	[smem:$0x3FA2] =	sst s1  }
0xa: {  	[smem:$0x3FA3] =	sst s2  }
0xb: {  	[smem:$0x3FA4] =	sst s3  }
0xc: {  	[smem:$0x3FA5] =	sst s4  }
0xd: {  	[smem:$0x3FA6] =	sst s5  }
0xe: {  	[smem:$0x3FA7] =	sst s6  }
0xf: {  	[smem:$0x3FA8] =	sst s7  }
0x10: {  	[smem:$0x3FA9] =	sst s8  }
0x11: {  	[smem:$0x3FAA] =	sst s9;
	s0 =	simm.s32 @!p0 $0x0  }
0x12: {  	s1 =	sld [smem:$0x3F90];
	s0 =	simm.s32 @p0 $0x1  }
0x13: {  	[smem:$0x3FAB] =	sst s0;
	s0 =	simm.s32 @!p1 $0x0  }
0x14: {  	s2 =	sld [smem:$0x3F8F];
	s0 =	simm.s32 @p1 $0x1  }
0x15: {  	[smem:$0x3FAC] =	sst s0;
	s0 =	simm.s32 @!p2 $0x0  }
0x16: {  	s3 =	sld [smem:$0x3FDB];
	s0 =	simm.s32 @p2 $0x1  }
0x17: {  	s4 =	simm.s32 $0x1BF5;
	[smem:$0x3FAE] =	sst s0  }
0x18: {  	s0 =	sld [smem:$0x3F91];
	_ =	swait.ge [sflag:s4], $0x0  }
0x19: {  	s7 =	sld [smem:$0x3F92]  }
0x1a: {  	s8 =	sadd.s32 $0xFFFFE003, lr  }
0x1b: {  	s9 =	sadd.s32 $0xFFFFFEF7, lr;
	s5 =	simm.s32 $0xFFFFFFFF;
	p2 =	slt.u32 s8, $0xFFFFF086  }
0x1c: {  	p1 =	slt.u32 s9, $0xF7A;
	s5 =	simm.s32 @!p2 $0x0  }
0x1d: {  	s5 =	simm.s32 @p1 $0x1;
	p0 =	seq.s32 s7, s2  }
0x1e: {  	s7 =	smul.u32 @!p0 $0xF7A, s2;
	p2 =	seq.s32 @!p0 s5, $0x0  }
0x1f: {  	s9 =	smul.u32 $0xF7A, s1;
	s8 =	simm.s32 @!p0 $0x1BF5;
	p2 =	por !p2, p0  }
0x20: {  	[sflag:s8] =	ssyncset.s32 @!p0 $0xFFFFF086;
	s6 =	sadd.s32 @!p0 s3, s7;
	s7 =	simm.s32 @!p0 $0x108  }
0x21: {  	s3 =	sadd.s32 s3, s9;
	s6 =	sadd.s32 @!p0 $0x88, s6;
	s7 =	simm.s32 @p2 $0x1082  }
0x22: {  	[simem:s7], [sflag:s8] =	dma.local @!p0 [hbm:s6], $0xF7A  }
0x23: {  	s9 =	sor.u32 $0xD0000000, s2;
	s6 =	simm.s32 $0x108;
	_ =	swait.ge @!p0 [sflag:s8], $0x0  }
0x24: {  	s3 =	sadd.s32 $0x88, s3;
	s6 =	simm.s32 @!p1 $0x1082;
	[sflag:s4] =	ssyncset.s32 $0xFFFFF086  }
0x25: {  	[simem:s6], [sflag:s4] =	dma.local [hbm:s3], $0xF7A  }
0x26: {  	[smem:$0x3F92] =	sst s1;
	(tag) =	ssettag s2;
	_ =	strace s9  }
0x27: {  	s1 =	sld [smem:$0x3FA2]  }
0x28: {  	s2 =	sld [smem:$0x3FA3]  }
0x29: {  	s4 =	sld [smem:$0x3FA5]  }
0x2a: {  	p0 =	seq.s32 s5, $0x0;
	s5 =	sld [smem:$0x3FA6]  }
0x2b: {  	s6 =	sld [smem:$0x3FA7]  }
0x2c: {  	s7 =	sld [smem:$0x3FA8]  }
0x2d: {  	s3 =	simm.s32 $0x108;
	s8 =	sld [smem:$0x3FA9]  }
0x2e: {  	s3 =	simm.s32 @!p0 $0x1082;
	s9 =	sld [smem:$0x3FAA]  }
0x2f: {  	lr =	sadd.s32 s0, s3;
	s0 =	sld [smem:$0x3FA1]  }
0x30: {  	s3 =	sld [smem:$0x3FA4]  }
0x31: {  	[smem:$0x3FAD] =	sst s10  }
0x32: {  	s10 =	sld [smem:$0x3FAB];
	_ =	sdelay $0x3  }
0x33: {  	p0 =	seq.s32 s10, $0x1;
	s10 =	sld [smem:$0x3FAD];
	_ =	sdelay $0x3  }
0x34: {  	[smem:$0x3FAD] =	sst s10  }
0x35: {  	s10 =	sld [smem:$0x3FAC];
	_ =	sdelay $0x3  }
0x36: {  	p1 =	seq.s32 s10, $0x1;
	s10 =	sld [smem:$0x3FAD];
	_ =	sdelay $0x3  }
0x37: {  	[smem:$0x3FAD] =	sst s10  }
0x38: {  	s10 =	sld [smem:$0x3FAE]  }
0x39: {  	_ = 	snop;
	(pc) =	sbr.ind lr, $3  }
0x3a: {  	_ = 	snop  }
0x3b: {  	_ = 	snop  }
0x3c: {  	p2 =	seq.s32 s10, $0x1;
	s10 =	sld [smem:$0x3FAD]  }
0x3d: {  	_ =	shalt  }
0x3e: {  	_ =	shalt  }
0x3f: {  	_ =	shalt  }
0x40: {  	_ =	shalt  }
0x41: {  	_ =	shalt  }
0x42: {  	_ =	shalt  }
0x43: {  	_ =	shalt  }
0x44: {  	_ =	shalt  }
0x45: {  	_ =	shalt  }
0x46: {  	_ =	shalt  }
0x47: {  	_ =	shalt  }
0x48: {  	_ =	shalt  }
0x49: {  	_ =	shalt  }
0x4a: {  	_ =	shalt  }
0x4b: {  	_ =	shalt  }
0x4c: {  	_ =	shalt  }
0x4d: {  	_ =	shalt  }
0x4e: {  	_ =	shalt  }
0x4f: {  	_ =	shalt  }
0x50: {  	_ =	shalt  }
0x51: {  	_ =	shalt  }
0x52: {  	_ =	shalt  }
0x53: {  	_ =	shalt  }
0x54: {  	_ =	shalt  }
0x55: {  	_ =	shalt  }
0x56: {  	_ =	shalt  }
0x57: {  	_ =	shalt  }
0x58: {  	_ =	shalt  }
0x59: {  	_ =	shalt  }
0x5a: {  	_ =	shalt  }
0x5b: {  	_ =	shalt  }
0x5c: {  	_ =	shalt  }
0x5d: {  	_ =	shalt  }
0x5e: {  	_ =	shalt  }
0x5f: {  	_ =	shalt  }
0x60: {  	_ =	shalt  }
0x61: {  	_ =	shalt  }
0x62: {  	_ =	shalt  }
0x63: {  	_ =	shalt  }
0x64: {  	_ =	shalt  }
0x65: {  	_ =	shalt  }
0x66: {  	_ =	shalt  }
0x67: {  	_ =	shalt  }
0x68: {  	_ =	shalt  }
0x69: {  	_ =	shalt  }
0x6a: {  	_ =	shalt  }
0x6b: {  	_ =	shalt  }
0x6c: {  	_ =	shalt  }
0x6d: {  	_ =	shalt  }
0x6e: {  	_ =	shalt  }
0x6f: {  	_ =	shalt  }
0x70: {  	_ =	shalt  }
0x71: {  	_ =	shalt  }
0x72: {  	_ =	shalt  }
0x73: {  	_ =	shalt  }
0x74: {  	_ =	shalt  }
0x75: {  	_ =	shalt  }
0x76: {  	_ =	shalt  }
0x77: {  	_ =	shalt  }
0x78: {  	_ =	shalt  }
0x79: {  	_ =	shalt  }
0x7a: {  	_ =	shalt  }
0x7b: {  	_ =	shalt  }
0x7c: {  	_ =	shalt  }
0x7d: {  	_ =	shalt  }
0x7e: {  	_ =	shalt  }
0x7f: {  	_ =	shalt  }
0x80: {  	_ =	shalt  }
0x81: {  	_ =	shalt  }
0x82: {  	_ =	shalt  }
0x83: {  	_ =	shalt  }
0x84: {  	_ =	shalt  }
0x85: {  	_ =	shalt  }
0x86: {  	_ =	shalt  }
0x87: {  	_ =	shalt  }
.Lfunc_end0:
.L_simem_size_0:
called_computation.4_lowered:
.L_overlay_start_0:
0x88: {  	s2 =	sld [smem:$0x3FD9]  }
0x89: {  	s3 =	sld [smem:$0x3FFE];
	_ =	sdelay $0x1  }
0x8a: {  	s1 =	srdreg.scid  }
0x8b: {  	s0 =	sand.u32 $0x1, s1  }
0x8c: {  	s16 =	sshll.u32 s0, $0xA;
	s2 =	sadd.s32 s3, s2  }
0x8d: {  	s2 =	sadd.s32 s2, s16  }
0x8e: {  	[smem:$0x3FB9] =	sst s2  }
0x8f: {  	_ = 	snop  }
0x90: {  	(tm) =	ssettm $0x1  }
0x91: {  	s17 =	sld [smem:$0x3FFB];
	_ =	sdelay $0x3  }
0x92: {  	_ =	strace s17  }
0x93: {  	s2 =	sld [smem:$0x3FFC];
	_ =	sdelay $0x3  }
0x94: {  	_ =	strace s2  }
0x95: {  	s2 =	sld [smem:$0x3FFD];
	_ =	sdelay $0x3  }
0x96: {  	_ =	strace s2  }
0x97: {  	_ =	strace $0x8FFFFFFF  }
0x98: {  	s18 =	sld [smem:$0x3FDB];
	_ =	sdelay $0x1  }
0x99: {  	s19 =	simm.s32 $_scs_section_size  }
0x9a: {  	s4 =	simm.s32 $_size__tile_overlayer_lowered;
	s5 =	simm.s32 $_tile_overlayer_lowered  }
0x9b: {  	s22 =	simm.s32 $0x1BFF;
	s21 =	sshll.u32 s5, $0x1;
	s2 =	sadd.s32 s19, s18  }
0x9c: {  	s6 =	simm.s32 $0x0;
	s20 =	sshll.u32 s4, $0x1;
	s4 =	sadd.s32 s21, s2  }
0x9d: {  	[timem:s6], [sflag:s22] =	dma.local [hbm:s4], s20  }
0x9e: {  	_ =	swait.ge [sflag:s22], s20  }
0x9f: {  	s3 =	ssub.s32 $0x0, s20;
	[sflag:s22] =	ssyncset.done $0x0  }
0xa0: {  	[sflag:s22] =	ssyncadd.s32 s3;
	_ =	sdelay $0x1  }
0xa1: {  	s23 =	simm.s32 $0x1B8B  }
0xa2: {  	_ =	swait.ge [sflag:s23], $0x1  }
0xa3: {  	[sflag:s23] =	ssyncset.done $0x0  }
0xa4: {  	s25 =	simm.s32 $0x1B8E;
	s24 =	sld [smem:$0x3FFE];
	[sflag:s23] =	ssyncadd.s32 $0xFFFFFFFF  }
0xa5: {  	s26 =	simm.s32 $execute0_lowered;
	[smem:$0x3FD2] =	sst s25  }
0xa6: {  	s4 =	sshll.u32 s26, $0x1;
	_ =	strace $0x80000052;
	[dreg:$0x1] =	wrdreg $0xFFFFFFFF  }
0xa7: {  	s28 =	simm.s32 $_size_execute0_lowered;
	s2 =	sadd.s32 s2, s4;
	[dreg:$0x0] =	wrdreg $0x0  }
0xa8: {  	s4 =	sshll.u32 s28, $0x1;
	[dreg:$0x2] =	wrdreg s2  }
0xa9: {  	[dreg:$0x3] =	wrdreg s4  }
0xaa: {  	[dreg:$0x4] =	wrdreg $0xC0  }
0xab: {  	_ =	task [dreg:s6], $0x5FFFF  }
0xac: {  	[dreg:$0x1] =	wrdreg $0xFFFFFFFF  }
0xad: {  	[dreg:$0x0] =	wrdreg $0x60  }
0xae: {  	[dreg:$0x2] =	wrdreg s24  }
0xaf: {  	[dreg:$0x3] =	wrdreg $0x0  }
0xb0: {  	[dreg:$0x4] =	wrdreg $0x9  }
0xb1: {  	_ =	task.clear_ibuf [dreg:s6], $0x5FFFF;
	_ =	strace $0x90000052  }
0xb2: {  	s29 =	simm.s32 $0x9;
	_ =	strace $0x80000054  }
0xb3: {  	_ =	swait.ge [sflag:s29], $0x1  }
0xb4: {  	[sflag:s29] =	ssyncadd.s32 $0xFFFFFFFF  }
0xb5: {  	_ =	strace $0x90000054  }
0xb6: {  	_ =	sfence  }
0xb7: {  	s30 =	sld [smem:$0x0];
	_ =	sdelay $0x2  }
0xb8: {  	s31 =	sshll.u32 s1, $0xD;
	s1 =	sshrl.u32 s1, $0x2  }
0xb9: {  	s3 =	sand.u32 $0x4000, s31;
	s1 =	sadd.s32 s1, s30  }
0xba: {  	s0 =	sor.u32 s3, s0;
	s1 =	sshll.u32 s1, $0x11  }
0xbb: {  	s0 =	sor.u32 s1, s0  }
0xbc: {  	s0 =	sadd.s32 $0x8F2B, s0  }
0xbd: {  	[sflag:s0] =	ssyncadd.remote.s32 $0x1  }
0xbe: {  	_ =	sfence.sel $0xFFFF  }
0xbf: {  	[dreg:$0x0] =	wrdreg $0xFFFFFFFF;
	(pc) =	sbr.abs _section_cstart, $3  }
0xc0: {  	[dreg:$0x1] =	wrdreg $0xFFFFFFFF  }
0xc1: {  	_ =	task.clear_ibuf [dreg:s6], $0x2FFFF;
	_ =	strace $0x9FFFFFFF  }
0xc2: {  	(tm) =	ssettm $0x7FFFFFFF  }
0xc3: {  	_ =	shalt  }
tec
execute0_lowered:
.L_overlay_start_1:
0x0: {  	(tag) =	ssettag $0x1  }
0x1: {  	s0 =	rddreg [dreg:$0x0]  }
0x2: {  	s2 =	rddreg [dreg:$0x1]  }
0x3: {  	s3 =	simm.s32 $0x0;
	s15 =	stileid.u32;
	s1 =	srdreg.scid  }
0x4: {  	s16 =	simm.s32 $0x3;
	s17 =	simm.s32 $0x2800;
	s18 =	simm.s32 $0x2850  }
0x5: {  	s19 =	simm.s32 $0x32A0;
	s20 =	simm.s32 $0x1;
	s21 =	simm.s32 $0x50  }
0x6: {  	s22 =	simm.s32 $0x28A0;
	s23 =	simm.s32 $0x2DA0;
	s24 =	simm.s32 $0x2  }
0x7: {  	s25 =	simm.s32 $0x37A0;
	s26 =	simm.s32 $0x0;
	[smem:$0x7FF] =	sst s3  }
0x8: {  	s10 =	smul.u32 $0x2800, s15;
	s1 =	sand.u32 $0x1, s1;
	s4 =	sadd.s32 $0x11800, s0  }
0x9: {  	s5 =	sadd.s32 $0x172C00, s0;
	s6 =	sadd.s32 $0x7A00, s0;
	s7 =	sadd.s32 $0x45800, s0  }
0xa: {  	s8 =	sadd.s32 $0x122C00, s0;
	s30 =	sshll.u32 s15, $0x1;
	s31 =	sshll.u32 s15, $0x6  }
0xb: {  	_ =	strace $0x80000053;
	s9 =	smul.u32 $0x28000, s1;
	s12 =	ssub.s32 $0x2, s1  }
0xc: {  	s1 =	sor.u32 s1, s30;
	s11 =	sshrl.u32 s10, $0x3;
	s14 =	sshrl.u32 s12, $0x1  }
0xd: {  	s9 =	sadd.s32 s10, s9;
	s11 =	sadd.s32 s11, s0;
	s14 =	ssub.s32 s12, s14  }
0xe: {  	s10 =	sadd.s32 s10, s2;
	s12 =	smul.u32 $0x2710, s1;
	s13 =	sshrl.u32 s9, $0x3  }
0xf: {  	s9 =	sadd.s32 $0x54800, s0;
	s11 =	sadd.s32 $0x4F800, s11;
	s0 =	sadd.s32 s13, s0  }
0x10: {  	s14 =	smax.u32 s14, $0x1;
	[dreg:$0x3] =	wrdreg s11;
	s0 =	sadd.s32 $0x127C00, s0  }
0x11: {  	s15 =	sshrl.u32 s10, $0x3;
	s11 =	sor.u32 $0x1C03, s31;
	[dreg:$0x4] =	wrdreg s0  }
.LBB2_1:
0x12: {  	s0 =	rddreg [dreg:$0x3]  }
0x13: {  	[spmem:s15], [sflag:s11] =	dma.local [hbm:s0], $0x500  }
0x14: {  	_ =	swait.ge [sflag:s16], $0x500  }
0x15: {  	[sflag:s16] =	ssyncset.done $0x0  }
0x16: {  	[sflag:s16] =	ssyncadd.s32 $0xFFFFFB00  }
0x17: {  	s28 =	simm.s32 $0x0;
	[bflag:$0x0] =	sbarrier.arrive $0xFFFF  }
.LBB2_2:
0x18: {  	s0 =	smul.u32 $0x50, s28;
	_ =	sdelay $0x1  }
0x19: {  	s0 =	sadd.s32 s12, s0  }
0x1a: {  	s1 =	sshrl.u32 s0, $0x3  }
0x1b: {  	s30 =	simm.s32 $0x0;
	s10 =	sadd.s32 s4, s1  }
0x1c: {  	[tilespmem:s17], [sflag:$0x1] =	stream.linear.gather [hbm4b:s10+s30], $0x50, $0x38;
	[tilespmem:$0x3CA0] =	vst v63  }
0x1d: {  	s29 =	sshll.u32 s0, $0x1;
	s1 =	sadd.s32 s6, s1  }
0x1e: {  	[tilespmem:s18], [sflag:$0x1] =	stream.linear.gather [hbm4b:s1+s30], $0x50, $0x38;
	[tilespmem:$0x3CA0] =	vst v63  }
0x1f: {  	s0 =	sadd.s32 s5, s29  }
0x20: {  	[tilespmem:s19], [sflag:$0x2] =	stream.linear.gather [hbm4b:s0+s30], $0x500, $0x38;
	[tilespmem:$0x3CA0] =	vst v63  }
0x21: {  	_ =	swait.ge [sflag:s20], $0x50  }
0x22: {  	[sflag:s20] =	ssyncset.done $0x0  }
0x23: {  	[sflag:s20] =	ssyncadd.s32 $0xFFFFFFB0  }
0x24: {  	_ =	swait.ge [sflag:s20], $0x50  }
0x25: {  	[sflag:s20] =	ssyncset.done $0x0  }
0x26: {  	[sflag:s20] =	ssyncadd.s32 $0xFFFFFFB0  }
0x27: {  	[tilespmem:s22], [sflag:$0x1] =	stream.indirect.gather [hbm4b:s7+s21], $0x10, s17, s21, $0xb8;
	[tilespmem:$0x3CA0] =	vst v63  }
0x28: {  	_ = 	snop  }
0x29: {  	[tilespmem:s23], [sflag:$0x1] =	stream.indirect.gather [hbm4b:s8+s21], $0x10, s18, s21, $0xb8;
	[tilespmem:$0x3CA0] =	vst v63  }
0x2a: {  	_ =	swait.ge [sflag:s20], $0x500  }
0x2b: {  	[sflag:s20] =	ssyncset.done $0x0  }
0x2c: {  	[sflag:s20] =	ssyncadd.s32 $0xFFFFFB00  }
0x2d: {  	_ =	swait.ge [sflag:s20], $0x500  }
0x2e: {  	[sflag:s20] =	ssyncset.done $0x0  }
0x2f: {  	[sflag:s20] =	ssyncadd.s32 $0xFFFFFB00  }
0x30: {  	_ =	swait.ge [sflag:s24], $0x500  }
0x31: {  	[sflag:s24] =	ssyncset.done $0x0  }
0x32: {  	s30 =	simm.s32 $0x0;
	[sflag:s24] =	ssyncadd.s32 $0xFFFFFB00  }
0x33: {  	v0 =	vld [tilespmem:s30+$0x28A0]  }
0x34: {  	s31 =	simm.s32 $0x10;
	v1 =	vld [tilespmem:s30+$0x2DA0]  }
0x35: {  	v2 =	vld [tilespmem:s31+$0x28A0]  }
0x36: {  	v3 =	vld [tilespmem:s31+$0x2DA0]  }
0x37: {  	v4 =	vld [tilespmem:s30+$0x32A0];
	_ =	sdelay $0x1  }
0x38: {  	v5 =	vld [tilespmem:s31+$0x32A0]  }
0x39: {  	s0 =	simm.s32 $0x20;
	v0 =	vadd.f32 v1, v0  }
0x3a: {  	v1 =	vld [tilespmem:s0+$0x28A0]  }
0x3b: {  	v2 =	vadd.f32 v3, v2;
	v3 =	vld [tilespmem:s0+$0x2DA0];
	v0 =	vadd.f32 v4, v0;
	_ =	sdelay $0x1  }
0x3c: {  	v2 =	vadd.f32 v5, v2;
	v5 =	vmul.f32 $2.000000030e-01, v0  }
0x3d: {  	vm0 =	vge.f32 v0, $0.0e+00  }
0x3e: {  	v0 =	vsel vm0, v0, v5  }
0x3f: {  	v1 =	vadd.f32 v3, v1;
	v3 =	vmul.f32 $1.442695020e+00, v0  }
0x40: {  	v6 =	vmul.f32 $2.000000030e-01, v2  }
0x41: {  	v4 =	vld [tilespmem:s0+$0x32A0];
	vm15 =	vge.f32 v2, $0.0e+00;
	(erf) = vpow2.f32 v3  }
0x42: {  	v2 =	vsel vm15, v2, v6  }
0x43: {  	s1 =	simm.s32 $0x30;
	v5 =	vmul.f32 $1.442695020e+00, v2  }
0x44: {  	v0 =	vld [tilespmem:s1+$0x28A0]  }
0x45: {  	v3 =	vld [tilespmem:s1+$0x2DA0];
	(erf) = vpow2.f32 v5  }
0x46: {  	v1 =	vadd.f32 v4, v1  }
0x47: {  	v2 =	vld [tilespmem:s1+$0x32A0]  }
0x48: {  	s10 =	simm.s32 $0x100;
	v4 =	vmul.f32 $2.000000030e-01, v1  }
.LBB2_3:
0x49: {  	s13 =	sshra.s32 s10, $0x2;
	vm0 =	vge.f32 v1, $0.0e+00;
	p0 =	sne.s32 s10, $0x13C0  }
.Ltmp0:
0x4a: {  	s10 =	sadd.s32 $0x40, s10;
	v5 =	vadd.f32 v3, v0;
	v0 =	vld [tilespmem:s13+$0x28A0];
	v1 =	vsel vm0, v1, v4;
	v4 =	vpop (erf);
	(pc) =	sbr.rel @p0 .LBB2_3-.Ltmp0, $4  }
0x4b: {  	v3 =	vld [tilespmem:s13+$0x2DA0];
	v6 =	vmul.f32 $1.442695020e+00, v1;
	[tilespmem:s30+$0x37A0] =	vst v4;
	s30 =	smov.u32 s31;
	s31 =	smov.u32 s0;
	s0 =	smov.u32 s1  }
0x4c: {  	s1 =	smov.u32 s13;
	v1 =	vadd.f32 v2, v5  }
0x4d: {  	v2 =	vld [tilespmem:s1+$0x32A0];
	(erf) = vpow2.f32 v6  }
0x4e: {  	v4 =	vmul.f32 $2.000000030e-01, v1  }
0x4f: {  	_ = 	snop  }
0x50: {  	v0 =	vadd.f32 v3, v0;
	_ =	sdelay $0x1  }
0x51: {  	v0 =	vadd.f32 v2, v0;
	_ =	sdelay $0x1  }
0x52: {  	vm0 =	vge.f32 v1, $0.0e+00;
	v2 =	vmul.f32 $2.000000030e-01, v0  }
0x53: {  	v1 =	vsel vm0, v1, v4;
	vm15 =	vge.f32 v0, $0.0e+00  }
0x54: {  	v1 =	vmul.f32 $1.442695020e+00, v1;
	v0 =	vsel vm15, v0, v2  }
0x55: {  	v0 =	vmul.f32 $1.442695020e+00, v0  }
0x56: {  	(erf) = vpow2.f32 v1  }
0x57: {  	(erf) = vpow2.f32 v0;
	_ =	sdelay $0x5  }
0x58: {  	v60 =	vpop (erf)  }
0x59: {  	[tilespmem:s30+$0x37A0] =	vst v60;
	v61 =	vpop (erf)  }
0x5a: {  	[tilespmem:s31+$0x37A0] =	vst v61;
	v62 =	vpop (erf)  }
0x5b: {  	[tilespmem:s0+$0x37A0] =	vst v62;
	v63 =	vpop (erf)  }
0x5c: {  	s31 =	sadd.s32 s9, s29;
	[tilespmem:s1+$0x37A0] =	vst v63  }
0x5d: {  	[hbm4b:s31+s3] =	stream.linear.scatter [tilespmem:s25], [sflag:$0x3], $0x500, $0x38;
	[tilespmem:$0x3CA0] =	vst v63  }
0x5e: {  	s28 =	sadd.s32 $0x1, s28;
	_ =	swait.ge [sflag:s16], $0x500  }
0x5f: {  	p0 =	sne.s32 s28, $0x7D;
	[sflag:s16] =	ssyncset.done $0x0  }
.Ltmp1:
0x60: {  	[sflag:s16] =	ssyncadd.s32 $0xFFFFFB00;
	(pc) =	sbr.rel @p0 .LBB2_2-.Ltmp1, $4  }
0x61: {  	[spmem:s2] =	stream.indirect.scatter.add.f32 [tilespmem:s25], [sflag:$0x3], $0x10, s18, s21, $0xb8;
	[tilespmem:$0x3CA0] =	vst v63  }
0x62: {  	_ =	swait.ge [sflag:s16], $0x500  }
0x63: {  	[sflag:s16] =	ssyncset.done $0x0  }
0x64: {  	[sflag:s16] =	ssyncadd.s32 $0xFFFFFB00  }
0x65: {  	s26 =	sadd.s32 $0x1, s26  }
0x66: {  	[bflag:$0x0] =	sbarrier.arrive $0xFFFF;
	p0 =	sne.s32 s26, s14  }
.Ltmp2:
0x67: {  	s0 =	rddreg [dreg:$0x4];
	(pc) =	sbr.rel @p0 .LBB2_1-.Ltmp2, $4  }
0x68: {  	[hbm:s0], [sflag:s11] =	dma.local [spmem:s15], $0x500  }
0x69: {  	_ =	swait.ge [sflag:s16], $0x500  }
0x6a: {  	[sflag:s16] =	ssyncset.done $0x0  }
0x6b: {  	[sflag:s16] =	ssyncadd.s32 $0xFFFFFB00  }
0x6c: {  	_ =	sfence.sel $0x180000  }
0x6d: {  	[bflag:$0x0] =	sbarrier.arrive $0xFFFF  }
0x6e: {  	_ =	strace $0x90000053  }
0x6f: {  	s0 =	stileid.u32;
	[bflag:$0x2] =	sbarrier.arrive $0xFFFF  }
0x70: {  	p0 =	sne.s32 s0, $0x0;
	s0 =	rddreg [dreg:$0x2]  }
0x71: {  	s0 =	sadd.s32 @!p0 $0x100000, s0  }
0x72: {  	[sflag:s0] =	ssyncadd.tile.s32 @!p0 $0x1;
	_ =	shalt  }
.Lfunc_end2:
_tile_overlayer_lowered:
.L_overlay_start_2:
0x73: {  	(tag) =	ssettag $0x2  }
0x74: {  	s0 =	rddreg [dreg:$0x0];
	s2 =	stileid.u32  }
0x75: {  	s1 =	rddreg [dreg:$0x1];
	p0 =	sne.s32 s2, $0x0  }
0x76: {  	s3 =	rddreg [dreg:$0x2];
	[bflag:$0x3] =	sbarrier.arrive $0xFFFF;
	s2 =	simm.s32 @!p0 $0x1C03  }
0x77: {  	[timem:s3], [sflag:s2] =	dma.local @!p0 [hbm:s0], s1  }
0x78: {  	s0 =	simm.s32 @!p0 $0x3  }
0x79: {  	_ =	swait.ge @!p0 [sflag:s0], s1  }
0x7a: {  	s1 =	ssub.s32 @!p0 $0x0, s1;
	[sflag:s0] =	ssyncset.done @!p0 $0x0  }
0x7b: {  	[sflag:s0] =	ssyncadd.s32 @!p0 s1  }
0x7c: {  	[bflag:$0x3] =	sbarrier.arrive $0xFFFF  }
0x7d: {  	_ =	shalt  }

// kernel: kernel.31.cloned.1.call-start
scs
__scs_entry_jumppad:
0x0: {  	(pc) =	sbr.rel $0x88, $3  }
0x1: {  	(tag) =	ssettag $0x0;
	lr =	simm.s32 $0x1  }
0x2: {  	[smem:$0x3F92] =	sst lr;
	_ =	strace $0xD0000000  }
0x3: {  	_ = 	snop  }
0x4: {  	_ = 	snop  }
0x5: {  	_ = 	snop  }
0x6: {  	_ = 	snop  }
0x7: {  	_ = 	snop  }
__scs_overlays_trampoline_lowered:
0x8: {  	[smem:$0x3FA1] =	sst s0  }
0x9: {  	[smem:$0x3FA2] =	sst s1  }
0xa: {  	[smem:$0x3FA3] =	sst s2  }
0xb: {  	[smem:$0x3FA4] =	sst s3  }
0xc: {  	[smem:$0x3FA5] =	sst s4  }
0xd: {  	[smem:$0x3FA6] =	sst s5  }
0xe: {  	[smem:$0x3FA7] =	sst s6  }
0xf: {  	[smem:$0x3FA8] =	sst s7  }
0x10: {  	[smem:$0x3FA9] =	sst s8  }
0x11: {  	[smem:$0x3FAA] =	sst s9;
	s0 =	simm.s32 @!p0 $0x0  }
0x12: {  	s1 =	sld [smem:$0x3F90];
	s0 =	simm.s32 @p0 $0x1  }
0x13: {  	[smem:$0x3FAB] =	sst s0;
	s0 =	simm.s32 @!p1 $0x0  }
0x14: {  	s2 =	sld [smem:$0x3F8F];
	s0 =	simm.s32 @p1 $0x1  }
0x15: {  	[smem:$0x3FAC] =	sst s0;
	s0 =	simm.s32 @!p2 $0x0  }
0x16: {  	s3 =	sld [smem:$0x3FDB];
	s0 =	simm.s32 @p2 $0x1  }
0x17: {  	s4 =	simm.s32 $0x1BF5;
	[smem:$0x3FAE] =	sst s0  }
0x18: {  	s0 =	sld [smem:$0x3F91];
	_ =	swait.ge [sflag:s4], $0x0  }
0x19: {  	s7 =	sld [smem:$0x3F92]  }
0x1a: {  	s8 =	sadd.s32 $0xFFFFE003, lr  }
0x1b: {  	s9 =	sadd.s32 $0xFFFFFEF7, lr;
	s5 =	simm.s32 $0xFFFFFFFF;
	p2 =	slt.u32 s8, $0xFFFFF086  }
0x1c: {  	p1 =	slt.u32 s9, $0xF7A;
	s5 =	simm.s32 @!p2 $0x0  }
0x1d: {  	s5 =	simm.s32 @p1 $0x1;
	p0 =	seq.s32 s7, s2  }
0x1e: {  	s7 =	smul.u32 @!p0 $0xF7A, s2;
	p2 =	seq.s32 @!p0 s5, $0x0  }
0x1f: {  	s9 =	smul.u32 $0xF7A, s1;
	s8 =	simm.s32 @!p0 $0x1BF5;
	p2 =	por !p2, p0  }
0x20: {  	[sflag:s8] =	ssyncset.s32 @!p0 $0xFFFFF086;
	s6 =	sadd.s32 @!p0 s3, s7;
	s7 =	simm.s32 @!p0 $0x108  }
0x21: {  	s3 =	sadd.s32 s3, s9;
	s6 =	sadd.s32 @!p0 $0x88, s6;
	s7 =	simm.s32 @p2 $0x1082  }
0x22: {  	[simem:s7], [sflag:s8] =	dma.local @!p0 [hbm:s6], $0xF7A  }
0x23: {  	s9 =	sor.u32 $0xD0000000, s2;
	s6 =	simm.s32 $0x108;
	_ =	swait.ge @!p0 [sflag:s8], $0x0  }
0x24: {  	s3 =	sadd.s32 $0x88, s3;
	s6 =	simm.s32 @!p1 $0x1082;
	[sflag:s4] =	ssyncset.s32 $0xFFFFF086  }
0x25: {  	[simem:s6], [sflag:s4] =	dma.local [hbm:s3], $0xF7A  }
0x26: {  	[smem:$0x3F92] =	sst s1;
	(tag) =	ssettag s2;
	_ =	strace s9  }
0x27: {  	s1 =	sld [smem:$0x3FA2]  }
0x28: {  	s2 =	sld [smem:$0x3FA3]  }
0x29: {  	s4 =	sld [smem:$0x3FA5]  }
0x2a: {  	p0 =	seq.s32 s5, $0x0;
	s5 =	sld [smem:$0x3FA6]  }
0x2b: {  	s6 =	sld [smem:$0x3FA7]  }
0x2c: {  	s7 =	sld [smem:$0x3FA8]  }
0x2d: {  	s3 =	simm.s32 $0x108;
	s8 =	sld [smem:$0x3FA9]  }
0x2e: {  	s3 =	simm.s32 @!p0 $0x1082;
	s9 =	sld [smem:$0x3FAA]  }
0x2f: {  	lr =	sadd.s32 s0, s3;
	s0 =	sld [smem:$0x3FA1]  }
0x30: {  	s3 =	sld [smem:$0x3FA4]  }
0x31: {  	[smem:$0x3FAD] =	sst s10  }
0x32: {  	s10 =	sld [smem:$0x3FAB];
	_ =	sdelay $0x3  }
0x33: {  	p0 =	seq.s32 s10, $0x1;
	s10 =	sld [smem:$0x3FAD];
	_ =	sdelay $0x3  }
0x34: {  	[smem:$0x3FAD] =	sst s10  }
0x35: {  	s10 =	sld [smem:$0x3FAC];
	_ =	sdelay $0x3  }
0x36: {  	p1 =	seq.s32 s10, $0x1;
	s10 =	sld [smem:$0x3FAD];
	_ =	sdelay $0x3  }
0x37: {  	[smem:$0x3FAD] =	sst s10  }
0x38: {  	s10 =	sld [smem:$0x3FAE]  }
0x39: {  	_ = 	snop;
	(pc) =	sbr.ind lr, $3  }
0x3a: {  	_ = 	snop  }
0x3b: {  	_ = 	snop  }
0x3c: {  	p2 =	seq.s32 s10, $0x1;
	s10 =	sld [smem:$0x3FAD]  }
0x3d: {  	_ =	shalt  }
0x3e: {  	_ =	shalt  }
0x3f: {  	_ =	shalt  }
0x40: {  	_ =	shalt  }
0x41: {  	_ =	shalt  }
0x42: {  	_ =	shalt  }
0x43: {  	_ =	shalt  }
0x44: {  	_ =	shalt  }
0x45: {  	_ =	shalt  }
0x46: {  	_ =	shalt  }
0x47: {  	_ =	shalt  }
0x48: {  	_ =	shalt  }
0x49: {  	_ =	shalt  }
0x4a: {  	_ =	shalt  }
0x4b: {  	_ =	shalt  }
0x4c: {  	_ =	shalt  }
0x4d: {  	_ =	shalt  }
0x4e: {  	_ =	shalt  }
0x4f: {  	_ =	shalt  }
0x50: {  	_ =	shalt  }
0x51: {  	_ =	shalt  }
0x52: {  	_ =	shalt  }
0x53: {  	_ =	shalt  }
0x54: {  	_ =	shalt  }
0x55: {  	_ =	shalt  }
0x56: {  	_ =	shalt  }
0x57: {  	_ =	shalt  }
0x58: {  	_ =	shalt  }
0x59: {  	_ =	shalt  }
0x5a: {  	_ =	shalt  }
0x5b: {  	_ =	shalt  }
0x5c: {  	_ =	shalt  }
0x5d: {  	_ =	shalt  }
0x5e: {  	_ =	shalt  }
0x5f: {  	_ =	shalt  }
0x60: {  	_ =	shalt  }
0x61: {  	_ =	shalt  }
0x62: {  	_ =	shalt  }
0x63: {  	_ =	shalt  }
0x64: {  	_ =	shalt  }
0x65: {  	_ =	shalt  }
0x66: {  	_ =	shalt  }
0x67: {  	_ =	shalt  }
0x68: {  	_ =	shalt  }
0x69: {  	_ =	shalt  }
0x6a: {  	_ =	shalt  }
0x6b: {  	_ =	shalt  }
0x6c: {  	_ =	shalt  }
0x6d: {  	_ =	shalt  }
0x6e: {  	_ =	shalt  }
0x6f: {  	_ =	shalt  }
0x70: {  	_ =	shalt  }
0x71: {  	_ =	shalt  }
0x72: {  	_ =	shalt  }
0x73: {  	_ =	shalt  }
0x74: {  	_ =	shalt  }
0x75: {  	_ =	shalt  }
0x76: {  	_ =	shalt  }
0x77: {  	_ =	shalt  }
0x78: {  	_ =	shalt  }
0x79: {  	_ =	shalt  }
0x7a: {  	_ =	shalt  }
0x7b: {  	_ =	shalt  }
0x7c: {  	_ =	shalt  }
0x7d: {  	_ =	shalt  }
0x7e: {  	_ =	shalt  }
0x7f: {  	_ =	shalt  }
0x80: {  	_ =	shalt  }
0x81: {  	_ =	shalt  }
0x82: {  	_ =	shalt  }
0x83: {  	_ =	shalt  }
0x84: {  	_ =	shalt  }
0x85: {  	_ =	shalt  }
0x86: {  	_ =	shalt  }
0x87: {  	_ =	shalt  }
.Lfunc_end0:
.L_simem_size_0:
called_computation.5_lowered:
.L_overlay_start_0:
0x88: {  	s2 =	sld [smem:$0x3FD9]  }
0x89: {  	s3 =	sld [smem:$0x3FFE];
	_ =	sdelay $0x1  }
0x8a: {  	s1 =	srdreg.scid  }
0x8b: {  	s0 =	sand.u32 $0x1, s1  }
0x8c: {  	s16 =	sshll.u32 s0, $0xA;
	s2 =	sadd.s32 s3, s2  }
0x8d: {  	s2 =	sadd.s32 s2, s16  }
0x8e: {  	[smem:$0x3FB9] =	sst s2  }
0x8f: {  	_ = 	snop  }
0x90: {  	(tm) =	ssettm $0x1  }
0x91: {  	s17 =	sld [smem:$0x3FFB];
	_ =	sdelay $0x3  }
0x92: {  	_ =	strace s17  }
0x93: {  	s2 =	sld [smem:$0x3FFC];
	_ =	sdelay $0x3  }
0x94: {  	_ =	strace s2  }
0x95: {  	s2 =	sld [smem:$0x3FFD];
	_ =	sdelay $0x3  }
0x96: {  	_ =	strace s2  }
0x97: {  	_ =	strace $0x8FFFFFFF  }
0x98: {  	s18 =	sld [smem:$0x3FDB];
	_ =	sdelay $0x1  }
0x99: {  	s19 =	simm.s32 $_scs_section_size  }
0x9a: {  	s4 =	simm.s32 $_size__tile_overlayer_lowered;
	s5 =	simm.s32 $_tile_overlayer_lowered  }
0x9b: {  	s22 =	simm.s32 $0x1BFF;
	s21 =	sshll.u32 s5, $0x1;
	s2 =	sadd.s32 s19, s18  }
0x9c: {  	s6 =	simm.s32 $0x0;
	s20 =	sshll.u32 s4, $0x1;
	s4 =	sadd.s32 s21, s2  }
0x9d: {  	[timem:s6], [sflag:s22] =	dma.local [hbm:s4], s20  }
0x9e: {  	_ =	swait.ge [sflag:s22], s20  }
0x9f: {  	s3 =	ssub.s32 $0x0, s20;
	[sflag:s22] =	ssyncset.done $0x0  }
0xa0: {  	[sflag:s22] =	ssyncadd.s32 s3;
	_ =	sdelay $0x1  }
0xa1: {  	s23 =	simm.s32 $0x1B8B  }
0xa2: {  	_ =	swait.ge [sflag:s23], $0x1  }
0xa3: {  	[sflag:s23] =	ssyncset.done $0x0  }
0xa4: {  	s25 =	simm.s32 $0x1B8E;
	s24 =	sld [smem:$0x3FFE];
	[sflag:s23] =	ssyncadd.s32 $0xFFFFFFFF  }
0xa5: {  	s26 =	simm.s32 $execute0_lowered;
	[smem:$0x3FD2] =	sst s25  }
0xa6: {  	s4 =	sshll.u32 s26, $0x1;
	_ =	strace $0x80000055;
	[dreg:$0x1] =	wrdreg $0xFFFFFFFF  }
0xa7: {  	s28 =	simm.s32 $_size_execute0_lowered;
	s2 =	sadd.s32 s2, s4;
	[dreg:$0x0] =	wrdreg $0x0  }
0xa8: {  	s4 =	sshll.u32 s28, $0x1;
	[dreg:$0x2] =	wrdreg s2  }
0xa9: {  	[dreg:$0x3] =	wrdreg s4  }
0xaa: {  	[dreg:$0x4] =	wrdreg $0xC0  }
0xab: {  	_ =	task [dreg:s6], $0x5FFFF  }
0xac: {  	[dreg:$0x1] =	wrdreg $0xFFFFFFFF  }
0xad: {  	[dreg:$0x0] =	wrdreg $0x60  }
0xae: {  	[dreg:$0x2] =	wrdreg s24  }
0xaf: {  	[dreg:$0x3] =	wrdreg $0x0  }
0xb0: {  	[dreg:$0x4] =	wrdreg $0x140000  }
0xb1: {  	[dreg:$0x5] =	wrdreg $0x9  }
0xb2: {  	_ =	task.clear_ibuf [dreg:s6], $0x6FFFF;
	_ =	strace $0x90000055  }
0xb3: {  	s29 =	simm.s32 $0x9;
	_ =	strace $0x80000057  }
0xb4: {  	_ =	swait.ge [sflag:s29], $0x1  }
0xb5: {  	[sflag:s29] =	ssyncadd.s32 $0xFFFFFFFF  }
0xb6: {  	_ =	strace $0x90000057  }
0xb7: {  	_ =	sfence  }
0xb8: {  	s30 =	sld [smem:$0x0];
	_ =	sdelay $0x2  }
0xb9: {  	s31 =	sshll.u32 s1, $0xD;
	s1 =	sshrl.u32 s1, $0x2  }
0xba: {  	s3 =	sand.u32 $0x4000, s31;
	s1 =	sadd.s32 s1, s30  }
0xbb: {  	s0 =	sor.u32 s3, s0;
	s1 =	sshll.u32 s1, $0x11  }
0xbc: {  	s0 =	sor.u32 s1, s0  }
0xbd: {  	s0 =	sadd.s32 $0x8F2B, s0  }
0xbe: {  	[sflag:s0] =	ssyncadd.remote.s32 $0x1  }
0xbf: {  	_ =	sfence.sel $0xFFFF  }
0xc0: {  	[dreg:$0x0] =	wrdreg $0xFFFFFFFF;
	(pc) =	sbr.abs _section_cstart, $3  }
0xc1: {  	[dreg:$0x1] =	wrdreg $0xFFFFFFFF  }
0xc2: {  	_ =	task.clear_ibuf [dreg:s6], $0x2FFFF;
	_ =	strace $0x9FFFFFFF  }
0xc3: {  	(tm) =	ssettm $0x7FFFFFFF  }
tec
execute0_lowered:
.L_overlay_start_1:
0x0: {  	(tag) =	ssettag $0x1  }
0x1: {  	s0 =	rddreg [dreg:$0x0]  }
0x2: {  	s1 =	rddreg [dreg:$0x1]  }
0x3: {  	s3 =	rddreg [dreg:$0x2]  }
0x4: {  	s2 =	simm.s32 $0x0;
	s15 =	stileid.u32;
	s4 =	srdreg.scid  }
0x5: {  	s18 =	simm.s32 $0x3;
	s19 =	simm.s32 $0x16DA0;
	s21 =	simm.s32 $0x16800  }
0x6: {  	s22 =	simm.s32 $0x16850;
	s23 =	simm.s32 $0x168A0;
	s28 =	simm.s32 $0x1BDA0  }
0x7: {  	s29 =	simm.s32 $0x2;
	s30 =	simm.s32 $0x0;
	s31 =	simm.s32 $0x0  }
0x8: {  	[smem:$0x7FF] =	sst s2;
	s24 =	smul.u32 $0x2800, s15;
	s5 =	sadd.s32 $0x11800, s0  }
0x9: {  	s9 =	smul.u32 $0x14000, s15;
	s4 =	sand.u32 $0x1, s4;
	s6 =	sadd.s32 $0x7A00, s0  }
0xa: {  	s7 =	sadd.s32 $0x54800, s0;
	s25 =	sshll.u32 s15, $0x1;
	s26 =	sshll.u32 s15, $0x6  }
0xb: {  	_ =	strace $0x80000056;
	s10 =	smul.u32 $0x140000, s4;
	s13 =	ssub.s32 $0x2, s4  }
0xc: {  	s4 =	sor.u32 s4, s25;
	s25 =	simm.s32 $0x50;
	s8 =	sshrl.u32 s24, $0x3  }
0xd: {  	s11 =	sshrl.u32 s9, $0x3;
	s14 =	sshrl.u32 s13, $0x1;
	s17 =	sadd.s32 s9, s1  }
0xe: {  	s12 =	sadd.s32 s8, s0;
	s8 =	sadd.s32 $0x1E600, s0;
	s10 =	sadd.s32 s9, s10  }
0xf: {  	s11 =	sadd.s32 s11, s0;
	s16 =	ssub.s32 s13, s14;
	s13 =	sadd.s32 s24, s3  }
0x10: {  	s14 =	smul.u32 $0x2710, s4;
	s17 =	sshrl.u32 s17, $0x3;
	s24 =	simm.s32 $0x1  }
0x11: {  	s10 =	sshrl.u32 s10, $0x3;
	s9 =	sadd.s32 $0xFAC00, s11;
	s11 =	sadd.s32 $0x45800, s12  }
0x12: {  	s12 =	sadd.s32 $0xF0C00, s12;
	s16 =	smax.u32 s16, $0x1;
	s0 =	sadd.s32 s10, s0  }
0x13: {  	s10 =	sor.u32 $0x1C03, s26;
	s26 =	simm.s32 $0x1C2A0;
	s15 =	sadd.s32 $0x122C00, s0  }
.LBB2_1:
0x14: {  	[spmem:s17], [sflag:s10] =	dma.local [hbm:s9], $0x2800  }
0x15: {  	_ =	swait.ge [sflag:s18], $0x2800  }
0x16: {  	[sflag:s18] =	ssyncset.done $0x0  }
0x17: {  	s0 =	simm.s32 $0x0;
	[sflag:s18] =	ssyncadd.s32 $0xFFFFD800  }
0x18: {  	[tilespmem:s19], [sflag:$0x3] =	stream.linear.gather [hbm4b:s11+s0], $0x2800, $0x38;
	[tilespmem:$0x1EAA0] =	vst v63  }
0x19: {  	_ =	swait.ge [sflag:s18], $0x2800  }
0x1a: {  	[sflag:s18] =	ssyncset.done $0x0  }
0x1b: {  	s2 =	simm.s32 $0x195A0;
	[sflag:s18] =	ssyncadd.s32 $0xFFFFD800  }
0x1c: {  	[tilespmem:s2], [sflag:$0x3] =	stream.linear.gather [hbm4b:s12+s0], $0x2800, $0x38;
	[tilespmem:$0x1EAA0] =	vst v63  }
0x1d: {  	_ =	swait.ge [sflag:s18], $0x2800  }
0x1e: {  	[sflag:s18] =	ssyncset.done $0x0  }
0x1f: {  	s0 =	simm.s32 $0x0;
	[sflag:s18] =	ssyncadd.s32 $0xFFFFD800  }
0x20: {  	s2 =	simm.s32 $0x40;
	v0 =	vld [tilespmem:s0+$0x195A0]  }
.LBB2_2:
0x21: {  	p0 =	sne.s32 s2, $0x9FC0;
	v1 =	vld [tilespmem:s0+$0x16DA0];
	_ =	sdelay $0x2  }
.Ltmp0:
0x22: {  	(pc) =	sbr.rel @p0 .LBB2_2-.Ltmp0, $4  }
0x23: {  	_ = 	snop  }
0x24: {  	v1 =	vadd.f32 v0, v1  }
0x25: {  	s4 =	sshra.s32 s2, $0x2  }
0x26: {  	s2 =	sadd.s32 $0x40, s2;
	v0 =	vld [tilespmem:s4+$0x195A0];
	[tilespmem:s0+$0x16DA0] =	vst v1;
	s0 =	smov.u32 s4  }
0x27: {  	v1 =	vld [tilespmem:s0+$0x16DA0];
	_ =	sdelay $0x4  }
0x28: {  	v0 =	vadd.f32 v0, v1;
	_ =	sdelay $0x1  }
0x29: {  	[tilespmem:s0+$0x16DA0] =	vst v0  }
0x2a: {  	[spmem:s13] =	stream.linear.scatter [tilespmem:s19], [sflag:$0x3], $0x2800, $0x38;
	[tilespmem:$0x1EAA0] =	vst v63  }
0x2b: {  	_ =	swait.ge [sflag:s18], $0x2800  }
0x2c: {  	[sflag:s18] =	ssyncset.done $0x0  }
0x2d: {  	[sflag:s18] =	ssyncadd.s32 $0xFFFFD800  }
0x2e: {  	s0 =	simm.s32 $0x0;
	[bflag:$0x0] =	sbarrier.arrive $0xFFFF  }
.LBB2_4:
0x2f: {  	s2 =	smul.u32 $0x50, s0;
	_ =	sdelay $0x1  }
0x30: {  	s2 =	sadd.s32 s14, s2  }
0x31: {  	s4 =	sshrl.u32 s2, $0x3  }
0x32: {  	s20 =	sadd.s32 s5, s4  }
0x33: {  	[tilespmem:s21], [sflag:$0x1] =	stream.linear.gather [hbm4b:s20+s31], $0x50, $0x38;
	[tilespmem:$0x1EAA0] =	vst v63  }
0x34: {  	s2 =	sshll.u32 s2, $0x1;
	s4 =	sadd.s32 s6, s4  }
0x35: {  	[tilespmem:s22], [sflag:$0x1] =	stream.linear.gather [hbm4b:s4+s31], $0x50, $0x38;
	[tilespmem:$0x1EAA0] =	vst v63  }
0x36: {  	s2 =	sadd.s32 s7, s2  }
0x37: {  	[tilespmem:s23], [sflag:$0x2] =	stream.linear.gather [hbm4b:s2+s31], $0x500, $0x38;
	[tilespmem:$0x1EAA0] =	vst v63  }
0x38: {  	_ =	swait.ge [sflag:s24], $0x50  }
0x39: {  	[sflag:s24] =	ssyncset.done $0x0  }
0x3a: {  	[sflag:s24] =	ssyncadd.s32 $0xFFFFFFB0  }
0x3b: {  	_ =	swait.ge [sflag:s24], $0x50  }
0x3c: {  	[sflag:s24] =	ssyncset.done $0x0  }
0x3d: {  	[sflag:s24] =	ssyncadd.s32 $0xFFFFFFB0  }
0x3e: {  	[tilespmem:s26], [sflag:$0x1] =	stream.indirect.gather [hbm4b:s8+s25], $0x80, s21, s25, $0xb8;
	[tilespmem:$0x1EAA0] =	vst v63  }
0x3f: {  	_ = 	snop  }
0x40: {  	[tilespmem:s28], [sflag:$0x2] =	stream.indirect.gather [spmem:s3], $0x10, s22, s25, $0xb8;
	[tilespmem:$0x1EAA0] =	vst v63  }
0x41: {  	_ =	swait.ge [sflag:s29], $0x500  }
0x42: {  	[sflag:s29] =	ssyncset.done $0x0  }
0x43: {  	[sflag:s29] =	ssyncadd.s32 $0xFFFFFB00  }
0x44: {  	_ =	swait.ge [sflag:s29], $0x500  }
0x45: {  	[sflag:s29] =	ssyncset.done $0x0  }
0x46: {  	[sflag:s29] =	ssyncadd.s32 $0xFFFFFB00  }
0x47: {  	_ =	swait.ge [sflag:s24], $0x2800  }
0x48: {  	[sflag:s24] =	ssyncset.done $0x0  }
0x49: {  	s20 =	simm.s32 $0x0;
	[sflag:s24] =	ssyncadd.s32 $0xFFFFD800  }
0x4a: {  	v0 =	vld [tilespmem:s20+$0x1BDA0];
	_ =	sdelay $0x4  }
0x4b: {  	v0 =	vadd.f32 $1.000000020e-16, v0;
	_ =	sdelay $0x1  }
0x4c: {  	(erf) = vrcp.f32 v0;
	_ =	sdelay $0x4  }
0x4d: {  	v56 =	vld [tilespmem:s20+$0x168A0];
	_ =	sdelay $0x2  }
0x4e: {  	s2 =	simm.s32 $0x1C2E0  }
0x4f: {  	v1 =	vld [tilespmem:s2+$0xFFFFFFC0];
	v2 =	vpop (erf)  }
0x50: {  	v3 =	vld [tilespmem:s2+$0xFFFFFFD0];
	v0 =	vmul.f32 v2, v56  }
0x51: {  	v57 =	vld [tilespmem:s2+$0xFFFFFFE0]  }
0x52: {  	v4 =	vld [tilespmem:s2+$0xFFFFFFF0];
	v5 =	vbroadcast v0, $0x0;
	v6 =	vbroadcast v0, $0x1  }
0x53: {  	v8 =	vld [tilespmem:s2+$0x10];
	v9 =	vbroadcast v0, $0x2;
	v58 =	vbroadcast v0, $0x3  }
0x54: {  	v10 =	vld [tilespmem:s2+$0x30];
	v60 =	vbroadcast v0, $0x4;
	v1 =	vmul.f32 v5, v1  }
0x55: {  	v7 =	vld [tilespmem:s2+$0x0];
	v61 =	vbroadcast v0, $0x5;
	v3 =	vmul.f32 v6, v3  }
0x56: {  	v59 =	vld [tilespmem:s2+$0x20];
	v62 =	vbroadcast v0, $0x6;
	v2 =	vmul.f32 v57, v9;
	[tilespmem:s2+$0xFFFFFFC0] =	vst v1  }
0x57: {  	v0 =	vbroadcast v0, $0x7;
	v4 =	vmul.f32 v4, v58;
	[tilespmem:s2+$0xFFFFFFD0] =	vst v3  }
0x58: {  	v63 =	vmul.f32 v8, v61;
	[tilespmem:s2+$0xFFFFFFE0] =	vst v2  }
0x59: {  	v0 =	vmul.f32 v10, v0;
	[tilespmem:s2+$0xFFFFFFF0] =	vst v4  }
0x5a: {  	v1 =	vmul.f32 v7, v60;
	[tilespmem:s2+$0x10] =	vst v63  }
0x5b: {  	v3 =	vmul.f32 v59, v62;
	[tilespmem:s2+$0x30] =	vst v0  }
0x5c: {  	[tilespmem:s2+$0x0] =	vst v1  }
0x5d: {  	s4 =	simm.s32 $0x10;
	s20 =	simm.s32 $0x80;
	[tilespmem:s2+$0x20] =	vst v3  }
.LBB2_5:
0x5e: {  	p0 =	sne.s32 s20, $0x13C0;
	v0 =	vld [tilespmem:s4+$0x1BDA0]  }
0x5f: {  	v1 =	vld [tilespmem:s4+$0x168A0];
	_ =	sdelay $0x3  }
0x60: {  	v0 =	vadd.f32 $1.000000020e-16, v0;
	_ =	sdelay $0x1  }
0x61: {  	(erf) = vrcp.f32 v0;
	_ =	sdelay $0x5  }
0x62: {  	s2 =	sadd.s32 $0x80, s2  }
0x63: {  	v0 =	vld [tilespmem:s2+$0xFFFFFFF0]  }
0x64: {  	v2 =	vld [tilespmem:s2+$0xFFFFFFC0]  }
0x65: {  	v3 =	vld [tilespmem:s2+$0xFFFFFFD0];
	v4 =	vpop (erf)  }
0x66: {  	v1 =	vmul.f32 v4, v1;
	v4 =	vld [tilespmem:s2+$0xFFFFFFE0]  }
0x67: {  	v5 =	vld [tilespmem:s2+$0x30]  }
0x68: {  	v6 =	vbroadcast v1, $0x0;
	v7 =	vbroadcast v1, $0x1;
	v8 =	vld [tilespmem:s2+$0x10]  }
0x69: {  	v9 =	vbroadcast v1, $0x2;
	v10 =	vbroadcast v1, $0x3;
	v11 =	vld [tilespmem:s2+$0x0]  }
0x6a: {  	v2 =	vmul.f32 v6, v2;
	v3 =	vmul.f32 v7, v3;
	v6 =	vld [tilespmem:s2+$0x20]  }
0x6b: {  	v0 =	vmul.f32 v0, v10;
	v4 =	vmul.f32 v4, v9  }
0x6c: {  	v7 =	vbroadcast v1, $0x5;
	[tilespmem:s2+$0xFFFFFFC0] =	vst v2;
	v2 =	vbroadcast v1, $0x4  }
0x6d: {  	[tilespmem:s2+$0xFFFFFFD0] =	vst v3;
	v3 =	vbroadcast v1, $0x6;
	v1 =	vbroadcast v1, $0x7  }
0x6e: {  	[tilespmem:s2+$0xFFFFFFE0] =	vst v4;
	v2 =	vmul.f32 v11, v2;
	v4 =	vmul.f32 v8, v7  }
.Ltmp1:
0x6f: {  	[tilespmem:s2+$0xFFFFFFF0] =	vst v0;
	v0 =	vmul.f32 v6, v3;
	v1 =	vmul.f32 v5, v1;
	(pc) =	sbr.rel @p0 .LBB2_5-.Ltmp1, $4  }
0x70: {  	[tilespmem:s2+$0x0] =	vst v2  }
0x71: {  	[tilespmem:s2+$0x10] =	vst v4  }
0x72: {  	[tilespmem:s2+$0x20] =	vst v0  }
0x73: {  	s4 =	sshra.s32 s20, $0x2;
	s20 =	sadd.s32 $0x40, s20;
	[tilespmem:s2+$0x30] =	vst v1  }
0x74: {  	v0 =	vld [tilespmem:s4+$0x1BDA0];
	_ =	sdelay $0x4  }
0x75: {  	v0 =	vadd.f32 $1.000000020e-16, v0;
	_ =	sdelay $0x1  }
0x76: {  	(erf) = vrcp.f32 v0;
	_ =	sdelay $0x4  }
0x77: {  	v56 =	vld [tilespmem:s4+$0x168A0];
	_ =	sdelay $0x2  }
0x78: {  	s2 =	sadd.s32 $0x80, s2  }
0x79: {  	v1 =	vld [tilespmem:s2+$0xFFFFFFC0];
	v2 =	vpop (erf)  }
0x7a: {  	v3 =	vld [tilespmem:s2+$0xFFFFFFD0];
	v0 =	vmul.f32 v2, v56  }
0x7b: {  	v57 =	vld [tilespmem:s2+$0xFFFFFFE0]  }
0x7c: {  	v4 =	vld [tilespmem:s2+$0xFFFFFFF0];
	v5 =	vbroadcast v0, $0x0;
	v6 =	vbroadcast v0, $0x1  }
0x7d: {  	v8 =	vld [tilespmem:s2+$0x10];
	v9 =	vbroadcast v0, $0x2;
	v58 =	vbroadcast v0, $0x3  }
0x7e: {  	v10 =	vld [tilespmem:s2+$0x30];
	v60 =	vbroadcast v0, $0x4;
	v1 =	vmul.f32 v5, v1  }
0x7f: {  	v7 =	vld [tilespmem:s2+$0x0];
	v61 =	vbroadcast v0, $0x5;
	v3 =	vmul.f32 v6, v3  }
0x80: {  	v59 =	vld [tilespmem:s2+$0x20];
	v62 =	vbroadcast v0, $0x6;
	v2 =	vmul.f32 v57, v9;
	[tilespmem:s2+$0xFFFFFFC0] =	vst v1  }
0x81: {  	v0 =	vbroadcast v0, $0x7;
	v4 =	vmul.f32 v4, v58;
	[tilespmem:s2+$0xFFFFFFD0] =	vst v3  }
0x82: {  	v63 =	vmul.f32 v8, v61;
	[tilespmem:s2+$0xFFFFFFE0] =	vst v2  }
0x83: {  	v0 =	vmul.f32 v10, v0;
	[tilespmem:s2+$0xFFFFFFF0] =	vst v4  }
0x84: {  	v1 =	vmul.f32 v7, v60;
	[tilespmem:s2+$0x10] =	vst v63  }
0x85: {  	s0 =	sadd.s32 $0x1, s0;
	v3 =	vmul.f32 v59, v62;
	[tilespmem:s2+$0x30] =	vst v0  }
0x86: {  	p0 =	sne.s32 s0, $0x7D;
	[tilespmem:s2+$0x0] =	vst v1  }
.Ltmp2:
0x87: {  	[tilespmem:s2+$0x20] =	vst v3;
	(pc) =	sbr.rel @p0 .LBB2_4-.Ltmp2, $4  }
0x88: {  	[spmem:s1] =	stream.indirect.scatter.add.f32 [tilespmem:s26], [sflag:$0x3], $0x80, s22, s25, $0xb8;
	[tilespmem:$0x1EAA0] =	vst v63  }
0x89: {  	_ =	swait.ge [sflag:s18], $0x2800  }
0x8a: {  	[sflag:s18] =	ssyncset.done $0x0  }
0x8b: {  	[sflag:s18] =	ssyncadd.s32 $0xFFFFD800  }
0x8c: {  	s30 =	sadd.s32 $0x1, s30  }
0x8d: {  	p0 =	sne.s32 s30, s16  }
.Ltmp3:
0x8e: {  	[bflag:$0x0] =	sbarrier.arrive $0xFFFF;
	(pc) =	sbr.rel @p0 .LBB2_1-.Ltmp3, $4  }
0x8f: {  	[hbm:s15], [sflag:s10] =	dma.local [spmem:s17], $0x2800  }
0x90: {  	_ =	swait.ge [sflag:s18], $0x2800  }
0x91: {  	[sflag:s18] =	ssyncset.done $0x0  }
0x92: {  	[sflag:s18] =	ssyncadd.s32 $0xFFFFD800  }
0x93: {  	_ =	sfence.sel $0x180000  }
0x94: {  	[bflag:$0x0] =	sbarrier.arrive $0xFFFF  }
0x95: {  	_ =	strace $0x90000056  }
0x96: {  	s0 =	stileid.u32;
	[bflag:$0x2] =	sbarrier.arrive $0xFFFF  }
0x97: {  	p0 =	sne.s32 s0, $0x0;
	s0 =	rddreg [dreg:$0x3]  }
0x98: {  	s0 =	sadd.s32 @!p0 $0x100000, s0  }
0x99: {  	[sflag:s0] =	ssyncadd.tile.s32 @!p0 $0x1;
	_ =	shalt  }
.Lfunc_end2:
_tile_overlayer_lowered:
.L_overlay_start_2:
0x9a: {  	(tag) =	ssettag $0x2  }
0x9b: {  	s0 =	rddreg [dreg:$0x0];
	s2 =	stileid.u32  }
0x9c: {  	s1 =	rddreg [dreg:$0x1];
	p0 =	sne.s32 s2, $0x0  }
0x9d: {  	s3 =	rddreg [dreg:$0x2];
	[bflag:$0x3] =	sbarrier.arrive $0xFFFF;
	s2 =	simm.s32 @!p0 $0x1C03  }
0x9e: {  	[timem:s3], [sflag:s2] =	dma.local @!p0 [hbm:s0], s1  }
0x9f: {  	s0 =	simm.s32 @!p0 $0x3  }
0xa0: {  	_ =	swait.ge @!p0 [sflag:s0], s1  }
0xa1: {  	s1 =	ssub.s32 @!p0 $0x0, s1;
	[sflag:s0] =	ssyncset.done @!p0 $0x0  }
0xa2: {  	[sflag:s0] =	ssyncadd.s32 @!p0 s1  }
0xa3: {  	[bflag:$0x3] =	sbarrier.arrive $0xFFFF  }
0xa4: {  	_ =	shalt  }

// kernel: kernel.34.cloned.1.call-start
scs
__scs_entry_jumppad:
0x0: {  	(pc) =	sbr.rel $0x88, $3  }
0x1: {  	(tag) =	ssettag $0x0;
	lr =	simm.s32 $0x1  }
0x2: {  	[smem:$0x3F92] =	sst lr;
	_ =	strace $0xD0000000  }
0x3: {  	_ = 	snop  }
0x4: {  	_ = 	snop  }
0x5: {  	_ = 	snop  }
0x6: {  	_ = 	snop  }
0x7: {  	_ = 	snop  }
__scs_overlays_trampoline_lowered:
0x8: {  	[smem:$0x3FA1] =	sst s0  }
0x9: {  	[smem:$0x3FA2] =	sst s1  }
0xa: {  	[smem:$0x3FA3] =	sst s2  }
0xb: {  	[smem:$0x3FA4] =	sst s3  }
0xc: {  	[smem:$0x3FA5] =	sst s4  }
0xd: {  	[smem:$0x3FA6] =	sst s5  }
0xe: {  	[smem:$0x3FA7] =	sst s6  }
0xf: {  	[smem:$0x3FA8] =	sst s7  }
0x10: {  	[smem:$0x3FA9] =	sst s8  }
0x11: {  	[smem:$0x3FAA] =	sst s9;
	s0 =	simm.s32 @!p0 $0x0  }
0x12: {  	s1 =	sld [smem:$0x3F90];
	s0 =	simm.s32 @p0 $0x1  }
0x13: {  	[smem:$0x3FAB] =	sst s0;
	s0 =	simm.s32 @!p1 $0x0  }
0x14: {  	s2 =	sld [smem:$0x3F8F];
	s0 =	simm.s32 @p1 $0x1  }
0x15: {  	[smem:$0x3FAC] =	sst s0;
	s0 =	simm.s32 @!p2 $0x0  }
0x16: {  	s3 =	sld [smem:$0x3FDB];
	s0 =	simm.s32 @p2 $0x1  }
0x17: {  	s4 =	simm.s32 $0x1BF5;
	[smem:$0x3FAE] =	sst s0  }
0x18: {  	s0 =	sld [smem:$0x3F91];
	_ =	swait.ge [sflag:s4], $0x0  }
0x19: {  	s7 =	sld [smem:$0x3F92]  }
0x1a: {  	s8 =	sadd.s32 $0xFFFFE003, lr  }
0x1b: {  	s9 =	sadd.s32 $0xFFFFFEF7, lr;
	s5 =	simm.s32 $0xFFFFFFFF;
	p2 =	slt.u32 s8, $0xFFFFF086  }
0x1c: {  	p1 =	slt.u32 s9, $0xF7A;
	s5 =	simm.s32 @!p2 $0x0  }
0x1d: {  	s5 =	simm.s32 @p1 $0x1;
	p0 =	seq.s32 s7, s2  }
0x1e: {  	s7 =	smul.u32 @!p0 $0xF7A, s2;
	p2 =	seq.s32 @!p0 s5, $0x0  }
0x1f: {  	s9 =	smul.u32 $0xF7A, s1;
	s8 =	simm.s32 @!p0 $0x1BF5;
	p2 =	por !p2, p0  }
0x20: {  	[sflag:s8] =	ssyncset.s32 @!p0 $0xFFFFF086;
	s6 =	sadd.s32 @!p0 s3, s7;
	s7 =	simm.s32 @!p0 $0x108  }
0x21: {  	s3 =	sadd.s32 s3, s9;
	s6 =	sadd.s32 @!p0 $0x88, s6;
	s7 =	simm.s32 @p2 $0x1082  }
0x22: {  	[simem:s7], [sflag:s8] =	dma.local @!p0 [hbm:s6], $0xF7A  }
0x23: {  	s9 =	sor.u32 $0xD0000000, s2;
	s6 =	simm.s32 $0x108;
	_ =	swait.ge @!p0 [sflag:s8], $0x0  }
0x24: {  	s3 =	sadd.s32 $0x88, s3;
	s6 =	simm.s32 @!p1 $0x1082;
	[sflag:s4] =	ssyncset.s32 $0xFFFFF086  }
0x25: {  	[simem:s6], [sflag:s4] =	dma.local [hbm:s3], $0xF7A  }
0x26: {  	[smem:$0x3F92] =	sst s1;
	(tag) =	ssettag s2;
	_ =	strace s9  }
0x27: {  	s1 =	sld [smem:$0x3FA2]  }
0x28: {  	s2 =	sld [smem:$0x3FA3]  }
0x29: {  	s4 =	sld [smem:$0x3FA5]  }
0x2a: {  	p0 =	seq.s32 s5, $0x0;
	s5 =	sld [smem:$0x3FA6]  }
0x2b: {  	s6 =	sld [smem:$0x3FA7]  }
0x2c: {  	s7 =	sld [smem:$0x3FA8]  }
0x2d: {  	s3 =	simm.s32 $0x108;
	s8 =	sld [smem:$0x3FA9]  }
0x2e: {  	s3 =	simm.s32 @!p0 $0x1082;
	s9 =	sld [smem:$0x3FAA]  }
0x2f: {  	lr =	sadd.s32 s0, s3;
	s0 =	sld [smem:$0x3FA1]  }
0x30: {  	s3 =	sld [smem:$0x3FA4]  }
0x31: {  	[smem:$0x3FAD] =	sst s10  }
0x32: {  	s10 =	sld [smem:$0x3FAB];
	_ =	sdelay $0x3  }
0x33: {  	p0 =	seq.s32 s10, $0x1;
	s10 =	sld [smem:$0x3FAD];
	_ =	sdelay $0x3  }
0x34: {  	[smem:$0x3FAD] =	sst s10  }
0x35: {  	s10 =	sld [smem:$0x3FAC];
	_ =	sdelay $0x3  }
0x36: {  	p1 =	seq.s32 s10, $0x1;
	s10 =	sld [smem:$0x3FAD];
	_ =	sdelay $0x3  }
0x37: {  	[smem:$0x3FAD] =	sst s10  }
0x38: {  	s10 =	sld [smem:$0x3FAE]  }
0x39: {  	_ = 	snop;
	(pc) =	sbr.ind lr, $3  }
0x3a: {  	_ = 	snop  }
0x3b: {  	_ = 	snop  }
0x3c: {  	p2 =	seq.s32 s10, $0x1;
	s10 =	sld [smem:$0x3FAD]  }
0x3d: {  	_ =	shalt  }
0x3e: {  	_ =	shalt  }
0x3f: {  	_ =	shalt  }
0x40: {  	_ =	shalt  }
0x41: {  	_ =	shalt  }
0x42: {  	_ =	shalt  }
0x43: {  	_ =	shalt  }
0x44: {  	_ =	shalt  }
0x45: {  	_ =	shalt  }
0x46: {  	_ =	shalt  }
0x47: {  	_ =	shalt  }
0x48: {  	_ =	shalt  }
0x49: {  	_ =	shalt  }
0x4a: {  	_ =	shalt  }
0x4b: {  	_ =	shalt  }
0x4c: {  	_ =	shalt  }
0x4d: {  	_ =	shalt  }
0x4e: {  	_ =	shalt  }
0x4f: {  	_ =	shalt  }
0x50: {  	_ =	shalt  }
0x51: {  	_ =	shalt  }
0x52: {  	_ =	shalt  }
0x53: {  	_ =	shalt  }
0x54: {  	_ =	shalt  }
0x55: {  	_ =	shalt  }
0x56: {  	_ =	shalt  }
0x57: {  	_ =	shalt  }
0x58: {  	_ =	shalt  }
0x59: {  	_ =	shalt  }
0x5a: {  	_ =	shalt  }
0x5b: {  	_ =	shalt  }
0x5c: {  	_ =	shalt  }
0x5d: {  	_ =	shalt  }
0x5e: {  	_ =	shalt  }
0x5f: {  	_ =	shalt  }
0x60: {  	_ =	shalt  }
0x61: {  	_ =	shalt  }
0x62: {  	_ =	shalt  }
0x63: {  	_ =	shalt  }
0x64: {  	_ =	shalt  }
0x65: {  	_ =	shalt  }
0x66: {  	_ =	shalt  }
0x67: {  	_ =	shalt  }
0x68: {  	_ =	shalt  }
0x69: {  	_ =	shalt  }
0x6a: {  	_ =	shalt  }
0x6b: {  	_ =	shalt  }
0x6c: {  	_ =	shalt  }
0x6d: {  	_ =	shalt  }
0x6e: {  	_ =	shalt  }
0x6f: {  	_ =	shalt  }
0x70: {  	_ =	shalt  }
0x71: {  	_ =	shalt  }
0x72: {  	_ =	shalt  }
0x73: {  	_ =	shalt  }
0x74: {  	_ =	shalt  }
0x75: {  	_ =	shalt  }
0x76: {  	_ =	shalt  }
0x77: {  	_ =	shalt  }
0x78: {  	_ =	shalt  }
0x79: {  	_ =	shalt  }
0x7a: {  	_ =	shalt  }
0x7b: {  	_ =	shalt  }
0x7c: {  	_ =	shalt  }
0x7d: {  	_ =	shalt  }
0x7e: {  	_ =	shalt  }
0x7f: {  	_ =	shalt  }
0x80: {  	_ =	shalt  }
0x81: {  	_ =	shalt  }
0x82: {  	_ =	shalt  }
0x83: {  	_ =	shalt  }
0x84: {  	_ =	shalt  }
0x85: {  	_ =	shalt  }
0x86: {  	_ =	shalt  }
0x87: {  	_ =	shalt  }
.Lfunc_end0:
.L_simem_size_0:
called_computation.6_lowered:
.L_overlay_start_0:
0x88: {  	s2 =	sld [smem:$0x3FD9]  }
0x89: {  	s3 =	sld [smem:$0x3FFE];
	_ =	sdelay $0x1  }
0x8a: {  	s1 =	srdreg.scid  }
0x8b: {  	s0 =	sand.u32 $0x1, s1  }
0x8c: {  	s16 =	sshll.u32 s0, $0xA;
	s2 =	sadd.s32 s3, s2  }
0x8d: {  	s2 =	sadd.s32 s2, s16  }
0x8e: {  	[smem:$0x3FB9] =	sst s2  }
0x8f: {  	_ = 	snop  }
0x90: {  	(tm) =	ssettm $0x1  }
0x91: {  	s17 =	sld [smem:$0x3FFB];
	_ =	sdelay $0x3  }
0x92: {  	_ =	strace s17  }
0x93: {  	s2 =	sld [smem:$0x3FFC];
	_ =	sdelay $0x3  }
0x94: {  	_ =	strace s2  }
0x95: {  	s2 =	sld [smem:$0x3FFD];
	_ =	sdelay $0x3  }
0x96: {  	_ =	strace s2  }
0x97: {  	_ =	strace $0x8FFFFFFF  }
0x98: {  	s18 =	sld [smem:$0x3FDB];
	_ =	sdelay $0x1  }
0x99: {  	s19 =	simm.s32 $_scs_section_size  }
0x9a: {  	s4 =	simm.s32 $_size__tile_overlayer_lowered;
	s5 =	simm.s32 $_tile_overlayer_lowered  }
0x9b: {  	s22 =	simm.s32 $0x1BFF;
	s21 =	sshll.u32 s5, $0x1;
	s2 =	sadd.s32 s19, s18  }
0x9c: {  	s6 =	simm.s32 $0x0;
	s20 =	sshll.u32 s4, $0x1;
	s4 =	sadd.s32 s21, s2  }
0x9d: {  	[timem:s6], [sflag:s22] =	dma.local [hbm:s4], s20  }
0x9e: {  	_ =	swait.ge [sflag:s22], s20  }
0x9f: {  	s3 =	ssub.s32 $0x0, s20;
	[sflag:s22] =	ssyncset.done $0x0  }
0xa0: {  	[sflag:s22] =	ssyncadd.s32 s3;
	_ =	sdelay $0x1  }
0xa1: {  	s23 =	simm.s32 $0x1B8B  }
0xa2: {  	_ =	swait.ge [sflag:s23], $0x1  }
0xa3: {  	[sflag:s23] =	ssyncset.done $0x0  }
0xa4: {  	s25 =	simm.s32 $0x1B8E;
	s24 =	sld [smem:$0x3FFE];
	[sflag:s23] =	ssyncadd.s32 $0xFFFFFFFF  }
0xa5: {  	s26 =	simm.s32 $execute0_lowered;
	[smem:$0x3FD2] =	sst s25  }
0xa6: {  	s4 =	sshll.u32 s26, $0x1;
	_ =	strace $0x80000058;
	[dreg:$0x1] =	wrdreg $0xFFFFFFFF  }
0xa7: {  	s28 =	simm.s32 $_size_execute0_lowered;
	s2 =	sadd.s32 s2, s4;
	[dreg:$0x0] =	wrdreg $0x0  }
0xa8: {  	s4 =	sshll.u32 s28, $0x1;
	[dreg:$0x2] =	wrdreg s2  }
0xa9: {  	[dreg:$0x3] =	wrdreg s4  }
0xaa: {  	[dreg:$0x4] =	wrdreg $0xC0  }
0xab: {  	_ =	task [dreg:s6], $0x5FFFF  }
0xac: {  	[dreg:$0x1] =	wrdreg $0xFFFFFFFF  }
0xad: {  	[dreg:$0x0] =	wrdreg $0x60  }
0xae: {  	[dreg:$0x2] =	wrdreg s24  }
0xaf: {  	[dreg:$0x3] =	wrdreg $0x0  }
0xb0: {  	[dreg:$0x4] =	wrdreg $0x9  }
0xb1: {  	_ =	task.clear_ibuf [dreg:s6], $0x5FFFF;
	_ =	strace $0x90000058  }
0xb2: {  	s29 =	simm.s32 $0x9;
	_ =	strace $0x8000005A  }
0xb3: {  	_ =	swait.ge [sflag:s29], $0x1  }
0xb4: {  	[sflag:s29] =	ssyncadd.s32 $0xFFFFFFFF  }
0xb5: {  	_ =	strace $0x9000005A  }
0xb6: {  	_ =	sfence  }
0xb7: {  	s30 =	sld [smem:$0x0];
	_ =	sdelay $0x2  }
0xb8: {  	s31 =	sshll.u32 s1, $0xD;
	s1 =	sshrl.u32 s1, $0x2  }
0xb9: {  	s3 =	sand.u32 $0x4000, s31;
	s1 =	sadd.s32 s1, s30  }
0xba: {  	s0 =	sor.u32 s3, s0;
	s1 =	sshll.u32 s1, $0x11  }
0xbb: {  	s0 =	sor.u32 s1, s0  }
0xbc: {  	s0 =	sadd.s32 $0x8F2B, s0  }
0xbd: {  	[sflag:s0] =	ssyncadd.remote.s32 $0x1  }
0xbe: {  	_ =	sfence.sel $0xFFFF  }
0xbf: {  	[dreg:$0x0] =	wrdreg $0xFFFFFFFF;
	(pc) =	sbr.abs _section_cstart, $3  }
0xc0: {  	[dreg:$0x1] =	wrdreg $0xFFFFFFFF  }
0xc1: {  	_ =	task.clear_ibuf [dreg:s6], $0x2FFFF;
	_ =	strace $0x9FFFFFFF  }
0xc2: {  	(tm) =	ssettm $0x7FFFFFFF  }
0xc3: {  	_ =	shalt  }
tec
execute0_lowered:
.L_overlay_start_1:
0x0: {  	(tag) =	ssettag $0x1  }
0x1: {  	s0 =	rddreg [dreg:$0x0]  }
0x2: {  	s2 =	rddreg [dreg:$0x1]  }
0x3: {  	s3 =	simm.s32 $0x0;
	s15 =	stileid.u32;
	s1 =	srdreg.scid  }
0x4: {  	s16 =	simm.s32 $0x3;
	s17 =	simm.s32 $0x2800;
	s18 =	simm.s32 $0x2850  }
0x5: {  	s19 =	simm.s32 $0x32A0;
	s20 =	simm.s32 $0x1;
	s21 =	simm.s32 $0x50  }
0x6: {  	s22 =	simm.s32 $0x28A0;
	s23 =	simm.s32 $0x2DA0;
	s24 =	simm.s32 $0x2  }
0x7: {  	s25 =	simm.s32 $0x37A0;
	s26 =	simm.s32 $0x0;
	[smem:$0x7FF] =	sst s3  }
0x8: {  	s10 =	smul.u32 $0x2800, s15;
	s1 =	sand.u32 $0x1, s1;
	s4 =	sadd.s32 $0x11800, s0  }
0x9: {  	s5 =	sadd.s32 $0x7A00, s0;
	s6 =	sadd.s32 $0x172C00, s0;
	s7 =	sadd.s32 $0x42800, s0  }
0xa: {  	s8 =	sadd.s32 $0x47800, s0;
	s30 =	sshll.u32 s15, $0x1;
	s31 =	sshll.u32 s15, $0x6  }
0xb: {  	_ =	strace $0x80000059;
	s9 =	smul.u32 $0x28000, s1;
	s12 =	ssub.s32 $0x2, s1  }
0xc: {  	s1 =	sor.u32 s1, s30;
	s11 =	sshrl.u32 s10, $0x3;
	s14 =	sshrl.u32 s12, $0x1  }
0xd: {  	s9 =	sadd.s32 s10, s9;
	s11 =	sadd.s32 s11, s0;
	s14 =	ssub.s32 s12, s14  }
0xe: {  	s10 =	sadd.s32 s10, s2;
	s12 =	smul.u32 $0x2710, s1;
	s13 =	sshrl.u32 s9, $0x3  }
0xf: {  	s9 =	sadd.s32 $0x54800, s0;
	s11 =	sadd.s32 $0x4F800, s11;
	s0 =	sadd.s32 s13, s0  }
0x10: {  	s14 =	smax.u32 s14, $0x1;
	[dreg:$0x3] =	wrdreg s11;
	s0 =	sadd.s32 $0x122C00, s0  }
0x11: {  	s15 =	sshrl.u32 s10, $0x3;
	s11 =	sor.u32 $0x1C03, s31;
	[dreg:$0x4] =	wrdreg s0  }
.LBB2_1:
0x12: {  	s0 =	rddreg [dreg:$0x3]  }
0x13: {  	[spmem:s15], [sflag:s11] =	dma.local [hbm:s0], $0x500  }
0x14: {  	_ =	swait.ge [sflag:s16], $0x500  }
0x15: {  	[sflag:s16] =	ssyncset.done $0x0  }
0x16: {  	[sflag:s16] =	ssyncadd.s32 $0xFFFFFB00  }
0x17: {  	s28 =	simm.s32 $0x0;
	[bflag:$0x0] =	sbarrier.arrive $0xFFFF  }
.LBB2_2:
0x18: {  	s0 =	smul.u32 $0x50, s28;
	_ =	sdelay $0x1  }
0x19: {  	s0 =	sadd.s32 s12, s0  }
0x1a: {  	s1 =	sshrl.u32 s0, $0x3  }
0x1b: {  	s30 =	simm.s32 $0x0;
	s10 =	sadd.s32 s4, s1  }
0x1c: {  	[tilespmem:s17], [sflag:$0x1] =	stream.linear.gather [hbm4b:s10+s30], $0x50, $0x38;
	[tilespmem:$0x3CA0] =	vst v63  }
0x1d: {  	s29 =	sshll.u32 s0, $0x1;
	s1 =	sadd.s32 s5, s1  }
0x1e: {  	[tilespmem:s18], [sflag:$0x1] =	stream.linear.gather [hbm4b:s1+s30], $0x50, $0x38;
	[tilespmem:$0x3CA0] =	vst v63  }
0x1f: {  	s0 =	sadd.s32 s6, s29  }
0x20: {  	[tilespmem:s19], [sflag:$0x2] =	stream.linear.gather [hbm4b:s0+s30], $0x500, $0x38;
	[tilespmem:$0x3CA0] =	vst v63  }
0x21: {  	_ =	swait.ge [sflag:s20], $0x50  }
0x22: {  	[sflag:s20] =	ssyncset.done $0x0  }
0x23: {  	[sflag:s20] =	ssyncadd.s32 $0xFFFFFFB0  }
0x24: {  	_ =	swait.ge [sflag:s20], $0x50  }
0x25: {  	[sflag:s20] =	ssyncset.done $0x0  }
0x26: {  	[sflag:s20] =	ssyncadd.s32 $0xFFFFFFB0  }
0x27: {  	[tilespmem:s22], [sflag:$0x1] =	stream.indirect.gather [hbm4b:s7+s21], $0x10, s17, s21, $0xb8;
	[tilespmem:$0x3CA0] =	vst v63  }
0x28: {  	_ = 	snop  }
0x29: {  	[tilespmem:s23], [sflag:$0x1] =	stream.indirect.gather [hbm4b:s8+s21], $0x10, s18, s21, $0xb8;
	[tilespmem:$0x3CA0] =	vst v63  }
0x2a: {  	_ =	swait.ge [sflag:s20], $0x500  }
0x2b: {  	[sflag:s20] =	ssyncset.done $0x0  }
0x2c: {  	[sflag:s20] =	ssyncadd.s32 $0xFFFFFB00  }
0x2d: {  	_ =	swait.ge [sflag:s20], $0x500  }
0x2e: {  	[sflag:s20] =	ssyncset.done $0x0  }
0x2f: {  	[sflag:s20] =	ssyncadd.s32 $0xFFFFFB00  }
0x30: {  	_ =	swait.ge [sflag:s24], $0x500  }
0x31: {  	[sflag:s24] =	ssyncset.done $0x0  }
0x32: {  	s30 =	simm.s32 $0x0;
	[sflag:s24] =	ssyncadd.s32 $0xFFFFFB00  }
0x33: {  	v0 =	vld [tilespmem:s30+$0x28A0]  }
0x34: {  	s31 =	simm.s32 $0x10;
	v1 =	vld [tilespmem:s30+$0x2DA0]  }
0x35: {  	v2 =	vld [tilespmem:s31+$0x28A0]  }
0x36: {  	v3 =	vld [tilespmem:s31+$0x2DA0]  }
0x37: {  	v4 =	vld [tilespmem:s30+$0x32A0];
	_ =	sdelay $0x1  }
0x38: {  	v5 =	vld [tilespmem:s31+$0x32A0]  }
0x39: {  	s0 =	simm.s32 $0x20;
	v0 =	vadd.f32 v1, v0  }
0x3a: {  	v1 =	vld [tilespmem:s0+$0x28A0]  }
0x3b: {  	v2 =	vadd.f32 v3, v2;
	v3 =	vld [tilespmem:s0+$0x2DA0];
	v0 =	vadd.f32 v4, v0;
	_ =	sdelay $0x1  }
0x3c: {  	v2 =	vadd.f32 v5, v2;
	v5 =	vmul.f32 $2.000000030e-01, v0  }
0x3d: {  	vm0 =	vge.f32 v0, $0.0e+00  }
0x3e: {  	v0 =	vsel vm0, v0, v5  }
0x3f: {  	v1 =	vadd.f32 v3, v1;
	v3 =	vmul.f32 $1.442695020e+00, v0  }
0x40: {  	v6 =	vmul.f32 $2.000000030e-01, v2  }
0x41: {  	v4 =	vld [tilespmem:s0+$0x32A0];
	vm15 =	vge.f32 v2, $0.0e+00;
	(erf) = vpow2.f32 v3  }
0x42: {  	v2 =	vsel vm15, v2, v6  }
0x43: {  	s1 =	simm.s32 $0x30;
	v5 =	vmul.f32 $1.442695020e+00, v2  }
0x44: {  	v0 =	vld [tilespmem:s1+$0x28A0]  }
0x45: {  	v3 =	vld [tilespmem:s1+$0x2DA0];
	(erf) = vpow2.f32 v5  }
0x46: {  	v1 =	vadd.f32 v4, v1  }
0x47: {  	v2 =	vld [tilespmem:s1+$0x32A0]  }
0x48: {  	s10 =	simm.s32 $0x100;
	v4 =	vmul.f32 $2.000000030e-01, v1  }
.LBB2_3:
0x49: {  	s13 =	sshra.s32 s10, $0x2;
	vm0 =	vge.f32 v1, $0.0e+00;
	p0 =	sne.s32 s10, $0x13C0  }
.Ltmp0:
0x4a: {  	s10 =	sadd.s32 $0x40, s10;
	v5 =	vadd.f32 v3, v0;
	v0 =	vld [tilespmem:s13+$0x28A0];
	v1 =	vsel vm0, v1, v4;
	v4 =	vpop (erf);
	(pc) =	sbr.rel @p0 .LBB2_3-.Ltmp0, $4  }
0x4b: {  	v3 =	vld [tilespmem:s13+$0x2DA0];
	v6 =	vmul.f32 $1.442695020e+00, v1;
	[tilespmem:s30+$0x37A0] =	vst v4;
	s30 =	smov.u32 s31;
	s31 =	smov.u32 s0;
	s0 =	smov.u32 s1  }
0x4c: {  	s1 =	smov.u32 s13;
	v1 =	vadd.f32 v2, v5  }
0x4d: {  	v2 =	vld [tilespmem:s1+$0x32A0];
	(erf) = vpow2.f32 v6  }
0x4e: {  	v4 =	vmul.f32 $2.000000030e-01, v1  }
0x4f: {  	_ = 	snop  }
0x50: {  	v0 =	vadd.f32 v3, v0;
	_ =	sdelay $0x1  }
0x51: {  	v0 =	vadd.f32 v2, v0;
	_ =	sdelay $0x1  }
0x52: {  	vm0 =	vge.f32 v1, $0.0e+00;
	v2 =	vmul.f32 $2.000000030e-01, v0  }
0x53: {  	v1 =	vsel vm0, v1, v4;
	vm15 =	vge.f32 v0, $0.0e+00  }
0x54: {  	v1 =	vmul.f32 $1.442695020e+00, v1;
	v0 =	vsel vm15, v0, v2  }
0x55: {  	v0 =	vmul.f32 $1.442695020e+00, v0  }
0x56: {  	(erf) = vpow2.f32 v1  }
0x57: {  	(erf) = vpow2.f32 v0;
	_ =	sdelay $0x5  }
0x58: {  	v60 =	vpop (erf)  }
0x59: {  	[tilespmem:s30+$0x37A0] =	vst v60;
	v61 =	vpop (erf)  }
0x5a: {  	[tilespmem:s31+$0x37A0] =	vst v61;
	v62 =	vpop (erf)  }
0x5b: {  	[tilespmem:s0+$0x37A0] =	vst v62;
	v63 =	vpop (erf)  }
0x5c: {  	s31 =	sadd.s32 s9, s29;
	[tilespmem:s1+$0x37A0] =	vst v63  }
0x5d: {  	[hbm4b:s31+s3] =	stream.linear.scatter [tilespmem:s25], [sflag:$0x3], $0x500, $0x38;
	[tilespmem:$0x3CA0] =	vst v63  }
0x5e: {  	s28 =	sadd.s32 $0x1, s28;
	_ =	swait.ge [sflag:s16], $0x500  }
0x5f: {  	p0 =	sne.s32 s28, $0x7D;
	[sflag:s16] =	ssyncset.done $0x0  }
.Ltmp1:
0x60: {  	[sflag:s16] =	ssyncadd.s32 $0xFFFFFB00;
	(pc) =	sbr.rel @p0 .LBB2_2-.Ltmp1, $4  }
0x61: {  	[spmem:s2] =	stream.indirect.scatter.add.f32 [tilespmem:s25], [sflag:$0x3], $0x10, s18, s21, $0xb8;
	[tilespmem:$0x3CA0] =	vst v63  }
0x62: {  	_ =	swait.ge [sflag:s16], $0x500  }
0x63: {  	[sflag:s16] =	ssyncset.done $0x0  }
0x64: {  	[sflag:s16] =	ssyncadd.s32 $0xFFFFFB00  }
0x65: {  	s26 =	sadd.s32 $0x1, s26  }
0x66: {  	[bflag:$0x0] =	sbarrier.arrive $0xFFFF;
	p0 =	sne.s32 s26, s14  }
.Ltmp2:
0x67: {  	s0 =	rddreg [dreg:$0x4];
	(pc) =	sbr.rel @p0 .LBB2_1-.Ltmp2, $4  }
0x68: {  	[hbm:s0], [sflag:s11] =	dma.local [spmem:s15], $0x500  }
0x69: {  	_ =	swait.ge [sflag:s16], $0x500  }
0x6a: {  	[sflag:s16] =	ssyncset.done $0x0  }
0x6b: {  	[sflag:s16] =	ssyncadd.s32 $0xFFFFFB00  }
0x6c: {  	_ =	sfence.sel $0x180000  }
0x6d: {  	[bflag:$0x0] =	sbarrier.arrive $0xFFFF  }
0x6e: {  	_ =	strace $0x90000059  }
0x6f: {  	s0 =	stileid.u32;
	[bflag:$0x2] =	sbarrier.arrive $0xFFFF  }
0x70: {  	p0 =	sne.s32 s0, $0x0;
	s0 =	rddreg [dreg:$0x2]  }
0x71: {  	s0 =	sadd.s32 @!p0 $0x100000, s0  }
0x72: {  	[sflag:s0] =	ssyncadd.tile.s32 @!p0 $0x1;
	_ =	shalt  }
.Lfunc_end2:
_tile_overlayer_lowered:
.L_overlay_start_2:
0x73: {  	(tag) =	ssettag $0x2  }
0x74: {  	s0 =	rddreg [dreg:$0x0];
	s2 =	stileid.u32  }
0x75: {  	s1 =	rddreg [dreg:$0x1];
	p0 =	sne.s32 s2, $0x0  }
0x76: {  	s3 =	rddreg [dreg:$0x2];
	[bflag:$0x3] =	sbarrier.arrive $0xFFFF;
	s2 =	simm.s32 @!p0 $0x1C03  }
0x77: {  	[timem:s3], [sflag:s2] =	dma.local @!p0 [hbm:s0], s1  }
0x78: {  	s0 =	simm.s32 @!p0 $0x3  }
0x79: {  	_ =	swait.ge @!p0 [sflag:s0], s1  }
0x7a: {  	s1 =	ssub.s32 @!p0 $0x0, s1;
	[sflag:s0] =	ssyncset.done @!p0 $0x0  }
0x7b: {  	[sflag:s0] =	ssyncadd.s32 @!p0 s1  }
0x7c: {  	[bflag:$0x3] =	sbarrier.arrive $0xFFFF  }
0x7d: {  	_ =	shalt  }

// kernel: kernel.37.cloned.1.call-start
scs
__scs_entry_jumppad:
0x0: {  	(pc) =	sbr.rel $0x88, $3  }
0x1: {  	(tag) =	ssettag $0x0;
	lr =	simm.s32 $0x1  }
0x2: {  	[smem:$0x3F92] =	sst lr;
	_ =	strace $0xD0000000  }
0x3: {  	_ = 	snop  }
0x4: {  	_ = 	snop  }
0x5: {  	_ = 	snop  }
0x6: {  	_ = 	snop  }
0x7: {  	_ = 	snop  }
__scs_overlays_trampoline_lowered:
0x8: {  	[smem:$0x3FA1] =	sst s0  }
0x9: {  	[smem:$0x3FA2] =	sst s1  }
0xa: {  	[smem:$0x3FA3] =	sst s2  }
0xb: {  	[smem:$0x3FA4] =	sst s3  }
0xc: {  	[smem:$0x3FA5] =	sst s4  }
0xd: {  	[smem:$0x3FA6] =	sst s5  }
0xe: {  	[smem:$0x3FA7] =	sst s6  }
0xf: {  	[smem:$0x3FA8] =	sst s7  }
0x10: {  	[smem:$0x3FA9] =	sst s8  }
0x11: {  	[smem:$0x3FAA] =	sst s9;
	s0 =	simm.s32 @!p0 $0x0  }
0x12: {  	s1 =	sld [smem:$0x3F90];
	s0 =	simm.s32 @p0 $0x1  }
0x13: {  	[smem:$0x3FAB] =	sst s0;
	s0 =	simm.s32 @!p1 $0x0  }
0x14: {  	s2 =	sld [smem:$0x3F8F];
	s0 =	simm.s32 @p1 $0x1  }
0x15: {  	[smem:$0x3FAC] =	sst s0;
	s0 =	simm.s32 @!p2 $0x0  }
0x16: {  	s3 =	sld [smem:$0x3FDB];
	s0 =	simm.s32 @p2 $0x1  }
0x17: {  	s4 =	simm.s32 $0x1BF5;
	[smem:$0x3FAE] =	sst s0  }
0x18: {  	s0 =	sld [smem:$0x3F91];
	_ =	swait.ge [sflag:s4], $0x0  }
0x19: {  	s7 =	sld [smem:$0x3F92]  }
0x1a: {  	s8 =	sadd.s32 $0xFFFFE003, lr  }
0x1b: {  	s9 =	sadd.s32 $0xFFFFFEF7, lr;
	s5 =	simm.s32 $0xFFFFFFFF;
	p2 =	slt.u32 s8, $0xFFFFF086  }
0x1c: {  	p1 =	slt.u32 s9, $0xF7A;
	s5 =	simm.s32 @!p2 $0x0  }
0x1d: {  	s5 =	simm.s32 @p1 $0x1;
	p0 =	seq.s32 s7, s2  }
0x1e: {  	s7 =	smul.u32 @!p0 $0xF7A, s2;
	p2 =	seq.s32 @!p0 s5, $0x0  }
0x1f: {  	s9 =	smul.u32 $0xF7A, s1;
	s8 =	simm.s32 @!p0 $0x1BF5;
	p2 =	por !p2, p0  }
0x20: {  	[sflag:s8] =	ssyncset.s32 @!p0 $0xFFFFF086;
	s6 =	sadd.s32 @!p0 s3, s7;
	s7 =	simm.s32 @!p0 $0x108  }
0x21: {  	s3 =	sadd.s32 s3, s9;
	s6 =	sadd.s32 @!p0 $0x88, s6;
	s7 =	simm.s32 @p2 $0x1082  }
0x22: {  	[simem:s7], [sflag:s8] =	dma.local @!p0 [hbm:s6], $0xF7A  }
0x23: {  	s9 =	sor.u32 $0xD0000000, s2;
	s6 =	simm.s32 $0x108;
	_ =	swait.ge @!p0 [sflag:s8], $0x0  }
0x24: {  	s3 =	sadd.s32 $0x88, s3;
	s6 =	simm.s32 @!p1 $0x1082;
	[sflag:s4] =	ssyncset.s32 $0xFFFFF086  }
0x25: {  	[simem:s6], [sflag:s4] =	dma.local [hbm:s3], $0xF7A  }
0x26: {  	[smem:$0x3F92] =	sst s1;
	(tag) =	ssettag s2;
	_ =	strace s9  }
0x27: {  	s1 =	sld [smem:$0x3FA2]  }
0x28: {  	s2 =	sld [smem:$0x3FA3]  }
0x29: {  	s4 =	sld [smem:$0x3FA5]  }
0x2a: {  	p0 =	seq.s32 s5, $0x0;
	s5 =	sld [smem:$0x3FA6]  }
0x2b: {  	s6 =	sld [smem:$0x3FA7]  }
0x2c: {  	s7 =	sld [smem:$0x3FA8]  }
0x2d: {  	s3 =	simm.s32 $0x108;
	s8 =	sld [smem:$0x3FA9]  }
0x2e: {  	s3 =	simm.s32 @!p0 $0x1082;
	s9 =	sld [smem:$0x3FAA]  }
0x2f: {  	lr =	sadd.s32 s0, s3;
	s0 =	sld [smem:$0x3FA1]  }
0x30: {  	s3 =	sld [smem:$0x3FA4]  }
0x31: {  	[smem:$0x3FAD] =	sst s10  }
0x32: {  	s10 =	sld [smem:$0x3FAB];
	_ =	sdelay $0x3  }
0x33: {  	p0 =	seq.s32 s10, $0x1;
	s10 =	sld [smem:$0x3FAD];
	_ =	sdelay $0x3  }
0x34: {  	[smem:$0x3FAD] =	sst s10  }
0x35: {  	s10 =	sld [smem:$0x3FAC];
	_ =	sdelay $0x3  }
0x36: {  	p1 =	seq.s32 s10, $0x1;
	s10 =	sld [smem:$0x3FAD];
	_ =	sdelay $0x3  }
0x37: {  	[smem:$0x3FAD] =	sst s10  }
0x38: {  	s10 =	sld [smem:$0x3FAE]  }
0x39: {  	_ = 	snop;
	(pc) =	sbr.ind lr, $3  }
0x3a: {  	_ = 	snop  }
0x3b: {  	_ = 	snop  }
0x3c: {  	p2 =	seq.s32 s10, $0x1;
	s10 =	sld [smem:$0x3FAD]  }
0x3d: {  	_ =	shalt  }
0x3e: {  	_ =	shalt  }
0x3f: {  	_ =	shalt  }
0x40: {  	_ =	shalt  }
0x41: {  	_ =	shalt  }
0x42: {  	_ =	shalt  }
0x43: {  	_ =	shalt  }
0x44: {  	_ =	shalt  }
0x45: {  	_ =	shalt  }
0x46: {  	_ =	shalt  }
0x47: {  	_ =	shalt  }
0x48: {  	_ =	shalt  }
0x49: {  	_ =	shalt  }
0x4a: {  	_ =	shalt  }
0x4b: {  	_ =	shalt  }
0x4c: {  	_ =	shalt  }
0x4d: {  	_ =	shalt  }
0x4e: {  	_ =	shalt  }
0x4f: {  	_ =	shalt  }
0x50: {  	_ =	shalt  }
0x51: {  	_ =	shalt  }
0x52: {  	_ =	shalt  }
0x53: {  	_ =	shalt  }
0x54: {  	_ =	shalt  }
0x55: {  	_ =	shalt  }
0x56: {  	_ =	shalt  }
0x57: {  	_ =	shalt  }
0x58: {  	_ =	shalt  }
0x59: {  	_ =	shalt  }
0x5a: {  	_ =	shalt  }
0x5b: {  	_ =	shalt  }
0x5c: {  	_ =	shalt  }
0x5d: {  	_ =	shalt  }
0x5e: {  	_ =	shalt  }
0x5f: {  	_ =	shalt  }
0x60: {  	_ =	shalt  }
0x61: {  	_ =	shalt  }
0x62: {  	_ =	shalt  }
0x63: {  	_ =	shalt  }
0x64: {  	_ =	shalt  }
0x65: {  	_ =	shalt  }
0x66: {  	_ =	shalt  }
0x67: {  	_ =	shalt  }
0x68: {  	_ =	shalt  }
0x69: {  	_ =	shalt  }
0x6a: {  	_ =	shalt  }
0x6b: {  	_ =	shalt  }
0x6c: {  	_ =	shalt  }
0x6d: {  	_ =	shalt  }
0x6e: {  	_ =	shalt  }
0x6f: {  	_ =	shalt  }
0x70: {  	_ =	shalt  }
0x71: {  	_ =	shalt  }
0x72: {  	_ =	shalt  }
0x73: {  	_ =	shalt  }
0x74: {  	_ =	shalt  }
0x75: {  	_ =	shalt  }
0x76: {  	_ =	shalt  }
0x77: {  	_ =	shalt  }
0x78: {  	_ =	shalt  }
0x79: {  	_ =	shalt  }
0x7a: {  	_ =	shalt  }
0x7b: {  	_ =	shalt  }
0x7c: {  	_ =	shalt  }
0x7d: {  	_ =	shalt  }
0x7e: {  	_ =	shalt  }
0x7f: {  	_ =	shalt  }
0x80: {  	_ =	shalt  }
0x81: {  	_ =	shalt  }
0x82: {  	_ =	shalt  }
0x83: {  	_ =	shalt  }
0x84: {  	_ =	shalt  }
0x85: {  	_ =	shalt  }
0x86: {  	_ =	shalt  }
0x87: {  	_ =	shalt  }
.Lfunc_end0:
.L_simem_size_0:
called_computation.7_lowered:
.L_overlay_start_0:
0x88: {  	s2 =	sld [smem:$0x3FD9]  }
0x89: {  	s3 =	sld [smem:$0x3FFE];
	_ =	sdelay $0x1  }
0x8a: {  	s1 =	srdreg.scid  }
0x8b: {  	s0 =	sand.u32 $0x1, s1  }
0x8c: {  	s16 =	sshll.u32 s0, $0xA;
	s2 =	sadd.s32 s3, s2  }
0x8d: {  	s2 =	sadd.s32 s2, s16  }
0x8e: {  	[smem:$0x3FB9] =	sst s2  }
0x8f: {  	_ = 	snop  }
0x90: {  	(tm) =	ssettm $0x1  }
0x91: {  	s17 =	sld [smem:$0x3FFB];
	_ =	sdelay $0x3  }
0x92: {  	_ =	strace s17  }
0x93: {  	s2 =	sld [smem:$0x3FFC];
	_ =	sdelay $0x3  }
0x94: {  	_ =	strace s2  }
0x95: {  	s2 =	sld [smem:$0x3FFD];
	_ =	sdelay $0x3  }
0x96: {  	_ =	strace s2  }
0x97: {  	_ =	strace $0x8FFFFFFF  }
0x98: {  	s18 =	sld [smem:$0x3FDB];
	_ =	sdelay $0x1  }
0x99: {  	s19 =	simm.s32 $_scs_section_size  }
0x9a: {  	s4 =	simm.s32 $_size__tile_overlayer_lowered;
	s5 =	simm.s32 $_tile_overlayer_lowered  }
0x9b: {  	s22 =	simm.s32 $0x1BFF;
	s21 =	sshll.u32 s5, $0x1;
	s2 =	sadd.s32 s19, s18  }
0x9c: {  	s6 =	simm.s32 $0x0;
	s20 =	sshll.u32 s4, $0x1;
	s4 =	sadd.s32 s21, s2  }
0x9d: {  	[timem:s6], [sflag:s22] =	dma.local [hbm:s4], s20  }
0x9e: {  	_ =	swait.ge [sflag:s22], s20  }
0x9f: {  	s3 =	ssub.s32 $0x0, s20;
	[sflag:s22] =	ssyncset.done $0x0  }
0xa0: {  	[sflag:s22] =	ssyncadd.s32 s3;
	_ =	sdelay $0x1  }
0xa1: {  	s23 =	simm.s32 $0x1B8B  }
0xa2: {  	_ =	swait.ge [sflag:s23], $0x1  }
0xa3: {  	[sflag:s23] =	ssyncset.done $0x0  }
0xa4: {  	s25 =	simm.s32 $0x1B8E;
	s24 =	sld [smem:$0x3FFE];
	[sflag:s23] =	ssyncadd.s32 $0xFFFFFFFF  }
0xa5: {  	s26 =	simm.s32 $execute0_lowered;
	[smem:$0x3FD2] =	sst s25  }
0xa6: {  	s4 =	sshll.u32 s26, $0x1;
	_ =	strace $0x8000005B;
	[dreg:$0x1] =	wrdreg $0xFFFFFFFF  }
0xa7: {  	s28 =	simm.s32 $_size_execute0_lowered;
	s2 =	sadd.s32 s2, s4;
	[dreg:$0x0] =	wrdreg $0x0  }
0xa8: {  	s4 =	sshll.u32 s28, $0x1;
	[dreg:$0x2] =	wrdreg s2  }
0xa9: {  	[dreg:$0x3] =	wrdreg s4  }
0xaa: {  	[dreg:$0x4] =	wrdreg $0xC0  }
0xab: {  	_ =	task [dreg:s6], $0x5FFFF  }
0xac: {  	[dreg:$0x1] =	wrdreg $0xFFFFFFFF  }
0xad: {  	[dreg:$0x0] =	wrdreg $0x60  }
0xae: {  	[dreg:$0x2] =	wrdreg s24  }
0xaf: {  	[dreg:$0x3] =	wrdreg $0x0  }
0xb0: {  	[dreg:$0x4] =	wrdreg $0x140000  }
0xb1: {  	[dreg:$0x5] =	wrdreg $0x9  }
0xb2: {  	_ =	task.clear_ibuf [dreg:s6], $0x6FFFF;
	_ =	strace $0x9000005B  }
0xb3: {  	s29 =	simm.s32 $0x9;
	_ =	strace $0x8000005D  }
0xb4: {  	_ =	swait.ge [sflag:s29], $0x1  }
0xb5: {  	[sflag:s29] =	ssyncadd.s32 $0xFFFFFFFF  }
0xb6: {  	_ =	strace $0x9000005D  }
0xb7: {  	_ =	sfence  }
0xb8: {  	s30 =	sld [smem:$0x0];
	_ =	sdelay $0x2  }
0xb9: {  	s31 =	sshll.u32 s1, $0xD;
	s1 =	sshrl.u32 s1, $0x2  }
0xba: {  	s3 =	sand.u32 $0x4000, s31;
	s1 =	sadd.s32 s1, s30  }
0xbb: {  	s0 =	sor.u32 s3, s0;
	s1 =	sshll.u32 s1, $0x11  }
0xbc: {  	s0 =	sor.u32 s1, s0  }
0xbd: {  	s0 =	sadd.s32 $0x8F2B, s0  }
0xbe: {  	[sflag:s0] =	ssyncadd.remote.s32 $0x1  }
0xbf: {  	_ =	sfence.sel $0xFFFF  }
0xc0: {  	[dreg:$0x0] =	wrdreg $0xFFFFFFFF;
	(pc) =	sbr.abs _section_cstart, $3  }
0xc1: {  	[dreg:$0x1] =	wrdreg $0xFFFFFFFF  }
0xc2: {  	_ =	task.clear_ibuf [dreg:s6], $0x2FFFF;
	_ =	strace $0x9FFFFFFF  }
0xc3: {  	(tm) =	ssettm $0x7FFFFFFF  }
tec
execute0_lowered:
.L_overlay_start_1:
0x0: {  	(tag) =	ssettag $0x1  }
0x1: {  	s0 =	rddreg [dreg:$0x0]  }
0x2: {  	s1 =	rddreg [dreg:$0x1]  }
0x3: {  	s3 =	rddreg [dreg:$0x2]  }
0x4: {  	s2 =	simm.s32 $0x0;
	s15 =	stileid.u32;
	s4 =	srdreg.scid  }
0x5: {  	s18 =	simm.s32 $0x3;
	s19 =	simm.s32 $0x16DA0;
	s21 =	simm.s32 $0x16800  }
0x6: {  	s22 =	simm.s32 $0x16850;
	s23 =	simm.s32 $0x168A0;
	s28 =	simm.s32 $0x1BDA0  }
0x7: {  	s29 =	simm.s32 $0x2;
	s30 =	simm.s32 $0x0;
	s31 =	simm.s32 $0x0  }
0x8: {  	[smem:$0x7FF] =	sst s2;
	s24 =	smul.u32 $0x2800, s15;
	s5 =	sadd.s32 $0x11800, s0  }
0x9: {  	s9 =	smul.u32 $0x14000, s15;
	s4 =	sand.u32 $0x1, s4;
	s6 =	sadd.s32 $0x7A00, s0  }
0xa: {  	s7 =	sadd.s32 $0x54800, s0;
	s25 =	sshll.u32 s15, $0x1;
	s26 =	sshll.u32 s15, $0x6  }
0xb: {  	_ =	strace $0x8000005C;
	s10 =	smul.u32 $0x140000, s4;
	s13 =	ssub.s32 $0x2, s4  }
0xc: {  	s4 =	sor.u32 s4, s25;
	s25 =	simm.s32 $0x50;
	s8 =	sshrl.u32 s24, $0x3  }
0xd: {  	s11 =	sshrl.u32 s9, $0x3;
	s14 =	sshrl.u32 s13, $0x1;
	s17 =	sadd.s32 s9, s1  }
0xe: {  	s12 =	sadd.s32 s8, s0;
	s8 =	sadd.s32 $0x1B600, s0;
	s10 =	sadd.s32 s9, s10  }
0xf: {  	s11 =	sadd.s32 s11, s0;
	s16 =	ssub.s32 s13, s14;
	s13 =	sadd.s32 s24, s3  }
0x10: {  	s14 =	smul.u32 $0x2710, s4;
	s17 =	sshrl.u32 s17, $0x3;
	s24 =	simm.s32 $0x1  }
0x11: {  	s10 =	sshrl.u32 s10, $0x3;
	s9 =	sadd.s32 $0xFAC00, s11;
	s11 =	sadd.s32 $0xF0C00, s12  }
0x12: {  	s12 =	sadd.s32 $0xF5C00, s12;
	s16 =	smax.u32 s16, $0x1;
	s0 =	sadd.s32 s10, s0  }
0x13: {  	s10 =	sor.u32 $0x1C03, s26;
	s26 =	simm.s32 $0x1C2A0;
	s15 =	sadd.s32 $0x122C00, s0  }
.LBB2_1:
0x14: {  	[spmem:s17], [sflag:s10] =	dma.local [hbm:s9], $0x2800  }
0x15: {  	_ =	swait.ge [sflag:s18], $0x2800  }
0x16: {  	[sflag:s18] =	ssyncset.done $0x0  }
0x17: {  	s0 =	simm.s32 $0x0;
	[sflag:s18] =	ssyncadd.s32 $0xFFFFD800  }
0x18: {  	[tilespmem:s19], [sflag:$0x3] =	stream.linear.gather [hbm4b:s11+s0], $0x2800, $0x38;
	[tilespmem:$0x1EAA0] =	vst v63  }
0x19: {  	_ =	swait.ge [sflag:s18], $0x2800  }
0x1a: {  	[sflag:s18] =	ssyncset.done $0x0  }
0x1b: {  	s2 =	simm.s32 $0x195A0;
	[sflag:s18] =	ssyncadd.s32 $0xFFFFD800  }
0x1c: {  	[tilespmem:s2], [sflag:$0x3] =	stream.linear.gather [hbm4b:s12+s0], $0x2800, $0x38;
	[tilespmem:$0x1EAA0] =	vst v63  }
0x1d: {  	_ =	swait.ge [sflag:s18], $0x2800  }
0x1e: {  	[sflag:s18] =	ssyncset.done $0x0  }
0x1f: {  	s0 =	simm.s32 $0x0;
	[sflag:s18] =	ssyncadd.s32 $0xFFFFD800  }
0x20: {  	s2 =	simm.s32 $0x40;
	v0 =	vld [tilespmem:s0+$0x195A0]  }
.LBB2_2:
0x21: {  	p0 =	sne.s32 s2, $0x9FC0;
	v1 =	vld [tilespmem:s0+$0x16DA0];
	_ =	sdelay $0x2  }
.Ltmp0:
0x22: {  	(pc) =	sbr.rel @p0 .LBB2_2-.Ltmp0, $4  }
0x23: {  	_ = 	snop  }
0x24: {  	v1 =	vadd.f32 v0, v1  }
0x25: {  	s4 =	sshra.s32 s2, $0x2  }
0x26: {  	s2 =	sadd.s32 $0x40, s2;
	v0 =	vld [tilespmem:s4+$0x195A0];
	[tilespmem:s0+$0x16DA0] =	vst v1;
	s0 =	smov.u32 s4  }
0x27: {  	v1 =	vld [tilespmem:s0+$0x16DA0];
	_ =	sdelay $0x4  }
0x28: {  	v0 =	vadd.f32 v0, v1;
	_ =	sdelay $0x1  }
0x29: {  	[tilespmem:s0+$0x16DA0] =	vst v0  }
0x2a: {  	[spmem:s13] =	stream.linear.scatter [tilespmem:s19], [sflag:$0x3], $0x2800, $0x38;
	[tilespmem:$0x1EAA0] =	vst v63  }
0x2b: {  	_ =	swait.ge [sflag:s18], $0x2800  }
0x2c: {  	[sflag:s18] =	ssyncset.done $0x0  }
0x2d: {  	[sflag:s18] =	ssyncadd.s32 $0xFFFFD800  }
0x2e: {  	s0 =	simm.s32 $0x0;
	[bflag:$0x0] =	sbarrier.arrive $0xFFFF  }
.LBB2_4:
0x2f: {  	s2 =	smul.u32 $0x50, s0;
	_ =	sdelay $0x1  }
0x30: {  	s2 =	sadd.s32 s14, s2  }
0x31: {  	s4 =	sshrl.u32 s2, $0x3  }
0x32: {  	s20 =	sadd.s32 s5, s4  }
0x33: {  	[tilespmem:s21], [sflag:$0x1] =	stream.linear.gather [hbm4b:s20+s31], $0x50, $0x38;
	[tilespmem:$0x1EAA0] =	vst v63  }
0x34: {  	s2 =	sshll.u32 s2, $0x1;
	s4 =	sadd.s32 s6, s4  }
0x35: {  	[tilespmem:s22], [sflag:$0x1] =	stream.linear.gather [hbm4b:s4+s31], $0x50, $0x38;
	[tilespmem:$0x1EAA0] =	vst v63  }
0x36: {  	s2 =	sadd.s32 s7, s2  }
0x37: {  	[tilespmem:s23], [sflag:$0x2] =	stream.linear.gather [hbm4b:s2+s31], $0x500, $0x38;
	[tilespmem:$0x1EAA0] =	vst v63  }
0x38: {  	_ =	swait.ge [sflag:s24], $0x50  }
0x39: {  	[sflag:s24] =	ssyncset.done $0x0  }
0x3a: {  	[sflag:s24] =	ssyncadd.s32 $0xFFFFFFB0  }
0x3b: {  	_ =	swait.ge [sflag:s24], $0x50  }
0x3c: {  	[sflag:s24] =	ssyncset.done $0x0  }
0x3d: {  	[sflag:s24] =	ssyncadd.s32 $0xFFFFFFB0  }
0x3e: {  	[tilespmem:s26], [sflag:$0x1] =	stream.indirect.gather [hbm4b:s8+s25], $0x80, s21, s25, $0xb8;
	[tilespmem:$0x1EAA0] =	vst v63  }
0x3f: {  	_ = 	snop  }
0x40: {  	[tilespmem:s28], [sflag:$0x2] =	stream.indirect.gather [spmem:s3], $0x10, s22, s25, $0xb8;
	[tilespmem:$0x1EAA0] =	vst v63  }
0x41: {  	_ =	swait.ge [sflag:s29], $0x500  }
0x42: {  	[sflag:s29] =	ssyncset.done $0x0  }
0x43: {  	[sflag:s29] =	ssyncadd.s32 $0xFFFFFB00  }
0x44: {  	_ =	swait.ge [sflag:s29], $0x500  }
0x45: {  	[sflag:s29] =	ssyncset.done $0x0  }
0x46: {  	[sflag:s29] =	ssyncadd.s32 $0xFFFFFB00  }
0x47: {  	_ =	swait.ge [sflag:s24], $0x2800  }
0x48: {  	[sflag:s24] =	ssyncset.done $0x0  }
0x49: {  	s20 =	simm.s32 $0x0;
	[sflag:s24] =	ssyncadd.s32 $0xFFFFD800  }
0x4a: {  	v0 =	vld [tilespmem:s20+$0x1BDA0];
	_ =	sdelay $0x4  }
0x4b: {  	v0 =	vadd.f32 $1.000000020e-16, v0;
	_ =	sdelay $0x1  }
0x4c: {  	(erf) = vrcp.f32 v0;
	_ =	sdelay $0x4  }
0x4d: {  	v56 =	vld [tilespmem:s20+$0x168A0];
	_ =	sdelay $0x2  }
0x4e: {  	s2 =	simm.s32 $0x1C2E0  }
0x4f: {  	v1 =	vld [tilespmem:s2+$0xFFFFFFC0];
	v2 =	vpop (erf)  }
0x50: {  	v3 =	vld [tilespmem:s2+$0xFFFFFFD0];
	v0 =	vmul.f32 v2, v56  }
0x51: {  	v57 =	vld [tilespmem:s2+$0xFFFFFFE0]  }
0x52: {  	v4 =	vld [tilespmem:s2+$0xFFFFFFF0];
	v5 =	vbroadcast v0, $0x0;
	v6 =	vbroadcast v0, $0x1  }
0x53: {  	v8 =	vld [tilespmem:s2+$0x10];
	v9 =	vbroadcast v0, $0x2;
	v58 =	vbroadcast v0, $0x3  }
0x54: {  	v10 =	vld [tilespmem:s2+$0x30];
	v60 =	vbroadcast v0, $0x4;
	v1 =	vmul.f32 v5, v1  }
0x55: {  	v7 =	vld [tilespmem:s2+$0x0];
	v61 =	vbroadcast v0, $0x5;
	v3 =	vmul.f32 v6, v3  }
0x56: {  	v59 =	vld [tilespmem:s2+$0x20];
	v62 =	vbroadcast v0, $0x6;
	v2 =	vmul.f32 v57, v9;
	[tilespmem:s2+$0xFFFFFFC0] =	vst v1  }
0x57: {  	v0 =	vbroadcast v0, $0x7;
	v4 =	vmul.f32 v4, v58;
	[tilespmem:s2+$0xFFFFFFD0] =	vst v3  }
0x58: {  	v63 =	vmul.f32 v8, v61;
	[tilespmem:s2+$0xFFFFFFE0] =	vst v2  }
0x59: {  	v0 =	vmul.f32 v10, v0;
	[tilespmem:s2+$0xFFFFFFF0] =	vst v4  }
0x5a: {  	v1 =	vmul.f32 v7, v60;
	[tilespmem:s2+$0x10] =	vst v63  }
0x5b: {  	v3 =	vmul.f32 v59, v62;
	[tilespmem:s2+$0x30] =	vst v0  }
0x5c: {  	[tilespmem:s2+$0x0] =	vst v1  }
0x5d: {  	s4 =	simm.s32 $0x10;
	s20 =	simm.s32 $0x80;
	[tilespmem:s2+$0x20] =	vst v3  }
.LBB2_5:
0x5e: {  	p0 =	sne.s32 s20, $0x13C0;
	v0 =	vld [tilespmem:s4+$0x1BDA0]  }
0x5f: {  	v1 =	vld [tilespmem:s4+$0x168A0];
	_ =	sdelay $0x3  }
0x60: {  	v0 =	vadd.f32 $1.000000020e-16, v0;
	_ =	sdelay $0x1  }
0x61: {  	(erf) = vrcp.f32 v0;
	_ =	sdelay $0x5  }
0x62: {  	s2 =	sadd.s32 $0x80, s2  }
0x63: {  	v0 =	vld [tilespmem:s2+$0xFFFFFFF0]  }
0x64: {  	v2 =	vld [tilespmem:s2+$0xFFFFFFC0]  }
0x65: {  	v3 =	vld [tilespmem:s2+$0xFFFFFFD0];
	v4 =	vpop (erf)  }
0x66: {  	v1 =	vmul.f32 v4, v1;
	v4 =	vld [tilespmem:s2+$0xFFFFFFE0]  }
0x67: {  	v5 =	vld [tilespmem:s2+$0x30]  }
0x68: {  	v6 =	vbroadcast v1, $0x0;
	v7 =	vbroadcast v1, $0x1;
	v8 =	vld [tilespmem:s2+$0x10]  }
0x69: {  	v9 =	vbroadcast v1, $0x2;
	v10 =	vbroadcast v1, $0x3;
	v11 =	vld [tilespmem:s2+$0x0]  }
0x6a: {  	v2 =	vmul.f32 v6, v2;
	v3 =	vmul.f32 v7, v3;
	v6 =	vld [tilespmem:s2+$0x20]  }
0x6b: {  	v0 =	vmul.f32 v0, v10;
	v4 =	vmul.f32 v4, v9  }
0x6c: {  	v7 =	vbroadcast v1, $0x5;
	[tilespmem:s2+$0xFFFFFFC0] =	vst v2;
	v2 =	vbroadcast v1, $0x4  }
0x6d: {  	[tilespmem:s2+$0xFFFFFFD0] =	vst v3;
	v3 =	vbroadcast v1, $0x6;
	v1 =	vbroadcast v1, $0x7  }
0x6e: {  	[tilespmem:s2+$0xFFFFFFE0] =	vst v4;
	v2 =	vmul.f32 v11, v2;
	v4 =	vmul.f32 v8, v7  }
.Ltmp1:
0x6f: {  	[tilespmem:s2+$0xFFFFFFF0] =	vst v0;
	v0 =	vmul.f32 v6, v3;
	v1 =	vmul.f32 v5, v1;
	(pc) =	sbr.rel @p0 .LBB2_5-.Ltmp1, $4  }
0x70: {  	[tilespmem:s2+$0x0] =	vst v2  }
0x71: {  	[tilespmem:s2+$0x10] =	vst v4  }
0x72: {  	[tilespmem:s2+$0x20] =	vst v0  }
0x73: {  	s4 =	sshra.s32 s20, $0x2;
	s20 =	sadd.s32 $0x40, s20;
	[tilespmem:s2+$0x30] =	vst v1  }
0x74: {  	v0 =	vld [tilespmem:s4+$0x1BDA0];
	_ =	sdelay $0x4  }
0x75: {  	v0 =	vadd.f32 $1.000000020e-16, v0;
	_ =	sdelay $0x1  }
0x76: {  	(erf) = vrcp.f32 v0;
	_ =	sdelay $0x4  }
0x77: {  	v56 =	vld [tilespmem:s4+$0x168A0];
	_ =	sdelay $0x2  }
0x78: {  	s2 =	sadd.s32 $0x80, s2  }
0x79: {  	v1 =	vld [tilespmem:s2+$0xFFFFFFC0];
	v2 =	vpop (erf)  }
0x7a: {  	v3 =	vld [tilespmem:s2+$0xFFFFFFD0];
	v0 =	vmul.f32 v2, v56  }
0x7b: {  	v57 =	vld [tilespmem:s2+$0xFFFFFFE0]  }
0x7c: {  	v4 =	vld [tilespmem:s2+$0xFFFFFFF0];
	v5 =	vbroadcast v0, $0x0;
	v6 =	vbroadcast v0, $0x1  }
0x7d: {  	v8 =	vld [tilespmem:s2+$0x10];
	v9 =	vbroadcast v0, $0x2;
	v58 =	vbroadcast v0, $0x3  }
0x7e: {  	v10 =	vld [tilespmem:s2+$0x30];
	v60 =	vbroadcast v0, $0x4;
	v1 =	vmul.f32 v5, v1  }
0x7f: {  	v7 =	vld [tilespmem:s2+$0x0];
	v61 =	vbroadcast v0, $0x5;
	v3 =	vmul.f32 v6, v3  }
0x80: {  	v59 =	vld [tilespmem:s2+$0x20];
	v62 =	vbroadcast v0, $0x6;
	v2 =	vmul.f32 v57, v9;
	[tilespmem:s2+$0xFFFFFFC0] =	vst v1  }
0x81: {  	v0 =	vbroadcast v0, $0x7;
	v4 =	vmul.f32 v4, v58;
	[tilespmem:s2+$0xFFFFFFD0] =	vst v3  }
0x82: {  	v63 =	vmul.f32 v8, v61;
	[tilespmem:s2+$0xFFFFFFE0] =	vst v2  }
0x83: {  	v0 =	vmul.f32 v10, v0;
	[tilespmem:s2+$0xFFFFFFF0] =	vst v4  }
0x84: {  	v1 =	vmul.f32 v7, v60;
	[tilespmem:s2+$0x10] =	vst v63  }
0x85: {  	s0 =	sadd.s32 $0x1, s0;
	v3 =	vmul.f32 v59, v62;
	[tilespmem:s2+$0x30] =	vst v0  }
0x86: {  	p0 =	sne.s32 s0, $0x7D;
	[tilespmem:s2+$0x0] =	vst v1  }
.Ltmp2:
0x87: {  	[tilespmem:s2+$0x20] =	vst v3;
	(pc) =	sbr.rel @p0 .LBB2_4-.Ltmp2, $4  }
0x88: {  	[spmem:s1] =	stream.indirect.scatter.add.f32 [tilespmem:s26], [sflag:$0x3], $0x80, s22, s25, $0xb8;
	[tilespmem:$0x1EAA0] =	vst v63  }
0x89: {  	_ =	swait.ge [sflag:s18], $0x2800  }
0x8a: {  	[sflag:s18] =	ssyncset.done $0x0  }
0x8b: {  	[sflag:s18] =	ssyncadd.s32 $0xFFFFD800  }
0x8c: {  	s30 =	sadd.s32 $0x1, s30  }
0x8d: {  	p0 =	sne.s32 s30, s16  }
.Ltmp3:
0x8e: {  	[bflag:$0x0] =	sbarrier.arrive $0xFFFF;
	(pc) =	sbr.rel @p0 .LBB2_1-.Ltmp3, $4  }
0x8f: {  	[hbm:s15], [sflag:s10] =	dma.local [spmem:s17], $0x2800  }
0x90: {  	_ =	swait.ge [sflag:s18], $0x2800  }
0x91: {  	[sflag:s18] =	ssyncset.done $0x0  }
0x92: {  	[sflag:s18] =	ssyncadd.s32 $0xFFFFD800  }
0x93: {  	_ =	sfence.sel $0x180000  }
0x94: {  	[bflag:$0x0] =	sbarrier.arrive $0xFFFF  }
0x95: {  	_ =	strace $0x9000005C  }
0x96: {  	s0 =	stileid.u32;
	[bflag:$0x2] =	sbarrier.arrive $0xFFFF  }
0x97: {  	p0 =	sne.s32 s0, $0x0;
	s0 =	rddreg [dreg:$0x3]  }
0x98: {  	s0 =	sadd.s32 @!p0 $0x100000, s0  }
0x99: {  	[sflag:s0] =	ssyncadd.tile.s32 @!p0 $0x1;
	_ =	shalt  }
.Lfunc_end2:
_tile_overlayer_lowered:
.L_overlay_start_2:
0x9a: {  	(tag) =	ssettag $0x2  }
0x9b: {  	s0 =	rddreg [dreg:$0x0];
	s2 =	stileid.u32  }
0x9c: {  	s1 =	rddreg [dreg:$0x1];
	p0 =	sne.s32 s2, $0x0  }
0x9d: {  	s3 =	rddreg [dreg:$0x2];
	[bflag:$0x3] =	sbarrier.arrive $0xFFFF;
	s2 =	simm.s32 @!p0 $0x1C03  }
0x9e: {  	[timem:s3], [sflag:s2] =	dma.local @!p0 [hbm:s0], s1  }
0x9f: {  	s0 =	simm.s32 @!p0 $0x3  }
0xa0: {  	_ =	swait.ge @!p0 [sflag:s0], s1  }
0xa1: {  	s1 =	ssub.s32 @!p0 $0x0, s1;
	[sflag:s0] =	ssyncset.done @!p0 $0x0  }
0xa2: {  	[sflag:s0] =	ssyncadd.s32 @!p0 s1  }
0xa3: {  	[bflag:$0x3] =	sbarrier.arrive $0xFFFF  }
0xa4: {  	_ =	shalt  }

</sc_bundles>
